<compile_context>
chip_gen: v7x
topology: tpu7x:2x2x1
jax: 0.10.2.dev20260603
libtpu: 0.0.44.dev20260713+nightly
codegen_flags: <defaults>
</compile_context>

<pallas_src>
import functools

import jax
import jax.numpy as jnp
from jax import lax
from jax.experimental import pallas as pl
from jax.experimental.pallas import tpu as pltpu
from jax.experimental.pallas import tpu_sc as plsc

_L = 16


def _cheb_stack_sc(x2, packed, w, K, NP):
    B, N = x2.shape
    E = packed.shape[0]
    CE = 8000
    NCH = E // CE
    NPAIR = NCH // 2
    NV = NP // _L
    NEV = CE // _L

    mesh = plsc.VectorSubcoreMesh(core_axis_name="c", subcore_axis_name="s")

    @functools.partial(
        pl.kernel,
        out_type=jax.ShapeDtypeStruct((K, B, NP), jnp.float32),
        mesh=mesh,
        compiler_params=pltpu.CompilerParams(needs_layout_passes=False,
                                             use_tc_tiling_on_sc=False),
        scratch_types=[
            pltpu.VMEM((NP,), jnp.float32),
            pltpu.VMEM((NP,), jnp.float32),
            pltpu.VMEM((NP,), jnp.float32),
            pltpu.VMEM((CE,), jnp.int32),
            pltpu.VMEM((CE,), jnp.int32),
            pltpu.VMEM((CE,), jnp.float32),
            pltpu.VMEM((CE,), jnp.float32),
            pltpu.SemaphoreType.DMA,
            pltpu.SemaphoreType.DMA,
            pltpu.SemaphoreType.DMA,
        ],
    )
    def sck(x_hbm, pk_hbm, w_hbm, t_hbm, bA, bB, bC, pk0, pk1, w0, w1, sp, sw,
            se):
        b = lax.axis_index("s") * 2 + lax.axis_index("c")
        zeros = jnp.zeros((_L,), jnp.float32)

        def zero_full(ref):
            @plsc.parallel_loop(0, NV, 1, unroll=8)
            def _(i):
                ref[pl.ds(i * _L, _L)] = zeros

        def zero_tail(ref):
            for j in range(N // _L, NV):
                ref[pl.ds(j * _L, _L)] = zeros

        def start_load(ci, pkbuf, wbuf):
            pltpu.async_copy(pk_hbm.at[pl.ds(ci * CE, CE)], pkbuf, sp)
            pltpu.async_copy(w_hbm.at[pl.ds(ci * CE, CE)], wbuf, sw)

        def wait_load(pkbuf, wbuf):
            pltpu.make_async_copy(pk_hbm.at[pl.ds(0, CE)], pkbuf, sp).wait()
            pltpu.make_async_copy(w_hbm.at[pl.ds(0, CE)], wbuf, sw).wait()

        def process(pkbuf, wbuf, cur, acc):
            @plsc.parallel_loop(0, NEV, 1, unroll=8)
            def _(i):
                s = pl.ds(i * _L, _L)
                pk = pkbuf[s]
                wv = wbuf[s]
                srcv = jnp.bitwise_and(pk, 16383)
                dstv = jnp.right_shift(pk, 14)
                g = plsc.load_gather(cur, [srcv])
                plsc.addupdate_scatter(acc, [dstv], g * wv)

        def hop(cur, acc):
            def pair(cp, c):
                wait_load(pk0, w0)
                start_load(2 * cp + 1, pk1, w1)
                process(pk0, w0, cur, acc)
                wait_load(pk1, w1)

                @pl.when(cp < NPAIR - 1)
                def _():
                    start_load(2 * cp + 2, pk0, w0)

                process(pk1, w1, cur, acc)
                return c
            lax.fori_loop(0, NPAIR, pair, 0)

        def cheb_fuse(dst, acc):
            @plsc.parallel_loop(0, NV, 1, unroll=8)
            def _(i):
                s = pl.ds(i * _L, _L)
                dst[s] = 2.0 * acc[s] - dst[s]
                acc[s] = zeros

        def emit(ref, k):
            pltpu.async_copy(ref, t_hbm.at[k, b], se)

        def wait_emit():
            pltpu.make_async_copy(bA, t_hbm.at[0, b], se).wait()

        NDH = (K - 2) // 2

        pltpu.sync_copy(x_hbm.at[b], bA.at[pl.ds(0, N)])
        zero_tail(bA)
        start_load(0, pk0, w0)
        emit(bA, 0)
        zero_full(bC)
        zero_full(bB)
        hop(bA, bC)
        start_load(0, pk0, w0)
        emit(bC, 1)

        def dhop(kk, c):
            k0 = 2 * kk + 2
            hop(bC, bB)
            start_load(0, pk0, w0)
            wait_emit()
            cheb_fuse(bA, bB)
            emit(bA, k0)
            hop(bA, bB)

            @pl.when(kk < NDH - 1)
            def _():
                start_load(0, pk0, w0)

            wait_emit()
            cheb_fuse(bC, bB)
            emit(bC, k0 + 1)
            return c
        lax.fori_loop(0, NDH, dhop, 0)
        wait_emit()
        wait_emit()

    return sck(x2, packed, w)


def _head_tc(t_pad, theta2, gcb, w3t, fcb, NP):
    K, B, _ = t_pad.shape
    O, C, _ = w3t.shape
    Nb = 2048
    NB = NP // Nb

    def body(theta_s, gcb_s, fcb_ref, t_ref, w_ref, out_ref, acc_ref):
        i = pl.program_id(0)

        @pl.when(i == 0)
        def _():
            acc_ref[...] = jnp.zeros_like(acc_ref)

        h = None
        for o in range(O):
            z = t_ref[0] * theta_s[0, o]
            for kk in range(1, K):
                z = z + t_ref[kk] * theta_s[kk, o]
            zo = jnp.maximum(z + gcb_s[o], 0.0)
            wo = w_ref[o]
            d = lax.dot_general(zo, wo, (((1,), (1,)), ((), ())),
                                preferred_element_type=jnp.float32)
            h = d if h is None else h + d
        acc_ref[...] += h

        @pl.when(i == NB - 1)
        def _():
            hf = jnp.maximum(acc_ref[...] + fcb_ref[...], 0.0)
            m = jnp.max(hf, axis=1, keepdims=True)
            e = jnp.exp(hf - m)
            out_ref[...] = e / jnp.sum(e, axis=1, keepdims=True)

    return pl.pallas_call(
        body,
        grid=(NB,),
        in_specs=[
            pl.BlockSpec(memory_space=pltpu.SMEM),
            pl.BlockSpec(memory_space=pltpu.SMEM),
            pl.BlockSpec((1, C), lambda i: (0, 0)),
            pl.BlockSpec((K, B, Nb), lambda i: (0, 0, i)),
            pl.BlockSpec((O, C, Nb), lambda i: (0, 0, i)),
        ],
        out_specs=pl.BlockSpec((B, C), lambda i: (0, 0)),
        out_shape=jax.ShapeDtypeStruct((B, C), jnp.float32),
        scratch_shapes=[pltpu.VMEM((B, C), jnp.float32)],
    )(theta2, gcb, fcb, t_pad, w3t)


def kernel(x, edge_index, edge_weight, theta, gc_bias, fc_W, fc_b):
    B, N, _ = x.shape
    K = theta.shape[0]
    O = theta.shape[2]
    C = fc_W.shape[1]
    NP = ((N + 2047) // 2048) * 2048

    x2 = x[:, :, 0]
    src = edge_index[0]
    dst = edge_index[1]
    packed = jnp.bitwise_or(src, jnp.left_shift(dst, 14))

    t_pad = _cheb_stack_sc(x2, packed, edge_weight, K, NP)

    theta2 = theta[:, 0, :]
    w3t = jnp.pad(fc_W.reshape(N, O, C).transpose(1, 2, 0),
                  ((0, 0), (0, 0), (0, NP - N)))
    return _head_tc(t_pad, theta2, gc_bias, w3t, fc_b.reshape(1, C), NP)

# --- scband reference (transcript-rebuilt; emitter-appended) ---
"""Pipeline reference for scband-paper-simple-gc-37245956391265 (READ-ONLY COPY).

The authoritative reference and input builder live on the scoring server;
editing this copy changes nothing except your own understanding.
"""

import jax, jax.numpy as jnp
import numpy as np

N_NODES = 10000
N_EDGES = 160000
BATCH = 32
CHEB_K = 20
GC_OUT = 10
N_CLASSES = 10


def setup_inputs(seed: int = 0) -> dict:
    key = jax.random.key(seed)
    ks = jax.random.split(key, 8)
    x = jax.random.normal(ks[0], (BATCH, N_NODES, 1), dtype=jnp.float32)
    edge_index = jax.random.randint(ks[1], (2, N_EDGES), 0, N_NODES, dtype=jnp.int32)
    edge_weight = jax.random.uniform(ks[2], (N_EDGES,), dtype=jnp.float32)
    # GraphChebyConv(l0, in=1, out=10, K=20, bias=True) parameters
    theta = jax.random.normal(ks[3], (CHEB_K, 1, GC_OUT), dtype=jnp.float32) * 0.1
    gc_bias = jnp.zeros((GC_OUT,), dtype=jnp.float32)
    # fc: Linear(N_NODES * GC_OUT, N_CLASSES)
    fc_W = jax.random.normal(ks[4], (N_NODES * GC_OUT, N_CLASSES), dtype=jnp.float32) * 0.01
    fc_b = jnp.zeros((N_CLASSES,), dtype=jnp.float32)
    return {"x": x, "edge_index": edge_index, "edge_weight": edge_weight,
            "theta": theta, "gc_bias": gc_bias, "fc_W": fc_W, "fc_b": fc_b}


def _lap_mul(X, src, dst, w, n_nodes):
    # Sparse L @ X per batch: gather src features, weight, scatter-add into dst
    g = X[:, src, :] * w[None, :, None]          # [B, E, F] gather
    g = jnp.swapaxes(g, 0, 1)                    # [E, B, F]
    out = jax.ops.segment_sum(g, dst, num_segments=n_nodes)  # scatter-add [N, B, F]
    return jnp.swapaxes(out, 0, 1)               # [B, N, F]


def reference(x, edge_index, edge_weight, theta, gc_bias, fc_W, fc_b):
    n = x.shape[1]
    src = edge_index[0]
    dst = edge_index[1]
    # Chebyshev recurrence: T0 = x, T1 = L x, Tk = 2 L T_{k-1} - T_{k-2}
    T_prev = x
    T_cur = _lap_mul(x, src, dst, edge_weight, n)
    out = jnp.einsum('bnf,fo->bno', T_prev, theta[0])
    out = out + jnp.einsum('bnf,fo->bno', T_cur, theta[1])
    for k in range(2, theta.shape[0]):
        T_next = 2.0 * _lap_mul(T_cur, src, dst, edge_weight, n) - T_prev
        out = out + jnp.einsum('bnf,fo->bno', T_next, theta[k])
        T_prev, T_cur = T_cur, T_next
    out = jax.nn.relu(out + gc_bias)             # gc1 = GraphChebyConv -> ReLU
    flat = out.reshape(out.shape[0], -1)         # [B, N * GC_OUT]
    h = jax.nn.relu(flat @ fc_W + fc_b)          # fc Linear -> ReLU
    return jax.nn.softmax(h, axis=1)             # Softmax(1)

if __name__ == "__main__":
    import jax
    _d = setup_inputs()
    print(jax.jit(kernel)(*tuple(_d.values())))

</pallas_src>

<mosaic_0001>
#map = affine_map<(d0, d1) -> (0, 0)>
#map1 = affine_map<(d0, d1) -> (0)>
#map2 = affine_map<(d0, d1) -> (0, 0, 0)>
module attributes {stable_mosaic.version = 14 : i64} {
  func.func @sck(%arg0: i32, %arg1: i32, %arg2: memref<32x10000xf32, #tpu.memory_space<hbm>>, %arg3: memref<160000xi32, #tpu.memory_space<hbm>>, %arg4: memref<160000xf32, #tpu.memory_space<hbm>>, %arg5: memref<20x32x10240xf32, #tpu.memory_space<hbm>>, %arg6: memref<10240xf32, #tpu.memory_space<vmem>>, %arg7: memref<10240xf32, #tpu.memory_space<vmem>>, %arg8: memref<10240xf32, #tpu.memory_space<vmem>>, %arg9: memref<8000xi32, #tpu.memory_space<vmem>>, %arg10: memref<8000xi32, #tpu.memory_space<vmem>>, %arg11: memref<8000xf32, #tpu.memory_space<vmem>>, %arg12: memref<8000xf32, #tpu.memory_space<vmem>>, %arg13: memref<!tpu.dma_semaphore, #tpu.memory_space<semaphore_mem>>, %arg14: memref<!tpu.dma_semaphore, #tpu.memory_space<semaphore_mem>>, %arg15: memref<!tpu.dma_semaphore, #tpu.memory_space<semaphore_mem>>) attributes {dimension_semantics = [#tpu.dimension_semantics<core_parallel>, #tpu.dimension_semantics<subcore_parallel>], iteration_bounds = array<i64: 2, 16>, scalar_prefetch = 0 : i64, scratch_operands = 10 : i64, tpu.core_type = #tpu.core_type<sc_vector_subcore>, window_params = [{transform_indices = #map}, {transform_indices = #map1}, {transform_indices = #map1}, {transform_indices = #map2}]} {
    %mul3A = arith.constant 2 : i32
    %mul3A_0 = arith.muli %arg1, %mul3A : i32
    %add3A = arith.addi %mul3A_0, %arg0 : i32
    %broadcast_in_dim3A = arith.constant 0.000000e+00 : f32
    %broadcast_in_dim3A_1 = vector.broadcast %broadcast_in_dim3A : f32 to vector<16xf32>
    "tpu.region"() ({
      %run_scoped3A = tpu.sem_alloc : memref<!tpu.dma_semaphore, #tpu.memory_space<semaphore_mem>>
      %dma_start3A_89 = arith.constant 0 : i32
      %dma_start3A_90 = tpu.memref_slice %arg6[%dma_start3A_89] : memref<10240xf32, #tpu.memory_space<vmem>> -> memref<10000xf32, #tpu.memory_space<vmem>>
      %dma_start3A_91 = arith.constant 0 : i32
      %dma_start3A_92 = tpu.memref_slice %arg2[%add3A, %dma_start3A_91] : memref<32x10000xf32, #tpu.memory_space<hbm>> -> memref<1x10000xf32, #tpu.memory_space<hbm>>
      %dma_start3A_93 = tpu.memref_squeeze %dma_start3A_92 : memref<1x10000xf32, #tpu.memory_space<hbm>> -> memref<10000xf32, #tpu.memory_space<hbm>>
      %dma_start3A_94 = arith.constant 0 : i32
      %dma_start3A_95 = tpu.memref_slice %arg6[%dma_start3A_94] : memref<10240xf32, #tpu.memory_space<vmem>> -> memref<10000xf32, #tpu.memory_space<vmem>>
      %dma_start3A_96 = arith.constant 0 : i32
      %dma_start3A_97 = tpu.memref_slice %arg2[%add3A, %dma_start3A_96] : memref<32x10000xf32, #tpu.memory_space<hbm>> -> memref<1x10000xf32, #tpu.memory_space<hbm>>
      %dma_start3A_98 = tpu.memref_squeeze %dma_start3A_97 : memref<1x10000xf32, #tpu.memory_space<hbm>> -> memref<10000xf32, #tpu.memory_space<hbm>>
      tpu.enqueue_dma source(%dma_start3A_98 : memref<10000xf32, #tpu.memory_space<hbm>>) target(%dma_start3A_95 : memref<10000xf32, #tpu.memory_space<vmem>>) target_semaphore(%run_scoped3A : memref<!tpu.dma_semaphore, #tpu.memory_space<semaphore_mem>>)
      %dma_wait3A_99 = arith.constant 0 : i32
      %dma_wait3A_100 = tpu.memref_slice %arg6[%dma_wait3A_99] : memref<10240xf32, #tpu.memory_space<vmem>> -> memref<10000xf32, #tpu.memory_space<vmem>>
      %dma_wait3A_101 = arith.constant 0 : i32
      %dma_wait3A_102 = tpu.memref_slice %arg2[%add3A, %dma_wait3A_101] : memref<32x10000xf32, #tpu.memory_space<hbm>> -> memref<1x10000xf32, #tpu.memory_space<hbm>>
      %dma_wait3A_103 = tpu.memref_squeeze %dma_wait3A_102 : memref<1x10000xf32, #tpu.memory_space<hbm>> -> memref<10000xf32, #tpu.memory_space<hbm>>
      %dma_wait3A_104 = arith.constant 0 : i32
      %dma_wait3A_105 = tpu.memref_slice %arg6[%dma_wait3A_104] : memref<10240xf32, #tpu.memory_space<vmem>> -> memref<10000xf32, #tpu.memory_space<vmem>>
      %dma_wait3A_106 = arith.constant 0 : i32
      %dma_wait3A_107 = tpu.memref_slice %arg2[%add3A, %dma_wait3A_106] : memref<32x10000xf32, #tpu.memory_space<hbm>> -> memref<1x10000xf32, #tpu.memory_space<hbm>>
      %dma_wait3A_108 = tpu.memref_squeeze %dma_wait3A_107 : memref<1x10000xf32, #tpu.memory_space<hbm>> -> memref<10000xf32, #tpu.memory_space<hbm>>
      tpu.wait_dma2 semaphore(%run_scoped3A : memref<!tpu.dma_semaphore, #tpu.memory_space<semaphore_mem>>) src(%dma_wait3A_108 : memref<10000xf32, #tpu.memory_space<hbm>>) dst(%dma_wait3A_105 : memref<10000xf32, #tpu.memory_space<vmem>>)
      tpu.yield
    }) : () -> ()
    %swap3A = arith.constant 10000 : index
    %swap3A_2 = tpu.vector_load %arg6[%swap3A] {strides = array<i32>} : memref<10240xf32, #tpu.memory_space<vmem>>, vector<16xf32>,
    tpu.vector_store %arg6[%swap3A], %broadcast_in_dim3A_1 {strides = array<i32>} : memref<10240xf32, #tpu.memory_space<vmem>>, vector<16xf32>,
    %swap3A_3 = arith.constant 10016 : index
    %swap3A_4 = tpu.vector_load %arg6[%swap3A_3] {strides = array<i32>} : memref<10240xf32, #tpu.memory_space<vmem>>, vector<16xf32>,
    tpu.vector_store %arg6[%swap3A_3], %broadcast_in_dim3A_1 {strides = array<i32>} : memref<10240xf32, #tpu.memory_space<vmem>>, vector<16xf32>,
    %swap3A_5 = arith.constant 10032 : index
    %swap3A_6 = tpu.vector_load %arg6[%swap3A_5] {strides = array<i32>} : memref<10240xf32, #tpu.memory_space<vmem>>, vector<16xf32>,
    tpu.vector_store %arg6[%swap3A_5], %broadcast_in_dim3A_1 {strides = array<i32>} : memref<10240xf32, #tpu.memory_space<vmem>>, vector<16xf32>,
    %swap3A_7 = arith.constant 10048 : index
    %swap3A_8 = tpu.vector_load %arg6[%swap3A_7] {strides = array<i32>} : memref<10240xf32, #tpu.memory_space<vmem>>, vector<16xf32>,
    tpu.vector_store %arg6[%swap3A_7], %broadcast_in_dim3A_1 {strides = array<i32>} : memref<10240xf32, #tpu.memory_space<vmem>>, vector<16xf32>,
    %swap3A_9 = arith.constant 10064 : index
    %swap3A_10 = tpu.vector_load %arg6[%swap3A_9] {strides = array<i32>} : memref<10240xf32, #tpu.memory_space<vmem>>, vector<16xf32>,
    tpu.vector_store %arg6[%swap3A_9], %broadcast_in_dim3A_1 {strides = array<i32>} : memref<10240xf32, #tpu.memory_space<vmem>>, vector<16xf32>,
    %swap3A_11 = arith.constant 10080 : index
    %swap3A_12 = tpu.vector_load %arg6[%swap3A_11] {strides = array<i32>} : memref<10240xf32, #tpu.memory_space<vmem>>, vector<16xf32>,
    tpu.vector_store %arg6[%swap3A_11], %broadcast_in_dim3A_1 {strides = array<i32>} : memref<10240xf32, #tpu.memory_space<vmem>>, vector<16xf32>,
    %swap3A_13 = arith.constant 10096 : index
    %swap3A_14 = tpu.vector_load %arg6[%swap3A_13] {strides = array<i32>} : memref<10240xf32, #tpu.memory_space<vmem>>, vector<16xf32>,
    tpu.vector_store %arg6[%swap3A_13], %broadcast_in_dim3A_1 {strides = array<i32>} : memref<10240xf32, #tpu.memory_space<vmem>>, vector<16xf32>,
    %swap3A_15 = arith.constant 10112 : index
    %swap3A_16 = tpu.vector_load %arg6[%swap3A_15] {strides = array<i32>} : memref<10240xf32, #tpu.memory_space<vmem>>, vector<16xf32>,
    tpu.vector_store %arg6[%swap3A_15], %broadcast_in_dim3A_1 {strides = array<i32>} : memref<10240xf32, #tpu.memory_space<vmem>>, vector<16xf32>,
    %swap3A_17 = arith.constant 10128 : index
    %swap3A_18 = tpu.vector_load %arg6[%swap3A_17] {strides = array<i32>} : memref<10240xf32, #tpu.memory_space<vmem>>, vector<16xf32>,
    tpu.vector_store %arg6[%swap3A_17], %broadcast_in_dim3A_1 {strides = array<i32>} : memref<10240xf32, #tpu.memory_space<vmem>>, vector<16xf32>,
    %swap3A_19 = arith.constant 10144 : index
    %swap3A_20 = tpu.vector_load %arg6[%swap3A_19] {strides = array<i32>} : memref<10240xf32, #tpu.memory_space<vmem>>, vector<16xf32>,
    tpu.vector_store %arg6[%swap3A_19], %broadcast_in_dim3A_1 {strides = array<i32>} : memref<10240xf32, #tpu.memory_space<vmem>>, vector<16xf32>,
    %swap3A_21 = arith.constant 10160 : index
    %swap3A_22 = tpu.vector_load %arg6[%swap3A_21] {strides = array<i32>} : memref<10240xf32, #tpu.memory_space<vmem>>, vector<16xf32>,
    tpu.vector_store %arg6[%swap3A_21], %broadcast_in_dim3A_1 {strides = array<i32>} : memref<10240xf32, #tpu.memory_space<vmem>>, vector<16xf32>,
    %swap3A_23 = arith.constant 10176 : index
    %swap3A_24 = tpu.vector_load %arg6[%swap3A_23] {strides = array<i32>} : memref<10240xf32, #tpu.memory_space<vmem>>, vector<16xf32>,
    tpu.vector_store %arg6[%swap3A_23], %broadcast_in_dim3A_1 {strides = array<i32>} : memref<10240xf32, #tpu.memory_space<vmem>>, vector<16xf32>,
    %swap3A_25 = arith.constant 10192 : index
    %swap3A_26 = tpu.vector_load %arg6[%swap3A_25] {strides = array<i32>} : memref<10240xf32, #tpu.memory_space<vmem>>, vector<16xf32>,
    tpu.vector_store %arg6[%swap3A_25], %broadcast_in_dim3A_1 {strides = array<i32>} : memref<10240xf32, #tpu.memory_space<vmem>>, vector<16xf32>,
    %swap3A_27 = arith.constant 10208 : index
    %swap3A_28 = tpu.vector_load %arg6[%swap3A_27] {strides = array<i32>} : memref<10240xf32, #tpu.memory_space<vmem>>, vector<16xf32>,
    tpu.vector_store %arg6[%swap3A_27], %broadcast_in_dim3A_1 {strides = array<i32>} : memref<10240xf32, #tpu.memory_space<vmem>>, vector<16xf32>,
    %swap3A_29 = arith.constant 10224 : index
    %swap3A_30 = tpu.vector_load %arg6[%swap3A_29] {strides = array<i32>} : memref<10240xf32, #tpu.memory_space<vmem>>, vector<16xf32>,
    tpu.vector_store %arg6[%swap3A_29], %broadcast_in_dim3A_1 {strides = array<i32>} : memref<10240xf32, #tpu.memory_space<vmem>>, vector<16xf32>,
    %dma_start3A = arith.constant 0 : i32
    %dma_start3A_31 = tpu.memref_slice %arg3[%dma_start3A] : memref<160000xi32, #tpu.memory_space<hbm>> -> memref<8000xi32, #tpu.memory_space<hbm>>
    %dma_start3A_32 = arith.constant 0 : i32
    %dma_start3A_33 = tpu.memref_slice %arg3[%dma_start3A_32] : memref<160000xi32, #tpu.memory_space<hbm>> -> memref<8000xi32, #tpu.memory_space<hbm>>
    tpu.enqueue_dma source(%dma_start3A_33 : memref<8000xi32, #tpu.memory_space<hbm>>) target(%arg9 : memref<8000xi32, #tpu.memory_space<vmem>>) target_semaphore(%arg13 : memref<!tpu.dma_semaphore, #tpu.memory_space<semaphore_mem>>)
    %dma_start3A_34 = arith.constant 0 : i32
    %dma_start3A_35 = tpu.memref_slice %arg4[%dma_start3A_34] : memref<160000xf32, #tpu.memory_space<hbm>> -> memref<8000xf32, #tpu.memory_space<hbm>>
    %dma_start3A_36 = arith.constant 0 : i32
    %dma_start3A_37 = tpu.memref_slice %arg4[%dma_start3A_36] : memref<160000xf32, #tpu.memory_space<hbm>> -> memref<8000xf32, #tpu.memory_space<hbm>>
    tpu.enqueue_dma source(%dma_start3A_37 : memref<8000xf32, #tpu.memory_space<hbm>>) target(%arg11 : memref<8000xf32, #tpu.memory_space<vmem>>) target_semaphore(%arg14 : memref<!tpu.dma_semaphore, #tpu.memory_space<semaphore_mem>>)
    %dma_start3A_38 = arith.constant 0 : i32
    %dma_start3A_39 = arith.constant 0 : i32
    %dma_start3A_40 = tpu.memref_slice %arg5[%dma_start3A_38, %add3A, %dma_start3A_39] : memref<20x32x10240xf32, #tpu.memory_space<hbm>> -> memref<1x1x10240xf32, #tpu.memory_space<hbm>>
    %dma_start3A_41 = tpu.memref_squeeze %dma_start3A_40 : memref<1x1x10240xf32, #tpu.memory_space<hbm>> -> memref<10240xf32, #tpu.memory_space<hbm>>
    %dma_start3A_42 = arith.constant 0 : i32
    %dma_start3A_43 = tpu.memref_slice %arg5[%dma_start3A_38, %add3A, %dma_start3A_42] : memref<20x32x10240xf32, #tpu.memory_space<hbm>> -> memref<1x1x10240xf32, #tpu.memory_space<hbm>>
    %dma_start3A_44 = tpu.memref_squeeze %dma_start3A_43 : memref<1x1x10240xf32, #tpu.memory_space<hbm>> -> memref<10240xf32, #tpu.memory_space<hbm>>
    tpu.enqueue_dma source(%arg6 : memref<10240xf32, #tpu.memory_space<vmem>>) target(%dma_start3A_44 : memref<10240xf32, #tpu.memory_space<hbm>>) target_semaphore(%arg15 : memref<!tpu.dma_semaphore, #tpu.memory_space<semaphore_mem>>)
    %parallel_loop3A = arith.constant 0 : i32
    %parallel_loop3A_45 = arith.constant 640 : i32
    %parallel_loop3A_46 = arith.constant 1 : i32
    scf.for %parallel_loop3A_89 = %parallel_loop3A to %parallel_loop3A_45 step %parallel_loop3A_46  : i32 {
      %parallel_loop3A_90 = arith.constant 16 : i32
      %parallel_loop3A_91 = arith.muli %parallel_loop3A_89, %parallel_loop3A_90 : i32
      %parallel_loop3A_92 = arith.index_cast %parallel_loop3A_91 : i32 to index
      %parallel_loop3A_93 = tpu.vector_load %arg8[%parallel_loop3A_92] {strides = array<i32>} : memref<10240xf32, #tpu.memory_space<vmem>>, vector<16xf32>,
      tpu.vector_store %arg8[%parallel_loop3A_92], %broadcast_in_dim3A_1 {strides = array<i32>} : memref<10240xf32, #tpu.memory_space<vmem>>, vector<16xf32>,
    } {sc.loop_unroll_factor = 8 : i64, sc.parallel_access}
    %parallel_loop3A_47 = arith.constant 0 : i32
    %parallel_loop3A_48 = arith.constant 640 : i32
    %parallel_loop3A_49 = arith.constant 1 : i32
    scf.for %parallel_loop3A_89 = %parallel_loop3A_47 to %parallel_loop3A_48 step %parallel_loop3A_49  : i32 {
      %parallel_loop3A_90 = arith.constant 16 : i32
      %parallel_loop3A_91 = arith.muli %parallel_loop3A_89, %parallel_loop3A_90 : i32
      %parallel_loop3A_92 = arith.index_cast %parallel_loop3A_91 : i32 to index
      %parallel_loop3A_93 = tpu.vector_load %arg7[%parallel_loop3A_92] {strides = array<i32>} : memref<10240xf32, #tpu.memory_space<vmem>>, vector<16xf32>,
      tpu.vector_store %arg7[%parallel_loop3A_92], %broadcast_in_dim3A_1 {strides = array<i32>} : memref<10240xf32, #tpu.memory_space<vmem>>, vector<16xf32>,
    } {sc.loop_unroll_factor = 8 : i64, sc.parallel_access}
    %scan3A = arith.constant 0 : i32
    %scan3A_50 = arith.constant 0 : i32
    %scan3A_51 = arith.constant 10 : i32
    %scan3A_52 = arith.addi %scan3A_50, %scan3A_51 : i32
    %scan3A_53 = arith.constant 1 : i32
    scf.for %scan3A_89 = %scan3A_50 to %scan3A_52 step %scan3A_53  : i32 {
      %dma_wait3A_90 = arith.constant 0 : i32
      %dma_wait3A_91 = tpu.memref_slice %arg3[%dma_wait3A_90] : memref<160000xi32, #tpu.memory_space<hbm>> -> memref<8000xi32, #tpu.memory_space<hbm>>
      %dma_wait3A_92 = arith.constant 0 : i32
      %dma_wait3A_93 = tpu.memref_slice %arg3[%dma_wait3A_92] : memref<160000xi32, #tpu.memory_space<hbm>> -> memref<8000xi32, #tpu.memory_space<hbm>>
      tpu.wait_dma2 semaphore(%arg13 : memref<!tpu.dma_semaphore, #tpu.memory_space<semaphore_mem>>) src(%dma_wait3A_93 : memref<8000xi32, #tpu.memory_space<hbm>>) dst(%arg9 : memref<8000xi32, #tpu.memory_space<vmem>>)
      %dma_wait3A_94 = arith.constant 0 : i32
      %dma_wait3A_95 = tpu.memref_slice %arg4[%dma_wait3A_94] : memref<160000xf32, #tpu.memory_space<hbm>> -> memref<8000xf32, #tpu.memory_space<hbm>>
      %dma_wait3A_96 = arith.constant 0 : i32
      %dma_wait3A_97 = tpu.memref_slice %arg4[%dma_wait3A_96] : memref<160000xf32, #tpu.memory_space<hbm>> -> memref<8000xf32, #tpu.memory_space<hbm>>
      tpu.wait_dma2 semaphore(%arg14 : memref<!tpu.dma_semaphore, #tpu.memory_space<semaphore_mem>>) src(%dma_wait3A_97 : memref<8000xf32, #tpu.memory_space<hbm>>) dst(%arg11 : memref<8000xf32, #tpu.memory_space<vmem>>)
      %mul3A_98 = arith.constant 2 : i32
      %mul3A_99 = arith.muli %mul3A_98, %scan3A_89 : i32
      %add3A_100 = arith.constant 1 : i32
      %add3A_101 = arith.addi %mul3A_99, %add3A_100 : i32
      %mul3A_102 = arith.constant 8000 : i32
      %mul3A_103 = arith.muli %add3A_101, %mul3A_102 : i32
      %dma_start3A_104 = tpu.memref_slice %arg3[%mul3A_103] : memref<160000xi32, #tpu.memory_space<hbm>> -> memref<8000xi32, #tpu.memory_space<hbm>>
      %dma_start3A_105 = tpu.memref_slice %arg3[%mul3A_103] : memref<160000xi32, #tpu.memory_space<hbm>> -> memref<8000xi32, #tpu.memory_space<hbm>>
      tpu.enqueue_dma source(%dma_start3A_105 : memref<8000xi32, #tpu.memory_space<hbm>>) target(%arg10 : memref<8000xi32, #tpu.memory_space<vmem>>) target_semaphore(%arg13 : memref<!tpu.dma_semaphore, #tpu.memory_space<semaphore_mem>>)
      %mul3A_106 = arith.constant 8000 : i32
      %mul3A_107 = arith.muli %add3A_101, %mul3A_106 : i32
      %dma_start3A_108 = tpu.memref_slice %arg4[%mul3A_107] : memref<160000xf32, #tpu.memory_space<hbm>> -> memref<8000xf32, #tpu.memory_space<hbm>>
      %dma_start3A_109 = tpu.memref_slice %arg4[%mul3A_107] : memref<160000xf32, #tpu.memory_space<hbm>> -> memref<8000xf32, #tpu.memory_space<hbm>>
      tpu.enqueue_dma source(%dma_start3A_109 : memref<8000xf32, #tpu.memory_space<hbm>>) target(%arg12 : memref<8000xf32, #tpu.memory_space<vmem>>) target_semaphore(%arg14 : memref<!tpu.dma_semaphore, #tpu.memory_space<semaphore_mem>>)
      %parallel_loop3A_110 = arith.constant 0 : i32
      %parallel_loop3A_111 = arith.constant 500 : i32
      %parallel_loop3A_112 = arith.constant 1 : i32
      scf.for %parallel_loop3A_126 = %parallel_loop3A_110 to %parallel_loop3A_111 step %parallel_loop3A_112  : i32 {
        %parallel_loop3A_127 = arith.constant 16 : i32
        %parallel_loop3A_128 = arith.muli %parallel_loop3A_126, %parallel_loop3A_127 : i32
        %parallel_loop3A_129 = arith.index_cast %parallel_loop3A_128 : i32 to index
        %parallel_loop3A_130 = tpu.vector_load %arg9[%parallel_loop3A_129] {strides = array<i32>} : memref<8000xi32, #tpu.memory_space<vmem>>, vector<16xi32>,
        %parallel_loop3A_131 = arith.index_cast %parallel_loop3A_128 : i32 to index
        %parallel_loop3A_132 = tpu.vector_load %arg11[%parallel_loop3A_131] {strides = array<i32>} : memref<8000xf32, #tpu.memory_space<vmem>>, vector<16xf32>,
        %parallel_loop3A_133 = arith.constant 16383 : i32
        %parallel_loop3A_134 = vector.broadcast %parallel_loop3A_133 : i32 to vector<16xi32>
        %parallel_loop3A_135 = arith.andi %parallel_loop3A_130, %parallel_loop3A_134 : vector<16xi32>
        %parallel_loop3A_136 = arith.constant 14 : i32
        %parallel_loop3A_137 = vector.broadcast %parallel_loop3A_136 : i32 to vector<16xi32>
        %parallel_loop3A_138 = arith.shrsi %parallel_loop3A_130, %parallel_loop3A_137 : vector<16xi32>
        %parallel_loop3A_139 = tpu.vector_load_idx %arg6[%parallel_loop3A_135] : memref<10240xf32, #tpu.memory_space<vmem>>[vector<16xi32>], vector<16xf32>,
        %parallel_loop3A_140 = arith.mulf %parallel_loop3A_139, %parallel_loop3A_132 : vector<16xf32>
        tpu.vector_store_idx %arg8[%parallel_loop3A_138], %parallel_loop3A_140 {add = true} : memref<10240xf32, #tpu.memory_space<vmem>>[vector<16xi32>], vector<16xf32>,
      } {sc.loop_unroll_factor = 8 : i64, sc.parallel_access}
      %dma_wait3A_113 = arith.constant 0 : i32
      %dma_wait3A_114 = tpu.memref_slice %arg3[%dma_wait3A_113] : memref<160000xi32, #tpu.memory_space<hbm>> -> memref<8000xi32, #tpu.memory_space<hbm>>
      %dma_wait3A_115 = arith.constant 0 : i32
      %dma_wait3A_116 = tpu.memref_slice %arg3[%dma_wait3A_115] : memref<160000xi32, #tpu.memory_space<hbm>> -> memref<8000xi32, #tpu.memory_space<hbm>>
      tpu.wait_dma2 semaphore(%arg13 : memref<!tpu.dma_semaphore, #tpu.memory_space<semaphore_mem>>) src(%dma_wait3A_116 : memref<8000xi32, #tpu.memory_space<hbm>>) dst(%arg10 : memref<8000xi32, #tpu.memory_space<vmem>>)
      %dma_wait3A_117 = arith.constant 0 : i32
      %dma_wait3A_118 = tpu.memref_slice %arg4[%dma_wait3A_117] : memref<160000xf32, #tpu.memory_space<hbm>> -> memref<8000xf32, #tpu.memory_space<hbm>>
      %dma_wait3A_119 = arith.constant 0 : i32
      %dma_wait3A_120 = tpu.memref_slice %arg4[%dma_wait3A_119] : memref<160000xf32, #tpu.memory_space<hbm>> -> memref<8000xf32, #tpu.memory_space<hbm>>
      tpu.wait_dma2 semaphore(%arg14 : memref<!tpu.dma_semaphore, #tpu.memory_space<semaphore_mem>>) src(%dma_wait3A_120 : memref<8000xf32, #tpu.memory_space<hbm>>) dst(%arg12 : memref<8000xf32, #tpu.memory_space<vmem>>)
      %lt3A = arith.constant 9 : i32
      %lt3A_121 = arith.cmpi slt, %scan3A_89, %lt3A : i32
      %convert_element_type3A = arith.extui %lt3A_121 : i1 to i32
      %cond3A = arith.constant 0 : i32
      %cond3A_122 = arith.cmpi ne, %convert_element_type3A, %cond3A : i32
      scf.if %cond3A_122 {
        %mul3A_126 = arith.constant 2 : i32
        %mul3A_127 = arith.muli %mul3A_126, %scan3A_89 : i32
        %add3A_128 = arith.constant 2 : i32
        %add3A_129 = arith.addi %mul3A_127, %add3A_128 : i32
        %mul3A_130 = arith.constant 8000 : i32
        %mul3A_131 = arith.muli %add3A_129, %mul3A_130 : i32
        %dma_start3A_132 = tpu.memref_slice %arg3[%mul3A_131] : memref<160000xi32, #tpu.memory_space<hbm>> -> memref<8000xi32, #tpu.memory_space<hbm>>
        %dma_start3A_133 = tpu.memref_slice %arg3[%mul3A_131] : memref<160000xi32, #tpu.memory_space<hbm>> -> memref<8000xi32, #tpu.memory_space<hbm>>
        tpu.enqueue_dma source(%dma_start3A_133 : memref<8000xi32, #tpu.memory_space<hbm>>) target(%arg9 : memref<8000xi32, #tpu.memory_space<vmem>>) target_semaphore(%arg13 : memref<!tpu.dma_semaphore, #tpu.memory_space<semaphore_mem>>)
        %mul3A_134 = arith.constant 8000 : i32
        %mul3A_135 = arith.muli %add3A_129, %mul3A_134 : i32
        %dma_start3A_136 = tpu.memref_slice %arg4[%mul3A_135] : memref<160000xf32, #tpu.memory_space<hbm>> -> memref<8000xf32, #tpu.memory_space<hbm>>
        %dma_start3A_137 = tpu.memref_slice %arg4[%mul3A_135] : memref<160000xf32, #tpu.memory_space<hbm>> -> memref<8000xf32, #tpu.memory_space<hbm>>
        tpu.enqueue_dma source(%dma_start3A_137 : memref<8000xf32, #tpu.memory_space<hbm>>) target(%arg11 : memref<8000xf32, #tpu.memory_space<vmem>>) target_semaphore(%arg14 : memref<!tpu.dma_semaphore, #tpu.memory_space<semaphore_mem>>)
      } else {
      }
      %parallel_loop3A_123 = arith.constant 0 : i32
      %parallel_loop3A_124 = arith.constant 500 : i32
      %parallel_loop3A_125 = arith.constant 1 : i32
      scf.for %parallel_loop3A_126 = %parallel_loop3A_123 to %parallel_loop3A_124 step %parallel_loop3A_125  : i32 {
        %parallel_loop3A_127 = arith.constant 16 : i32
        %parallel_loop3A_128 = arith.muli %parallel_loop3A_126, %parallel_loop3A_127 : i32
        %parallel_loop3A_129 = arith.index_cast %parallel_loop3A_128 : i32 to index
        %parallel_loop3A_130 = tpu.vector_load %arg10[%parallel_loop3A_129] {strides = array<i32>} : memref<8000xi32, #tpu.memory_space<vmem>>, vector<16xi32>,
        %parallel_loop3A_131 = arith.index_cast %parallel_loop3A_128 : i32 to index
        %parallel_loop3A_132 = tpu.vector_load %arg12[%parallel_loop3A_131] {strides = array<i32>} : memref<8000xf32, #tpu.memory_space<vmem>>, vector<16xf32>,
        %parallel_loop3A_133 = arith.constant 16383 : i32
        %parallel_loop3A_134 = vector.broadcast %parallel_loop3A_133 : i32 to vector<16xi32>
        %parallel_loop3A_135 = arith.andi %parallel_loop3A_130, %parallel_loop3A_134 : vector<16xi32>
        %parallel_loop3A_136 = arith.constant 14 : i32
        %parallel_loop3A_137 = vector.broadcast %parallel_loop3A_136 : i32 to vector<16xi32>
        %parallel_loop3A_138 = arith.shrsi %parallel_loop3A_130, %parallel_loop3A_137 : vector<16xi32>
        %parallel_loop3A_139 = tpu.vector_load_idx %arg6[%parallel_loop3A_135] : memref<10240xf32, #tpu.memory_space<vmem>>[vector<16xi32>], vector<16xf32>,
        %parallel_loop3A_140 = arith.mulf %parallel_loop3A_139, %parallel_loop3A_132 : vector<16xf32>
        tpu.vector_store_idx %arg8[%parallel_loop3A_138], %parallel_loop3A_140 {add = true} : memref<10240xf32, #tpu.memory_space<vmem>>[vector<16xi32>], vector<16xf32>,
      } {sc.loop_unroll_factor = 8 : i64, sc.parallel_access}
    }
    %scan3A_54 = arith.constant 10 : i32
    %dma_start3A_55 = arith.constant 0 : i32
    %dma_start3A_56 = tpu.memref_slice %arg3[%dma_start3A_55] : memref<160000xi32, #tpu.memory_space<hbm>> -> memref<8000xi32, #tpu.memory_space<hbm>>
    %dma_start3A_57 = arith.constant 0 : i32
    %dma_start3A_58 = tpu.memref_slice %arg3[%dma_start3A_57] : memref<160000xi32, #tpu.memory_space<hbm>> -> memref<8000xi32, #tpu.memory_space<hbm>>
    tpu.enqueue_dma source(%dma_start3A_58 : memref<8000xi32, #tpu.memory_space<hbm>>) target(%arg9 : memref<8000xi32, #tpu.memory_space<vmem>>) target_semaphore(%arg13 : memref<!tpu.dma_semaphore, #tpu.memory_space<semaphore_mem>>)
    %dma_start3A_59 = arith.constant 0 : i32
    %dma_start3A_60 = tpu.memref_slice %arg4[%dma_start3A_59] : memref<160000xf32, #tpu.memory_space<hbm>> -> memref<8000xf32, #tpu.memory_space<hbm>>
    %dma_start3A_61 = arith.constant 0 : i32
    %dma_start3A_62 = tpu.memref_slice %arg4[%dma_start3A_61] : memref<160000xf32, #tpu.memory_space<hbm>> -> memref<8000xf32, #tpu.memory_space<hbm>>
    tpu.enqueue_dma source(%dma_start3A_62 : memref<8000xf32, #tpu.memory_space<hbm>>) target(%arg11 : memref<8000xf32, #tpu.memory_space<vmem>>) target_semaphore(%arg14 : memref<!tpu.dma_semaphore, #tpu.memory_space<semaphore_mem>>)
    %dma_start3A_63 = arith.constant 1 : i32
    %dma_start3A_64 = arith.constant 0 : i32
    %dma_start3A_65 = tpu.memref_slice %arg5[%dma_start3A_63, %add3A, %dma_start3A_64] : memref<20x32x10240xf32, #tpu.memory_space<hbm>> -> memref<1x1x10240xf32, #tpu.memory_space<hbm>>
    %dma_start3A_66 = tpu.memref_squeeze %dma_start3A_65 : memref<1x1x10240xf32, #tpu.memory_space<hbm>> -> memref<10240xf32, #tpu.memory_space<hbm>>
    %dma_start3A_67 = arith.constant 0 : i32
    %dma_start3A_68 = tpu.memref_slice %arg5[%dma_start3A_63, %add3A, %dma_start3A_67] : memref<20x32x10240xf32, #tpu.memory_space<hbm>> -> memref<1x1x10240xf32, #tpu.memory_space<hbm>>
    %dma_start3A_69 = tpu.memref_squeeze %dma_start3A_68 : memref<1x1x10240xf32, #tpu.memory_space<hbm>> -> memref<10240xf32, #tpu.memory_space<hbm>>
    tpu.enqueue_dma source(%arg8 : memref<10240xf32, #tpu.memory_space<vmem>>) target(%dma_start3A_69 : memref<10240xf32, #tpu.memory_space<hbm>>) target_semaphore(%arg15 : memref<!tpu.dma_semaphore, #tpu.memory_space<semaphore_mem>>)
    %scan3A_70 = arith.constant 0 : i32
    %scan3A_71 = arith.constant 0 : i32
    %scan3A_72 = arith.constant 9 : i32
    %scan3A_73 = arith.addi %scan3A_71, %scan3A_72 : i32
    %scan3A_74 = arith.constant 1 : i32
    scf.for %scan3A_89 = %scan3A_71 to %scan3A_73 step %scan3A_74  : i32 {
      %mul3A_90 = arith.constant 2 : i32
      %mul3A_91 = arith.muli %mul3A_90, %scan3A_89 : i32
      %add3A_92 = arith.constant 2 : i32
      %add3A_93 = arith.addi %mul3A_91, %add3A_92 : i32
      %scan3A_94 = arith.constant 0 : i32
      %scan3A_95 = arith.constant 0 : i32
      %scan3A_96 = arith.constant 10 : i32
      %scan3A_97 = arith.addi %scan3A_95, %scan3A_96 : i32
      %scan3A_98 = arith.constant 1 : i32
      scf.for %scan3A_150 = %scan3A_95 to %scan3A_97 step %scan3A_98  : i32 {
        %dma_wait3A_151 = arith.constant 0 : i32
        %dma_wait3A_152 = tpu.memref_slice %arg3[%dma_wait3A_151] : memref<160000xi32, #tpu.memory_space<hbm>> -> memref<8000xi32, #tpu.memory_space<hbm>>
        %dma_wait3A_153 = arith.constant 0 : i32
        %dma_wait3A_154 = tpu.memref_slice %arg3[%dma_wait3A_153] : memref<160000xi32, #tpu.memory_space<hbm>> -> memref<8000xi32, #tpu.memory_space<hbm>>
        tpu.wait_dma2 semaphore(%arg13 : memref<!tpu.dma_semaphore, #tpu.memory_space<semaphore_mem>>) src(%dma_wait3A_154 : memref<8000xi32, #tpu.memory_space<hbm>>) dst(%arg9 : memref<8000xi32, #tpu.memory_space<vmem>>)
        %dma_wait3A_155 = arith.constant 0 : i32
        %dma_wait3A_156 = tpu.memref_slice %arg4[%dma_wait3A_155] : memref<160000xf32, #tpu.memory_space<hbm>> -> memref<8000xf32, #tpu.memory_space<hbm>>
        %dma_wait3A_157 = arith.constant 0 : i32
        %dma_wait3A_158 = tpu.memref_slice %arg4[%dma_wait3A_157] : memref<160000xf32, #tpu.memory_space<hbm>> -> memref<8000xf32, #tpu.memory_space<hbm>>
        tpu.wait_dma2 semaphore(%arg14 : memref<!tpu.dma_semaphore, #tpu.memory_space<semaphore_mem>>) src(%dma_wait3A_158 : memref<8000xf32, #tpu.memory_space<hbm>>) dst(%arg11 : memref<8000xf32, #tpu.memory_space<vmem>>)
        %mul3A_159 = arith.constant 2 : i32
        %mul3A_160 = arith.muli %mul3A_159, %scan3A_150 : i32
        %add3A_161 = arith.constant 1 : i32
        %add3A_162 = arith.addi %mul3A_160, %add3A_161 : i32
        %mul3A_163 = arith.constant 8000 : i32
        %mul3A_164 = arith.muli %add3A_162, %mul3A_163 : i32
        %dma_start3A_165 = tpu.memref_slice %arg3[%mul3A_164] : memref<160000xi32, #tpu.memory_space<hbm>> -> memref<8000xi32, #tpu.memory_space<hbm>>
        %dma_start3A_166 = tpu.memref_slice %arg3[%mul3A_164] : memref<160000xi32, #tpu.memory_space<hbm>> -> memref<8000xi32, #tpu.memory_space<hbm>>
        tpu.enqueue_dma source(%dma_start3A_166 : memref<8000xi32, #tpu.memory_space<hbm>>) target(%arg10 : memref<8000xi32, #tpu.memory_space<vmem>>) target_semaphore(%arg13 : memref<!tpu.dma_semaphore, #tpu.memory_space<semaphore_mem>>)
        %mul3A_167 = arith.constant 8000 : i32
        %mul3A_168 = arith.muli %add3A_162, %mul3A_167 : i32
        %dma_start3A_169 = tpu.memref_slice %arg4[%mul3A_168] : memref<160000xf32, #tpu.memory_space<hbm>> -> memref<8000xf32, #tpu.memory_space<hbm>>
        %dma_start3A_170 = tpu.memref_slice %arg4[%mul3A_168] : memref<160000xf32, #tpu.memory_space<hbm>> -> memref<8000xf32, #tpu.memory_space<hbm>>
        tpu.enqueue_dma source(%dma_start3A_170 : memref<8000xf32, #tpu.memory_space<hbm>>) target(%arg12 : memref<8000xf32, #tpu.memory_space<vmem>>) target_semaphore(%arg14 : memref<!tpu.dma_semaphore, #tpu.memory_space<semaphore_mem>>)
        %parallel_loop3A_171 = arith.constant 0 : i32
        %parallel_loop3A_172 = arith.constant 500 : i32
        %parallel_loop3A_173 = arith.constant 1 : i32
        scf.for %parallel_loop3A_190 = %parallel_loop3A_171 to %parallel_loop3A_172 step %parallel_loop3A_173  : i32 {
          %parallel_loop3A_191 = arith.constant 16 : i32
          %parallel_loop3A_192 = arith.muli %parallel_loop3A_190, %parallel_loop3A_191 : i32
          %parallel_loop3A_193 = arith.index_cast %parallel_loop3A_192 : i32 to index
          %parallel_loop3A_194 = tpu.vector_load %arg9[%parallel_loop3A_193] {strides = array<i32>} : memref<8000xi32, #tpu.memory_space<vmem>>, vector<16xi32>,
          %parallel_loop3A_195 = arith.index_cast %parallel_loop3A_192 : i32 to index
          %parallel_loop3A_196 = tpu.vector_load %arg11[%parallel_loop3A_195] {strides = array<i32>} : memref<8000xf32, #tpu.memory_space<vmem>>, vector<16xf32>,
          %parallel_loop3A_197 = arith.constant 16383 : i32
          %parallel_loop3A_198 = vector.broadcast %parallel_loop3A_197 : i32 to vector<16xi32>
          %parallel_loop3A_199 = arith.andi %parallel_loop3A_194, %parallel_loop3A_198 : vector<16xi32>
          %parallel_loop3A_200 = arith.constant 14 : i32
          %parallel_loop3A_201 = vector.broadcast %parallel_loop3A_200 : i32 to vector<16xi32>
          %parallel_loop3A_202 = arith.shrsi %parallel_loop3A_194, %parallel_loop3A_201 : vector<16xi32>
          %parallel_loop3A_203 = tpu.vector_load_idx %arg8[%parallel_loop3A_199] : memref<10240xf32, #tpu.memory_space<vmem>>[vector<16xi32>], vector<16xf32>,
          %parallel_loop3A_204 = arith.mulf %parallel_loop3A_203, %parallel_loop3A_196 : vector<16xf32>
          tpu.vector_store_idx %arg7[%parallel_loop3A_202], %parallel_loop3A_204 {add = true} : memref<10240xf32, #tpu.memory_space<vmem>>[vector<16xi32>], vector<16xf32>,
        } {sc.loop_unroll_factor = 8 : i64, sc.parallel_access}
        %dma_wait3A_174 = arith.constant 0 : i32
        %dma_wait3A_175 = tpu.memref_slice %arg3[%dma_wait3A_174] : memref<160000xi32, #tpu.memory_space<hbm>> -> memref<8000xi32, #tpu.memory_space<hbm>>
        %dma_wait3A_176 = arith.constant 0 : i32
        %dma_wait3A_177 = tpu.memref_slice %arg3[%dma_wait3A_176] : memref<160000xi32, #tpu.memory_space<hbm>> -> memref<8000xi32, #tpu.memory_space<hbm>>
        tpu.wait_dma2 semaphore(%arg13 : memref<!tpu.dma_semaphore, #tpu.memory_space<semaphore_mem>>) src(%dma_wait3A_177 : memref<8000xi32, #tpu.memory_space<hbm>>) dst(%arg10 : memref<8000xi32, #tpu.memory_space<vmem>>)
        %dma_wait3A_178 = arith.constant 0 : i32
        %dma_wait3A_179 = tpu.memref_slice %arg4[%dma_wait3A_178] : memref<160000xf32, #tpu.memory_space<hbm>> -> memref<8000xf32, #tpu.memory_space<hbm>>
        %dma_wait3A_180 = arith.constant 0 : i32
        %dma_wait3A_181 = tpu.memref_slice %arg4[%dma_wait3A_180] : memref<160000xf32, #tpu.memory_space<hbm>> -> memref<8000xf32, #tpu.memory_space<hbm>>
        tpu.wait_dma2 semaphore(%arg14 : memref<!tpu.dma_semaphore, #tpu.memory_space<semaphore_mem>>) src(%dma_wait3A_181 : memref<8000xf32, #tpu.memory_space<hbm>>) dst(%arg12 : memref<8000xf32, #tpu.memory_space<vmem>>)
        %lt3A_182 = arith.constant 9 : i32
        %lt3A_183 = arith.cmpi slt, %scan3A_150, %lt3A_182 : i32
        %convert_element_type3A_184 = arith.extui %lt3A_183 : i1 to i32
        %cond3A_185 = arith.constant 0 : i32
        %cond3A_186 = arith.cmpi ne, %convert_element_type3A_184, %cond3A_185 : i32
        scf.if %cond3A_186 {
          %mul3A_190 = arith.constant 2 : i32
          %mul3A_191 = arith.muli %mul3A_190, %scan3A_150 : i32
          %add3A_192 = arith.constant 2 : i32
          %add3A_193 = arith.addi %mul3A_191, %add3A_192 : i32
          %mul3A_194 = arith.constant 8000 : i32
          %mul3A_195 = arith.muli %add3A_193, %mul3A_194 : i32
          %dma_start3A_196 = tpu.memref_slice %arg3[%mul3A_195] : memref<160000xi32, #tpu.memory_space<hbm>> -> memref<8000xi32, #tpu.memory_space<hbm>>
          %dma_start3A_197 = tpu.memref_slice %arg3[%mul3A_195] : memref<160000xi32, #tpu.memory_space<hbm>> -> memref<8000xi32, #tpu.memory_space<hbm>>
          tpu.enqueue_dma source(%dma_start3A_197 : memref<8000xi32, #tpu.memory_space<hbm>>) target(%arg9 : memref<8000xi32, #tpu.memory_space<vmem>>) target_semaphore(%arg13 : memref<!tpu.dma_semaphore, #tpu.memory_space<semaphore_mem>>)
          %mul3A_198 = arith.constant 8000 : i32
          %mul3A_199 = arith.muli %add3A_193, %mul3A_198 : i32
          %dma_start3A_200 = tpu.memref_slice %arg4[%mul3A_199] : memref<160000xf32, #tpu.memory_space<hbm>> -> memref<8000xf32, #tpu.memory_space<hbm>>
          %dma_start3A_201 = tpu.memref_slice %arg4[%mul3A_199] : memref<160000xf32, #tpu.memory_space<hbm>> -> memref<8000xf32, #tpu.memory_space<hbm>>
          tpu.enqueue_dma source(%dma_start3A_201 : memref<8000xf32, #tpu.memory_space<hbm>>) target(%arg11 : memref<8000xf32, #tpu.memory_space<vmem>>) target_semaphore(%arg14 : memref<!tpu.dma_semaphore, #tpu.memory_space<semaphore_mem>>)
        } else {
        }
        %parallel_loop3A_187 = arith.constant 0 : i32
        %parallel_loop3A_188 = arith.constant 500 : i32
        %parallel_loop3A_189 = arith.constant 1 : i32
        scf.for %parallel_loop3A_190 = %parallel_loop3A_187 to %parallel_loop3A_188 step %parallel_loop3A_189  : i32 {
          %parallel_loop3A_191 = arith.constant 16 : i32
          %parallel_loop3A_192 = arith.muli %parallel_loop3A_190, %parallel_loop3A_191 : i32
          %parallel_loop3A_193 = arith.index_cast %parallel_loop3A_192 : i32 to index
          %parallel_loop3A_194 = tpu.vector_load %arg10[%parallel_loop3A_193] {strides = array<i32>} : memref<8000xi32, #tpu.memory_space<vmem>>, vector<16xi32>,
          %parallel_loop3A_195 = arith.index_cast %parallel_loop3A_192 : i32 to index
          %parallel_loop3A_196 = tpu.vector_load %arg12[%parallel_loop3A_195] {strides = array<i32>} : memref<8000xf32, #tpu.memory_space<vmem>>, vector<16xf32>,
          %parallel_loop3A_197 = arith.constant 16383 : i32
          %parallel_loop3A_198 = vector.broadcast %parallel_loop3A_197 : i32 to vector<16xi32>
          %parallel_loop3A_199 = arith.andi %parallel_loop3A_194, %parallel_loop3A_198 : vector<16xi32>
          %parallel_loop3A_200 = arith.constant 14 : i32
          %parallel_loop3A_201 = vector.broadcast %parallel_loop3A_200 : i32 to vector<16xi32>
          %parallel_loop3A_202 = arith.shrsi %parallel_loop3A_194, %parallel_loop3A_201 : vector<16xi32>
          %parallel_loop3A_203 = tpu.vector_load_idx %arg8[%parallel_loop3A_199] : memref<10240xf32, #tpu.memory_space<vmem>>[vector<16xi32>], vector<16xf32>,
          %parallel_loop3A_204 = arith.mulf %parallel_loop3A_203, %parallel_loop3A_196 : vector<16xf32>
          tpu.vector_store_idx %arg7[%parallel_loop3A_202], %parallel_loop3A_204 {add = true} : memref<10240xf32, #tpu.memory_space<vmem>>[vector<16xi32>], vector<16xf32>,
        } {sc.loop_unroll_factor = 8 : i64, sc.parallel_access}
      }
      %scan3A_99 = arith.constant 10 : i32
      %dma_start3A_100 = arith.constant 0 : i32
      %dma_start3A_101 = tpu.memref_slice %arg3[%dma_start3A_100] : memref<160000xi32, #tpu.memory_space<hbm>> -> memref<8000xi32, #tpu.memory_space<hbm>>
      %dma_start3A_102 = arith.constant 0 : i32
      %dma_start3A_103 = tpu.memref_slice %arg3[%dma_start3A_102] : memref<160000xi32, #tpu.memory_space<hbm>> -> memref<8000xi32, #tpu.memory_space<hbm>>
      tpu.enqueue_dma source(%dma_start3A_103 : memref<8000xi32, #tpu.memory_space<hbm>>) target(%arg9 : memref<8000xi32, #tpu.memory_space<vmem>>) target_semaphore(%arg13 : memref<!tpu.dma_semaphore, #tpu.memory_space<semaphore_mem>>)
      %dma_start3A_104 = arith.constant 0 : i32
      %dma_start3A_105 = tpu.memref_slice %arg4[%dma_start3A_104] : memref<160000xf32, #tpu.memory_space<hbm>> -> memref<8000xf32, #tpu.memory_space<hbm>>
      %dma_start3A_106 = arith.constant 0 : i32
      %dma_start3A_107 = tpu.memref_slice %arg4[%dma_start3A_106] : memref<160000xf32, #tpu.memory_space<hbm>> -> memref<8000xf32, #tpu.memory_space<hbm>>
      tpu.enqueue_dma source(%dma_start3A_107 : memref<8000xf32, #tpu.memory_space<hbm>>) target(%arg11 : memref<8000xf32, #tpu.memory_space<vmem>>) target_semaphore(%arg14 : memref<!tpu.dma_semaphore, #tpu.memory_space<semaphore_mem>>)
      %dma_wait3A_108 = arith.constant 0 : i32
      %dma_wait3A_109 = arith.constant 0 : i32
      %dma_wait3A_110 = tpu.memref_slice %arg5[%dma_wait3A_108, %add3A, %dma_wait3A_109] : memref<20x32x10240xf32, #tpu.memory_space<hbm>> -> memref<1x1x10240xf32, #tpu.memory_space<hbm>>
      %dma_wait3A_111 = tpu.memref_squeeze %dma_wait3A_110 : memref<1x1x10240xf32, #tpu.memory_space<hbm>> -> memref<10240xf32, #tpu.memory_space<hbm>>
      %dma_wait3A_112 = arith.constant 0 : i32
      %dma_wait3A_113 = tpu.memref_slice %arg5[%dma_wait3A_108, %add3A, %dma_wait3A_112] : memref<20x32x10240xf32, #tpu.memory_space<hbm>> -> memref<1x1x10240xf32, #tpu.memory_space<hbm>>
      %dma_wait3A_114 = tpu.memref_squeeze %dma_wait3A_113 : memref<1x1x10240xf32, #tpu.memory_space<hbm>> -> memref<10240xf32, #tpu.memory_space<hbm>>
      tpu.wait_dma2 semaphore(%arg15 : memref<!tpu.dma_semaphore, #tpu.memory_space<semaphore_mem>>) src(%arg6 : memref<10240xf32, #tpu.memory_space<vmem>>) dst(%dma_wait3A_114 : memref<10240xf32, #tpu.memory_space<hbm>>)
      %parallel_loop3A_115 = arith.constant 0 : i32
      %parallel_loop3A_116 = arith.constant 640 : i32
      %parallel_loop3A_117 = arith.constant 1 : i32
      scf.for %parallel_loop3A_150 = %parallel_loop3A_115 to %parallel_loop3A_116 step %parallel_loop3A_117  : i32 {
        %parallel_loop3A_151 = arith.constant 16 : i32
        %parallel_loop3A_152 = arith.muli %parallel_loop3A_150, %parallel_loop3A_151 : i32
        %parallel_loop3A_153 = arith.index_cast %parallel_loop3A_152 : i32 to index
        %parallel_loop3A_154 = tpu.vector_load %arg7[%parallel_loop3A_153] {strides = array<i32>} : memref<10240xf32, #tpu.memory_space<vmem>>, vector<16xf32>,
        %parallel_loop3A_155 = arith.constant 2.000000e+00 : f32
        %parallel_loop3A_156 = vector.broadcast %parallel_loop3A_155 : f32 to vector<16xf32>
        %parallel_loop3A_157 = arith.mulf %parallel_loop3A_156, %parallel_loop3A_154 : vector<16xf32>
        %parallel_loop3A_158 = arith.index_cast %parallel_loop3A_152 : i32 to index
        %parallel_loop3A_159 = tpu.vector_load %arg6[%parallel_loop3A_158] {strides = array<i32>} : memref<10240xf32, #tpu.memory_space<vmem>>, vector<16xf32>,
        %parallel_loop3A_160 = arith.subf %parallel_loop3A_157, %parallel_loop3A_159 : vector<16xf32>
        %parallel_loop3A_161 = arith.index_cast %parallel_loop3A_152 : i32 to index
        %parallel_loop3A_162 = tpu.vector_load %arg6[%parallel_loop3A_161] {strides = array<i32>} : memref<10240xf32, #tpu.memory_space<vmem>>, vector<16xf32>,
        tpu.vector_store %arg6[%parallel_loop3A_161], %parallel_loop3A_160 {strides = array<i32>} : memref<10240xf32, #tpu.memory_space<vmem>>, vector<16xf32>,
        %parallel_loop3A_163 = arith.index_cast %parallel_loop3A_152 : i32 to index
        %parallel_loop3A_164 = tpu.vector_load %arg7[%parallel_loop3A_163] {strides = array<i32>} : memref<10240xf32, #tpu.memory_space<vmem>>, vector<16xf32>,
        tpu.vector_store %arg7[%parallel_loop3A_163], %broadcast_in_dim3A_1 {strides = array<i32>} : memref<10240xf32, #tpu.memory_space<vmem>>, vector<16xf32>,
      } {sc.loop_unroll_factor = 8 : i64, sc.parallel_access}
      %dma_start3A_118 = arith.constant 0 : i32
      %dma_start3A_119 = tpu.memref_slice %arg5[%add3A_93, %add3A, %dma_start3A_118] : memref<20x32x10240xf32, #tpu.memory_space<hbm>> -> memref<1x1x10240xf32, #tpu.memory_space<hbm>>
      %dma_start3A_120 = tpu.memref_squeeze %dma_start3A_119 : memref<1x1x10240xf32, #tpu.memory_space<hbm>> -> memref<10240xf32, #tpu.memory_space<hbm>>
      %dma_start3A_121 = arith.constant 0 : i32
      %dma_start3A_122 = tpu.memref_slice %arg5[%add3A_93, %add3A, %dma_start3A_121] : memref<20x32x10240xf32, #tpu.memory_space<hbm>> -> memref<1x1x10240xf32, #tpu.memory_space<hbm>>
      %dma_start3A_123 = tpu.memref_squeeze %dma_start3A_122 : memref<1x1x10240xf32, #tpu.memory_space<hbm>> -> memref<10240xf32, #tpu.memory_space<hbm>>
      tpu.enqueue_dma source(%arg6 : memref<10240xf32, #tpu.memory_space<vmem>>) target(%dma_start3A_123 : memref<10240xf32, #tpu.memory_space<hbm>>) target_semaphore(%arg15 : memref<!tpu.dma_semaphore, #tpu.memory_space<semaphore_mem>>)
      %scan3A_124 = arith.constant 0 : i32
      %scan3A_125 = arith.constant 0 : i32
      %scan3A_126 = arith.constant 10 : i32
      %scan3A_127 = arith.addi %scan3A_125, %scan3A_126 : i32
      %scan3A_128 = arith.constant 1 : i32
      scf.for %scan3A_150 = %scan3A_125 to %scan3A_127 step %scan3A_128  : i32 {
        %dma_wait3A_151 = arith.constant 0 : i32
        %dma_wait3A_152 = tpu.memref_slice %arg3[%dma_wait3A_151] : memref<160000xi32, #tpu.memory_space<hbm>> -> memref<8000xi32, #tpu.memory_space<hbm>>
        %dma_wait3A_153 = arith.constant 0 : i32
        %dma_wait3A_154 = tpu.memref_slice %arg3[%dma_wait3A_153] : memref<160000xi32, #tpu.memory_space<hbm>> -> memref<8000xi32, #tpu.memory_space<hbm>>
        tpu.wait_dma2 semaphore(%arg13 : memref<!tpu.dma_semaphore, #tpu.memory_space<semaphore_mem>>) src(%dma_wait3A_154 : memref<8000xi32, #tpu.memory_space<hbm>>) dst(%arg9 : memref<8000xi32, #tpu.memory_space<vmem>>)
        %dma_wait3A_155 = arith.constant 0 : i32
        %dma_wait3A_156 = tpu.memref_slice %arg4[%dma_wait3A_155] : memref<160000xf32, #tpu.memory_space<hbm>> -> memref<8000xf32, #tpu.memory_space<hbm>>
        %dma_wait3A_157 = arith.constant 0 : i32
        %dma_wait3A_158 = tpu.memref_slice %arg4[%dma_wait3A_157] : memref<160000xf32, #tpu.memory_space<hbm>> -> memref<8000xf32, #tpu.memory_space<hbm>>
        tpu.wait_dma2 semaphore(%arg14 : memref<!tpu.dma_semaphore, #tpu.memory_space<semaphore_mem>>) src(%dma_wait3A_158 : memref<8000xf32, #tpu.memory_space<hbm>>) dst(%arg11 : memref<8000xf32, #tpu.memory_space<vmem>>)
        %mul3A_159 = arith.constant 2 : i32
        %mul3A_160 = arith.muli %mul3A_159, %scan3A_150 : i32
        %add3A_161 = arith.constant 1 : i32
        %add3A_162 = arith.addi %mul3A_160, %add3A_161 : i32
        %mul3A_163 = arith.constant 8000 : i32
        %mul3A_164 = arith.muli %add3A_162, %mul3A_163 : i32
        %dma_start3A_165 = tpu.memref_slice %arg3[%mul3A_164] : memref<160000xi32, #tpu.memory_space<hbm>> -> memref<8000xi32, #tpu.memory_space<hbm>>
        %dma_start3A_166 = tpu.memref_slice %arg3[%mul3A_164] : memref<160000xi32, #tpu.memory_space<hbm>> -> memref<8000xi32, #tpu.memory_space<hbm>>
        tpu.enqueue_dma source(%dma_start3A_166 : memref<8000xi32, #tpu.memory_space<hbm>>) target(%arg10 : memref<8000xi32, #tpu.memory_space<vmem>>) target_semaphore(%arg13 : memref<!tpu.dma_semaphore, #tpu.memory_space<semaphore_mem>>)
        %mul3A_167 = arith.constant 8000 : i32
        %mul3A_168 = arith.muli %add3A_162, %mul3A_167 : i32
        %dma_start3A_169 = tpu.memref_slice %arg4[%mul3A_168] : memref<160000xf32, #tpu.memory_space<hbm>> -> memref<8000xf32, #tpu.memory_space<hbm>>
        %dma_start3A_170 = tpu.memref_slice %arg4[%mul3A_168] : memref<160000xf32, #tpu.memory_space<hbm>> -> memref<8000xf32, #tpu.memory_space<hbm>>
        tpu.enqueue_dma source(%dma_start3A_170 : memref<8000xf32, #tpu.memory_space<hbm>>) target(%arg12 : memref<8000xf32, #tpu.memory_space<vmem>>) target_semaphore(%arg14 : memref<!tpu.dma_semaphore, #tpu.memory_space<semaphore_mem>>)
        %parallel_loop3A_171 = arith.constant 0 : i32
        %parallel_loop3A_172 = arith.constant 500 : i32
        %parallel_loop3A_173 = arith.constant 1 : i32
        scf.for %parallel_loop3A_190 = %parallel_loop3A_171 to %parallel_loop3A_172 step %parallel_loop3A_173  : i32 {
          %parallel_loop3A_191 = arith.constant 16 : i32
          %parallel_loop3A_192 = arith.muli %parallel_loop3A_190, %parallel_loop3A_191 : i32
          %parallel_loop3A_193 = arith.index_cast %parallel_loop3A_192 : i32 to index
          %parallel_loop3A_194 = tpu.vector_load %arg9[%parallel_loop3A_193] {strides = array<i32>} : memref<8000xi32, #tpu.memory_space<vmem>>, vector<16xi32>,
          %parallel_loop3A_195 = arith.index_cast %parallel_loop3A_192 : i32 to index
          %parallel_loop3A_196 = tpu.vector_load %arg11[%parallel_loop3A_195] {strides = array<i32>} : memref<8000xf32, #tpu.memory_space<vmem>>, vector<16xf32>,
          %parallel_loop3A_197 = arith.constant 16383 : i32
          %parallel_loop3A_198 = vector.broadcast %parallel_loop3A_197 : i32 to vector<16xi32>
          %parallel_loop3A_199 = arith.andi %parallel_loop3A_194, %parallel_loop3A_198 : vector<16xi32>
          %parallel_loop3A_200 = arith.constant 14 : i32
          %parallel_loop3A_201 = vector.broadcast %parallel_loop3A_200 : i32 to vector<16xi32>
          %parallel_loop3A_202 = arith.shrsi %parallel_loop3A_194, %parallel_loop3A_201 : vector<16xi32>
          %parallel_loop3A_203 = tpu.vector_load_idx %arg6[%parallel_loop3A_199] : memref<10240xf32, #tpu.memory_space<vmem>>[vector<16xi32>], vector<16xf32>,
          %parallel_loop3A_204 = arith.mulf %parallel_loop3A_203, %parallel_loop3A_196 : vector<16xf32>
          tpu.vector_store_idx %arg7[%parallel_loop3A_202], %parallel_loop3A_204 {add = true} : memref<10240xf32, #tpu.memory_space<vmem>>[vector<16xi32>], vector<16xf32>,
        } {sc.loop_unroll_factor = 8 : i64, sc.parallel_access}
        %dma_wait3A_174 = arith.constant 0 : i32
        %dma_wait3A_175 = tpu.memref_slice %arg3[%dma_wait3A_174] : memref<160000xi32, #tpu.memory_space<hbm>> -> memref<8000xi32, #tpu.memory_space<hbm>>
        %dma_wait3A_176 = arith.constant 0 : i32
        %dma_wait3A_177 = tpu.memref_slice %arg3[%dma_wait3A_176] : memref<160000xi32, #tpu.memory_space<hbm>> -> memref<8000xi32, #tpu.memory_space<hbm>>
        tpu.wait_dma2 semaphore(%arg13 : memref<!tpu.dma_semaphore, #tpu.memory_space<semaphore_mem>>) src(%dma_wait3A_177 : memref<8000xi32, #tpu.memory_space<hbm>>) dst(%arg10 : memref<8000xi32, #tpu.memory_space<vmem>>)
        %dma_wait3A_178 = arith.constant 0 : i32
        %dma_wait3A_179 = tpu.memref_slice %arg4[%dma_wait3A_178] : memref<160000xf32, #tpu.memory_space<hbm>> -> memref<8000xf32, #tpu.memory_space<hbm>>
        %dma_wait3A_180 = arith.constant 0 : i32
        %dma_wait3A_181 = tpu.memref_slice %arg4[%dma_wait3A_180] : memref<160000xf32, #tpu.memory_space<hbm>> -> memref<8000xf32, #tpu.memory_space<hbm>>
        tpu.wait_dma2 semaphore(%arg14 : memref<!tpu.dma_semaphore, #tpu.memory_space<semaphore_mem>>) src(%dma_wait3A_181 : memref<8000xf32, #tpu.memory_space<hbm>>) dst(%arg12 : memref<8000xf32, #tpu.memory_space<vmem>>)
        %lt3A_182 = arith.constant 9 : i32
        %lt3A_183 = arith.cmpi slt, %scan3A_150, %lt3A_182 : i32
        %convert_element_type3A_184 = arith.extui %lt3A_183 : i1 to i32
        %cond3A_185 = arith.constant 0 : i32
        %cond3A_186 = arith.cmpi ne, %convert_element_type3A_184, %cond3A_185 : i32
        scf.if %cond3A_186 {
          %mul3A_190 = arith.constant 2 : i32
          %mul3A_191 = arith.muli %mul3A_190, %scan3A_150 : i32
          %add3A_192 = arith.constant 2 : i32
          %add3A_193 = arith.addi %mul3A_191, %add3A_192 : i32
          %mul3A_194 = arith.constant 8000 : i32
          %mul3A_195 = arith.muli %add3A_193, %mul3A_194 : i32
          %dma_start3A_196 = tpu.memref_slice %arg3[%mul3A_195] : memref<160000xi32, #tpu.memory_space<hbm>> -> memref<8000xi32, #tpu.memory_space<hbm>>
          %dma_start3A_197 = tpu.memref_slice %arg3[%mul3A_195] : memref<160000xi32, #tpu.memory_space<hbm>> -> memref<8000xi32, #tpu.memory_space<hbm>>
          tpu.enqueue_dma source(%dma_start3A_197 : memref<8000xi32, #tpu.memory_space<hbm>>) target(%arg9 : memref<8000xi32, #tpu.memory_space<vmem>>) target_semaphore(%arg13 : memref<!tpu.dma_semaphore, #tpu.memory_space<semaphore_mem>>)
          %mul3A_198 = arith.constant 8000 : i32
          %mul3A_199 = arith.muli %add3A_193, %mul3A_198 : i32
          %dma_start3A_200 = tpu.memref_slice %arg4[%mul3A_199] : memref<160000xf32, #tpu.memory_space<hbm>> -> memref<8000xf32, #tpu.memory_space<hbm>>
          %dma_start3A_201 = tpu.memref_slice %arg4[%mul3A_199] : memref<160000xf32, #tpu.memory_space<hbm>> -> memref<8000xf32, #tpu.memory_space<hbm>>
          tpu.enqueue_dma source(%dma_start3A_201 : memref<8000xf32, #tpu.memory_space<hbm>>) target(%arg11 : memref<8000xf32, #tpu.memory_space<vmem>>) target_semaphore(%arg14 : memref<!tpu.dma_semaphore, #tpu.memory_space<semaphore_mem>>)
        } else {
        }
        %parallel_loop3A_187 = arith.constant 0 : i32
        %parallel_loop3A_188 = arith.constant 500 : i32
        %parallel_loop3A_189 = arith.constant 1 : i32
        scf.for %parallel_loop3A_190 = %parallel_loop3A_187 to %parallel_loop3A_188 step %parallel_loop3A_189  : i32 {
          %parallel_loop3A_191 = arith.constant 16 : i32
          %parallel_loop3A_192 = arith.muli %parallel_loop3A_190, %parallel_loop3A_191 : i32
          %parallel_loop3A_193 = arith.index_cast %parallel_loop3A_192 : i32 to index
          %parallel_loop3A_194 = tpu.vector_load %arg10[%parallel_loop3A_193] {strides = array<i32>} : memref<8000xi32, #tpu.memory_space<vmem>>, vector<16xi32>,
          %parallel_loop3A_195 = arith.index_cast %parallel_loop3A_192 : i32 to index
          %parallel_loop3A_196 = tpu.vector_load %arg12[%parallel_loop3A_195] {strides = array<i32>} : memref<8000xf32, #tpu.memory_space<vmem>>, vector<16xf32>,
          %parallel_loop3A_197 = arith.constant 16383 : i32
          %parallel_loop3A_198 = vector.broadcast %parallel_loop3A_197 : i32 to vector<16xi32>
          %parallel_loop3A_199 = arith.andi %parallel_loop3A_194, %parallel_loop3A_198 : vector<16xi32>
          %parallel_loop3A_200 = arith.constant 14 : i32
          %parallel_loop3A_201 = vector.broadcast %parallel_loop3A_200 : i32 to vector<16xi32>
          %parallel_loop3A_202 = arith.shrsi %parallel_loop3A_194, %parallel_loop3A_201 : vector<16xi32>
          %parallel_loop3A_203 = tpu.vector_load_idx %arg6[%parallel_loop3A_199] : memref<10240xf32, #tpu.memory_space<vmem>>[vector<16xi32>], vector<16xf32>,
          %parallel_loop3A_204 = arith.mulf %parallel_loop3A_203, %parallel_loop3A_196 : vector<16xf32>
          tpu.vector_store_idx %arg7[%parallel_loop3A_202], %parallel_loop3A_204 {add = true} : memref<10240xf32, #tpu.memory_space<vmem>>[vector<16xi32>], vector<16xf32>,
        } {sc.loop_unroll_factor = 8 : i64, sc.parallel_access}
      }
      %scan3A_129 = arith.constant 10 : i32
      %lt3A = arith.constant 8 : i32
      %lt3A_130 = arith.cmpi slt, %scan3A_89, %lt3A : i32
      %convert_element_type3A = arith.extui %lt3A_130 : i1 to i32
      %cond3A = arith.constant 0 : i32
      %cond3A_131 = arith.cmpi ne, %convert_element_type3A, %cond3A : i32
      scf.if %cond3A_131 {
        %dma_start3A_150 = arith.constant 0 : i32
        %dma_start3A_151 = tpu.memref_slice %arg3[%dma_start3A_150] : memref<160000xi32, #tpu.memory_space<hbm>> -> memref<8000xi32, #tpu.memory_space<hbm>>
        %dma_start3A_152 = arith.constant 0 : i32
        %dma_start3A_153 = tpu.memref_slice %arg3[%dma_start3A_152] : memref<160000xi32, #tpu.memory_space<hbm>> -> memref<8000xi32, #tpu.memory_space<hbm>>
        tpu.enqueue_dma source(%dma_start3A_153 : memref<8000xi32, #tpu.memory_space<hbm>>) target(%arg9 : memref<8000xi32, #tpu.memory_space<vmem>>) target_semaphore(%arg13 : memref<!tpu.dma_semaphore, #tpu.memory_space<semaphore_mem>>)
        %dma_start3A_154 = arith.constant 0 : i32
        %dma_start3A_155 = tpu.memref_slice %arg4[%dma_start3A_154] : memref<160000xf32, #tpu.memory_space<hbm>> -> memref<8000xf32, #tpu.memory_space<hbm>>
        %dma_start3A_156 = arith.constant 0 : i32
        %dma_start3A_157 = tpu.memref_slice %arg4[%dma_start3A_156] : memref<160000xf32, #tpu.memory_space<hbm>> -> memref<8000xf32, #tpu.memory_space<hbm>>
        tpu.enqueue_dma source(%dma_start3A_157 : memref<8000xf32, #tpu.memory_space<hbm>>) target(%arg11 : memref<8000xf32, #tpu.memory_space<vmem>>) target_semaphore(%arg14 : memref<!tpu.dma_semaphore, #tpu.memory_space<semaphore_mem>>)
      } else {
      }
      %dma_wait3A_132 = arith.constant 0 : i32
      %dma_wait3A_133 = arith.constant 0 : i32
      %dma_wait3A_134 = tpu.memref_slice %arg5[%dma_wait3A_132, %add3A, %dma_wait3A_133] : memref<20x32x10240xf32, #tpu.memory_space<hbm>> -> memref<1x1x10240xf32, #tpu.memory_space<hbm>>
      %dma_wait3A_135 = tpu.memref_squeeze %dma_wait3A_134 : memref<1x1x10240xf32, #tpu.memory_space<hbm>> -> memref<10240xf32, #tpu.memory_space<hbm>>
      %dma_wait3A_136 = arith.constant 0 : i32
      %dma_wait3A_137 = tpu.memref_slice %arg5[%dma_wait3A_132, %add3A, %dma_wait3A_136] : memref<20x32x10240xf32, #tpu.memory_space<hbm>> -> memref<1x1x10240xf32, #tpu.memory_space<hbm>>
      %dma_wait3A_138 = tpu.memref_squeeze %dma_wait3A_137 : memref<1x1x10240xf32, #tpu.memory_space<hbm>> -> memref<10240xf32, #tpu.memory_space<hbm>>
      tpu.wait_dma2 semaphore(%arg15 : memref<!tpu.dma_semaphore, #tpu.memory_space<semaphore_mem>>) src(%arg6 : memref<10240xf32, #tpu.memory_space<vmem>>) dst(%dma_wait3A_138 : memref<10240xf32, #tpu.memory_space<hbm>>)
      %parallel_loop3A_139 = arith.constant 0 : i32
      %parallel_loop3A_140 = arith.constant 640 : i32
      %parallel_loop3A_141 = arith.constant 1 : i32
      scf.for %parallel_loop3A_150 = %parallel_loop3A_139 to %parallel_loop3A_140 step %parallel_loop3A_141  : i32 {
        %parallel_loop3A_151 = arith.constant 16 : i32
        %parallel_loop3A_152 = arith.muli %parallel_loop3A_150, %parallel_loop3A_151 : i32
        %parallel_loop3A_153 = arith.index_cast %parallel_loop3A_152 : i32 to index
        %parallel_loop3A_154 = tpu.vector_load %arg7[%parallel_loop3A_153] {strides = array<i32>} : memref<10240xf32, #tpu.memory_space<vmem>>, vector<16xf32>,
        %parallel_loop3A_155 = arith.constant 2.000000e+00 : f32
        %parallel_loop3A_156 = vector.broadcast %parallel_loop3A_155 : f32 to vector<16xf32>
        %parallel_loop3A_157 = arith.mulf %parallel_loop3A_156, %parallel_loop3A_154 : vector<16xf32>
        %parallel_loop3A_158 = arith.index_cast %parallel_loop3A_152 : i32 to index
        %parallel_loop3A_159 = tpu.vector_load %arg8[%parallel_loop3A_158] {strides = array<i32>} : memref<10240xf32, #tpu.memory_space<vmem>>, vector<16xf32>,
        %parallel_loop3A_160 = arith.subf %parallel_loop3A_157, %parallel_loop3A_159 : vector<16xf32>
        %parallel_loop3A_161 = arith.index_cast %parallel_loop3A_152 : i32 to index
        %parallel_loop3A_162 = tpu.vector_load %arg8[%parallel_loop3A_161] {strides = array<i32>} : memref<10240xf32, #tpu.memory_space<vmem>>, vector<16xf32>,
        tpu.vector_store %arg8[%parallel_loop3A_161], %parallel_loop3A_160 {strides = array<i32>} : memref<10240xf32, #tpu.memory_space<vmem>>, vector<16xf32>,
        %parallel_loop3A_163 = arith.index_cast %parallel_loop3A_152 : i32 to index
        %parallel_loop3A_164 = tpu.vector_load %arg7[%parallel_loop3A_163] {strides = array<i32>} : memref<10240xf32, #tpu.memory_space<vmem>>, vector<16xf32>,
        tpu.vector_store %arg7[%parallel_loop3A_163], %broadcast_in_dim3A_1 {strides = array<i32>} : memref<10240xf32, #tpu.memory_space<vmem>>, vector<16xf32>,
      } {sc.loop_unroll_factor = 8 : i64, sc.parallel_access}
      %add3A_142 = arith.constant 1 : i32
      %add3A_143 = arith.addi %add3A_93, %add3A_142 : i32
      %dma_start3A_144 = arith.constant 0 : i32
      %dma_start3A_145 = tpu.memref_slice %arg5[%add3A_143, %add3A, %dma_start3A_144] : memref<20x32x10240xf32, #tpu.memory_space<hbm>> -> memref<1x1x10240xf32, #tpu.memory_space<hbm>>
      %dma_start3A_146 = tpu.memref_squeeze %dma_start3A_145 : memref<1x1x10240xf32, #tpu.memory_space<hbm>> -> memref<10240xf32, #tpu.memory_space<hbm>>
      %dma_start3A_147 = arith.constant 0 : i32
      %dma_start3A_148 = tpu.memref_slice %arg5[%add3A_143, %add3A, %dma_start3A_147] : memref<20x32x10240xf32, #tpu.memory_space<hbm>> -> memref<1x1x10240xf32, #tpu.memory_space<hbm>>
      %dma_start3A_149 = tpu.memref_squeeze %dma_start3A_148 : memref<1x1x10240xf32, #tpu.memory_space<hbm>> -> memref<10240xf32, #tpu.memory_space<hbm>>
      tpu.enqueue_dma source(%arg8 : memref<10240xf32, #tpu.memory_space<vmem>>) target(%dma_start3A_149 : memref<10240xf32, #tpu.memory_space<hbm>>) target_semaphore(%arg15 : memref<!tpu.dma_semaphore, #tpu.memory_space<semaphore_mem>>)
    }
    %scan3A_75 = arith.constant 9 : i32
    %dma_wait3A = arith.constant 0 : i32
    %dma_wait3A_76 = arith.constant 0 : i32
    %dma_wait3A_77 = tpu.memref_slice %arg5[%dma_wait3A, %add3A, %dma_wait3A_76] : memref<20x32x10240xf32, #tpu.memory_space<hbm>> -> memref<1x1x10240xf32, #tpu.memory_space<hbm>>
    %dma_wait3A_78 = tpu.memref_squeeze %dma_wait3A_77 : memref<1x1x10240xf32, #tpu.memory_space<hbm>> -> memref<10240xf32, #tpu.memory_space<hbm>>
    %dma_wait3A_79 = arith.constant 0 : i32
    %dma_wait3A_80 = tpu.memref_slice %arg5[%dma_wait3A, %add3A, %dma_wait3A_79] : memref<20x32x10240xf32, #tpu.memory_space<hbm>> -> memref<1x1x10240xf32, #tpu.memory_space<hbm>>
    %dma_wait3A_81 = tpu.memref_squeeze %dma_wait3A_80 : memref<1x1x10240xf32, #tpu.memory_space<hbm>> -> memref<10240xf32, #tpu.memory_space<hbm>>
    tpu.wait_dma2 semaphore(%arg15 : memref<!tpu.dma_semaphore, #tpu.memory_space<semaphore_mem>>) src(%arg6 : memref<10240xf32, #tpu.memory_space<vmem>>) dst(%dma_wait3A_81 : memref<10240xf32, #tpu.memory_space<hbm>>)
    %dma_wait3A_82 = arith.constant 0 : i32
    %dma_wait3A_83 = arith.constant 0 : i32
    %dma_wait3A_84 = tpu.memref_slice %arg5[%dma_wait3A_82, %add3A, %dma_wait3A_83] : memref<20x32x10240xf32, #tpu.memory_space<hbm>> -> memref<1x1x10240xf32, #tpu.memory_space<hbm>>
    %dma_wait3A_85 = tpu.memref_squeeze %dma_wait3A_84 : memref<1x1x10240xf32, #tpu.memory_space<hbm>> -> memref<10240xf32, #tpu.memory_space<hbm>>
    %dma_wait3A_86 = arith.constant 0 : i32
    %dma_wait3A_87 = tpu.memref_slice %arg5[%dma_wait3A_82, %add3A, %dma_wait3A_86] : memref<20x32x10240xf32, #tpu.memory_space<hbm>> -> memref<1x1x10240xf32, #tpu.memory_space<hbm>>
    %dma_wait3A_88 = tpu.memref_squeeze %dma_wait3A_87 : memref<1x1x10240xf32, #tpu.memory_space<hbm>> -> memref<10240xf32, #tpu.memory_space<hbm>>
    tpu.wait_dma2 semaphore(%arg15 : memref<!tpu.dma_semaphore, #tpu.memory_space<semaphore_mem>>) src(%arg6 : memref<10240xf32, #tpu.memory_space<vmem>>) dst(%dma_wait3A_88 : memref<10240xf32, #tpu.memory_space<hbm>>)
    return
  }
}

module attributes {stable_mosaic.version = 14 : i64} {
  func.func @body(%arg0: i32, %arg1: memref<20x10xf32, #tpu.memory_space<smem>>, %arg2: memref<10xf32, #tpu.memory_space<smem>>, %arg3: memref<1x10xf32, #tpu.memory_space<vmem>>, %arg4: memref<20x32x2048xf32, #tpu.memory_space<vmem>>, %arg5: memref<10x10x2048xf32, #tpu.memory_space<vmem>>, %arg6: memref<32x10xf32, #tpu.memory_space<vmem>>, %arg7: memref<32x10xf32, #tpu.memory_space<vmem>>) attributes {dimension_semantics = [#tpu.dimension_semantics<arbitrary>], iteration_bounds = array<i64: 5>, scalar_prefetch = 0 : i64, scratch_operands = 1 : i64, tpu.core_type = #tpu.core_type<tc>, window_params = [{transform_indices = @transform_0, window_bounds = array<i64: 20, 10>}, {transform_indices = @transform_1, window_bounds = array<i64: 10>}, {pipeline_mode = #tpu.pipeline_mode<synchronous>, transform_indices = @transform_2, window_bounds = array<i64: 1, 10>}, {transform_indices = @transform_3, window_bounds = array<i64: 20, 32, 2048>}, {transform_indices = @transform_4, window_bounds = array<i64: 10, 10, 2048>}, {pipeline_mode = #tpu.pipeline_mode<synchronous>, transform_indices = @transform_5, window_bounds = array<i64: 32, 10>}]} {
    %eq3A = arith.constant 0 : i32
    %eq3A_0 = arith.cmpi eq, %arg0, %eq3A : i32
    %convert_element_type3A = arith.extui %eq3A_0 : i1 to i32
    %cond3A = arith.constant 0 : i32
    %cond3A_1 = arith.cmpi ne, %convert_element_type3A, %cond3A : i32
    scf.if %cond3A_1 {
      %broadcast_in_dim3A = arith.constant 0.000000e+00 : f32
      %broadcast_in_dim3A_2347 = vector.broadcast %broadcast_in_dim3A : f32 to vector<32x10xf32>
      %swap3A_2348 = arith.constant 0 : index
      %swap3A_2349 = arith.constant 0 : index
      %swap3A_2350 = vector.load %arg7[%swap3A_2348, %swap3A_2349] : memref<32x10xf32, #tpu.memory_space<vmem>>, vector<32x10xf32>
      tpu.vector_store %arg7[%swap3A_2348, %swap3A_2349], %broadcast_in_dim3A_2347 {strides = array<i32>} : memref<32x10xf32, #tpu.memory_space<vmem>>, vector<32x10xf32>,
    } else {
    }
    %get3A = arith.constant 0 : index
    %get3A_2 = arith.constant 0 : index
    %get3A_3 = arith.constant 0 : index
    %get3A_4 = vector.load %arg4[%get3A, %get3A_2, %get3A_3] : memref<20x32x2048xf32, #tpu.memory_space<vmem>>, vector<1x32x2048xf32>
    %get3A_5 = vector.shape_cast %get3A_4 : vector<1x32x2048xf32> to vector<32x2048xf32>
    %get3A_6 = arith.constant 0 : index
    %get3A_7 = arith.constant 0 : index
    %get3A_8 = memref.load %arg1[%get3A_6, %get3A_7] : memref<20x10xf32, #tpu.memory_space<smem>>
    %mul3A = vector.broadcast %get3A_8 : f32 to vector<32x2048xf32>
    %mul3A_9 = arith.mulf %get3A_5, %mul3A : vector<32x2048xf32>
    %get3A_10 = arith.constant 1 : index
    %get3A_11 = arith.constant 0 : index
    %get3A_12 = arith.constant 0 : index
    %get3A_13 = vector.load %arg4[%get3A_10, %get3A_11, %get3A_12] : memref<20x32x2048xf32, #tpu.memory_space<vmem>>, vector<1x32x2048xf32>
    %get3A_14 = vector.shape_cast %get3A_13 : vector<1x32x2048xf32> to vector<32x2048xf32>
    %get3A_15 = arith.constant 1 : index
    %get3A_16 = arith.constant 0 : index
    %get3A_17 = memref.load %arg1[%get3A_15, %get3A_16] : memref<20x10xf32, #tpu.memory_space<smem>>
    %mul3A_18 = vector.broadcast %get3A_17 : f32 to vector<32x2048xf32>
    %mul3A_19 = arith.mulf %get3A_14, %mul3A_18 : vector<32x2048xf32>
    %add3A = arith.addf %mul3A_9, %mul3A_19 : vector<32x2048xf32>
    %get3A_20 = arith.constant 2 : index
    %get3A_21 = arith.constant 0 : index
    %get3A_22 = arith.constant 0 : index
    %get3A_23 = vector.load %arg4[%get3A_20, %get3A_21, %get3A_22] : memref<20x32x2048xf32, #tpu.memory_space<vmem>>, vector<1x32x2048xf32>
    %get3A_24 = vector.shape_cast %get3A_23 : vector<1x32x2048xf32> to vector<32x2048xf32>
    %get3A_25 = arith.constant 2 : index
    %get3A_26 = arith.constant 0 : index
    %get3A_27 = memref.load %arg1[%get3A_25, %get3A_26] : memref<20x10xf32, #tpu.memory_space<smem>>
    %mul3A_28 = vector.broadcast %get3A_27 : f32 to vector<32x2048xf32>
    %mul3A_29 = arith.mulf %get3A_24, %mul3A_28 : vector<32x2048xf32>
    %add3A_30 = arith.addf %add3A, %mul3A_29 : vector<32x2048xf32>
    %get3A_31 = arith.constant 3 : index
    %get3A_32 = arith.constant 0 : index
    %get3A_33 = arith.constant 0 : index
    %get3A_34 = vector.load %arg4[%get3A_31, %get3A_32, %get3A_33] : memref<20x32x2048xf32, #tpu.memory_space<vmem>>, vector<1x32x2048xf32>
    %get3A_35 = vector.shape_cast %get3A_34 : vector<1x32x2048xf32> to vector<32x2048xf32>
    %get3A_36 = arith.constant 3 : index
    %get3A_37 = arith.constant 0 : index
    %get3A_38 = memref.load %arg1[%get3A_36, %get3A_37] : memref<20x10xf32, #tpu.memory_space<smem>>
    %mul3A_39 = vector.broadcast %get3A_38 : f32 to vector<32x2048xf32>
    %mul3A_40 = arith.mulf %get3A_35, %mul3A_39 : vector<32x2048xf32>
    %add3A_41 = arith.addf %add3A_30, %mul3A_40 : vector<32x2048xf32>
    %get3A_42 = arith.constant 4 : index
    %get3A_43 = arith.constant 0 : index
    %get3A_44 = arith.constant 0 : index
    %get3A_45 = vector.load %arg4[%get3A_42, %get3A_43, %get3A_44] : memref<20x32x2048xf32, #tpu.memory_space<vmem>>, vector<1x32x2048xf32>
    %get3A_46 = vector.shape_cast %get3A_45 : vector<1x32x2048xf32> to vector<32x2048xf32>
    %get3A_47 = arith.constant 4 : index
    %get3A_48 = arith.constant 0 : index
    %get3A_49 = memref.load %arg1[%get3A_47, %get3A_48] : memref<20x10xf32, #tpu.memory_space<smem>>
    %mul3A_50 = vector.broadcast %get3A_49 : f32 to vector<32x2048xf32>
    %mul3A_51 = arith.mulf %get3A_46, %mul3A_50 : vector<32x2048xf32>
    %add3A_52 = arith.addf %add3A_41, %mul3A_51 : vector<32x2048xf32>
    %get3A_53 = arith.constant 5 : index
    %get3A_54 = arith.constant 0 : index
    %get3A_55 = arith.constant 0 : index
    %get3A_56 = vector.load %arg4[%get3A_53, %get3A_54, %get3A_55] : memref<20x32x2048xf32, #tpu.memory_space<vmem>>, vector<1x32x2048xf32>
    %get3A_57 = vector.shape_cast %get3A_56 : vector<1x32x2048xf32> to vector<32x2048xf32>
    %get3A_58 = arith.constant 5 : index
    %get3A_59 = arith.constant 0 : index
    %get3A_60 = memref.load %arg1[%get3A_58, %get3A_59] : memref<20x10xf32, #tpu.memory_space<smem>>
    %mul3A_61 = vector.broadcast %get3A_60 : f32 to vector<32x2048xf32>
    %mul3A_62 = arith.mulf %get3A_57, %mul3A_61 : vector<32x2048xf32>
    %add3A_63 = arith.addf %add3A_52, %mul3A_62 : vector<32x2048xf32>
    %get3A_64 = arith.constant 6 : index
    %get3A_65 = arith.constant 0 : index
    %get3A_66 = arith.constant 0 : index
    %get3A_67 = vector.load %arg4[%get3A_64, %get3A_65, %get3A_66] : memref<20x32x2048xf32, #tpu.memory_space<vmem>>, vector<1x32x2048xf32>
    %get3A_68 = vector.shape_cast %get3A_67 : vector<1x32x2048xf32> to vector<32x2048xf32>
    %get3A_69 = arith.constant 6 : index
    %get3A_70 = arith.constant 0 : index
    %get3A_71 = memref.load %arg1[%get3A_69, %get3A_70] : memref<20x10xf32, #tpu.memory_space<smem>>
    %mul3A_72 = vector.broadcast %get3A_71 : f32 to vector<32x2048xf32>
    %mul3A_73 = arith.mulf %get3A_68, %mul3A_72 : vector<32x2048xf32>
    %add3A_74 = arith.addf %add3A_63, %mul3A_73 : vector<32x2048xf32>
    %get3A_75 = arith.constant 7 : index
    %get3A_76 = arith.constant 0 : index
    %get3A_77 = arith.constant 0 : index
    %get3A_78 = vector.load %arg4[%get3A_75, %get3A_76, %get3A_77] : memref<20x32x2048xf32, #tpu.memory_space<vmem>>, vector<1x32x2048xf32>
    %get3A_79 = vector.shape_cast %get3A_78 : vector<1x32x2048xf32> to vector<32x2048xf32>
    %get3A_80 = arith.constant 7 : index
    %get3A_81 = arith.constant 0 : index
    %get3A_82 = memref.load %arg1[%get3A_80, %get3A_81] : memref<20x10xf32, #tpu.memory_space<smem>>
    %mul3A_83 = vector.broadcast %get3A_82 : f32 to vector<32x2048xf32>
    %mul3A_84 = arith.mulf %get3A_79, %mul3A_83 : vector<32x2048xf32>
    %add3A_85 = arith.addf %add3A_74, %mul3A_84 : vector<32x2048xf32>
    %get3A_86 = arith.constant 8 : index
    %get3A_87 = arith.constant 0 : index
    %get3A_88 = arith.constant 0 : index
    %get3A_89 = vector.load %arg4[%get3A_86, %get3A_87, %get3A_88] : memref<20x32x2048xf32, #tpu.memory_space<vmem>>, vector<1x32x2048xf32>
    %get3A_90 = vector.shape_cast %get3A_89 : vector<1x32x2048xf32> to vector<32x2048xf32>
    %get3A_91 = arith.constant 8 : index
    %get3A_92 = arith.constant 0 : index
    %get3A_93 = memref.load %arg1[%get3A_91, %get3A_92] : memref<20x10xf32, #tpu.memory_space<smem>>
    %mul3A_94 = vector.broadcast %get3A_93 : f32 to vector<32x2048xf32>
    %mul3A_95 = arith.mulf %get3A_90, %mul3A_94 : vector<32x2048xf32>
    %add3A_96 = arith.addf %add3A_85, %mul3A_95 : vector<32x2048xf32>
    %get3A_97 = arith.constant 9 : index
    %get3A_98 = arith.constant 0 : index
    %get3A_99 = arith.constant 0 : index
    %get3A_100 = vector.load %arg4[%get3A_97, %get3A_98, %get3A_99] : memref<20x32x2048xf32, #tpu.memory_space<vmem>>, vector<1x32x2048xf32>
    %get3A_101 = vector.shape_cast %get3A_100 : vector<1x32x2048xf32> to vector<32x2048xf32>
    %get3A_102 = arith.constant 9 : index
    %get3A_103 = arith.constant 0 : index
    %get3A_104 = memref.load %arg1[%get3A_102, %get3A_103] : memref<20x10xf32, #tpu.memory_space<smem>>
    %mul3A_105 = vector.broadcast %get3A_104 : f32 to vector<32x2048xf32>
    %mul3A_106 = arith.mulf %get3A_101, %mul3A_105 : vector<32x2048xf32>
    %add3A_107 = arith.addf %add3A_96, %mul3A_106 : vector<32x2048xf32>
    %get3A_108 = arith.constant 10 : index
    %get3A_109 = arith.constant 0 : index
    %get3A_110 = arith.constant 0 : index
    %get3A_111 = vector.load %arg4[%get3A_108, %get3A_109, %get3A_110] : memref<20x32x2048xf32, #tpu.memory_space<vmem>>, vector<1x32x2048xf32>
    %get3A_112 = vector.shape_cast %get3A_111 : vector<1x32x2048xf32> to vector<32x2048xf32>
    %get3A_113 = arith.constant 10 : index
    %get3A_114 = arith.constant 0 : index
    %get3A_115 = memref.load %arg1[%get3A_113, %get3A_114] : memref<20x10xf32, #tpu.memory_space<smem>>
    %mul3A_116 = vector.broadcast %get3A_115 : f32 to vector<32x2048xf32>
    %mul3A_117 = arith.mulf %get3A_112, %mul3A_116 : vector<32x2048xf32>
    %add3A_118 = arith.addf %add3A_107, %mul3A_117 : vector<32x2048xf32>
    %get3A_119 = arith.constant 11 : index
    %get3A_120 = arith.constant 0 : index
    %get3A_121 = arith.constant 0 : index
    %get3A_122 = vector.load %arg4[%get3A_119, %get3A_120, %get3A_121] : memref<20x32x2048xf32, #tpu.memory_space<vmem>>, vector<1x32x2048xf32>
    %get3A_123 = vector.shape_cast %get3A_122 : vector<1x32x2048xf32> to vector<32x2048xf32>
    %get3A_124 = arith.constant 11 : index
    %get3A_125 = arith.constant 0 : index
    %get3A_126 = memref.load %arg1[%get3A_124, %get3A_125] : memref<20x10xf32, #tpu.memory_space<smem>>
    %mul3A_127 = vector.broadcast %get3A_126 : f32 to vector<32x2048xf32>
    %mul3A_128 = arith.mulf %get3A_123, %mul3A_127 : vector<32x2048xf32>
    %add3A_129 = arith.addf %add3A_118, %mul3A_128 : vector<32x2048xf32>
    %get3A_130 = arith.constant 12 : index
    %get3A_131 = arith.constant 0 : index
    %get3A_132 = arith.constant 0 : index
    %get3A_133 = vector.load %arg4[%get3A_130, %get3A_131, %get3A_132] : memref<20x32x2048xf32, #tpu.memory_space<vmem>>, vector<1x32x2048xf32>
    %get3A_134 = vector.shape_cast %get3A_133 : vector<1x32x2048xf32> to vector<32x2048xf32>
    %get3A_135 = arith.constant 12 : index
    %get3A_136 = arith.constant 0 : index
    %get3A_137 = memref.load %arg1[%get3A_135, %get3A_136] : memref<20x10xf32, #tpu.memory_space<smem>>
    %mul3A_138 = vector.broadcast %get3A_137 : f32 to vector<32x2048xf32>
    %mul3A_139 = arith.mulf %get3A_134, %mul3A_138 : vector<32x2048xf32>
    %add3A_140 = arith.addf %add3A_129, %mul3A_139 : vector<32x2048xf32>
    %get3A_141 = arith.constant 13 : index
    %get3A_142 = arith.constant 0 : index
    %get3A_143 = arith.constant 0 : index
    %get3A_144 = vector.load %arg4[%get3A_141, %get3A_142, %get3A_143] : memref<20x32x2048xf32, #tpu.memory_space<vmem>>, vector<1x32x2048xf32>
    %get3A_145 = vector.shape_cast %get3A_144 : vector<1x32x2048xf32> to vector<32x2048xf32>
    %get3A_146 = arith.constant 13 : index
    %get3A_147 = arith.constant 0 : index
    %get3A_148 = memref.load %arg1[%get3A_146, %get3A_147] : memref<20x10xf32, #tpu.memory_space<smem>>
    %mul3A_149 = vector.broadcast %get3A_148 : f32 to vector<32x2048xf32>
    %mul3A_150 = arith.mulf %get3A_145, %mul3A_149 : vector<32x2048xf32>
    %add3A_151 = arith.addf %add3A_140, %mul3A_150 : vector<32x2048xf32>
    %get3A_152 = arith.constant 14 : index
    %get3A_153 = arith.constant 0 : index
    %get3A_154 = arith.constant 0 : index
    %get3A_155 = vector.load %arg4[%get3A_152, %get3A_153, %get3A_154] : memref<20x32x2048xf32, #tpu.memory_space<vmem>>, vector<1x32x2048xf32>
    %get3A_156 = vector.shape_cast %get3A_155 : vector<1x32x2048xf32> to vector<32x2048xf32>
    %get3A_157 = arith.constant 14 : index
    %get3A_158 = arith.constant 0 : index
    %get3A_159 = memref.load %arg1[%get3A_157, %get3A_158] : memref<20x10xf32, #tpu.memory_space<smem>>
    %mul3A_160 = vector.broadcast %get3A_159 : f32 to vector<32x2048xf32>
    %mul3A_161 = arith.mulf %get3A_156, %mul3A_160 : vector<32x2048xf32>
    %add3A_162 = arith.addf %add3A_151, %mul3A_161 : vector<32x2048xf32>
    %get3A_163 = arith.constant 15 : index
    %get3A_164 = arith.constant 0 : index
    %get3A_165 = arith.constant 0 : index
    %get3A_166 = vector.load %arg4[%get3A_163, %get3A_164, %get3A_165] : memref<20x32x2048xf32, #tpu.memory_space<vmem>>, vector<1x32x2048xf32>
    %get3A_167 = vector.shape_cast %get3A_166 : vector<1x32x2048xf32> to vector<32x2048xf32>
    %get3A_168 = arith.constant 15 : index
    %get3A_169 = arith.constant 0 : index
    %get3A_170 = memref.load %arg1[%get3A_168, %get3A_169] : memref<20x10xf32, #tpu.memory_space<smem>>
    %mul3A_171 = vector.broadcast %get3A_170 : f32 to vector<32x2048xf32>
    %mul3A_172 = arith.mulf %get3A_167, %mul3A_171 : vector<32x2048xf32>
    %add3A_173 = arith.addf %add3A_162, %mul3A_172 : vector<32x2048xf32>
    %get3A_174 = arith.constant 16 : index
    %get3A_175 = arith.constant 0 : index
    %get3A_176 = arith.constant 0 : index
    %get3A_177 = vector.load %arg4[%get3A_174, %get3A_175, %get3A_176] : memref<20x32x2048xf32, #tpu.memory_space<vmem>>, vector<1x32x2048xf32>
    %get3A_178 = vector.shape_cast %get3A_177 : vector<1x32x2048xf32> to vector<32x2048xf32>
    %get3A_179 = arith.constant 16 : index
    %get3A_180 = arith.constant 0 : index
    %get3A_181 = memref.load %arg1[%get3A_179, %get3A_180] : memref<20x10xf32, #tpu.memory_space<smem>>
    %mul3A_182 = vector.broadcast %get3A_181 : f32 to vector<32x2048xf32>
    %mul3A_183 = arith.mulf %get3A_178, %mul3A_182 : vector<32x2048xf32>
    %add3A_184 = arith.addf %add3A_173, %mul3A_183 : vector<32x2048xf32>
    %get3A_185 = arith.constant 17 : index
    %get3A_186 = arith.constant 0 : index
    %get3A_187 = arith.constant 0 : index
    %get3A_188 = vector.load %arg4[%get3A_185, %get3A_186, %get3A_187] : memref<20x32x2048xf32, #tpu.memory_space<vmem>>, vector<1x32x2048xf32>
    %get3A_189 = vector.shape_cast %get3A_188 : vector<1x32x2048xf32> to vector<32x2048xf32>
    %get3A_190 = arith.constant 17 : index
    %get3A_191 = arith.constant 0 : index
    %get3A_192 = memref.load %arg1[%get3A_190, %get3A_191] : memref<20x10xf32, #tpu.memory_space<smem>>
    %mul3A_193 = vector.broadcast %get3A_192 : f32 to vector<32x2048xf32>
    %mul3A_194 = arith.mulf %get3A_189, %mul3A_193 : vector<32x2048xf32>
    %add3A_195 = arith.addf %add3A_184, %mul3A_194 : vector<32x2048xf32>
    %get3A_196 = arith.constant 18 : index
    %get3A_197 = arith.constant 0 : index
    %get3A_198 = arith.constant 0 : index
    %get3A_199 = vector.load %arg4[%get3A_196, %get3A_197, %get3A_198] : memref<20x32x2048xf32, #tpu.memory_space<vmem>>, vector<1x32x2048xf32>
    %get3A_200 = vector.shape_cast %get3A_199 : vector<1x32x2048xf32> to vector<32x2048xf32>
    %get3A_201 = arith.constant 18 : index
    %get3A_202 = arith.constant 0 : index
    %get3A_203 = memref.load %arg1[%get3A_201, %get3A_202] : memref<20x10xf32, #tpu.memory_space<smem>>
    %mul3A_204 = vector.broadcast %get3A_203 : f32 to vector<32x2048xf32>
    %mul3A_205 = arith.mulf %get3A_200, %mul3A_204 : vector<32x2048xf32>
    %add3A_206 = arith.addf %add3A_195, %mul3A_205 : vector<32x2048xf32>
    %get3A_207 = arith.constant 19 : index
    %get3A_208 = arith.constant 0 : index
    %get3A_209 = arith.constant 0 : index
    %get3A_210 = vector.load %arg4[%get3A_207, %get3A_208, %get3A_209] : memref<20x32x2048xf32, #tpu.memory_space<vmem>>, vector<1x32x2048xf32>
    %get3A_211 = vector.shape_cast %get3A_210 : vector<1x32x2048xf32> to vector<32x2048xf32>
    %get3A_212 = arith.constant 19 : index
    %get3A_213 = arith.constant 0 : index
    %get3A_214 = memref.load %arg1[%get3A_212, %get3A_213] : memref<20x10xf32, #tpu.memory_space<smem>>
    %mul3A_215 = vector.broadcast %get3A_214 : f32 to vector<32x2048xf32>
    %mul3A_216 = arith.mulf %get3A_211, %mul3A_215 : vector<32x2048xf32>
    %add3A_217 = arith.addf %add3A_206, %mul3A_216 : vector<32x2048xf32>
    %get3A_218 = arith.constant 0 : index
    %get3A_219 = memref.load %arg2[%get3A_218] : memref<10xf32, #tpu.memory_space<smem>>
    %add3A_220 = vector.broadcast %get3A_219 : f32 to vector<32x2048xf32>
    %add3A_221 = arith.addf %add3A_217, %add3A_220 : vector<32x2048xf32>
    %max3A = arith.constant 0.000000e+00 : f32
    %max3A_222 = vector.broadcast %max3A : f32 to vector<32x2048xf32>
    %max3A_223 = arith.maximumf %add3A_221, %max3A_222 : vector<32x2048xf32>
    %get3A_224 = arith.constant 0 : index
    %get3A_225 = arith.constant 0 : index
    %get3A_226 = arith.constant 0 : index
    %get3A_227 = vector.load %arg5[%get3A_224, %get3A_225, %get3A_226] : memref<10x10x2048xf32, #tpu.memory_space<vmem>>, vector<1x10x2048xf32>
    %get3A_228 = vector.shape_cast %get3A_227 : vector<1x10x2048xf32> to vector<10x2048xf32>
    %dot_general3A = arith.constant dense<0.000000e+00> : vector<32x10xf32>
    %dot_general3A_229 = tpu.matmul %max3A_223, %get3A_228, %dot_general3A {dimension_numbers = #tpu.dot_dimension_numbers<[1], [1], [0], [0], [0, 0, 1, 0], [], []>, transpose_lhs_hint = false} : vector<32x2048xf32>, vector<10x2048xf32>, vector<32x10xf32> -> vector<32x10xf32>
    %get3A_230 = arith.constant 0 : index
    %get3A_231 = arith.constant 0 : index
    %get3A_232 = arith.constant 0 : index
    %get3A_233 = vector.load %arg4[%get3A_230, %get3A_231, %get3A_232] : memref<20x32x2048xf32, #tpu.memory_space<vmem>>, vector<1x32x2048xf32>
    %get3A_234 = vector.shape_cast %get3A_233 : vector<1x32x2048xf32> to vector<32x2048xf32>
    %get3A_235 = arith.constant 0 : index
    %get3A_236 = arith.constant 1 : index
    %get3A_237 = memref.load %arg1[%get3A_235, %get3A_236] : memref<20x10xf32, #tpu.memory_space<smem>>
    %mul3A_238 = vector.broadcast %get3A_237 : f32 to vector<32x2048xf32>
    %mul3A_239 = arith.mulf %get3A_234, %mul3A_238 : vector<32x2048xf32>
    %get3A_240 = arith.constant 1 : index
    %get3A_241 = arith.constant 0 : index
    %get3A_242 = arith.constant 0 : index
    %get3A_243 = vector.load %arg4[%get3A_240, %get3A_241, %get3A_242] : memref<20x32x2048xf32, #tpu.memory_space<vmem>>, vector<1x32x2048xf32>
    %get3A_244 = vector.shape_cast %get3A_243 : vector<1x32x2048xf32> to vector<32x2048xf32>
    %get3A_245 = arith.constant 1 : index
    %get3A_246 = arith.constant 1 : index
    %get3A_247 = memref.load %arg1[%get3A_245, %get3A_246] : memref<20x10xf32, #tpu.memory_space<smem>>
    %mul3A_248 = vector.broadcast %get3A_247 : f32 to vector<32x2048xf32>
    %mul3A_249 = arith.mulf %get3A_244, %mul3A_248 : vector<32x2048xf32>
    %add3A_250 = arith.addf %mul3A_239, %mul3A_249 : vector<32x2048xf32>
    %get3A_251 = arith.constant 2 : index
    %get3A_252 = arith.constant 0 : index
    %get3A_253 = arith.constant 0 : index
    %get3A_254 = vector.load %arg4[%get3A_251, %get3A_252, %get3A_253] : memref<20x32x2048xf32, #tpu.memory_space<vmem>>, vector<1x32x2048xf32>
    %get3A_255 = vector.shape_cast %get3A_254 : vector<1x32x2048xf32> to vector<32x2048xf32>
    %get3A_256 = arith.constant 2 : index
    %get3A_257 = arith.constant 1 : index
    %get3A_258 = memref.load %arg1[%get3A_256, %get3A_257] : memref<20x10xf32, #tpu.memory_space<smem>>
    %mul3A_259 = vector.broadcast %get3A_258 : f32 to vector<32x2048xf32>
    %mul3A_260 = arith.mulf %get3A_255, %mul3A_259 : vector<32x2048xf32>
    %add3A_261 = arith.addf %add3A_250, %mul3A_260 : vector<32x2048xf32>
    %get3A_262 = arith.constant 3 : index
    %get3A_263 = arith.constant 0 : index
    %get3A_264 = arith.constant 0 : index
    %get3A_265 = vector.load %arg4[%get3A_262, %get3A_263, %get3A_264] : memref<20x32x2048xf32, #tpu.memory_space<vmem>>, vector<1x32x2048xf32>
    %get3A_266 = vector.shape_cast %get3A_265 : vector<1x32x2048xf32> to vector<32x2048xf32>
    %get3A_267 = arith.constant 3 : index
    %get3A_268 = arith.constant 1 : index
    %get3A_269 = memref.load %arg1[%get3A_267, %get3A_268] : memref<20x10xf32, #tpu.memory_space<smem>>
    %mul3A_270 = vector.broadcast %get3A_269 : f32 to vector<32x2048xf32>
    %mul3A_271 = arith.mulf %get3A_266, %mul3A_270 : vector<32x2048xf32>
    %add3A_272 = arith.addf %add3A_261, %mul3A_271 : vector<32x2048xf32>
    %get3A_273 = arith.constant 4 : index
    %get3A_274 = arith.constant 0 : index
    %get3A_275 = arith.constant 0 : index
    %get3A_276 = vector.load %arg4[%get3A_273, %get3A_274, %get3A_275] : memref<20x32x2048xf32, #tpu.memory_space<vmem>>, vector<1x32x2048xf32>
    %get3A_277 = vector.shape_cast %get3A_276 : vector<1x32x2048xf32> to vector<32x2048xf32>
    %get3A_278 = arith.constant 4 : index
    %get3A_279 = arith.constant 1 : index
    %get3A_280 = memref.load %arg1[%get3A_278, %get3A_279] : memref<20x10xf32, #tpu.memory_space<smem>>
    %mul3A_281 = vector.broadcast %get3A_280 : f32 to vector<32x2048xf32>
    %mul3A_282 = arith.mulf %get3A_277, %mul3A_281 : vector<32x2048xf32>
    %add3A_283 = arith.addf %add3A_272, %mul3A_282 : vector<32x2048xf32>
    %get3A_284 = arith.constant 5 : index
    %get3A_285 = arith.constant 0 : index
    %get3A_286 = arith.constant 0 : index
    %get3A_287 = vector.load %arg4[%get3A_284, %get3A_285, %get3A_286] : memref<20x32x2048xf32, #tpu.memory_space<vmem>>, vector<1x32x2048xf32>
    %get3A_288 = vector.shape_cast %get3A_287 : vector<1x32x2048xf32> to vector<32x2048xf32>
    %get3A_289 = arith.constant 5 : index
    %get3A_290 = arith.constant 1 : index
    %get3A_291 = memref.load %arg1[%get3A_289, %get3A_290] : memref<20x10xf32, #tpu.memory_space<smem>>
    %mul3A_292 = vector.broadcast %get3A_291 : f32 to vector<32x2048xf32>
    %mul3A_293 = arith.mulf %get3A_288, %mul3A_292 : vector<32x2048xf32>
    %add3A_294 = arith.addf %add3A_283, %mul3A_293 : vector<32x2048xf32>
    %get3A_295 = arith.constant 6 : index
    %get3A_296 = arith.constant 0 : index
    %get3A_297 = arith.constant 0 : index
    %get3A_298 = vector.load %arg4[%get3A_295, %get3A_296, %get3A_297] : memref<20x32x2048xf32, #tpu.memory_space<vmem>>, vector<1x32x2048xf32>
    %get3A_299 = vector.shape_cast %get3A_298 : vector<1x32x2048xf32> to vector<32x2048xf32>
    %get3A_300 = arith.constant 6 : index
    %get3A_301 = arith.constant 1 : index
    %get3A_302 = memref.load %arg1[%get3A_300, %get3A_301] : memref<20x10xf32, #tpu.memory_space<smem>>
    %mul3A_303 = vector.broadcast %get3A_302 : f32 to vector<32x2048xf32>
    %mul3A_304 = arith.mulf %get3A_299, %mul3A_303 : vector<32x2048xf32>
    %add3A_305 = arith.addf %add3A_294, %mul3A_304 : vector<32x2048xf32>
    %get3A_306 = arith.constant 7 : index
    %get3A_307 = arith.constant 0 : index
    %get3A_308 = arith.constant 0 : index
    %get3A_309 = vector.load %arg4[%get3A_306, %get3A_307, %get3A_308] : memref<20x32x2048xf32, #tpu.memory_space<vmem>>, vector<1x32x2048xf32>
    %get3A_310 = vector.shape_cast %get3A_309 : vector<1x32x2048xf32> to vector<32x2048xf32>
    %get3A_311 = arith.constant 7 : index
    %get3A_312 = arith.constant 1 : index
    %get3A_313 = memref.load %arg1[%get3A_311, %get3A_312] : memref<20x10xf32, #tpu.memory_space<smem>>
    %mul3A_314 = vector.broadcast %get3A_313 : f32 to vector<32x2048xf32>
    %mul3A_315 = arith.mulf %get3A_310, %mul3A_314 : vector<32x2048xf32>
    %add3A_316 = arith.addf %add3A_305, %mul3A_315 : vector<32x2048xf32>
    %get3A_317 = arith.constant 8 : index
    %get3A_318 = arith.constant 0 : index
    %get3A_319 = arith.constant 0 : index
    %get3A_320 = vector.load %arg4[%get3A_317, %get3A_318, %get3A_319] : memref<20x32x2048xf32, #tpu.memory_space<vmem>>, vector<1x32x2048xf32>
    %get3A_321 = vector.shape_cast %get3A_320 : vector<1x32x2048xf32> to vector<32x2048xf32>
    %get3A_322 = arith.constant 8 : index
    %get3A_323 = arith.constant 1 : index
    %get3A_324 = memref.load %arg1[%get3A_322, %get3A_323] : memref<20x10xf32, #tpu.memory_space<smem>>
    %mul3A_325 = vector.broadcast %get3A_324 : f32 to vector<32x2048xf32>
    %mul3A_326 = arith.mulf %get3A_321, %mul3A_325 : vector<32x2048xf32>
    %add3A_327 = arith.addf %add3A_316, %mul3A_326 : vector<32x2048xf32>
    %get3A_328 = arith.constant 9 : index
    %get3A_329 = arith.constant 0 : index
    %get3A_330 = arith.constant 0 : index
    %get3A_331 = vector.load %arg4[%get3A_328, %get3A_329, %get3A_330] : memref<20x32x2048xf32, #tpu.memory_space<vmem>>, vector<1x32x2048xf32>
    %get3A_332 = vector.shape_cast %get3A_331 : vector<1x32x2048xf32> to vector<32x2048xf32>
    %get3A_333 = arith.constant 9 : index
    %get3A_334 = arith.constant 1 : index
    %get3A_335 = memref.load %arg1[%get3A_333, %get3A_334] : memref<20x10xf32, #tpu.memory_space<smem>>
    %mul3A_336 = vector.broadcast %get3A_335 : f32 to vector<32x2048xf32>
    %mul3A_337 = arith.mulf %get3A_332, %mul3A_336 : vector<32x2048xf32>
    %add3A_338 = arith.addf %add3A_327, %mul3A_337 : vector<32x2048xf32>
    %get3A_339 = arith.constant 10 : index
    %get3A_340 = arith.constant 0 : index
    %get3A_341 = arith.constant 0 : index
    %get3A_342 = vector.load %arg4[%get3A_339, %get3A_340, %get3A_341] : memref<20x32x2048xf32, #tpu.memory_space<vmem>>, vector<1x32x2048xf32>
    %get3A_343 = vector.shape_cast %get3A_342 : vector<1x32x2048xf32> to vector<32x2048xf32>
    %get3A_344 = arith.constant 10 : index
    %get3A_345 = arith.constant 1 : index
    %get3A_346 = memref.load %arg1[%get3A_344, %get3A_345] : memref<20x10xf32, #tpu.memory_space<smem>>
    %mul3A_347 = vector.broadcast %get3A_346 : f32 to vector<32x2048xf32>
    %mul3A_348 = arith.mulf %get3A_343, %mul3A_347 : vector<32x2048xf32>
    %add3A_349 = arith.addf %add3A_338, %mul3A_348 : vector<32x2048xf32>
    %get3A_350 = arith.constant 11 : index
    %get3A_351 = arith.constant 0 : index
    %get3A_352 = arith.constant 0 : index
    %get3A_353 = vector.load %arg4[%get3A_350, %get3A_351, %get3A_352] : memref<20x32x2048xf32, #tpu.memory_space<vmem>>, vector<1x32x2048xf32>
    %get3A_354 = vector.shape_cast %get3A_353 : vector<1x32x2048xf32> to vector<32x2048xf32>
    %get3A_355 = arith.constant 11 : index
    %get3A_356 = arith.constant 1 : index
    %get3A_357 = memref.load %arg1[%get3A_355, %get3A_356] : memref<20x10xf32, #tpu.memory_space<smem>>
    %mul3A_358 = vector.broadcast %get3A_357 : f32 to vector<32x2048xf32>
    %mul3A_359 = arith.mulf %get3A_354, %mul3A_358 : vector<32x2048xf32>
    %add3A_360 = arith.addf %add3A_349, %mul3A_359 : vector<32x2048xf32>
    %get3A_361 = arith.constant 12 : index
    %get3A_362 = arith.constant 0 : index
    %get3A_363 = arith.constant 0 : index
    %get3A_364 = vector.load %arg4[%get3A_361, %get3A_362, %get3A_363] : memref<20x32x2048xf32, #tpu.memory_space<vmem>>, vector<1x32x2048xf32>
    %get3A_365 = vector.shape_cast %get3A_364 : vector<1x32x2048xf32> to vector<32x2048xf32>
    %get3A_366 = arith.constant 12 : index
    %get3A_367 = arith.constant 1 : index
    %get3A_368 = memref.load %arg1[%get3A_366, %get3A_367] : memref<20x10xf32, #tpu.memory_space<smem>>
    %mul3A_369 = vector.broadcast %get3A_368 : f32 to vector<32x2048xf32>
    %mul3A_370 = arith.mulf %get3A_365, %mul3A_369 : vector<32x2048xf32>
    %add3A_371 = arith.addf %add3A_360, %mul3A_370 : vector<32x2048xf32>
    %get3A_372 = arith.constant 13 : index
    %get3A_373 = arith.constant 0 : index
    %get3A_374 = arith.constant 0 : index
    %get3A_375 = vector.load %arg4[%get3A_372, %get3A_373, %get3A_374] : memref<20x32x2048xf32, #tpu.memory_space<vmem>>, vector<1x32x2048xf32>
    %get3A_376 = vector.shape_cast %get3A_375 : vector<1x32x2048xf32> to vector<32x2048xf32>
    %get3A_377 = arith.constant 13 : index
    %get3A_378 = arith.constant 1 : index
    %get3A_379 = memref.load %arg1[%get3A_377, %get3A_378] : memref<20x10xf32, #tpu.memory_space<smem>>
    %mul3A_380 = vector.broadcast %get3A_379 : f32 to vector<32x2048xf32>
    %mul3A_381 = arith.mulf %get3A_376, %mul3A_380 : vector<32x2048xf32>
    %add3A_382 = arith.addf %add3A_371, %mul3A_381 : vector<32x2048xf32>
    %get3A_383 = arith.constant 14 : index
    %get3A_384 = arith.constant 0 : index
    %get3A_385 = arith.constant 0 : index
    %get3A_386 = vector.load %arg4[%get3A_383, %get3A_384, %get3A_385] : memref<20x32x2048xf32, #tpu.memory_space<vmem>>, vector<1x32x2048xf32>
    %get3A_387 = vector.shape_cast %get3A_386 : vector<1x32x2048xf32> to vector<32x2048xf32>
    %get3A_388 = arith.constant 14 : index
    %get3A_389 = arith.constant 1 : index
    %get3A_390 = memref.load %arg1[%get3A_388, %get3A_389] : memref<20x10xf32, #tpu.memory_space<smem>>
    %mul3A_391 = vector.broadcast %get3A_390 : f32 to vector<32x2048xf32>
    %mul3A_392 = arith.mulf %get3A_387, %mul3A_391 : vector<32x2048xf32>
    %add3A_393 = arith.addf %add3A_382, %mul3A_392 : vector<32x2048xf32>
    %get3A_394 = arith.constant 15 : index
    %get3A_395 = arith.constant 0 : index
    %get3A_396 = arith.constant 0 : index
    %get3A_397 = vector.load %arg4[%get3A_394, %get3A_395, %get3A_396] : memref<20x32x2048xf32, #tpu.memory_space<vmem>>, vector<1x32x2048xf32>
    %get3A_398 = vector.shape_cast %get3A_397 : vector<1x32x2048xf32> to vector<32x2048xf32>
    %get3A_399 = arith.constant 15 : index
    %get3A_400 = arith.constant 1 : index
    %get3A_401 = memref.load %arg1[%get3A_399, %get3A_400] : memref<20x10xf32, #tpu.memory_space<smem>>
    %mul3A_402 = vector.broadcast %get3A_401 : f32 to vector<32x2048xf32>
    %mul3A_403 = arith.mulf %get3A_398, %mul3A_402 : vector<32x2048xf32>
    %add3A_404 = arith.addf %add3A_393, %mul3A_403 : vector<32x2048xf32>
    %get3A_405 = arith.constant 16 : index
    %get3A_406 = arith.constant 0 : index
    %get3A_407 = arith.constant 0 : index
    %get3A_408 = vector.load %arg4[%get3A_405, %get3A_406, %get3A_407] : memref<20x32x2048xf32, #tpu.memory_space<vmem>>, vector<1x32x2048xf32>
    %get3A_409 = vector.shape_cast %get3A_408 : vector<1x32x2048xf32> to vector<32x2048xf32>
    %get3A_410 = arith.constant 16 : index
    %get3A_411 = arith.constant 1 : index
    %get3A_412 = memref.load %arg1[%get3A_410, %get3A_411] : memref<20x10xf32, #tpu.memory_space<smem>>
    %mul3A_413 = vector.broadcast %get3A_412 : f32 to vector<32x2048xf32>
    %mul3A_414 = arith.mulf %get3A_409, %mul3A_413 : vector<32x2048xf32>
    %add3A_415 = arith.addf %add3A_404, %mul3A_414 : vector<32x2048xf32>
    %get3A_416 = arith.constant 17 : index
    %get3A_417 = arith.constant 0 : index
    %get3A_418 = arith.constant 0 : index
    %get3A_419 = vector.load %arg4[%get3A_416, %get3A_417, %get3A_418] : memref<20x32x2048xf32, #tpu.memory_space<vmem>>, vector<1x32x2048xf32>
    %get3A_420 = vector.shape_cast %get3A_419 : vector<1x32x2048xf32> to vector<32x2048xf32>
    %get3A_421 = arith.constant 17 : index
    %get3A_422 = arith.constant 1 : index
    %get3A_423 = memref.load %arg1[%get3A_421, %get3A_422] : memref<20x10xf32, #tpu.memory_space<smem>>
    %mul3A_424 = vector.broadcast %get3A_423 : f32 to vector<32x2048xf32>
    %mul3A_425 = arith.mulf %get3A_420, %mul3A_424 : vector<32x2048xf32>
    %add3A_426 = arith.addf %add3A_415, %mul3A_425 : vector<32x2048xf32>
    %get3A_427 = arith.constant 18 : index
    %get3A_428 = arith.constant 0 : index
    %get3A_429 = arith.constant 0 : index
    %get3A_430 = vector.load %arg4[%get3A_427, %get3A_428, %get3A_429] : memref<20x32x2048xf32, #tpu.memory_space<vmem>>, vector<1x32x2048xf32>
    %get3A_431 = vector.shape_cast %get3A_430 : vector<1x32x2048xf32> to vector<32x2048xf32>
    %get3A_432 = arith.constant 18 : index
    %get3A_433 = arith.constant 1 : index
    %get3A_434 = memref.load %arg1[%get3A_432, %get3A_433] : memref<20x10xf32, #tpu.memory_space<smem>>
    %mul3A_435 = vector.broadcast %get3A_434 : f32 to vector<32x2048xf32>
    %mul3A_436 = arith.mulf %get3A_431, %mul3A_435 : vector<32x2048xf32>
    %add3A_437 = arith.addf %add3A_426, %mul3A_436 : vector<32x2048xf32>
    %get3A_438 = arith.constant 19 : index
    %get3A_439 = arith.constant 0 : index
    %get3A_440 = arith.constant 0 : index
    %get3A_441 = vector.load %arg4[%get3A_438, %get3A_439, %get3A_440] : memref<20x32x2048xf32, #tpu.memory_space<vmem>>, vector<1x32x2048xf32>
    %get3A_442 = vector.shape_cast %get3A_441 : vector<1x32x2048xf32> to vector<32x2048xf32>
    %get3A_443 = arith.constant 19 : index
    %get3A_444 = arith.constant 1 : index
    %get3A_445 = memref.load %arg1[%get3A_443, %get3A_444] : memref<20x10xf32, #tpu.memory_space<smem>>
    %mul3A_446 = vector.broadcast %get3A_445 : f32 to vector<32x2048xf32>
    %mul3A_447 = arith.mulf %get3A_442, %mul3A_446 : vector<32x2048xf32>
    %add3A_448 = arith.addf %add3A_437, %mul3A_447 : vector<32x2048xf32>
    %get3A_449 = arith.constant 1 : index
    %get3A_450 = memref.load %arg2[%get3A_449] : memref<10xf32, #tpu.memory_space<smem>>
    %add3A_451 = vector.broadcast %get3A_450 : f32 to vector<32x2048xf32>
    %add3A_452 = arith.addf %add3A_448, %add3A_451 : vector<32x2048xf32>
    %max3A_453 = arith.constant 0.000000e+00 : f32
    %max3A_454 = vector.broadcast %max3A_453 : f32 to vector<32x2048xf32>
    %max3A_455 = arith.maximumf %add3A_452, %max3A_454 : vector<32x2048xf32>
    %get3A_456 = arith.constant 1 : index
    %get3A_457 = arith.constant 0 : index
    %get3A_458 = arith.constant 0 : index
    %get3A_459 = vector.load %arg5[%get3A_456, %get3A_457, %get3A_458] : memref<10x10x2048xf32, #tpu.memory_space<vmem>>, vector<1x10x2048xf32>
    %get3A_460 = vector.shape_cast %get3A_459 : vector<1x10x2048xf32> to vector<10x2048xf32>
    %dot_general3A_461 = arith.constant dense<0.000000e+00> : vector<32x10xf32>
    %dot_general3A_462 = tpu.matmul %max3A_455, %get3A_460, %dot_general3A_461 {dimension_numbers = #tpu.dot_dimension_numbers<[1], [1], [0], [0], [0, 0, 1, 0], [], []>, transpose_lhs_hint = false} : vector<32x2048xf32>, vector<10x2048xf32>, vector<32x10xf32> -> vector<32x10xf32>
    %add3A_463 = arith.addf %dot_general3A_229, %dot_general3A_462 : vector<32x10xf32>
    %get3A_464 = arith.constant 0 : index
    %get3A_465 = arith.constant 0 : index
    %get3A_466 = arith.constant 0 : index
    %get3A_467 = vector.load %arg4[%get3A_464, %get3A_465, %get3A_466] : memref<20x32x2048xf32, #tpu.memory_space<vmem>>, vector<1x32x2048xf32>
    %get3A_468 = vector.shape_cast %get3A_467 : vector<1x32x2048xf32> to vector<32x2048xf32>
    %get3A_469 = arith.constant 0 : index
    %get3A_470 = arith.constant 2 : index
    %get3A_471 = memref.load %arg1[%get3A_469, %get3A_470] : memref<20x10xf32, #tpu.memory_space<smem>>
    %mul3A_472 = vector.broadcast %get3A_471 : f32 to vector<32x2048xf32>
    %mul3A_473 = arith.mulf %get3A_468, %mul3A_472 : vector<32x2048xf32>
    %get3A_474 = arith.constant 1 : index
    %get3A_475 = arith.constant 0 : index
    %get3A_476 = arith.constant 0 : index
    %get3A_477 = vector.load %arg4[%get3A_474, %get3A_475, %get3A_476] : memref<20x32x2048xf32, #tpu.memory_space<vmem>>, vector<1x32x2048xf32>
    %get3A_478 = vector.shape_cast %get3A_477 : vector<1x32x2048xf32> to vector<32x2048xf32>
    %get3A_479 = arith.constant 1 : index
    %get3A_480 = arith.constant 2 : index
    %get3A_481 = memref.load %arg1[%get3A_479, %get3A_480] : memref<20x10xf32, #tpu.memory_space<smem>>
    %mul3A_482 = vector.broadcast %get3A_481 : f32 to vector<32x2048xf32>
    %mul3A_483 = arith.mulf %get3A_478, %mul3A_482 : vector<32x2048xf32>
    %add3A_484 = arith.addf %mul3A_473, %mul3A_483 : vector<32x2048xf32>
    %get3A_485 = arith.constant 2 : index
    %get3A_486 = arith.constant 0 : index
    %get3A_487 = arith.constant 0 : index
    %get3A_488 = vector.load %arg4[%get3A_485, %get3A_486, %get3A_487] : memref<20x32x2048xf32, #tpu.memory_space<vmem>>, vector<1x32x2048xf32>
    %get3A_489 = vector.shape_cast %get3A_488 : vector<1x32x2048xf32> to vector<32x2048xf32>
    %get3A_490 = arith.constant 2 : index
    %get3A_491 = arith.constant 2 : index
    %get3A_492 = memref.load %arg1[%get3A_490, %get3A_491] : memref<20x10xf32, #tpu.memory_space<smem>>
    %mul3A_493 = vector.broadcast %get3A_492 : f32 to vector<32x2048xf32>
    %mul3A_494 = arith.mulf %get3A_489, %mul3A_493 : vector<32x2048xf32>
    %add3A_495 = arith.addf %add3A_484, %mul3A_494 : vector<32x2048xf32>
    %get3A_496 = arith.constant 3 : index
    %get3A_497 = arith.constant 0 : index
    %get3A_498 = arith.constant 0 : index
    %get3A_499 = vector.load %arg4[%get3A_496, %get3A_497, %get3A_498] : memref<20x32x2048xf32, #tpu.memory_space<vmem>>, vector<1x32x2048xf32>
    %get3A_500 = vector.shape_cast %get3A_499 : vector<1x32x2048xf32> to vector<32x2048xf32>
    %get3A_501 = arith.constant 3 : index
    %get3A_502 = arith.constant 2 : index
    %get3A_503 = memref.load %arg1[%get3A_501, %get3A_502] : memref<20x10xf32, #tpu.memory_space<smem>>
    %mul3A_504 = vector.broadcast %get3A_503 : f32 to vector<32x2048xf32>
    %mul3A_505 = arith.mulf %get3A_500, %mul3A_504 : vector<32x2048xf32>
    %add3A_506 = arith.addf %add3A_495, %mul3A_505 : vector<32x2048xf32>
    %get3A_507 = arith.constant 4 : index
    %get3A_508 = arith.constant 0 : index
    %get3A_509 = arith.constant 0 : index
    %get3A_510 = vector.load %arg4[%get3A_507, %get3A_508, %get3A_509] : memref<20x32x2048xf32, #tpu.memory_space<vmem>>, vector<1x32x2048xf32>
    %get3A_511 = vector.shape_cast %get3A_510 : vector<1x32x2048xf32> to vector<32x2048xf32>
    %get3A_512 = arith.constant 4 : index
    %get3A_513 = arith.constant 2 : index
    %get3A_514 = memref.load %arg1[%get3A_512, %get3A_513] : memref<20x10xf32, #tpu.memory_space<smem>>
    %mul3A_515 = vector.broadcast %get3A_514 : f32 to vector<32x2048xf32>
    %mul3A_516 = arith.mulf %get3A_511, %mul3A_515 : vector<32x2048xf32>
    %add3A_517 = arith.addf %add3A_506, %mul3A_516 : vector<32x2048xf32>
    %get3A_518 = arith.constant 5 : index
    %get3A_519 = arith.constant 0 : index
    %get3A_520 = arith.constant 0 : index
    %get3A_521 = vector.load %arg4[%get3A_518, %get3A_519, %get3A_520] : memref<20x32x2048xf32, #tpu.memory_space<vmem>>, vector<1x32x2048xf32>
    %get3A_522 = vector.shape_cast %get3A_521 : vector<1x32x2048xf32> to vector<32x2048xf32>
    %get3A_523 = arith.constant 5 : index
    %get3A_524 = arith.constant 2 : index
    %get3A_525 = memref.load %arg1[%get3A_523, %get3A_524] : memref<20x10xf32, #tpu.memory_space<smem>>
    %mul3A_526 = vector.broadcast %get3A_525 : f32 to vector<32x2048xf32>
    %mul3A_527 = arith.mulf %get3A_522, %mul3A_526 : vector<32x2048xf32>
    %add3A_528 = arith.addf %add3A_517, %mul3A_527 : vector<32x2048xf32>
    %get3A_529 = arith.constant 6 : index
    %get3A_530 = arith.constant 0 : index
    %get3A_531 = arith.constant 0 : index
    %get3A_532 = vector.load %arg4[%get3A_529, %get3A_530, %get3A_531] : memref<20x32x2048xf32, #tpu.memory_space<vmem>>, vector<1x32x2048xf32>
    %get3A_533 = vector.shape_cast %get3A_532 : vector<1x32x2048xf32> to vector<32x2048xf32>
    %get3A_534 = arith.constant 6 : index
    %get3A_535 = arith.constant 2 : index
    %get3A_536 = memref.load %arg1[%get3A_534, %get3A_535] : memref<20x10xf32, #tpu.memory_space<smem>>
    %mul3A_537 = vector.broadcast %get3A_536 : f32 to vector<32x2048xf32>
    %mul3A_538 = arith.mulf %get3A_533, %mul3A_537 : vector<32x2048xf32>
    %add3A_539 = arith.addf %add3A_528, %mul3A_538 : vector<32x2048xf32>
    %get3A_540 = arith.constant 7 : index
    %get3A_541 = arith.constant 0 : index
    %get3A_542 = arith.constant 0 : index
    %get3A_543 = vector.load %arg4[%get3A_540, %get3A_541, %get3A_542] : memref<20x32x2048xf32, #tpu.memory_space<vmem>>, vector<1x32x2048xf32>
    %get3A_544 = vector.shape_cast %get3A_543 : vector<1x32x2048xf32> to vector<32x2048xf32>
    %get3A_545 = arith.constant 7 : index
    %get3A_546 = arith.constant 2 : index
    %get3A_547 = memref.load %arg1[%get3A_545, %get3A_546] : memref<20x10xf32, #tpu.memory_space<smem>>
    %mul3A_548 = vector.broadcast %get3A_547 : f32 to vector<32x2048xf32>
    %mul3A_549 = arith.mulf %get3A_544, %mul3A_548 : vector<32x2048xf32>
    %add3A_550 = arith.addf %add3A_539, %mul3A_549 : vector<32x2048xf32>
    %get3A_551 = arith.constant 8 : index
    %get3A_552 = arith.constant 0 : index
    %get3A_553 = arith.constant 0 : index
    %get3A_554 = vector.load %arg4[%get3A_551, %get3A_552, %get3A_553] : memref<20x32x2048xf32, #tpu.memory_space<vmem>>, vector<1x32x2048xf32>
    %get3A_555 = vector.shape_cast %get3A_554 : vector<1x32x2048xf32> to vector<32x2048xf32>
    %get3A_556 = arith.constant 8 : index
    %get3A_557 = arith.constant 2 : index
    %get3A_558 = memref.load %arg1[%get3A_556, %get3A_557] : memref<20x10xf32, #tpu.memory_space<smem>>
    %mul3A_559 = vector.broadcast %get3A_558 : f32 to vector<32x2048xf32>
    %mul3A_560 = arith.mulf %get3A_555, %mul3A_559 : vector<32x2048xf32>
    %add3A_561 = arith.addf %add3A_550, %mul3A_560 : vector<32x2048xf32>
    %get3A_562 = arith.constant 9 : index
    %get3A_563 = arith.constant 0 : index
    %get3A_564 = arith.constant 0 : index
    %get3A_565 = vector.load %arg4[%get3A_562, %get3A_563, %get3A_564] : memref<20x32x2048xf32, #tpu.memory_space<vmem>>, vector<1x32x2048xf32>
    %get3A_566 = vector.shape_cast %get3A_565 : vector<1x32x2048xf32> to vector<32x2048xf32>
    %get3A_567 = arith.constant 9 : index
    %get3A_568 = arith.constant 2 : index
    %get3A_569 = memref.load %arg1[%get3A_567, %get3A_568] : memref<20x10xf32, #tpu.memory_space<smem>>
    %mul3A_570 = vector.broadcast %get3A_569 : f32 to vector<32x2048xf32>
    %mul3A_571 = arith.mulf %get3A_566, %mul3A_570 : vector<32x2048xf32>
    %add3A_572 = arith.addf %add3A_561, %mul3A_571 : vector<32x2048xf32>
    %get3A_573 = arith.constant 10 : index
    %get3A_574 = arith.constant 0 : index
    %get3A_575 = arith.constant 0 : index
    %get3A_576 = vector.load %arg4[%get3A_573, %get3A_574, %get3A_575] : memref<20x32x2048xf32, #tpu.memory_space<vmem>>, vector<1x32x2048xf32>
    %get3A_577 = vector.shape_cast %get3A_576 : vector<1x32x2048xf32> to vector<32x2048xf32>
    %get3A_578 = arith.constant 10 : index
    %get3A_579 = arith.constant 2 : index
    %get3A_580 = memref.load %arg1[%get3A_578, %get3A_579] : memref<20x10xf32, #tpu.memory_space<smem>>
    %mul3A_581 = vector.broadcast %get3A_580 : f32 to vector<32x2048xf32>
    %mul3A_582 = arith.mulf %get3A_577, %mul3A_581 : vector<32x2048xf32>
    %add3A_583 = arith.addf %add3A_572, %mul3A_582 : vector<32x2048xf32>
    %get3A_584 = arith.constant 11 : index
    %get3A_585 = arith.constant 0 : index
    %get3A_586 = arith.constant 0 : index
    %get3A_587 = vector.load %arg4[%get3A_584, %get3A_585, %get3A_586] : memref<20x32x2048xf32, #tpu.memory_space<vmem>>, vector<1x32x2048xf32>
    %get3A_588 = vector.shape_cast %get3A_587 : vector<1x32x2048xf32> to vector<32x2048xf32>
    %get3A_589 = arith.constant 11 : index
    %get3A_590 = arith.constant 2 : index
    %get3A_591 = memref.load %arg1[%get3A_589, %get3A_590] : memref<20x10xf32, #tpu.memory_space<smem>>
    %mul3A_592 = vector.broadcast %get3A_591 : f32 to vector<32x2048xf32>
    %mul3A_593 = arith.mulf %get3A_588, %mul3A_592 : vector<32x2048xf32>
    %add3A_594 = arith.addf %add3A_583, %mul3A_593 : vector<32x2048xf32>
    %get3A_595 = arith.constant 12 : index
    %get3A_596 = arith.constant 0 : index
    %get3A_597 = arith.constant 0 : index
    %get3A_598 = vector.load %arg4[%get3A_595, %get3A_596, %get3A_597] : memref<20x32x2048xf32, #tpu.memory_space<vmem>>, vector<1x32x2048xf32>
    %get3A_599 = vector.shape_cast %get3A_598 : vector<1x32x2048xf32> to vector<32x2048xf32>
    %get3A_600 = arith.constant 12 : index
    %get3A_601 = arith.constant 2 : index
    %get3A_602 = memref.load %arg1[%get3A_600, %get3A_601] : memref<20x10xf32, #tpu.memory_space<smem>>
    %mul3A_603 = vector.broadcast %get3A_602 : f32 to vector<32x2048xf32>
    %mul3A_604 = arith.mulf %get3A_599, %mul3A_603 : vector<32x2048xf32>
    %add3A_605 = arith.addf %add3A_594, %mul3A_604 : vector<32x2048xf32>
    %get3A_606 = arith.constant 13 : index
    %get3A_607 = arith.constant 0 : index
    %get3A_608 = arith.constant 0 : index
    %get3A_609 = vector.load %arg4[%get3A_606, %get3A_607, %get3A_608] : memref<20x32x2048xf32, #tpu.memory_space<vmem>>, vector<1x32x2048xf32>
    %get3A_610 = vector.shape_cast %get3A_609 : vector<1x32x2048xf32> to vector<32x2048xf32>
    %get3A_611 = arith.constant 13 : index
    %get3A_612 = arith.constant 2 : index
    %get3A_613 = memref.load %arg1[%get3A_611, %get3A_612] : memref<20x10xf32, #tpu.memory_space<smem>>
    %mul3A_614 = vector.broadcast %get3A_613 : f32 to vector<32x2048xf32>
    %mul3A_615 = arith.mulf %get3A_610, %mul3A_614 : vector<32x2048xf32>
    %add3A_616 = arith.addf %add3A_605, %mul3A_615 : vector<32x2048xf32>
    %get3A_617 = arith.constant 14 : index
    %get3A_618 = arith.constant 0 : index
    %get3A_619 = arith.constant 0 : index
    %get3A_620 = vector.load %arg4[%get3A_617, %get3A_618, %get3A_619] : memref<20x32x2048xf32, #tpu.memory_space<vmem>>, vector<1x32x2048xf32>
    %get3A_621 = vector.shape_cast %get3A_620 : vector<1x32x2048xf32> to vector<32x2048xf32>
    %get3A_622 = arith.constant 14 : index
    %get3A_623 = arith.constant 2 : index
    %get3A_624 = memref.load %arg1[%get3A_622, %get3A_623] : memref<20x10xf32, #tpu.memory_space<smem>>
    %mul3A_625 = vector.broadcast %get3A_624 : f32 to vector<32x2048xf32>
    %mul3A_626 = arith.mulf %get3A_621, %mul3A_625 : vector<32x2048xf32>
    %add3A_627 = arith.addf %add3A_616, %mul3A_626 : vector<32x2048xf32>
    %get3A_628 = arith.constant 15 : index
    %get3A_629 = arith.constant 0 : index
    %get3A_630 = arith.constant 0 : index
    %get3A_631 = vector.load %arg4[%get3A_628, %get3A_629, %get3A_630] : memref<20x32x2048xf32, #tpu.memory_space<vmem>>, vector<1x32x2048xf32>
    %get3A_632 = vector.shape_cast %get3A_631 : vector<1x32x2048xf32> to vector<32x2048xf32>
    %get3A_633 = arith.constant 15 : index
    %get3A_634 = arith.constant 2 : index
    %get3A_635 = memref.load %arg1[%get3A_633, %get3A_634] : memref<20x10xf32, #tpu.memory_space<smem>>
    %mul3A_636 = vector.broadcast %get3A_635 : f32 to vector<32x2048xf32>
    %mul3A_637 = arith.mulf %get3A_632, %mul3A_636 : vector<32x2048xf32>
    %add3A_638 = arith.addf %add3A_627, %mul3A_637 : vector<32x2048xf32>
    %get3A_639 = arith.constant 16 : index
    %get3A_640 = arith.constant 0 : index
    %get3A_641 = arith.constant 0 : index
    %get3A_642 = vector.load %arg4[%get3A_639, %get3A_640, %get3A_641] : memref<20x32x2048xf32, #tpu.memory_space<vmem>>, vector<1x32x2048xf32>
    %get3A_643 = vector.shape_cast %get3A_642 : vector<1x32x2048xf32> to vector<32x2048xf32>
    %get3A_644 = arith.constant 16 : index
    %get3A_645 = arith.constant 2 : index
    %get3A_646 = memref.load %arg1[%get3A_644, %get3A_645] : memref<20x10xf32, #tpu.memory_space<smem>>
    %mul3A_647 = vector.broadcast %get3A_646 : f32 to vector<32x2048xf32>
    %mul3A_648 = arith.mulf %get3A_643, %mul3A_647 : vector<32x2048xf32>
    %add3A_649 = arith.addf %add3A_638, %mul3A_648 : vector<32x2048xf32>
    %get3A_650 = arith.constant 17 : index
    %get3A_651 = arith.constant 0 : index
    %get3A_652 = arith.constant 0 : index
    %get3A_653 = vector.load %arg4[%get3A_650, %get3A_651, %get3A_652] : memref<20x32x2048xf32, #tpu.memory_space<vmem>>, vector<1x32x2048xf32>
    %get3A_654 = vector.shape_cast %get3A_653 : vector<1x32x2048xf32> to vector<32x2048xf32>
    %get3A_655 = arith.constant 17 : index
    %get3A_656 = arith.constant 2 : index
    %get3A_657 = memref.load %arg1[%get3A_655, %get3A_656] : memref<20x10xf32, #tpu.memory_space<smem>>
    %mul3A_658 = vector.broadcast %get3A_657 : f32 to vector<32x2048xf32>
    %mul3A_659 = arith.mulf %get3A_654, %mul3A_658 : vector<32x2048xf32>
    %add3A_660 = arith.addf %add3A_649, %mul3A_659 : vector<32x2048xf32>
    %get3A_661 = arith.constant 18 : index
    %get3A_662 = arith.constant 0 : index
    %get3A_663 = arith.constant 0 : index
    %get3A_664 = vector.load %arg4[%get3A_661, %get3A_662, %get3A_663] : memref<20x32x2048xf32, #tpu.memory_space<vmem>>, vector<1x32x2048xf32>
    %get3A_665 = vector.shape_cast %get3A_664 : vector<1x32x2048xf32> to vector<32x2048xf32>
    %get3A_666 = arith.constant 18 : index
    %get3A_667 = arith.constant 2 : index
    %get3A_668 = memref.load %arg1[%get3A_666, %get3A_667] : memref<20x10xf32, #tpu.memory_space<smem>>
    %mul3A_669 = vector.broadcast %get3A_668 : f32 to vector<32x2048xf32>
    %mul3A_670 = arith.mulf %get3A_665, %mul3A_669 : vector<32x2048xf32>
    %add3A_671 = arith.addf %add3A_660, %mul3A_670 : vector<32x2048xf32>
    %get3A_672 = arith.constant 19 : index
    %get3A_673 = arith.constant 0 : index
    %get3A_674 = arith.constant 0 : index
    %get3A_675 = vector.load %arg4[%get3A_672, %get3A_673, %get3A_674] : memref<20x32x2048xf32, #tpu.memory_space<vmem>>, vector<1x32x2048xf32>
    %get3A_676 = vector.shape_cast %get3A_675 : vector<1x32x2048xf32> to vector<32x2048xf32>
    %get3A_677 = arith.constant 19 : index
    %get3A_678 = arith.constant 2 : index
    %get3A_679 = memref.load %arg1[%get3A_677, %get3A_678] : memref<20x10xf32, #tpu.memory_space<smem>>
    %mul3A_680 = vector.broadcast %get3A_679 : f32 to vector<32x2048xf32>
    %mul3A_681 = arith.mulf %get3A_676, %mul3A_680 : vector<32x2048xf32>
    %add3A_682 = arith.addf %add3A_671, %mul3A_681 : vector<32x2048xf32>
    %get3A_683 = arith.constant 2 : index
    %get3A_684 = memref.load %arg2[%get3A_683] : memref<10xf32, #tpu.memory_space<smem>>
    %add3A_685 = vector.broadcast %get3A_684 : f32 to vector<32x2048xf32>
    %add3A_686 = arith.addf %add3A_682, %add3A_685 : vector<32x2048xf32>
    %max3A_687 = arith.constant 0.000000e+00 : f32
    %max3A_688 = vector.broadcast %max3A_687 : f32 to vector<32x2048xf32>
    %max3A_689 = arith.maximumf %add3A_686, %max3A_688 : vector<32x2048xf32>
    %get3A_690 = arith.constant 2 : index
    %get3A_691 = arith.constant 0 : index
    %get3A_692 = arith.constant 0 : index
    %get3A_693 = vector.load %arg5[%get3A_690, %get3A_691, %get3A_692] : memref<10x10x2048xf32, #tpu.memory_space<vmem>>, vector<1x10x2048xf32>
    %get3A_694 = vector.shape_cast %get3A_693 : vector<1x10x2048xf32> to vector<10x2048xf32>
    %dot_general3A_695 = arith.constant dense<0.000000e+00> : vector<32x10xf32>
    %dot_general3A_696 = tpu.matmul %max3A_689, %get3A_694, %dot_general3A_695 {dimension_numbers = #tpu.dot_dimension_numbers<[1], [1], [0], [0], [0, 0, 1, 0], [], []>, transpose_lhs_hint = false} : vector<32x2048xf32>, vector<10x2048xf32>, vector<32x10xf32> -> vector<32x10xf32>
    %add3A_697 = arith.addf %add3A_463, %dot_general3A_696 : vector<32x10xf32>
    %get3A_698 = arith.constant 0 : index
    %get3A_699 = arith.constant 0 : index
    %get3A_700 = arith.constant 0 : index
    %get3A_701 = vector.load %arg4[%get3A_698, %get3A_699, %get3A_700] : memref<20x32x2048xf32, #tpu.memory_space<vmem>>, vector<1x32x2048xf32>
    %get3A_702 = vector.shape_cast %get3A_701 : vector<1x32x2048xf32> to vector<32x2048xf32>
    %get3A_703 = arith.constant 0 : index
    %get3A_704 = arith.constant 3 : index
    %get3A_705 = memref.load %arg1[%get3A_703, %get3A_704] : memref<20x10xf32, #tpu.memory_space<smem>>
    %mul3A_706 = vector.broadcast %get3A_705 : f32 to vector<32x2048xf32>
    %mul3A_707 = arith.mulf %get3A_702, %mul3A_706 : vector<32x2048xf32>
    %get3A_708 = arith.constant 1 : index
    %get3A_709 = arith.constant 0 : index
    %get3A_710 = arith.constant 0 : index
    %get3A_711 = vector.load %arg4[%get3A_708, %get3A_709, %get3A_710] : memref<20x32x2048xf32, #tpu.memory_space<vmem>>, vector<1x32x2048xf32>
    %get3A_712 = vector.shape_cast %get3A_711 : vector<1x32x2048xf32> to vector<32x2048xf32>
    %get3A_713 = arith.constant 1 : index
    %get3A_714 = arith.constant 3 : index
    %get3A_715 = memref.load %arg1[%get3A_713, %get3A_714] : memref<20x10xf32, #tpu.memory_space<smem>>
    %mul3A_716 = vector.broadcast %get3A_715 : f32 to vector<32x2048xf32>
    %mul3A_717 = arith.mulf %get3A_712, %mul3A_716 : vector<32x2048xf32>
    %add3A_718 = arith.addf %mul3A_707, %mul3A_717 : vector<32x2048xf32>
    %get3A_719 = arith.constant 2 : index
    %get3A_720 = arith.constant 0 : index
    %get3A_721 = arith.constant 0 : index
    %get3A_722 = vector.load %arg4[%get3A_719, %get3A_720, %get3A_721] : memref<20x32x2048xf32, #tpu.memory_space<vmem>>, vector<1x32x2048xf32>
    %get3A_723 = vector.shape_cast %get3A_722 : vector<1x32x2048xf32> to vector<32x2048xf32>
    %get3A_724 = arith.constant 2 : index
    %get3A_725 = arith.constant 3 : index
    %get3A_726 = memref.load %arg1[%get3A_724, %get3A_725] : memref<20x10xf32, #tpu.memory_space<smem>>
    %mul3A_727 = vector.broadcast %get3A_726 : f32 to vector<32x2048xf32>
    %mul3A_728 = arith.mulf %get3A_723, %mul3A_727 : vector<32x2048xf32>
    %add3A_729 = arith.addf %add3A_718, %mul3A_728 : vector<32x2048xf32>
    %get3A_730 = arith.constant 3 : index
    %get3A_731 = arith.constant 0 : index
    %get3A_732 = arith.constant 0 : index
    %get3A_733 = vector.load %arg4[%get3A_730, %get3A_731, %get3A_732] : memref<20x32x2048xf32, #tpu.memory_space<vmem>>, vector<1x32x2048xf32>
    %get3A_734 = vector.shape_cast %get3A_733 : vector<1x32x2048xf32> to vector<32x2048xf32>
    %get3A_735 = arith.constant 3 : index
    %get3A_736 = arith.constant 3 : index
    %get3A_737 = memref.load %arg1[%get3A_735, %get3A_736] : memref<20x10xf32, #tpu.memory_space<smem>>
    %mul3A_738 = vector.broadcast %get3A_737 : f32 to vector<32x2048xf32>
    %mul3A_739 = arith.mulf %get3A_734, %mul3A_738 : vector<32x2048xf32>
    %add3A_740 = arith.addf %add3A_729, %mul3A_739 : vector<32x2048xf32>
    %get3A_741 = arith.constant 4 : index
    %get3A_742 = arith.constant 0 : index
    %get3A_743 = arith.constant 0 : index
    %get3A_744 = vector.load %arg4[%get3A_741, %get3A_742, %get3A_743] : memref<20x32x2048xf32, #tpu.memory_space<vmem>>, vector<1x32x2048xf32>
    %get3A_745 = vector.shape_cast %get3A_744 : vector<1x32x2048xf32> to vector<32x2048xf32>
    %get3A_746 = arith.constant 4 : index
    %get3A_747 = arith.constant 3 : index
    %get3A_748 = memref.load %arg1[%get3A_746, %get3A_747] : memref<20x10xf32, #tpu.memory_space<smem>>
    %mul3A_749 = vector.broadcast %get3A_748 : f32 to vector<32x2048xf32>
    %mul3A_750 = arith.mulf %get3A_745, %mul3A_749 : vector<32x2048xf32>
    %add3A_751 = arith.addf %add3A_740, %mul3A_750 : vector<32x2048xf32>
    %get3A_752 = arith.constant 5 : index
    %get3A_753 = arith.constant 0 : index
    %get3A_754 = arith.constant 0 : index
    %get3A_755 = vector.load %arg4[%get3A_752, %get3A_753, %get3A_754] : memref<20x32x2048xf32, #tpu.memory_space<vmem>>, vector<1x32x2048xf32>
    %get3A_756 = vector.shape_cast %get3A_755 : vector<1x32x2048xf32> to vector<32x2048xf32>
    %get3A_757 = arith.constant 5 : index
    %get3A_758 = arith.constant 3 : index
    %get3A_759 = memref.load %arg1[%get3A_757, %get3A_758] : memref<20x10xf32, #tpu.memory_space<smem>>
    %mul3A_760 = vector.broadcast %get3A_759 : f32 to vector<32x2048xf32>
    %mul3A_761 = arith.mulf %get3A_756, %mul3A_760 : vector<32x2048xf32>
    %add3A_762 = arith.addf %add3A_751, %mul3A_761 : vector<32x2048xf32>
    %get3A_763 = arith.constant 6 : index
    %get3A_764 = arith.constant 0 : index
    %get3A_765 = arith.constant 0 : index
    %get3A_766 = vector.load %arg4[%get3A_763, %get3A_764, %get3A_765] : memref<20x32x2048xf32, #tpu.memory_space<vmem>>, vector<1x32x2048xf32>
    %get3A_767 = vector.shape_cast %get3A_766 : vector<1x32x2048xf32> to vector<32x2048xf32>
    %get3A_768 = arith.constant 6 : index
    %get3A_769 = arith.constant 3 : index
    %get3A_770 = memref.load %arg1[%get3A_768, %get3A_769] : memref<20x10xf32, #tpu.memory_space<smem>>
    %mul3A_771 = vector.broadcast %get3A_770 : f32 to vector<32x2048xf32>
    %mul3A_772 = arith.mulf %get3A_767, %mul3A_771 : vector<32x2048xf32>
    %add3A_773 = arith.addf %add3A_762, %mul3A_772 : vector<32x2048xf32>
    %get3A_774 = arith.constant 7 : index
    %get3A_775 = arith.constant 0 : index
    %get3A_776 = arith.constant 0 : index
    %get3A_777 = vector.load %arg4[%get3A_774, %get3A_775, %get3A_776] : memref<20x32x2048xf32, #tpu.memory_space<vmem>>, vector<1x32x2048xf32>
    %get3A_778 = vector.shape_cast %get3A_777 : vector<1x32x2048xf32> to vector<32x2048xf32>
    %get3A_779 = arith.constant 7 : index
    %get3A_780 = arith.constant 3 : index
    %get3A_781 = memref.load %arg1[%get3A_779, %get3A_780] : memref<20x10xf32, #tpu.memory_space<smem>>
    %mul3A_782 = vector.broadcast %get3A_781 : f32 to vector<32x2048xf32>
    %mul3A_783 = arith.mulf %get3A_778, %mul3A_782 : vector<32x2048xf32>
    %add3A_784 = arith.addf %add3A_773, %mul3A_783 : vector<32x2048xf32>
    %get3A_785 = arith.constant 8 : index
    %get3A_786 = arith.constant 0 : index
    %get3A_787 = arith.constant 0 : index
    %get3A_788 = vector.load %arg4[%get3A_785, %get3A_786, %get3A_787] : memref<20x32x2048xf32, #tpu.memory_space<vmem>>, vector<1x32x2048xf32>
    %get3A_789 = vector.shape_cast %get3A_788 : vector<1x32x2048xf32> to vector<32x2048xf32>
    %get3A_790 = arith.constant 8 : index
    %get3A_791 = arith.constant 3 : index
    %get3A_792 = memref.load %arg1[%get3A_790, %get3A_791] : memref<20x10xf32, #tpu.memory_space<smem>>
    %mul3A_793 = vector.broadcast %get3A_792 : f32 to vector<32x2048xf32>
    %mul3A_794 = arith.mulf %get3A_789, %mul3A_793 : vector<32x2048xf32>
    %add3A_795 = arith.addf %add3A_784, %mul3A_794 : vector<32x2048xf32>
    %get3A_796 = arith.constant 9 : index
    %get3A_797 = arith.constant 0 : index
    %get3A_798 = arith.constant 0 : index
    %get3A_799 = vector.load %arg4[%get3A_796, %get3A_797, %get3A_798] : memref<20x32x2048xf32, #tpu.memory_space<vmem>>, vector<1x32x2048xf32>
    %get3A_800 = vector.shape_cast %get3A_799 : vector<1x32x2048xf32> to vector<32x2048xf32>
    %get3A_801 = arith.constant 9 : index
    %get3A_802 = arith.constant 3 : index
    %get3A_803 = memref.load %arg1[%get3A_801, %get3A_802] : memref<20x10xf32, #tpu.memory_space<smem>>
    %mul3A_804 = vector.broadcast %get3A_803 : f32 to vector<32x2048xf32>
    %mul3A_805 = arith.mulf %get3A_800, %mul3A_804 : vector<32x2048xf32>
    %add3A_806 = arith.addf %add3A_795, %mul3A_805 : vector<32x2048xf32>
    %get3A_807 = arith.constant 10 : index
    %get3A_808 = arith.constant 0 : index
    %get3A_809 = arith.constant 0 : index
    %get3A_810 = vector.load %arg4[%get3A_807, %get3A_808, %get3A_809] : memref<20x32x2048xf32, #tpu.memory_space<vmem>>, vector<1x32x2048xf32>
    %get3A_811 = vector.shape_cast %get3A_810 : vector<1x32x2048xf32> to vector<32x2048xf32>
    %get3A_812 = arith.constant 10 : index
    %get3A_813 = arith.constant 3 : index
    %get3A_814 = memref.load %arg1[%get3A_812, %get3A_813] : memref<20x10xf32, #tpu.memory_space<smem>>
    %mul3A_815 = vector.broadcast %get3A_814 : f32 to vector<32x2048xf32>
    %mul3A_816 = arith.mulf %get3A_811, %mul3A_815 : vector<32x2048xf32>
    %add3A_817 = arith.addf %add3A_806, %mul3A_816 : vector<32x2048xf32>
    %get3A_818 = arith.constant 11 : index
    %get3A_819 = arith.constant 0 : index
    %get3A_820 = arith.constant 0 : index
    %get3A_821 = vector.load %arg4[%get3A_818, %get3A_819, %get3A_820] : memref<20x32x2048xf32, #tpu.memory_space<vmem>>, vector<1x32x2048xf32>
    %get3A_822 = vector.shape_cast %get3A_821 : vector<1x32x2048xf32> to vector<32x2048xf32>
    %get3A_823 = arith.constant 11 : index
    %get3A_824 = arith.constant 3 : index
    %get3A_825 = memref.load %arg1[%get3A_823, %get3A_824] : memref<20x10xf32, #tpu.memory_space<smem>>
    %mul3A_826 = vector.broadcast %get3A_825 : f32 to vector<32x2048xf32>
    %mul3A_827 = arith.mulf %get3A_822, %mul3A_826 : vector<32x2048xf32>
    %add3A_828 = arith.addf %add3A_817, %mul3A_827 : vector<32x2048xf32>
    %get3A_829 = arith.constant 12 : index
    %get3A_830 = arith.constant 0 : index
    %get3A_831 = arith.constant 0 : index
    %get3A_832 = vector.load %arg4[%get3A_829, %get3A_830, %get3A_831] : memref<20x32x2048xf32, #tpu.memory_space<vmem>>, vector<1x32x2048xf32>
    %get3A_833 = vector.shape_cast %get3A_832 : vector<1x32x2048xf32> to vector<32x2048xf32>
    %get3A_834 = arith.constant 12 : index
    %get3A_835 = arith.constant 3 : index
    %get3A_836 = memref.load %arg1[%get3A_834, %get3A_835] : memref<20x10xf32, #tpu.memory_space<smem>>
    %mul3A_837 = vector.broadcast %get3A_836 : f32 to vector<32x2048xf32>
    %mul3A_838 = arith.mulf %get3A_833, %mul3A_837 : vector<32x2048xf32>
    %add3A_839 = arith.addf %add3A_828, %mul3A_838 : vector<32x2048xf32>
    %get3A_840 = arith.constant 13 : index
    %get3A_841 = arith.constant 0 : index
    %get3A_842 = arith.constant 0 : index
    %get3A_843 = vector.load %arg4[%get3A_840, %get3A_841, %get3A_842] : memref<20x32x2048xf32, #tpu.memory_space<vmem>>, vector<1x32x2048xf32>
    %get3A_844 = vector.shape_cast %get3A_843 : vector<1x32x2048xf32> to vector<32x2048xf32>
    %get3A_845 = arith.constant 13 : index
    %get3A_846 = arith.constant 3 : index
    %get3A_847 = memref.load %arg1[%get3A_845, %get3A_846] : memref<20x10xf32, #tpu.memory_space<smem>>
    %mul3A_848 = vector.broadcast %get3A_847 : f32 to vector<32x2048xf32>
    %mul3A_849 = arith.mulf %get3A_844, %mul3A_848 : vector<32x2048xf32>
    %add3A_850 = arith.addf %add3A_839, %mul3A_849 : vector<32x2048xf32>
    %get3A_851 = arith.constant 14 : index
    %get3A_852 = arith.constant 0 : index
    %get3A_853 = arith.constant 0 : index
    %get3A_854 = vector.load %arg4[%get3A_851, %get3A_852, %get3A_853] : memref<20x32x2048xf32, #tpu.memory_space<vmem>>, vector<1x32x2048xf32>
    %get3A_855 = vector.shape_cast %get3A_854 : vector<1x32x2048xf32> to vector<32x2048xf32>
    %get3A_856 = arith.constant 14 : index
    %get3A_857 = arith.constant 3 : index
    %get3A_858 = memref.load %arg1[%get3A_856, %get3A_857] : memref<20x10xf32, #tpu.memory_space<smem>>
    %mul3A_859 = vector.broadcast %get3A_858 : f32 to vector<32x2048xf32>
    %mul3A_860 = arith.mulf %get3A_855, %mul3A_859 : vector<32x2048xf32>
    %add3A_861 = arith.addf %add3A_850, %mul3A_860 : vector<32x2048xf32>
    %get3A_862 = arith.constant 15 : index
    %get3A_863 = arith.constant 0 : index
    %get3A_864 = arith.constant 0 : index
    %get3A_865 = vector.load %arg4[%get3A_862, %get3A_863, %get3A_864] : memref<20x32x2048xf32, #tpu.memory_space<vmem>>, vector<1x32x2048xf32>
    %get3A_866 = vector.shape_cast %get3A_865 : vector<1x32x2048xf32> to vector<32x2048xf32>
    %get3A_867 = arith.constant 15 : index
    %get3A_868 = arith.constant 3 : index
    %get3A_869 = memref.load %arg1[%get3A_867, %get3A_868] : memref<20x10xf32, #tpu.memory_space<smem>>
    %mul3A_870 = vector.broadcast %get3A_869 : f32 to vector<32x2048xf32>
    %mul3A_871 = arith.mulf %get3A_866, %mul3A_870 : vector<32x2048xf32>
    %add3A_872 = arith.addf %add3A_861, %mul3A_871 : vector<32x2048xf32>
    %get3A_873 = arith.constant 16 : index
    %get3A_874 = arith.constant 0 : index
    %get3A_875 = arith.constant 0 : index
    %get3A_876 = vector.load %arg4[%get3A_873, %get3A_874, %get3A_875] : memref<20x32x2048xf32, #tpu.memory_space<vmem>>, vector<1x32x2048xf32>
    %get3A_877 = vector.shape_cast %get3A_876 : vector<1x32x2048xf32> to vector<32x2048xf32>
    %get3A_878 = arith.constant 16 : index
    %get3A_879 = arith.constant 3 : index
    %get3A_880 = memref.load %arg1[%get3A_878, %get3A_879] : memref<20x10xf32, #tpu.memory_space<smem>>
    %mul3A_881 = vector.broadcast %get3A_880 : f32 to vector<32x2048xf32>
    %mul3A_882 = arith.mulf %get3A_877, %mul3A_881 : vector<32x2048xf32>
    %add3A_883 = arith.addf %add3A_872, %mul3A_882 : vector<32x2048xf32>
    %get3A_884 = arith.constant 17 : index
    %get3A_885 = arith.constant 0 : index
    %get3A_886 = arith.constant 0 : index
    %get3A_887 = vector.load %arg4[%get3A_884, %get3A_885, %get3A_886] : memref<20x32x2048xf32, #tpu.memory_space<vmem>>, vector<1x32x2048xf32>
    %get3A_888 = vector.shape_cast %get3A_887 : vector<1x32x2048xf32> to vector<32x2048xf32>
    %get3A_889 = arith.constant 17 : index
    %get3A_890 = arith.constant 3 : index
    %get3A_891 = memref.load %arg1[%get3A_889, %get3A_890] : memref<20x10xf32, #tpu.memory_space<smem>>
    %mul3A_892 = vector.broadcast %get3A_891 : f32 to vector<32x2048xf32>
    %mul3A_893 = arith.mulf %get3A_888, %mul3A_892 : vector<32x2048xf32>
    %add3A_894 = arith.addf %add3A_883, %mul3A_893 : vector<32x2048xf32>
    %get3A_895 = arith.constant 18 : index
    %get3A_896 = arith.constant 0 : index
    %get3A_897 = arith.constant 0 : index
    %get3A_898 = vector.load %arg4[%get3A_895, %get3A_896, %get3A_897] : memref<20x32x2048xf32, #tpu.memory_space<vmem>>, vector<1x32x2048xf32>
    %get3A_899 = vector.shape_cast %get3A_898 : vector<1x32x2048xf32> to vector<32x2048xf32>
    %get3A_900 = arith.constant 18 : index
    %get3A_901 = arith.constant 3 : index
    %get3A_902 = memref.load %arg1[%get3A_900, %get3A_901] : memref<20x10xf32, #tpu.memory_space<smem>>
    %mul3A_903 = vector.broadcast %get3A_902 : f32 to vector<32x2048xf32>
    %mul3A_904 = arith.mulf %get3A_899, %mul3A_903 : vector<32x2048xf32>
    %add3A_905 = arith.addf %add3A_894, %mul3A_904 : vector<32x2048xf32>
    %get3A_906 = arith.constant 19 : index
    %get3A_907 = arith.constant 0 : index
    %get3A_908 = arith.constant 0 : index
    %get3A_909 = vector.load %arg4[%get3A_906, %get3A_907, %get3A_908] : memref<20x32x2048xf32, #tpu.memory_space<vmem>>, vector<1x32x2048xf32>
    %get3A_910 = vector.shape_cast %get3A_909 : vector<1x32x2048xf32> to vector<32x2048xf32>
    %get3A_911 = arith.constant 19 : index
    %get3A_912 = arith.constant 3 : index
    %get3A_913 = memref.load %arg1[%get3A_911, %get3A_912] : memref<20x10xf32, #tpu.memory_space<smem>>
    %mul3A_914 = vector.broadcast %get3A_913 : f32 to vector<32x2048xf32>
    %mul3A_915 = arith.mulf %get3A_910, %mul3A_914 : vector<32x2048xf32>
    %add3A_916 = arith.addf %add3A_905, %mul3A_915 : vector<32x2048xf32>
    %get3A_917 = arith.constant 3 : index
    %get3A_918 = memref.load %arg2[%get3A_917] : memref<10xf32, #tpu.memory_space<smem>>
    %add3A_919 = vector.broadcast %get3A_918 : f32 to vector<32x2048xf32>
    %add3A_920 = arith.addf %add3A_916, %add3A_919 : vector<32x2048xf32>
    %max3A_921 = arith.constant 0.000000e+00 : f32
    %max3A_922 = vector.broadcast %max3A_921 : f32 to vector<32x2048xf32>
    %max3A_923 = arith.maximumf %add3A_920, %max3A_922 : vector<32x2048xf32>
    %get3A_924 = arith.constant 3 : index
    %get3A_925 = arith.constant 0 : index
    %get3A_926 = arith.constant 0 : index
    %get3A_927 = vector.load %arg5[%get3A_924, %get3A_925, %get3A_926] : memref<10x10x2048xf32, #tpu.memory_space<vmem>>, vector<1x10x2048xf32>
    %get3A_928 = vector.shape_cast %get3A_927 : vector<1x10x2048xf32> to vector<10x2048xf32>
    %dot_general3A_929 = arith.constant dense<0.000000e+00> : vector<32x10xf32>
    %dot_general3A_930 = tpu.matmul %max3A_923, %get3A_928, %dot_general3A_929 {dimension_numbers = #tpu.dot_dimension_numbers<[1], [1], [0], [0], [0, 0, 1, 0], [], []>, transpose_lhs_hint = false} : vector<32x2048xf32>, vector<10x2048xf32>, vector<32x10xf32> -> vector<32x10xf32>
    %add3A_931 = arith.addf %add3A_697, %dot_general3A_930 : vector<32x10xf32>
    %get3A_932 = arith.constant 0 : index
    %get3A_933 = arith.constant 0 : index
    %get3A_934 = arith.constant 0 : index
    %get3A_935 = vector.load %arg4[%get3A_932, %get3A_933, %get3A_934] : memref<20x32x2048xf32, #tpu.memory_space<vmem>>, vector<1x32x2048xf32>
    %get3A_936 = vector.shape_cast %get3A_935 : vector<1x32x2048xf32> to vector<32x2048xf32>
    %get3A_937 = arith.constant 0 : index
    %get3A_938 = arith.constant 4 : index
    %get3A_939 = memref.load %arg1[%get3A_937, %get3A_938] : memref<20x10xf32, #tpu.memory_space<smem>>
    %mul3A_940 = vector.broadcast %get3A_939 : f32 to vector<32x2048xf32>
    %mul3A_941 = arith.mulf %get3A_936, %mul3A_940 : vector<32x2048xf32>
    %get3A_942 = arith.constant 1 : index
    %get3A_943 = arith.constant 0 : index
    %get3A_944 = arith.constant 0 : index
    %get3A_945 = vector.load %arg4[%get3A_942, %get3A_943, %get3A_944] : memref<20x32x2048xf32, #tpu.memory_space<vmem>>, vector<1x32x2048xf32>
    %get3A_946 = vector.shape_cast %get3A_945 : vector<1x32x2048xf32> to vector<32x2048xf32>
    %get3A_947 = arith.constant 1 : index
    %get3A_948 = arith.constant 4 : index
    %get3A_949 = memref.load %arg1[%get3A_947, %get3A_948] : memref<20x10xf32, #tpu.memory_space<smem>>
    %mul3A_950 = vector.broadcast %get3A_949 : f32 to vector<32x2048xf32>
    %mul3A_951 = arith.mulf %get3A_946, %mul3A_950 : vector<32x2048xf32>
    %add3A_952 = arith.addf %mul3A_941, %mul3A_951 : vector<32x2048xf32>
    %get3A_953 = arith.constant 2 : index
    %get3A_954 = arith.constant 0 : index
    %get3A_955 = arith.constant 0 : index
    %get3A_956 = vector.load %arg4[%get3A_953, %get3A_954, %get3A_955] : memref<20x32x2048xf32, #tpu.memory_space<vmem>>, vector<1x32x2048xf32>
    %get3A_957 = vector.shape_cast %get3A_956 : vector<1x32x2048xf32> to vector<32x2048xf32>
    %get3A_958 = arith.constant 2 : index
    %get3A_959 = arith.constant 4 : index
    %get3A_960 = memref.load %arg1[%get3A_958, %get3A_959] : memref<20x10xf32, #tpu.memory_space<smem>>
    %mul3A_961 = vector.broadcast %get3A_960 : f32 to vector<32x2048xf32>
    %mul3A_962 = arith.mulf %get3A_957, %mul3A_961 : vector<32x2048xf32>
    %add3A_963 = arith.addf %add3A_952, %mul3A_962 : vector<32x2048xf32>
    %get3A_964 = arith.constant 3 : index
    %get3A_965 = arith.constant 0 : index
    %get3A_966 = arith.constant 0 : index
    %get3A_967 = vector.load %arg4[%get3A_964, %get3A_965, %get3A_966] : memref<20x32x2048xf32, #tpu.memory_space<vmem>>, vector<1x32x2048xf32>
    %get3A_968 = vector.shape_cast %get3A_967 : vector<1x32x2048xf32> to vector<32x2048xf32>
    %get3A_969 = arith.constant 3 : index
    %get3A_970 = arith.constant 4 : index
    %get3A_971 = memref.load %arg1[%get3A_969, %get3A_970] : memref<20x10xf32, #tpu.memory_space<smem>>
    %mul3A_972 = vector.broadcast %get3A_971 : f32 to vector<32x2048xf32>
    %mul3A_973 = arith.mulf %get3A_968, %mul3A_972 : vector<32x2048xf32>
    %add3A_974 = arith.addf %add3A_963, %mul3A_973 : vector<32x2048xf32>
    %get3A_975 = arith.constant 4 : index
    %get3A_976 = arith.constant 0 : index
    %get3A_977 = arith.constant 0 : index
    %get3A_978 = vector.load %arg4[%get3A_975, %get3A_976, %get3A_977] : memref<20x32x2048xf32, #tpu.memory_space<vmem>>, vector<1x32x2048xf32>
    %get3A_979 = vector.shape_cast %get3A_978 : vector<1x32x2048xf32> to vector<32x2048xf32>
    %get3A_980 = arith.constant 4 : index
    %get3A_981 = arith.constant 4 : index
    %get3A_982 = memref.load %arg1[%get3A_980, %get3A_981] : memref<20x10xf32, #tpu.memory_space<smem>>
    %mul3A_983 = vector.broadcast %get3A_982 : f32 to vector<32x2048xf32>
    %mul3A_984 = arith.mulf %get3A_979, %mul3A_983 : vector<32x2048xf32>
    %add3A_985 = arith.addf %add3A_974, %mul3A_984 : vector<32x2048xf32>
    %get3A_986 = arith.constant 5 : index
    %get3A_987 = arith.constant 0 : index
    %get3A_988 = arith.constant 0 : index
    %get3A_989 = vector.load %arg4[%get3A_986, %get3A_987, %get3A_988] : memref<20x32x2048xf32, #tpu.memory_space<vmem>>, vector<1x32x2048xf32>
    %get3A_990 = vector.shape_cast %get3A_989 : vector<1x32x2048xf32> to vector<32x2048xf32>
    %get3A_991 = arith.constant 5 : index
    %get3A_992 = arith.constant 4 : index
    %get3A_993 = memref.load %arg1[%get3A_991, %get3A_992] : memref<20x10xf32, #tpu.memory_space<smem>>
    %mul3A_994 = vector.broadcast %get3A_993 : f32 to vector<32x2048xf32>
    %mul3A_995 = arith.mulf %get3A_990, %mul3A_994 : vector<32x2048xf32>
    %add3A_996 = arith.addf %add3A_985, %mul3A_995 : vector<32x2048xf32>
    %get3A_997 = arith.constant 6 : index
    %get3A_998 = arith.constant 0 : index
    %get3A_999 = arith.constant 0 : index
    %get3A_1000 = vector.load %arg4[%get3A_997, %get3A_998, %get3A_999] : memref<20x32x2048xf32, #tpu.memory_space<vmem>>, vector<1x32x2048xf32>
    %get3A_1001 = vector.shape_cast %get3A_1000 : vector<1x32x2048xf32> to vector<32x2048xf32>
    %get3A_1002 = arith.constant 6 : index
    %get3A_1003 = arith.constant 4 : index
    %get3A_1004 = memref.load %arg1[%get3A_1002, %get3A_1003] : memref<20x10xf32, #tpu.memory_space<smem>>
    %mul3A_1005 = vector.broadcast %get3A_1004 : f32 to vector<32x2048xf32>
    %mul3A_1006 = arith.mulf %get3A_1001, %mul3A_1005 : vector<32x2048xf32>
    %add3A_1007 = arith.addf %add3A_996, %mul3A_1006 : vector<32x2048xf32>
    %get3A_1008 = arith.constant 7 : index
    %get3A_1009 = arith.constant 0 : index
    %get3A_1010 = arith.constant 0 : index
    %get3A_1011 = vector.load %arg4[%get3A_1008, %get3A_1009, %get3A_1010] : memref<20x32x2048xf32, #tpu.memory_space<vmem>>, vector<1x32x2048xf32>
    %get3A_1012 = vector.shape_cast %get3A_1011 : vector<1x32x2048xf32> to vector<32x2048xf32>
    %get3A_1013 = arith.constant 7 : index
    %get3A_1014 = arith.constant 4 : index
    %get3A_1015 = memref.load %arg1[%get3A_1013, %get3A_1014] : memref<20x10xf32, #tpu.memory_space<smem>>
    %mul3A_1016 = vector.broadcast %get3A_1015 : f32 to vector<32x2048xf32>
    %mul3A_1017 = arith.mulf %get3A_1012, %mul3A_1016 : vector<32x2048xf32>
    %add3A_1018 = arith.addf %add3A_1007, %mul3A_1017 : vector<32x2048xf32>
    %get3A_1019 = arith.constant 8 : index
    %get3A_1020 = arith.constant 0 : index
    %get3A_1021 = arith.constant 0 : index
    %get3A_1022 = vector.load %arg4[%get3A_1019, %get3A_1020, %get3A_1021] : memref<20x32x2048xf32, #tpu.memory_space<vmem>>, vector<1x32x2048xf32>
    %get3A_1023 = vector.shape_cast %get3A_1022 : vector<1x32x2048xf32> to vector<32x2048xf32>
    %get3A_1024 = arith.constant 8 : index
    %get3A_1025 = arith.constant 4 : index
    %get3A_1026 = memref.load %arg1[%get3A_1024, %get3A_1025] : memref<20x10xf32, #tpu.memory_space<smem>>
    %mul3A_1027 = vector.broadcast %get3A_1026 : f32 to vector<32x2048xf32>
    %mul3A_1028 = arith.mulf %get3A_1023, %mul3A_1027 : vector<32x2048xf32>
    %add3A_1029 = arith.addf %add3A_1018, %mul3A_1028 : vector<32x2048xf32>
    %get3A_1030 = arith.constant 9 : index
    %get3A_1031 = arith.constant 0 : index
    %get3A_1032 = arith.constant 0 : index
    %get3A_1033 = vector.load %arg4[%get3A_1030, %get3A_1031, %get3A_1032] : memref<20x32x2048xf32, #tpu.memory_space<vmem>>, vector<1x32x2048xf32>
    %get3A_1034 = vector.shape_cast %get3A_1033 : vector<1x32x2048xf32> to vector<32x2048xf32>
    %get3A_1035 = arith.constant 9 : index
    %get3A_1036 = arith.constant 4 : index
    %get3A_1037 = memref.load %arg1[%get3A_1035, %get3A_1036] : memref<20x10xf32, #tpu.memory_space<smem>>
    %mul3A_1038 = vector.broadcast %get3A_1037 : f32 to vector<32x2048xf32>
    %mul3A_1039 = arith.mulf %get3A_1034, %mul3A_1038 : vector<32x2048xf32>
    %add3A_1040 = arith.addf %add3A_1029, %mul3A_1039 : vector<32x2048xf32>
    %get3A_1041 = arith.constant 10 : index
    %get3A_1042 = arith.constant 0 : index
    %get3A_1043 = arith.constant 0 : index
    %get3A_1044 = vector.load %arg4[%get3A_1041, %get3A_1042, %get3A_1043] : memref<20x32x2048xf32, #tpu.memory_space<vmem>>, vector<1x32x2048xf32>
    %get3A_1045 = vector.shape_cast %get3A_1044 : vector<1x32x2048xf32> to vector<32x2048xf32>
    %get3A_1046 = arith.constant 10 : index
    %get3A_1047 = arith.constant 4 : index
    %get3A_1048 = memref.load %arg1[%get3A_1046, %get3A_1047] : memref<20x10xf32, #tpu.memory_space<smem>>
    %mul3A_1049 = vector.broadcast %get3A_1048 : f32 to vector<32x2048xf32>
    %mul3A_1050 = arith.mulf %get3A_1045, %mul3A_1049 : vector<32x2048xf32>
    %add3A_1051 = arith.addf %add3A_1040, %mul3A_1050 : vector<32x2048xf32>
    %get3A_1052 = arith.constant 11 : index
    %get3A_1053 = arith.constant 0 : index
    %get3A_1054 = arith.constant 0 : index
    %get3A_1055 = vector.load %arg4[%get3A_1052, %get3A_1053, %get3A_1054] : memref<20x32x2048xf32, #tpu.memory_space<vmem>>, vector<1x32x2048xf32>
    %get3A_1056 = vector.shape_cast %get3A_1055 : vector<1x32x2048xf32> to vector<32x2048xf32>
    %get3A_1057 = arith.constant 11 : index
    %get3A_1058 = arith.constant 4 : index
    %get3A_1059 = memref.load %arg1[%get3A_1057, %get3A_1058] : memref<20x10xf32, #tpu.memory_space<smem>>
    %mul3A_1060 = vector.broadcast %get3A_1059 : f32 to vector<32x2048xf32>
    %mul3A_1061 = arith.mulf %get3A_1056, %mul3A_1060 : vector<32x2048xf32>
    %add3A_1062 = arith.addf %add3A_1051, %mul3A_1061 : vector<32x2048xf32>
    %get3A_1063 = arith.constant 12 : index
    %get3A_1064 = arith.constant 0 : index
    %get3A_1065 = arith.constant 0 : index
    %get3A_1066 = vector.load %arg4[%get3A_1063, %get3A_1064, %get3A_1065] : memref<20x32x2048xf32, #tpu.memory_space<vmem>>, vector<1x32x2048xf32>
    %get3A_1067 = vector.shape_cast %get3A_1066 : vector<1x32x2048xf32> to vector<32x2048xf32>
    %get3A_1068 = arith.constant 12 : index
    %get3A_1069 = arith.constant 4 : index
    %get3A_1070 = memref.load %arg1[%get3A_1068, %get3A_1069] : memref<20x10xf32, #tpu.memory_space<smem>>
    %mul3A_1071 = vector.broadcast %get3A_1070 : f32 to vector<32x2048xf32>
    %mul3A_1072 = arith.mulf %get3A_1067, %mul3A_1071 : vector<32x2048xf32>
    %add3A_1073 = arith.addf %add3A_1062, %mul3A_1072 : vector<32x2048xf32>
    %get3A_1074 = arith.constant 13 : index
    %get3A_1075 = arith.constant 0 : index
    %get3A_1076 = arith.constant 0 : index
    %get3A_1077 = vector.load %arg4[%get3A_1074, %get3A_1075, %get3A_1076] : memref<20x32x2048xf32, #tpu.memory_space<vmem>>, vector<1x32x2048xf32>
    %get3A_1078 = vector.shape_cast %get3A_1077 : vector<1x32x2048xf32> to vector<32x2048xf32>
    %get3A_1079 = arith.constant 13 : index
    %get3A_1080 = arith.constant 4 : index
    %get3A_1081 = memref.load %arg1[%get3A_1079, %get3A_1080] : memref<20x10xf32, #tpu.memory_space<smem>>
    %mul3A_1082 = vector.broadcast %get3A_1081 : f32 to vector<32x2048xf32>
    %mul3A_1083 = arith.mulf %get3A_1078, %mul3A_1082 : vector<32x2048xf32>
    %add3A_1084 = arith.addf %add3A_1073, %mul3A_1083 : vector<32x2048xf32>
    %get3A_1085 = arith.constant 14 : index
    %get3A_1086 = arith.constant 0 : index
    %get3A_1087 = arith.constant 0 : index
    %get3A_1088 = vector.load %arg4[%get3A_1085, %get3A_1086, %get3A_1087] : memref<20x32x2048xf32, #tpu.memory_space<vmem>>, vector<1x32x2048xf32>
    %get3A_1089 = vector.shape_cast %get3A_1088 : vector<1x32x2048xf32> to vector<32x2048xf32>
    %get3A_1090 = arith.constant 14 : index
    %get3A_1091 = arith.constant 4 : index
    %get3A_1092 = memref.load %arg1[%get3A_1090, %get3A_1091] : memref<20x10xf32, #tpu.memory_space<smem>>
    %mul3A_1093 = vector.broadcast %get3A_1092 : f32 to vector<32x2048xf32>
    %mul3A_1094 = arith.mulf %get3A_1089, %mul3A_1093 : vector<32x2048xf32>
    %add3A_1095 = arith.addf %add3A_1084, %mul3A_1094 : vector<32x2048xf32>
    %get3A_1096 = arith.constant 15 : index
    %get3A_1097 = arith.constant 0 : index
    %get3A_1098 = arith.constant 0 : index
    %get3A_1099 = vector.load %arg4[%get3A_1096, %get3A_1097, %get3A_1098] : memref<20x32x2048xf32, #tpu.memory_space<vmem>>, vector<1x32x2048xf32>
    %get3A_1100 = vector.shape_cast %get3A_1099 : vector<1x32x2048xf32> to vector<32x2048xf32>
    %get3A_1101 = arith.constant 15 : index
    %get3A_1102 = arith.constant 4 : index
    %get3A_1103 = memref.load %arg1[%get3A_1101, %get3A_1102] : memref<20x10xf32, #tpu.memory_space<smem>>
    %mul3A_1104 = vector.broadcast %get3A_1103 : f32 to vector<32x2048xf32>
    %mul3A_1105 = arith.mulf %get3A_1100, %mul3A_1104 : vector<32x2048xf32>
    %add3A_1106 = arith.addf %add3A_1095, %mul3A_1105 : vector<32x2048xf32>
    %get3A_1107 = arith.constant 16 : index
    %get3A_1108 = arith.constant 0 : index
    %get3A_1109 = arith.constant 0 : index
    %get3A_1110 = vector.load %arg4[%get3A_1107, %get3A_1108, %get3A_1109] : memref<20x32x2048xf32, #tpu.memory_space<vmem>>, vector<1x32x2048xf32>
    %get3A_1111 = vector.shape_cast %get3A_1110 : vector<1x32x2048xf32> to vector<32x2048xf32>
    %get3A_1112 = arith.constant 16 : index
    %get3A_1113 = arith.constant 4 : index
    %get3A_1114 = memref.load %arg1[%get3A_1112, %get3A_1113] : memref<20x10xf32, #tpu.memory_space<smem>>
    %mul3A_1115 = vector.broadcast %get3A_1114 : f32 to vector<32x2048xf32>
    %mul3A_1116 = arith.mulf %get3A_1111, %mul3A_1115 : vector<32x2048xf32>
    %add3A_1117 = arith.addf %add3A_1106, %mul3A_1116 : vector<32x2048xf32>
    %get3A_1118 = arith.constant 17 : index
    %get3A_1119 = arith.constant 0 : index
    %get3A_1120 = arith.constant 0 : index
    %get3A_1121 = vector.load %arg4[%get3A_1118, %get3A_1119, %get3A_1120] : memref<20x32x2048xf32, #tpu.memory_space<vmem>>, vector<1x32x2048xf32>
    %get3A_1122 = vector.shape_cast %get3A_1121 : vector<1x32x2048xf32> to vector<32x2048xf32>
    %get3A_1123 = arith.constant 17 : index
    %get3A_1124 = arith.constant 4 : index
    %get3A_1125 = memref.load %arg1[%get3A_1123, %get3A_1124] : memref<20x10xf32, #tpu.memory_space<smem>>
    %mul3A_1126 = vector.broadcast %get3A_1125 : f32 to vector<32x2048xf32>
    %mul3A_1127 = arith.mulf %get3A_1122, %mul3A_1126 : vector<32x2048xf32>
    %add3A_1128 = arith.addf %add3A_1117, %mul3A_1127 : vector<32x2048xf32>
    %get3A_1129 = arith.constant 18 : index
    %get3A_1130 = arith.constant 0 : index
    %get3A_1131 = arith.constant 0 : index
    %get3A_1132 = vector.load %arg4[%get3A_1129, %get3A_1130, %get3A_1131] : memref<20x32x2048xf32, #tpu.memory_space<vmem>>, vector<1x32x2048xf32>
    %get3A_1133 = vector.shape_cast %get3A_1132 : vector<1x32x2048xf32> to vector<32x2048xf32>
    %get3A_1134 = arith.constant 18 : index
    %get3A_1135 = arith.constant 4 : index
    %get3A_1136 = memref.load %arg1[%get3A_1134, %get3A_1135] : memref<20x10xf32, #tpu.memory_space<smem>>
    %mul3A_1137 = vector.broadcast %get3A_1136 : f32 to vector<32x2048xf32>
    %mul3A_1138 = arith.mulf %get3A_1133, %mul3A_1137 : vector<32x2048xf32>
    %add3A_1139 = arith.addf %add3A_1128, %mul3A_1138 : vector<32x2048xf32>
    %get3A_1140 = arith.constant 19 : index
    %get3A_1141 = arith.constant 0 : index
    %get3A_1142 = arith.constant 0 : index
    %get3A_1143 = vector.load %arg4[%get3A_1140, %get3A_1141, %get3A_1142] : memref<20x32x2048xf32, #tpu.memory_space<vmem>>, vector<1x32x2048xf32>
    %get3A_1144 = vector.shape_cast %get3A_1143 : vector<1x32x2048xf32> to vector<32x2048xf32>
    %get3A_1145 = arith.constant 19 : index
    %get3A_1146 = arith.constant 4 : index
    %get3A_1147 = memref.load %arg1[%get3A_1145, %get3A_1146] : memref<20x10xf32, #tpu.memory_space<smem>>
    %mul3A_1148 = vector.broadcast %get3A_1147 : f32 to vector<32x2048xf32>
    %mul3A_1149 = arith.mulf %get3A_1144, %mul3A_1148 : vector<32x2048xf32>
    %add3A_1150 = arith.addf %add3A_1139, %mul3A_1149 : vector<32x2048xf32>
    %get3A_1151 = arith.constant 4 : index
    %get3A_1152 = memref.load %arg2[%get3A_1151] : memref<10xf32, #tpu.memory_space<smem>>
    %add3A_1153 = vector.broadcast %get3A_1152 : f32 to vector<32x2048xf32>
    %add3A_1154 = arith.addf %add3A_1150, %add3A_1153 : vector<32x2048xf32>
    %max3A_1155 = arith.constant 0.000000e+00 : f32
    %max3A_1156 = vector.broadcast %max3A_1155 : f32 to vector<32x2048xf32>
    %max3A_1157 = arith.maximumf %add3A_1154, %max3A_1156 : vector<32x2048xf32>
    %get3A_1158 = arith.constant 4 : index
    %get3A_1159 = arith.constant 0 : index
    %get3A_1160 = arith.constant 0 : index
    %get3A_1161 = vector.load %arg5[%get3A_1158, %get3A_1159, %get3A_1160] : memref<10x10x2048xf32, #tpu.memory_space<vmem>>, vector<1x10x2048xf32>
    %get3A_1162 = vector.shape_cast %get3A_1161 : vector<1x10x2048xf32> to vector<10x2048xf32>
    %dot_general3A_1163 = arith.constant dense<0.000000e+00> : vector<32x10xf32>
    %dot_general3A_1164 = tpu.matmul %max3A_1157, %get3A_1162, %dot_general3A_1163 {dimension_numbers = #tpu.dot_dimension_numbers<[1], [1], [0], [0], [0, 0, 1, 0], [], []>, transpose_lhs_hint = false} : vector<32x2048xf32>, vector<10x2048xf32>, vector<32x10xf32> -> vector<32x10xf32>
    %add3A_1165 = arith.addf %add3A_931, %dot_general3A_1164 : vector<32x10xf32>
    %get3A_1166 = arith.constant 0 : index
    %get3A_1167 = arith.constant 0 : index
    %get3A_1168 = arith.constant 0 : index
    %get3A_1169 = vector.load %arg4[%get3A_1166, %get3A_1167, %get3A_1168] : memref<20x32x2048xf32, #tpu.memory_space<vmem>>, vector<1x32x2048xf32>
    %get3A_1170 = vector.shape_cast %get3A_1169 : vector<1x32x2048xf32> to vector<32x2048xf32>
    %get3A_1171 = arith.constant 0 : index
    %get3A_1172 = arith.constant 5 : index
    %get3A_1173 = memref.load %arg1[%get3A_1171, %get3A_1172] : memref<20x10xf32, #tpu.memory_space<smem>>
    %mul3A_1174 = vector.broadcast %get3A_1173 : f32 to vector<32x2048xf32>
    %mul3A_1175 = arith.mulf %get3A_1170, %mul3A_1174 : vector<32x2048xf32>
    %get3A_1176 = arith.constant 1 : index
    %get3A_1177 = arith.constant 0 : index
    %get3A_1178 = arith.constant 0 : index
    %get3A_1179 = vector.load %arg4[%get3A_1176, %get3A_1177, %get3A_1178] : memref<20x32x2048xf32, #tpu.memory_space<vmem>>, vector<1x32x2048xf32>
    %get3A_1180 = vector.shape_cast %get3A_1179 : vector<1x32x2048xf32> to vector<32x2048xf32>
    %get3A_1181 = arith.constant 1 : index
    %get3A_1182 = arith.constant 5 : index
    %get3A_1183 = memref.load %arg1[%get3A_1181, %get3A_1182] : memref<20x10xf32, #tpu.memory_space<smem>>
    %mul3A_1184 = vector.broadcast %get3A_1183 : f32 to vector<32x2048xf32>
    %mul3A_1185 = arith.mulf %get3A_1180, %mul3A_1184 : vector<32x2048xf32>
    %add3A_1186 = arith.addf %mul3A_1175, %mul3A_1185 : vector<32x2048xf32>
    %get3A_1187 = arith.constant 2 : index
    %get3A_1188 = arith.constant 0 : index
    %get3A_1189 = arith.constant 0 : index
    %get3A_1190 = vector.load %arg4[%get3A_1187, %get3A_1188, %get3A_1189] : memref<20x32x2048xf32, #tpu.memory_space<vmem>>, vector<1x32x2048xf32>
    %get3A_1191 = vector.shape_cast %get3A_1190 : vector<1x32x2048xf32> to vector<32x2048xf32>
    %get3A_1192 = arith.constant 2 : index
    %get3A_1193 = arith.constant 5 : index
    %get3A_1194 = memref.load %arg1[%get3A_1192, %get3A_1193] : memref<20x10xf32, #tpu.memory_space<smem>>
    %mul3A_1195 = vector.broadcast %get3A_1194 : f32 to vector<32x2048xf32>
    %mul3A_1196 = arith.mulf %get3A_1191, %mul3A_1195 : vector<32x2048xf32>
    %add3A_1197 = arith.addf %add3A_1186, %mul3A_1196 : vector<32x2048xf32>
    %get3A_1198 = arith.constant 3 : index
    %get3A_1199 = arith.constant 0 : index
    %get3A_1200 = arith.constant 0 : index
    %get3A_1201 = vector.load %arg4[%get3A_1198, %get3A_1199, %get3A_1200] : memref<20x32x2048xf32, #tpu.memory_space<vmem>>, vector<1x32x2048xf32>
    %get3A_1202 = vector.shape_cast %get3A_1201 : vector<1x32x2048xf32> to vector<32x2048xf32>
    %get3A_1203 = arith.constant 3 : index
    %get3A_1204 = arith.constant 5 : index
    %get3A_1205 = memref.load %arg1[%get3A_1203, %get3A_1204] : memref<20x10xf32, #tpu.memory_space<smem>>
    %mul3A_1206 = vector.broadcast %get3A_1205 : f32 to vector<32x2048xf32>
    %mul3A_1207 = arith.mulf %get3A_1202, %mul3A_1206 : vector<32x2048xf32>
    %add3A_1208 = arith.addf %add3A_1197, %mul3A_1207 : vector<32x2048xf32>
    %get3A_1209 = arith.constant 4 : index
    %get3A_1210 = arith.constant 0 : index
    %get3A_1211 = arith.constant 0 : index
    %get3A_1212 = vector.load %arg4[%get3A_1209, %get3A_1210, %get3A_1211] : memref<20x32x2048xf32, #tpu.memory_space<vmem>>, vector<1x32x2048xf32>
    %get3A_1213 = vector.shape_cast %get3A_1212 : vector<1x32x2048xf32> to vector<32x2048xf32>
    %get3A_1214 = arith.constant 4 : index
    %get3A_1215 = arith.constant 5 : index
    %get3A_1216 = memref.load %arg1[%get3A_1214, %get3A_1215] : memref<20x10xf32, #tpu.memory_space<smem>>
    %mul3A_1217 = vector.broadcast %get3A_1216 : f32 to vector<32x2048xf32>
    %mul3A_1218 = arith.mulf %get3A_1213, %mul3A_1217 : vector<32x2048xf32>
    %add3A_1219 = arith.addf %add3A_1208, %mul3A_1218 : vector<32x2048xf32>
    %get3A_1220 = arith.constant 5 : index
    %get3A_1221 = arith.constant 0 : index
    %get3A_1222 = arith.constant 0 : index
    %get3A_1223 = vector.load %arg4[%get3A_1220, %get3A_1221, %get3A_1222] : memref<20x32x2048xf32, #tpu.memory_space<vmem>>, vector<1x32x2048xf32>
    %get3A_1224 = vector.shape_cast %get3A_1223 : vector<1x32x2048xf32> to vector<32x2048xf32>
    %get3A_1225 = arith.constant 5 : index
    %get3A_1226 = arith.constant 5 : index
    %get3A_1227 = memref.load %arg1[%get3A_1225, %get3A_1226] : memref<20x10xf32, #tpu.memory_space<smem>>
    %mul3A_1228 = vector.broadcast %get3A_1227 : f32 to vector<32x2048xf32>
    %mul3A_1229 = arith.mulf %get3A_1224, %mul3A_1228 : vector<32x2048xf32>
    %add3A_1230 = arith.addf %add3A_1219, %mul3A_1229 : vector<32x2048xf32>
    %get3A_1231 = arith.constant 6 : index
    %get3A_1232 = arith.constant 0 : index
    %get3A_1233 = arith.constant 0 : index
    %get3A_1234 = vector.load %arg4[%get3A_1231, %get3A_1232, %get3A_1233] : memref<20x32x2048xf32, #tpu.memory_space<vmem>>, vector<1x32x2048xf32>
    %get3A_1235 = vector.shape_cast %get3A_1234 : vector<1x32x2048xf32> to vector<32x2048xf32>
    %get3A_1236 = arith.constant 6 : index
    %get3A_1237 = arith.constant 5 : index
    %get3A_1238 = memref.load %arg1[%get3A_1236, %get3A_1237] : memref<20x10xf32, #tpu.memory_space<smem>>
    %mul3A_1239 = vector.broadcast %get3A_1238 : f32 to vector<32x2048xf32>
    %mul3A_1240 = arith.mulf %get3A_1235, %mul3A_1239 : vector<32x2048xf32>
    %add3A_1241 = arith.addf %add3A_1230, %mul3A_1240 : vector<32x2048xf32>
    %get3A_1242 = arith.constant 7 : index
    %get3A_1243 = arith.constant 0 : index
    %get3A_1244 = arith.constant 0 : index
    %get3A_1245 = vector.load %arg4[%get3A_1242, %get3A_1243, %get3A_1244] : memref<20x32x2048xf32, #tpu.memory_space<vmem>>, vector<1x32x2048xf32>
    %get3A_1246 = vector.shape_cast %get3A_1245 : vector<1x32x2048xf32> to vector<32x2048xf32>
    %get3A_1247 = arith.constant 7 : index
    %get3A_1248 = arith.constant 5 : index
    %get3A_1249 = memref.load %arg1[%get3A_1247, %get3A_1248] : memref<20x10xf32, #tpu.memory_space<smem>>
    %mul3A_1250 = vector.broadcast %get3A_1249 : f32 to vector<32x2048xf32>
    %mul3A_1251 = arith.mulf %get3A_1246, %mul3A_1250 : vector<32x2048xf32>
    %add3A_1252 = arith.addf %add3A_1241, %mul3A_1251 : vector<32x2048xf32>
    %get3A_1253 = arith.constant 8 : index
    %get3A_1254 = arith.constant 0 : index
    %get3A_1255 = arith.constant 0 : index
    %get3A_1256 = vector.load %arg4[%get3A_1253, %get3A_1254, %get3A_1255] : memref<20x32x2048xf32, #tpu.memory_space<vmem>>, vector<1x32x2048xf32>
    %get3A_1257 = vector.shape_cast %get3A_1256 : vector<1x32x2048xf32> to vector<32x2048xf32>
    %get3A_1258 = arith.constant 8 : index
    %get3A_1259 = arith.constant 5 : index
    %get3A_1260 = memref.load %arg1[%get3A_1258, %get3A_1259] : memref<20x10xf32, #tpu.memory_space<smem>>
    %mul3A_1261 = vector.broadcast %get3A_1260 : f32 to vector<32x2048xf32>
    %mul3A_1262 = arith.mulf %get3A_1257, %mul3A_1261 : vector<32x2048xf32>
    %add3A_1263 = arith.addf %add3A_1252, %mul3A_1262 : vector<32x2048xf32>
    %get3A_1264 = arith.constant 9 : index
    %get3A_1265 = arith.constant 0 : index
    %get3A_1266 = arith.constant 0 : index
    %get3A_1267 = vector.load %arg4[%get3A_1264, %get3A_1265, %get3A_1266] : memref<20x32x2048xf32, #tpu.memory_space<vmem>>, vector<1x32x2048xf32>
    %get3A_1268 = vector.shape_cast %get3A_1267 : vector<1x32x2048xf32> to vector<32x2048xf32>
    %get3A_1269 = arith.constant 9 : index
    %get3A_1270 = arith.constant 5 : index
    %get3A_1271 = memref.load %arg1[%get3A_1269, %get3A_1270] : memref<20x10xf32, #tpu.memory_space<smem>>
    %mul3A_1272 = vector.broadcast %get3A_1271 : f32 to vector<32x2048xf32>
    %mul3A_1273 = arith.mulf %get3A_1268, %mul3A_1272 : vector<32x2048xf32>
    %add3A_1274 = arith.addf %add3A_1263, %mul3A_1273 : vector<32x2048xf32>
    %get3A_1275 = arith.constant 10 : index
    %get3A_1276 = arith.constant 0 : index
    %get3A_1277 = arith.constant 0 : index
    %get3A_1278 = vector.load %arg4[%get3A_1275, %get3A_1276, %get3A_1277] : memref<20x32x2048xf32, #tpu.memory_space<vmem>>, vector<1x32x2048xf32>
    %get3A_1279 = vector.shape_cast %get3A_1278 : vector<1x32x2048xf32> to vector<32x2048xf32>
    %get3A_1280 = arith.constant 10 : index
    %get3A_1281 = arith.constant 5 : index
    %get3A_1282 = memref.load %arg1[%get3A_1280, %get3A_1281] : memref<20x10xf32, #tpu.memory_space<smem>>
    %mul3A_1283 = vector.broadcast %get3A_1282 : f32 to vector<32x2048xf32>
    %mul3A_1284 = arith.mulf %get3A_1279, %mul3A_1283 : vector<32x2048xf32>
    %add3A_1285 = arith.addf %add3A_1274, %mul3A_1284 : vector<32x2048xf32>
    %get3A_1286 = arith.constant 11 : index
    %get3A_1287 = arith.constant 0 : index
    %get3A_1288 = arith.constant 0 : index
    %get3A_1289 = vector.load %arg4[%get3A_1286, %get3A_1287, %get3A_1288] : memref<20x32x2048xf32, #tpu.memory_space<vmem>>, vector<1x32x2048xf32>
    %get3A_1290 = vector.shape_cast %get3A_1289 : vector<1x32x2048xf32> to vector<32x2048xf32>
    %get3A_1291 = arith.constant 11 : index
    %get3A_1292 = arith.constant 5 : index
    %get3A_1293 = memref.load %arg1[%get3A_1291, %get3A_1292] : memref<20x10xf32, #tpu.memory_space<smem>>
    %mul3A_1294 = vector.broadcast %get3A_1293 : f32 to vector<32x2048xf32>
    %mul3A_1295 = arith.mulf %get3A_1290, %mul3A_1294 : vector<32x2048xf32>
    %add3A_1296 = arith.addf %add3A_1285, %mul3A_1295 : vector<32x2048xf32>
    %get3A_1297 = arith.constant 12 : index
    %get3A_1298 = arith.constant 0 : index
    %get3A_1299 = arith.constant 0 : index
    %get3A_1300 = vector.load %arg4[%get3A_1297, %get3A_1298, %get3A_1299] : memref<20x32x2048xf32, #tpu.memory_space<vmem>>, vector<1x32x2048xf32>
    %get3A_1301 = vector.shape_cast %get3A_1300 : vector<1x32x2048xf32> to vector<32x2048xf32>
    %get3A_1302 = arith.constant 12 : index
    %get3A_1303 = arith.constant 5 : index
    %get3A_1304 = memref.load %arg1[%get3A_1302, %get3A_1303] : memref<20x10xf32, #tpu.memory_space<smem>>
    %mul3A_1305 = vector.broadcast %get3A_1304 : f32 to vector<32x2048xf32>
    %mul3A_1306 = arith.mulf %get3A_1301, %mul3A_1305 : vector<32x2048xf32>
    %add3A_1307 = arith.addf %add3A_1296, %mul3A_1306 : vector<32x2048xf32>
    %get3A_1308 = arith.constant 13 : index
    %get3A_1309 = arith.constant 0 : index
    %get3A_1310 = arith.constant 0 : index
    %get3A_1311 = vector.load %arg4[%get3A_1308, %get3A_1309, %get3A_1310] : memref<20x32x2048xf32, #tpu.memory_space<vmem>>, vector<1x32x2048xf32>
    %get3A_1312 = vector.shape_cast %get3A_1311 : vector<1x32x2048xf32> to vector<32x2048xf32>
    %get3A_1313 = arith.constant 13 : index
    %get3A_1314 = arith.constant 5 : index
    %get3A_1315 = memref.load %arg1[%get3A_1313, %get3A_1314] : memref<20x10xf32, #tpu.memory_space<smem>>
    %mul3A_1316 = vector.broadcast %get3A_1315 : f32 to vector<32x2048xf32>
    %mul3A_1317 = arith.mulf %get3A_1312, %mul3A_1316 : vector<32x2048xf32>
    %add3A_1318 = arith.addf %add3A_1307, %mul3A_1317 : vector<32x2048xf32>
    %get3A_1319 = arith.constant 14 : index
    %get3A_1320 = arith.constant 0 : index
    %get3A_1321 = arith.constant 0 : index
    %get3A_1322 = vector.load %arg4[%get3A_1319, %get3A_1320, %get3A_1321] : memref<20x32x2048xf32, #tpu.memory_space<vmem>>, vector<1x32x2048xf32>
    %get3A_1323 = vector.shape_cast %get3A_1322 : vector<1x32x2048xf32> to vector<32x2048xf32>
    %get3A_1324 = arith.constant 14 : index
    %get3A_1325 = arith.constant 5 : index
    %get3A_1326 = memref.load %arg1[%get3A_1324, %get3A_1325] : memref<20x10xf32, #tpu.memory_space<smem>>
    %mul3A_1327 = vector.broadcast %get3A_1326 : f32 to vector<32x2048xf32>
    %mul3A_1328 = arith.mulf %get3A_1323, %mul3A_1327 : vector<32x2048xf32>
    %add3A_1329 = arith.addf %add3A_1318, %mul3A_1328 : vector<32x2048xf32>
    %get3A_1330 = arith.constant 15 : index
    %get3A_1331 = arith.constant 0 : index
    %get3A_1332 = arith.constant 0 : index
    %get3A_1333 = vector.load %arg4[%get3A_1330, %get3A_1331, %get3A_1332] : memref<20x32x2048xf32, #tpu.memory_space<vmem>>, vector<1x32x2048xf32>
    %get3A_1334 = vector.shape_cast %get3A_1333 : vector<1x32x2048xf32> to vector<32x2048xf32>
    %get3A_1335 = arith.constant 15 : index
    %get3A_1336 = arith.constant 5 : index
    %get3A_1337 = memref.load %arg1[%get3A_1335, %get3A_1336] : memref<20x10xf32, #tpu.memory_space<smem>>
    %mul3A_1338 = vector.broadcast %get3A_1337 : f32 to vector<32x2048xf32>
    %mul3A_1339 = arith.mulf %get3A_1334, %mul3A_1338 : vector<32x2048xf32>
    %add3A_1340 = arith.addf %add3A_1329, %mul3A_1339 : vector<32x2048xf32>
    %get3A_1341 = arith.constant 16 : index
    %get3A_1342 = arith.constant 0 : index
    %get3A_1343 = arith.constant 0 : index
    %get3A_1344 = vector.load %arg4[%get3A_1341, %get3A_1342, %get3A_1343] : memref<20x32x2048xf32, #tpu.memory_space<vmem>>, vector<1x32x2048xf32>
    %get3A_1345 = vector.shape_cast %get3A_1344 : vector<1x32x2048xf32> to vector<32x2048xf32>
    %get3A_1346 = arith.constant 16 : index
    %get3A_1347 = arith.constant 5 : index
    %get3A_1348 = memref.load %arg1[%get3A_1346, %get3A_1347] : memref<20x10xf32, #tpu.memory_space<smem>>
    %mul3A_1349 = vector.broadcast %get3A_1348 : f32 to vector<32x2048xf32>
    %mul3A_1350 = arith.mulf %get3A_1345, %mul3A_1349 : vector<32x2048xf32>
    %add3A_1351 = arith.addf %add3A_1340, %mul3A_1350 : vector<32x2048xf32>
    %get3A_1352 = arith.constant 17 : index
    %get3A_1353 = arith.constant 0 : index
    %get3A_1354 = arith.constant 0 : index
    %get3A_1355 = vector.load %arg4[%get3A_1352, %get3A_1353, %get3A_1354] : memref<20x32x2048xf32, #tpu.memory_space<vmem>>, vector<1x32x2048xf32>
    %get3A_1356 = vector.shape_cast %get3A_1355 : vector<1x32x2048xf32> to vector<32x2048xf32>
    %get3A_1357 = arith.constant 17 : index
    %get3A_1358 = arith.constant 5 : index
    %get3A_1359 = memref.load %arg1[%get3A_1357, %get3A_1358] : memref<20x10xf32, #tpu.memory_space<smem>>
    %mul3A_1360 = vector.broadcast %get3A_1359 : f32 to vector<32x2048xf32>
    %mul3A_1361 = arith.mulf %get3A_1356, %mul3A_1360 : vector<32x2048xf32>
    %add3A_1362 = arith.addf %add3A_1351, %mul3A_1361 : vector<32x2048xf32>
    %get3A_1363 = arith.constant 18 : index
    %get3A_1364 = arith.constant 0 : index
    %get3A_1365 = arith.constant 0 : index
    %get3A_1366 = vector.load %arg4[%get3A_1363, %get3A_1364, %get3A_1365] : memref<20x32x2048xf32, #tpu.memory_space<vmem>>, vector<1x32x2048xf32>
    %get3A_1367 = vector.shape_cast %get3A_1366 : vector<1x32x2048xf32> to vector<32x2048xf32>
    %get3A_1368 = arith.constant 18 : index
    %get3A_1369 = arith.constant 5 : index
    %get3A_1370 = memref.load %arg1[%get3A_1368, %get3A_1369] : memref<20x10xf32, #tpu.memory_space<smem>>
    %mul3A_1371 = vector.broadcast %get3A_1370 : f32 to vector<32x2048xf32>
    %mul3A_1372 = arith.mulf %get3A_1367, %mul3A_1371 : vector<32x2048xf32>
    %add3A_1373 = arith.addf %add3A_1362, %mul3A_1372 : vector<32x2048xf32>
    %get3A_1374 = arith.constant 19 : index
    %get3A_1375 = arith.constant 0 : index
    %get3A_1376 = arith.constant 0 : index
    %get3A_1377 = vector.load %arg4[%get3A_1374, %get3A_1375, %get3A_1376] : memref<20x32x2048xf32, #tpu.memory_space<vmem>>, vector<1x32x2048xf32>
    %get3A_1378 = vector.shape_cast %get3A_1377 : vector<1x32x2048xf32> to vector<32x2048xf32>
    %get3A_1379 = arith.constant 19 : index
    %get3A_1380 = arith.constant 5 : index
    %get3A_1381 = memref.load %arg1[%get3A_1379, %get3A_1380] : memref<20x10xf32, #tpu.memory_space<smem>>
    %mul3A_1382 = vector.broadcast %get3A_1381 : f32 to vector<32x2048xf32>
    %mul3A_1383 = arith.mulf %get3A_1378, %mul3A_1382 : vector<32x2048xf32>
    %add3A_1384 = arith.addf %add3A_1373, %mul3A_1383 : vector<32x2048xf32>
    %get3A_1385 = arith.constant 5 : index
    %get3A_1386 = memref.load %arg2[%get3A_1385] : memref<10xf32, #tpu.memory_space<smem>>
    %add3A_1387 = vector.broadcast %get3A_1386 : f32 to vector<32x2048xf32>
    %add3A_1388 = arith.addf %add3A_1384, %add3A_1387 : vector<32x2048xf32>
    %max3A_1389 = arith.constant 0.000000e+00 : f32
    %max3A_1390 = vector.broadcast %max3A_1389 : f32 to vector<32x2048xf32>
    %max3A_1391 = arith.maximumf %add3A_1388, %max3A_1390 : vector<32x2048xf32>
    %get3A_1392 = arith.constant 5 : index
    %get3A_1393 = arith.constant 0 : index
    %get3A_1394 = arith.constant 0 : index
    %get3A_1395 = vector.load %arg5[%get3A_1392, %get3A_1393, %get3A_1394] : memref<10x10x2048xf32, #tpu.memory_space<vmem>>, vector<1x10x2048xf32>
    %get3A_1396 = vector.shape_cast %get3A_1395 : vector<1x10x2048xf32> to vector<10x2048xf32>
    %dot_general3A_1397 = arith.constant dense<0.000000e+00> : vector<32x10xf32>
    %dot_general3A_1398 = tpu.matmul %max3A_1391, %get3A_1396, %dot_general3A_1397 {dimension_numbers = #tpu.dot_dimension_numbers<[1], [1], [0], [0], [0, 0, 1, 0], [], []>, transpose_lhs_hint = false} : vector<32x2048xf32>, vector<10x2048xf32>, vector<32x10xf32> -> vector<32x10xf32>
    %add3A_1399 = arith.addf %add3A_1165, %dot_general3A_1398 : vector<32x10xf32>
    %get3A_1400 = arith.constant 0 : index
    %get3A_1401 = arith.constant 0 : index
    %get3A_1402 = arith.constant 0 : index
    %get3A_1403 = vector.load %arg4[%get3A_1400, %get3A_1401, %get3A_1402] : memref<20x32x2048xf32, #tpu.memory_space<vmem>>, vector<1x32x2048xf32>
    %get3A_1404 = vector.shape_cast %get3A_1403 : vector<1x32x2048xf32> to vector<32x2048xf32>
    %get3A_1405 = arith.constant 0 : index
    %get3A_1406 = arith.constant 6 : index
    %get3A_1407 = memref.load %arg1[%get3A_1405, %get3A_1406] : memref<20x10xf32, #tpu.memory_space<smem>>
    %mul3A_1408 = vector.broadcast %get3A_1407 : f32 to vector<32x2048xf32>
    %mul3A_1409 = arith.mulf %get3A_1404, %mul3A_1408 : vector<32x2048xf32>
    %get3A_1410 = arith.constant 1 : index
    %get3A_1411 = arith.constant 0 : index
    %get3A_1412 = arith.constant 0 : index
    %get3A_1413 = vector.load %arg4[%get3A_1410, %get3A_1411, %get3A_1412] : memref<20x32x2048xf32, #tpu.memory_space<vmem>>, vector<1x32x2048xf32>
    %get3A_1414 = vector.shape_cast %get3A_1413 : vector<1x32x2048xf32> to vector<32x2048xf32>
    %get3A_1415 = arith.constant 1 : index
    %get3A_1416 = arith.constant 6 : index
    %get3A_1417 = memref.load %arg1[%get3A_1415, %get3A_1416] : memref<20x10xf32, #tpu.memory_space<smem>>
    %mul3A_1418 = vector.broadcast %get3A_1417 : f32 to vector<32x2048xf32>
    %mul3A_1419 = arith.mulf %get3A_1414, %mul3A_1418 : vector<32x2048xf32>
    %add3A_1420 = arith.addf %mul3A_1409, %mul3A_1419 : vector<32x2048xf32>
    %get3A_1421 = arith.constant 2 : index
    %get3A_1422 = arith.constant 0 : index
    %get3A_1423 = arith.constant 0 : index
    %get3A_1424 = vector.load %arg4[%get3A_1421, %get3A_1422, %get3A_1423] : memref<20x32x2048xf32, #tpu.memory_space<vmem>>, vector<1x32x2048xf32>
    %get3A_1425 = vector.shape_cast %get3A_1424 : vector<1x32x2048xf32> to vector<32x2048xf32>
    %get3A_1426 = arith.constant 2 : index
    %get3A_1427 = arith.constant 6 : index
    %get3A_1428 = memref.load %arg1[%get3A_1426, %get3A_1427] : memref<20x10xf32, #tpu.memory_space<smem>>
    %mul3A_1429 = vector.broadcast %get3A_1428 : f32 to vector<32x2048xf32>
    %mul3A_1430 = arith.mulf %get3A_1425, %mul3A_1429 : vector<32x2048xf32>
    %add3A_1431 = arith.addf %add3A_1420, %mul3A_1430 : vector<32x2048xf32>
    %get3A_1432 = arith.constant 3 : index
    %get3A_1433 = arith.constant 0 : index
    %get3A_1434 = arith.constant 0 : index
    %get3A_1435 = vector.load %arg4[%get3A_1432, %get3A_1433, %get3A_1434] : memref<20x32x2048xf32, #tpu.memory_space<vmem>>, vector<1x32x2048xf32>
    %get3A_1436 = vector.shape_cast %get3A_1435 : vector<1x32x2048xf32> to vector<32x2048xf32>
    %get3A_1437 = arith.constant 3 : index
    %get3A_1438 = arith.constant 6 : index
    %get3A_1439 = memref.load %arg1[%get3A_1437, %get3A_1438] : memref<20x10xf32, #tpu.memory_space<smem>>
    %mul3A_1440 = vector.broadcast %get3A_1439 : f32 to vector<32x2048xf32>
    %mul3A_1441 = arith.mulf %get3A_1436, %mul3A_1440 : vector<32x2048xf32>
    %add3A_1442 = arith.addf %add3A_1431, %mul3A_1441 : vector<32x2048xf32>
    %get3A_1443 = arith.constant 4 : index
    %get3A_1444 = arith.constant 0 : index
    %get3A_1445 = arith.constant 0 : index
    %get3A_1446 = vector.load %arg4[%get3A_1443, %get3A_1444, %get3A_1445] : memref<20x32x2048xf32, #tpu.memory_space<vmem>>, vector<1x32x2048xf32>
    %get3A_1447 = vector.shape_cast %get3A_1446 : vector<1x32x2048xf32> to vector<32x2048xf32>
    %get3A_1448 = arith.constant 4 : index
    %get3A_1449 = arith.constant 6 : index
    %get3A_1450 = memref.load %arg1[%get3A_1448, %get3A_1449] : memref<20x10xf32, #tpu.memory_space<smem>>
    %mul3A_1451 = vector.broadcast %get3A_1450 : f32 to vector<32x2048xf32>
    %mul3A_1452 = arith.mulf %get3A_1447, %mul3A_1451 : vector<32x2048xf32>
    %add3A_1453 = arith.addf %add3A_1442, %mul3A_1452 : vector<32x2048xf32>
    %get3A_1454 = arith.constant 5 : index
    %get3A_1455 = arith.constant 0 : index
    %get3A_1456 = arith.constant 0 : index
    %get3A_1457 = vector.load %arg4[%get3A_1454, %get3A_1455, %get3A_1456] : memref<20x32x2048xf32, #tpu.memory_space<vmem>>, vector<1x32x2048xf32>
    %get3A_1458 = vector.shape_cast %get3A_1457 : vector<1x32x2048xf32> to vector<32x2048xf32>
    %get3A_1459 = arith.constant 5 : index
    %get3A_1460 = arith.constant 6 : index
    %get3A_1461 = memref.load %arg1[%get3A_1459, %get3A_1460] : memref<20x10xf32, #tpu.memory_space<smem>>
    %mul3A_1462 = vector.broadcast %get3A_1461 : f32 to vector<32x2048xf32>
    %mul3A_1463 = arith.mulf %get3A_1458, %mul3A_1462 : vector<32x2048xf32>
    %add3A_1464 = arith.addf %add3A_1453, %mul3A_1463 : vector<32x2048xf32>
    %get3A_1465 = arith.constant 6 : index
    %get3A_1466 = arith.constant 0 : index
    %get3A_1467 = arith.constant 0 : index
    %get3A_1468 = vector.load %arg4[%get3A_1465, %get3A_1466, %get3A_1467] : memref<20x32x2048xf32, #tpu.memory_space<vmem>>, vector<1x32x2048xf32>
    %get3A_1469 = vector.shape_cast %get3A_1468 : vector<1x32x2048xf32> to vector<32x2048xf32>
    %get3A_1470 = arith.constant 6 : index
    %get3A_1471 = arith.constant 6 : index
    %get3A_1472 = memref.load %arg1[%get3A_1470, %get3A_1471] : memref<20x10xf32, #tpu.memory_space<smem>>
    %mul3A_1473 = vector.broadcast %get3A_1472 : f32 to vector<32x2048xf32>
    %mul3A_1474 = arith.mulf %get3A_1469, %mul3A_1473 : vector<32x2048xf32>
    %add3A_1475 = arith.addf %add3A_1464, %mul3A_1474 : vector<32x2048xf32>
    %get3A_1476 = arith.constant 7 : index
    %get3A_1477 = arith.constant 0 : index
    %get3A_1478 = arith.constant 0 : index
    %get3A_1479 = vector.load %arg4[%get3A_1476, %get3A_1477, %get3A_1478] : memref<20x32x2048xf32, #tpu.memory_space<vmem>>, vector<1x32x2048xf32>
    %get3A_1480 = vector.shape_cast %get3A_1479 : vector<1x32x2048xf32> to vector<32x2048xf32>
    %get3A_1481 = arith.constant 7 : index
    %get3A_1482 = arith.constant 6 : index
    %get3A_1483 = memref.load %arg1[%get3A_1481, %get3A_1482] : memref<20x10xf32, #tpu.memory_space<smem>>
    %mul3A_1484 = vector.broadcast %get3A_1483 : f32 to vector<32x2048xf32>
    %mul3A_1485 = arith.mulf %get3A_1480, %mul3A_1484 : vector<32x2048xf32>
    %add3A_1486 = arith.addf %add3A_1475, %mul3A_1485 : vector<32x2048xf32>
    %get3A_1487 = arith.constant 8 : index
    %get3A_1488 = arith.constant 0 : index
    %get3A_1489 = arith.constant 0 : index
    %get3A_1490 = vector.load %arg4[%get3A_1487, %get3A_1488, %get3A_1489] : memref<20x32x2048xf32, #tpu.memory_space<vmem>>, vector<1x32x2048xf32>
    %get3A_1491 = vector.shape_cast %get3A_1490 : vector<1x32x2048xf32> to vector<32x2048xf32>
    %get3A_1492 = arith.constant 8 : index
    %get3A_1493 = arith.constant 6 : index
    %get3A_1494 = memref.load %arg1[%get3A_1492, %get3A_1493] : memref<20x10xf32, #tpu.memory_space<smem>>
    %mul3A_1495 = vector.broadcast %get3A_1494 : f32 to vector<32x2048xf32>
    %mul3A_1496 = arith.mulf %get3A_1491, %mul3A_1495 : vector<32x2048xf32>
    %add3A_1497 = arith.addf %add3A_1486, %mul3A_1496 : vector<32x2048xf32>
    %get3A_1498 = arith.constant 9 : index
    %get3A_1499 = arith.constant 0 : index
    %get3A_1500 = arith.constant 0 : index
    %get3A_1501 = vector.load %arg4[%get3A_1498, %get3A_1499, %get3A_1500] : memref<20x32x2048xf32, #tpu.memory_space<vmem>>, vector<1x32x2048xf32>
    %get3A_1502 = vector.shape_cast %get3A_1501 : vector<1x32x2048xf32> to vector<32x2048xf32>
    %get3A_1503 = arith.constant 9 : index
    %get3A_1504 = arith.constant 6 : index
    %get3A_1505 = memref.load %arg1[%get3A_1503, %get3A_1504] : memref<20x10xf32, #tpu.memory_space<smem>>
    %mul3A_1506 = vector.broadcast %get3A_1505 : f32 to vector<32x2048xf32>
    %mul3A_1507 = arith.mulf %get3A_1502, %mul3A_1506 : vector<32x2048xf32>
    %add3A_1508 = arith.addf %add3A_1497, %mul3A_1507 : vector<32x2048xf32>
    %get3A_1509 = arith.constant 10 : index
    %get3A_1510 = arith.constant 0 : index
    %get3A_1511 = arith.constant 0 : index
    %get3A_1512 = vector.load %arg4[%get3A_1509, %get3A_1510, %get3A_1511] : memref<20x32x2048xf32, #tpu.memory_space<vmem>>, vector<1x32x2048xf32>
    %get3A_1513 = vector.shape_cast %get3A_1512 : vector<1x32x2048xf32> to vector<32x2048xf32>
    %get3A_1514 = arith.constant 10 : index
    %get3A_1515 = arith.constant 6 : index
    %get3A_1516 = memref.load %arg1[%get3A_1514, %get3A_1515] : memref<20x10xf32, #tpu.memory_space<smem>>
    %mul3A_1517 = vector.broadcast %get3A_1516 : f32 to vector<32x2048xf32>
    %mul3A_1518 = arith.mulf %get3A_1513, %mul3A_1517 : vector<32x2048xf32>
    %add3A_1519 = arith.addf %add3A_1508, %mul3A_1518 : vector<32x2048xf32>
    %get3A_1520 = arith.constant 11 : index
    %get3A_1521 = arith.constant 0 : index
    %get3A_1522 = arith.constant 0 : index
    %get3A_1523 = vector.load %arg4[%get3A_1520, %get3A_1521, %get3A_1522] : memref<20x32x2048xf32, #tpu.memory_space<vmem>>, vector<1x32x2048xf32>
    %get3A_1524 = vector.shape_cast %get3A_1523 : vector<1x32x2048xf32> to vector<32x2048xf32>
    %get3A_1525 = arith.constant 11 : index
    %get3A_1526 = arith.constant 6 : index
    %get3A_1527 = memref.load %arg1[%get3A_1525, %get3A_1526] : memref<20x10xf32, #tpu.memory_space<smem>>
    %mul3A_1528 = vector.broadcast %get3A_1527 : f32 to vector<32x2048xf32>
    %mul3A_1529 = arith.mulf %get3A_1524, %mul3A_1528 : vector<32x2048xf32>
    %add3A_1530 = arith.addf %add3A_1519, %mul3A_1529 : vector<32x2048xf32>
    %get3A_1531 = arith.constant 12 : index
    %get3A_1532 = arith.constant 0 : index
    %get3A_1533 = arith.constant 0 : index
    %get3A_1534 = vector.load %arg4[%get3A_1531, %get3A_1532, %get3A_1533] : memref<20x32x2048xf32, #tpu.memory_space<vmem>>, vector<1x32x2048xf32>
    %get3A_1535 = vector.shape_cast %get3A_1534 : vector<1x32x2048xf32> to vector<32x2048xf32>
    %get3A_1536 = arith.constant 12 : index
    %get3A_1537 = arith.constant 6 : index
    %get3A_1538 = memref.load %arg1[%get3A_1536, %get3A_1537] : memref<20x10xf32, #tpu.memory_space<smem>>
    %mul3A_1539 = vector.broadcast %get3A_1538 : f32 to vector<32x2048xf32>
    %mul3A_1540 = arith.mulf %get3A_1535, %mul3A_1539 : vector<32x2048xf32>
    %add3A_1541 = arith.addf %add3A_1530, %mul3A_1540 : vector<32x2048xf32>
    %get3A_1542 = arith.constant 13 : index
    %get3A_1543 = arith.constant 0 : index
    %get3A_1544 = arith.constant 0 : index
    %get3A_1545 = vector.load %arg4[%get3A_1542, %get3A_1543, %get3A_1544] : memref<20x32x2048xf32, #tpu.memory_space<vmem>>, vector<1x32x2048xf32>
    %get3A_1546 = vector.shape_cast %get3A_1545 : vector<1x32x2048xf32> to vector<32x2048xf32>
    %get3A_1547 = arith.constant 13 : index
    %get3A_1548 = arith.constant 6 : index
    %get3A_1549 = memref.load %arg1[%get3A_1547, %get3A_1548] : memref<20x10xf32, #tpu.memory_space<smem>>
    %mul3A_1550 = vector.broadcast %get3A_1549 : f32 to vector<32x2048xf32>
    %mul3A_1551 = arith.mulf %get3A_1546, %mul3A_1550 : vector<32x2048xf32>
    %add3A_1552 = arith.addf %add3A_1541, %mul3A_1551 : vector<32x2048xf32>
    %get3A_1553 = arith.constant 14 : index
    %get3A_1554 = arith.constant 0 : index
    %get3A_1555 = arith.constant 0 : index
    %get3A_1556 = vector.load %arg4[%get3A_1553, %get3A_1554, %get3A_1555] : memref<20x32x2048xf32, #tpu.memory_space<vmem>>, vector<1x32x2048xf32>
    %get3A_1557 = vector.shape_cast %get3A_1556 : vector<1x32x2048xf32> to vector<32x2048xf32>
    %get3A_1558 = arith.constant 14 : index
    %get3A_1559 = arith.constant 6 : index
    %get3A_1560 = memref.load %arg1[%get3A_1558, %get3A_1559] : memref<20x10xf32, #tpu.memory_space<smem>>
    %mul3A_1561 = vector.broadcast %get3A_1560 : f32 to vector<32x2048xf32>
    %mul3A_1562 = arith.mulf %get3A_1557, %mul3A_1561 : vector<32x2048xf32>
    %add3A_1563 = arith.addf %add3A_1552, %mul3A_1562 : vector<32x2048xf32>
    %get3A_1564 = arith.constant 15 : index
    %get3A_1565 = arith.constant 0 : index
    %get3A_1566 = arith.constant 0 : index
    %get3A_1567 = vector.load %arg4[%get3A_1564, %get3A_1565, %get3A_1566] : memref<20x32x2048xf32, #tpu.memory_space<vmem>>, vector<1x32x2048xf32>
    %get3A_1568 = vector.shape_cast %get3A_1567 : vector<1x32x2048xf32> to vector<32x2048xf32>
    %get3A_1569 = arith.constant 15 : index
    %get3A_1570 = arith.constant 6 : index
    %get3A_1571 = memref.load %arg1[%get3A_1569, %get3A_1570] : memref<20x10xf32, #tpu.memory_space<smem>>
    %mul3A_1572 = vector.broadcast %get3A_1571 : f32 to vector<32x2048xf32>
    %mul3A_1573 = arith.mulf %get3A_1568, %mul3A_1572 : vector<32x2048xf32>
    %add3A_1574 = arith.addf %add3A_1563, %mul3A_1573 : vector<32x2048xf32>
    %get3A_1575 = arith.constant 16 : index
    %get3A_1576 = arith.constant 0 : index
    %get3A_1577 = arith.constant 0 : index
    %get3A_1578 = vector.load %arg4[%get3A_1575, %get3A_1576, %get3A_1577] : memref<20x32x2048xf32, #tpu.memory_space<vmem>>, vector<1x32x2048xf32>
    %get3A_1579 = vector.shape_cast %get3A_1578 : vector<1x32x2048xf32> to vector<32x2048xf32>
    %get3A_1580 = arith.constant 16 : index
    %get3A_1581 = arith.constant 6 : index
    %get3A_1582 = memref.load %arg1[%get3A_1580, %get3A_1581] : memref<20x10xf32, #tpu.memory_space<smem>>
    %mul3A_1583 = vector.broadcast %get3A_1582 : f32 to vector<32x2048xf32>
    %mul3A_1584 = arith.mulf %get3A_1579, %mul3A_1583 : vector<32x2048xf32>
    %add3A_1585 = arith.addf %add3A_1574, %mul3A_1584 : vector<32x2048xf32>
    %get3A_1586 = arith.constant 17 : index
    %get3A_1587 = arith.constant 0 : index
    %get3A_1588 = arith.constant 0 : index
    %get3A_1589 = vector.load %arg4[%get3A_1586, %get3A_1587, %get3A_1588] : memref<20x32x2048xf32, #tpu.memory_space<vmem>>, vector<1x32x2048xf32>
    %get3A_1590 = vector.shape_cast %get3A_1589 : vector<1x32x2048xf32> to vector<32x2048xf32>
    %get3A_1591 = arith.constant 17 : index
    %get3A_1592 = arith.constant 6 : index
    %get3A_1593 = memref.load %arg1[%get3A_1591, %get3A_1592] : memref<20x10xf32, #tpu.memory_space<smem>>
    %mul3A_1594 = vector.broadcast %get3A_1593 : f32 to vector<32x2048xf32>
    %mul3A_1595 = arith.mulf %get3A_1590, %mul3A_1594 : vector<32x2048xf32>
    %add3A_1596 = arith.addf %add3A_1585, %mul3A_1595 : vector<32x2048xf32>
    %get3A_1597 = arith.constant 18 : index
    %get3A_1598 = arith.constant 0 : index
    %get3A_1599 = arith.constant 0 : index
    %get3A_1600 = vector.load %arg4[%get3A_1597, %get3A_1598, %get3A_1599] : memref<20x32x2048xf32, #tpu.memory_space<vmem>>, vector<1x32x2048xf32>
    %get3A_1601 = vector.shape_cast %get3A_1600 : vector<1x32x2048xf32> to vector<32x2048xf32>
    %get3A_1602 = arith.constant 18 : index
    %get3A_1603 = arith.constant 6 : index
    %get3A_1604 = memref.load %arg1[%get3A_1602, %get3A_1603] : memref<20x10xf32, #tpu.memory_space<smem>>
    %mul3A_1605 = vector.broadcast %get3A_1604 : f32 to vector<32x2048xf32>
    %mul3A_1606 = arith.mulf %get3A_1601, %mul3A_1605 : vector<32x2048xf32>
    %add3A_1607 = arith.addf %add3A_1596, %mul3A_1606 : vector<32x2048xf32>
    %get3A_1608 = arith.constant 19 : index
    %get3A_1609 = arith.constant 0 : index
    %get3A_1610 = arith.constant 0 : index
    %get3A_1611 = vector.load %arg4[%get3A_1608, %get3A_1609, %get3A_1610] : memref<20x32x2048xf32, #tpu.memory_space<vmem>>, vector<1x32x2048xf32>
    %get3A_1612 = vector.shape_cast %get3A_1611 : vector<1x32x2048xf32> to vector<32x2048xf32>
    %get3A_1613 = arith.constant 19 : index
    %get3A_1614 = arith.constant 6 : index
    %get3A_1615 = memref.load %arg1[%get3A_1613, %get3A_1614] : memref<20x10xf32, #tpu.memory_space<smem>>
    %mul3A_1616 = vector.broadcast %get3A_1615 : f32 to vector<32x2048xf32>
    %mul3A_1617 = arith.mulf %get3A_1612, %mul3A_1616 : vector<32x2048xf32>
    %add3A_1618 = arith.addf %add3A_1607, %mul3A_1617 : vector<32x2048xf32>
    %get3A_1619 = arith.constant 6 : index
    %get3A_1620 = memref.load %arg2[%get3A_1619] : memref<10xf32, #tpu.memory_space<smem>>
    %add3A_1621 = vector.broadcast %get3A_1620 : f32 to vector<32x2048xf32>
    %add3A_1622 = arith.addf %add3A_1618, %add3A_1621 : vector<32x2048xf32>
    %max3A_1623 = arith.constant 0.000000e+00 : f32
    %max3A_1624 = vector.broadcast %max3A_1623 : f32 to vector<32x2048xf32>
    %max3A_1625 = arith.maximumf %add3A_1622, %max3A_1624 : vector<32x2048xf32>
    %get3A_1626 = arith.constant 6 : index
    %get3A_1627 = arith.constant 0 : index
    %get3A_1628 = arith.constant 0 : index
    %get3A_1629 = vector.load %arg5[%get3A_1626, %get3A_1627, %get3A_1628] : memref<10x10x2048xf32, #tpu.memory_space<vmem>>, vector<1x10x2048xf32>
    %get3A_1630 = vector.shape_cast %get3A_1629 : vector<1x10x2048xf32> to vector<10x2048xf32>
    %dot_general3A_1631 = arith.constant dense<0.000000e+00> : vector<32x10xf32>
    %dot_general3A_1632 = tpu.matmul %max3A_1625, %get3A_1630, %dot_general3A_1631 {dimension_numbers = #tpu.dot_dimension_numbers<[1], [1], [0], [0], [0, 0, 1, 0], [], []>, transpose_lhs_hint = false} : vector<32x2048xf32>, vector<10x2048xf32>, vector<32x10xf32> -> vector<32x10xf32>
    %add3A_1633 = arith.addf %add3A_1399, %dot_general3A_1632 : vector<32x10xf32>
    %get3A_1634 = arith.constant 0 : index
    %get3A_1635 = arith.constant 0 : index
    %get3A_1636 = arith.constant 0 : index
    %get3A_1637 = vector.load %arg4[%get3A_1634, %get3A_1635, %get3A_1636] : memref<20x32x2048xf32, #tpu.memory_space<vmem>>, vector<1x32x2048xf32>
    %get3A_1638 = vector.shape_cast %get3A_1637 : vector<1x32x2048xf32> to vector<32x2048xf32>
    %get3A_1639 = arith.constant 0 : index
    %get3A_1640 = arith.constant 7 : index
    %get3A_1641 = memref.load %arg1[%get3A_1639, %get3A_1640] : memref<20x10xf32, #tpu.memory_space<smem>>
    %mul3A_1642 = vector.broadcast %get3A_1641 : f32 to vector<32x2048xf32>
    %mul3A_1643 = arith.mulf %get3A_1638, %mul3A_1642 : vector<32x2048xf32>
    %get3A_1644 = arith.constant 1 : index
    %get3A_1645 = arith.constant 0 : index
    %get3A_1646 = arith.constant 0 : index
    %get3A_1647 = vector.load %arg4[%get3A_1644, %get3A_1645, %get3A_1646] : memref<20x32x2048xf32, #tpu.memory_space<vmem>>, vector<1x32x2048xf32>
    %get3A_1648 = vector.shape_cast %get3A_1647 : vector<1x32x2048xf32> to vector<32x2048xf32>
    %get3A_1649 = arith.constant 1 : index
    %get3A_1650 = arith.constant 7 : index
    %get3A_1651 = memref.load %arg1[%get3A_1649, %get3A_1650] : memref<20x10xf32, #tpu.memory_space<smem>>
    %mul3A_1652 = vector.broadcast %get3A_1651 : f32 to vector<32x2048xf32>
    %mul3A_1653 = arith.mulf %get3A_1648, %mul3A_1652 : vector<32x2048xf32>
    %add3A_1654 = arith.addf %mul3A_1643, %mul3A_1653 : vector<32x2048xf32>
    %get3A_1655 = arith.constant 2 : index
    %get3A_1656 = arith.constant 0 : index
    %get3A_1657 = arith.constant 0 : index
    %get3A_1658 = vector.load %arg4[%get3A_1655, %get3A_1656, %get3A_1657] : memref<20x32x2048xf32, #tpu.memory_space<vmem>>, vector<1x32x2048xf32>
    %get3A_1659 = vector.shape_cast %get3A_1658 : vector<1x32x2048xf32> to vector<32x2048xf32>
    %get3A_1660 = arith.constant 2 : index
    %get3A_1661 = arith.constant 7 : index
    %get3A_1662 = memref.load %arg1[%get3A_1660, %get3A_1661] : memref<20x10xf32, #tpu.memory_space<smem>>
    %mul3A_1663 = vector.broadcast %get3A_1662 : f32 to vector<32x2048xf32>
    %mul3A_1664 = arith.mulf %get3A_1659, %mul3A_1663 : vector<32x2048xf32>
    %add3A_1665 = arith.addf %add3A_1654, %mul3A_1664 : vector<32x2048xf32>
    %get3A_1666 = arith.constant 3 : index
    %get3A_1667 = arith.constant 0 : index
    %get3A_1668 = arith.constant 0 : index
    %get3A_1669 = vector.load %arg4[%get3A_1666, %get3A_1667, %get3A_1668] : memref<20x32x2048xf32, #tpu.memory_space<vmem>>, vector<1x32x2048xf32>
    %get3A_1670 = vector.shape_cast %get3A_1669 : vector<1x32x2048xf32> to vector<32x2048xf32>
    %get3A_1671 = arith.constant 3 : index
    %get3A_1672 = arith.constant 7 : index
    %get3A_1673 = memref.load %arg1[%get3A_1671, %get3A_1672] : memref<20x10xf32, #tpu.memory_space<smem>>
    %mul3A_1674 = vector.broadcast %get3A_1673 : f32 to vector<32x2048xf32>
    %mul3A_1675 = arith.mulf %get3A_1670, %mul3A_1674 : vector<32x2048xf32>
    %add3A_1676 = arith.addf %add3A_1665, %mul3A_1675 : vector<32x2048xf32>
    %get3A_1677 = arith.constant 4 : index
    %get3A_1678 = arith.constant 0 : index
    %get3A_1679 = arith.constant 0 : index
    %get3A_1680 = vector.load %arg4[%get3A_1677, %get3A_1678, %get3A_1679] : memref<20x32x2048xf32, #tpu.memory_space<vmem>>, vector<1x32x2048xf32>
    %get3A_1681 = vector.shape_cast %get3A_1680 : vector<1x32x2048xf32> to vector<32x2048xf32>
    %get3A_1682 = arith.constant 4 : index
    %get3A_1683 = arith.constant 7 : index
    %get3A_1684 = memref.load %arg1[%get3A_1682, %get3A_1683] : memref<20x10xf32, #tpu.memory_space<smem>>
    %mul3A_1685 = vector.broadcast %get3A_1684 : f32 to vector<32x2048xf32>
    %mul3A_1686 = arith.mulf %get3A_1681, %mul3A_1685 : vector<32x2048xf32>
    %add3A_1687 = arith.addf %add3A_1676, %mul3A_1686 : vector<32x2048xf32>
    %get3A_1688 = arith.constant 5 : index
    %get3A_1689 = arith.constant 0 : index
    %get3A_1690 = arith.constant 0 : index
    %get3A_1691 = vector.load %arg4[%get3A_1688, %get3A_1689, %get3A_1690] : memref<20x32x2048xf32, #tpu.memory_space<vmem>>, vector<1x32x2048xf32>
    %get3A_1692 = vector.shape_cast %get3A_1691 : vector<1x32x2048xf32> to vector<32x2048xf32>
    %get3A_1693 = arith.constant 5 : index
    %get3A_1694 = arith.constant 7 : index
    %get3A_1695 = memref.load %arg1[%get3A_1693, %get3A_1694] : memref<20x10xf32, #tpu.memory_space<smem>>
    %mul3A_1696 = vector.broadcast %get3A_1695 : f32 to vector<32x2048xf32>
    %mul3A_1697 = arith.mulf %get3A_1692, %mul3A_1696 : vector<32x2048xf32>
    %add3A_1698 = arith.addf %add3A_1687, %mul3A_1697 : vector<32x2048xf32>
    %get3A_1699 = arith.constant 6 : index
    %get3A_1700 = arith.constant 0 : index
    %get3A_1701 = arith.constant 0 : index
    %get3A_1702 = vector.load %arg4[%get3A_1699, %get3A_1700, %get3A_1701] : memref<20x32x2048xf32, #tpu.memory_space<vmem>>, vector<1x32x2048xf32>
    %get3A_1703 = vector.shape_cast %get3A_1702 : vector<1x32x2048xf32> to vector<32x2048xf32>
    %get3A_1704 = arith.constant 6 : index
    %get3A_1705 = arith.constant 7 : index
    %get3A_1706 = memref.load %arg1[%get3A_1704, %get3A_1705] : memref<20x10xf32, #tpu.memory_space<smem>>
    %mul3A_1707 = vector.broadcast %get3A_1706 : f32 to vector<32x2048xf32>
    %mul3A_1708 = arith.mulf %get3A_1703, %mul3A_1707 : vector<32x2048xf32>
    %add3A_1709 = arith.addf %add3A_1698, %mul3A_1708 : vector<32x2048xf32>
    %get3A_1710 = arith.constant 7 : index
    %get3A_1711 = arith.constant 0 : index
    %get3A_1712 = arith.constant 0 : index
    %get3A_1713 = vector.load %arg4[%get3A_1710, %get3A_1711, %get3A_1712] : memref<20x32x2048xf32, #tpu.memory_space<vmem>>, vector<1x32x2048xf32>
    %get3A_1714 = vector.shape_cast %get3A_1713 : vector<1x32x2048xf32> to vector<32x2048xf32>
    %get3A_1715 = arith.constant 7 : index
    %get3A_1716 = arith.constant 7 : index
    %get3A_1717 = memref.load %arg1[%get3A_1715, %get3A_1716] : memref<20x10xf32, #tpu.memory_space<smem>>
    %mul3A_1718 = vector.broadcast %get3A_1717 : f32 to vector<32x2048xf32>
    %mul3A_1719 = arith.mulf %get3A_1714, %mul3A_1718 : vector<32x2048xf32>
    %add3A_1720 = arith.addf %add3A_1709, %mul3A_1719 : vector<32x2048xf32>
    %get3A_1721 = arith.constant 8 : index
    %get3A_1722 = arith.constant 0 : index
    %get3A_1723 = arith.constant 0 : index
    %get3A_1724 = vector.load %arg4[%get3A_1721, %get3A_1722, %get3A_1723] : memref<20x32x2048xf32, #tpu.memory_space<vmem>>, vector<1x32x2048xf32>
    %get3A_1725 = vector.shape_cast %get3A_1724 : vector<1x32x2048xf32> to vector<32x2048xf32>
    %get3A_1726 = arith.constant 8 : index
    %get3A_1727 = arith.constant 7 : index
    %get3A_1728 = memref.load %arg1[%get3A_1726, %get3A_1727] : memref<20x10xf32, #tpu.memory_space<smem>>
    %mul3A_1729 = vector.broadcast %get3A_1728 : f32 to vector<32x2048xf32>
    %mul3A_1730 = arith.mulf %get3A_1725, %mul3A_1729 : vector<32x2048xf32>
    %add3A_1731 = arith.addf %add3A_1720, %mul3A_1730 : vector<32x2048xf32>
    %get3A_1732 = arith.constant 9 : index
    %get3A_1733 = arith.constant 0 : index
    %get3A_1734 = arith.constant 0 : index
    %get3A_1735 = vector.load %arg4[%get3A_1732, %get3A_1733, %get3A_1734] : memref<20x32x2048xf32, #tpu.memory_space<vmem>>, vector<1x32x2048xf32>
    %get3A_1736 = vector.shape_cast %get3A_1735 : vector<1x32x2048xf32> to vector<32x2048xf32>
    %get3A_1737 = arith.constant 9 : index
    %get3A_1738 = arith.constant 7 : index
    %get3A_1739 = memref.load %arg1[%get3A_1737, %get3A_1738] : memref<20x10xf32, #tpu.memory_space<smem>>
    %mul3A_1740 = vector.broadcast %get3A_1739 : f32 to vector<32x2048xf32>
    %mul3A_1741 = arith.mulf %get3A_1736, %mul3A_1740 : vector<32x2048xf32>
    %add3A_1742 = arith.addf %add3A_1731, %mul3A_1741 : vector<32x2048xf32>
    %get3A_1743 = arith.constant 10 : index
    %get3A_1744 = arith.constant 0 : index
    %get3A_1745 = arith.constant 0 : index
    %get3A_1746 = vector.load %arg4[%get3A_1743, %get3A_1744, %get3A_1745] : memref<20x32x2048xf32, #tpu.memory_space<vmem>>, vector<1x32x2048xf32>
    %get3A_1747 = vector.shape_cast %get3A_1746 : vector<1x32x2048xf32> to vector<32x2048xf32>
    %get3A_1748 = arith.constant 10 : index
    %get3A_1749 = arith.constant 7 : index
    %get3A_1750 = memref.load %arg1[%get3A_1748, %get3A_1749] : memref<20x10xf32, #tpu.memory_space<smem>>
    %mul3A_1751 = vector.broadcast %get3A_1750 : f32 to vector<32x2048xf32>
    %mul3A_1752 = arith.mulf %get3A_1747, %mul3A_1751 : vector<32x2048xf32>
    %add3A_1753 = arith.addf %add3A_1742, %mul3A_1752 : vector<32x2048xf32>
    %get3A_1754 = arith.constant 11 : index
    %get3A_1755 = arith.constant 0 : index
    %get3A_1756 = arith.constant 0 : index
    %get3A_1757 = vector.load %arg4[%get3A_1754, %get3A_1755, %get3A_1756] : memref<20x32x2048xf32, #tpu.memory_space<vmem>>, vector<1x32x2048xf32>
    %get3A_1758 = vector.shape_cast %get3A_1757 : vector<1x32x2048xf32> to vector<32x2048xf32>
    %get3A_1759 = arith.constant 11 : index
    %get3A_1760 = arith.constant 7 : index
    %get3A_1761 = memref.load %arg1[%get3A_1759, %get3A_1760] : memref<20x10xf32, #tpu.memory_space<smem>>
    %mul3A_1762 = vector.broadcast %get3A_1761 : f32 to vector<32x2048xf32>
    %mul3A_1763 = arith.mulf %get3A_1758, %mul3A_1762 : vector<32x2048xf32>
    %add3A_1764 = arith.addf %add3A_1753, %mul3A_1763 : vector<32x2048xf32>
    %get3A_1765 = arith.constant 12 : index
    %get3A_1766 = arith.constant 0 : index
    %get3A_1767 = arith.constant 0 : index
    %get3A_1768 = vector.load %arg4[%get3A_1765, %get3A_1766, %get3A_1767] : memref<20x32x2048xf32, #tpu.memory_space<vmem>>, vector<1x32x2048xf32>
    %get3A_1769 = vector.shape_cast %get3A_1768 : vector<1x32x2048xf32> to vector<32x2048xf32>
    %get3A_1770 = arith.constant 12 : index
    %get3A_1771 = arith.constant 7 : index
    %get3A_1772 = memref.load %arg1[%get3A_1770, %get3A_1771] : memref<20x10xf32, #tpu.memory_space<smem>>
    %mul3A_1773 = vector.broadcast %get3A_1772 : f32 to vector<32x2048xf32>
    %mul3A_1774 = arith.mulf %get3A_1769, %mul3A_1773 : vector<32x2048xf32>
    %add3A_1775 = arith.addf %add3A_1764, %mul3A_1774 : vector<32x2048xf32>
    %get3A_1776 = arith.constant 13 : index
    %get3A_1777 = arith.constant 0 : index
    %get3A_1778 = arith.constant 0 : index
    %get3A_1779 = vector.load %arg4[%get3A_1776, %get3A_1777, %get3A_1778] : memref<20x32x2048xf32, #tpu.memory_space<vmem>>, vector<1x32x2048xf32>
    %get3A_1780 = vector.shape_cast %get3A_1779 : vector<1x32x2048xf32> to vector<32x2048xf32>
    %get3A_1781 = arith.constant 13 : index
    %get3A_1782 = arith.constant 7 : index
    %get3A_1783 = memref.load %arg1[%get3A_1781, %get3A_1782] : memref<20x10xf32, #tpu.memory_space<smem>>
    %mul3A_1784 = vector.broadcast %get3A_1783 : f32 to vector<32x2048xf32>
    %mul3A_1785 = arith.mulf %get3A_1780, %mul3A_1784 : vector<32x2048xf32>
    %add3A_1786 = arith.addf %add3A_1775, %mul3A_1785 : vector<32x2048xf32>
    %get3A_1787 = arith.constant 14 : index
    %get3A_1788 = arith.constant 0 : index
    %get3A_1789 = arith.constant 0 : index
    %get3A_1790 = vector.load %arg4[%get3A_1787, %get3A_1788, %get3A_1789] : memref<20x32x2048xf32, #tpu.memory_space<vmem>>, vector<1x32x2048xf32>
    %get3A_1791 = vector.shape_cast %get3A_1790 : vector<1x32x2048xf32> to vector<32x2048xf32>
    %get3A_1792 = arith.constant 14 : index
    %get3A_1793 = arith.constant 7 : index
    %get3A_1794 = memref.load %arg1[%get3A_1792, %get3A_1793] : memref<20x10xf32, #tpu.memory_space<smem>>
    %mul3A_1795 = vector.broadcast %get3A_1794 : f32 to vector<32x2048xf32>
    %mul3A_1796 = arith.mulf %get3A_1791, %mul3A_1795 : vector<32x2048xf32>
    %add3A_1797 = arith.addf %add3A_1786, %mul3A_1796 : vector<32x2048xf32>
    %get3A_1798 = arith.constant 15 : index
    %get3A_1799 = arith.constant 0 : index
    %get3A_1800 = arith.constant 0 : index
    %get3A_1801 = vector.load %arg4[%get3A_1798, %get3A_1799, %get3A_1800] : memref<20x32x2048xf32, #tpu.memory_space<vmem>>, vector<1x32x2048xf32>
    %get3A_1802 = vector.shape_cast %get3A_1801 : vector<1x32x2048xf32> to vector<32x2048xf32>
    %get3A_1803 = arith.constant 15 : index
    %get3A_1804 = arith.constant 7 : index
    %get3A_1805 = memref.load %arg1[%get3A_1803, %get3A_1804] : memref<20x10xf32, #tpu.memory_space<smem>>
    %mul3A_1806 = vector.broadcast %get3A_1805 : f32 to vector<32x2048xf32>
    %mul3A_1807 = arith.mulf %get3A_1802, %mul3A_1806 : vector<32x2048xf32>
    %add3A_1808 = arith.addf %add3A_1797, %mul3A_1807 : vector<32x2048xf32>
    %get3A_1809 = arith.constant 16 : index
    %get3A_1810 = arith.constant 0 : index
    %get3A_1811 = arith.constant 0 : index
    %get3A_1812 = vector.load %arg4[%get3A_1809, %get3A_1810, %get3A_1811] : memref<20x32x2048xf32, #tpu.memory_space<vmem>>, vector<1x32x2048xf32>
    %get3A_1813 = vector.shape_cast %get3A_1812 : vector<1x32x2048xf32> to vector<32x2048xf32>
    %get3A_1814 = arith.constant 16 : index
    %get3A_1815 = arith.constant 7 : index
    %get3A_1816 = memref.load %arg1[%get3A_1814, %get3A_1815] : memref<20x10xf32, #tpu.memory_space<smem>>
    %mul3A_1817 = vector.broadcast %get3A_1816 : f32 to vector<32x2048xf32>
    %mul3A_1818 = arith.mulf %get3A_1813, %mul3A_1817 : vector<32x2048xf32>
    %add3A_1819 = arith.addf %add3A_1808, %mul3A_1818 : vector<32x2048xf32>
    %get3A_1820 = arith.constant 17 : index
    %get3A_1821 = arith.constant 0 : index
    %get3A_1822 = arith.constant 0 : index
    %get3A_1823 = vector.load %arg4[%get3A_1820, %get3A_1821, %get3A_1822] : memref<20x32x2048xf32, #tpu.memory_space<vmem>>, vector<1x32x2048xf32>
    %get3A_1824 = vector.shape_cast %get3A_1823 : vector<1x32x2048xf32> to vector<32x2048xf32>
    %get3A_1825 = arith.constant 17 : index
    %get3A_1826 = arith.constant 7 : index
    %get3A_1827 = memref.load %arg1[%get3A_1825, %get3A_1826] : memref<20x10xf32, #tpu.memory_space<smem>>
    %mul3A_1828 = vector.broadcast %get3A_1827 : f32 to vector<32x2048xf32>
    %mul3A_1829 = arith.mulf %get3A_1824, %mul3A_1828 : vector<32x2048xf32>
    %add3A_1830 = arith.addf %add3A_1819, %mul3A_1829 : vector<32x2048xf32>
    %get3A_1831 = arith.constant 18 : index
    %get3A_1832 = arith.constant 0 : index
    %get3A_1833 = arith.constant 0 : index
    %get3A_1834 = vector.load %arg4[%get3A_1831, %get3A_1832, %get3A_1833] : memref<20x32x2048xf32, #tpu.memory_space<vmem>>, vector<1x32x2048xf32>
    %get3A_1835 = vector.shape_cast %get3A_1834 : vector<1x32x2048xf32> to vector<32x2048xf32>
    %get3A_1836 = arith.constant 18 : index
    %get3A_1837 = arith.constant 7 : index
    %get3A_1838 = memref.load %arg1[%get3A_1836, %get3A_1837] : memref<20x10xf32, #tpu.memory_space<smem>>
    %mul3A_1839 = vector.broadcast %get3A_1838 : f32 to vector<32x2048xf32>
    %mul3A_1840 = arith.mulf %get3A_1835, %mul3A_1839 : vector<32x2048xf32>
    %add3A_1841 = arith.addf %add3A_1830, %mul3A_1840 : vector<32x2048xf32>
    %get3A_1842 = arith.constant 19 : index
    %get3A_1843 = arith.constant 0 : index
    %get3A_1844 = arith.constant 0 : index
    %get3A_1845 = vector.load %arg4[%get3A_1842, %get3A_1843, %get3A_1844] : memref<20x32x2048xf32, #tpu.memory_space<vmem>>, vector<1x32x2048xf32>
    %get3A_1846 = vector.shape_cast %get3A_1845 : vector<1x32x2048xf32> to vector<32x2048xf32>
    %get3A_1847 = arith.constant 19 : index
    %get3A_1848 = arith.constant 7 : index
    %get3A_1849 = memref.load %arg1[%get3A_1847, %get3A_1848] : memref<20x10xf32, #tpu.memory_space<smem>>
    %mul3A_1850 = vector.broadcast %get3A_1849 : f32 to vector<32x2048xf32>
    %mul3A_1851 = arith.mulf %get3A_1846, %mul3A_1850 : vector<32x2048xf32>
    %add3A_1852 = arith.addf %add3A_1841, %mul3A_1851 : vector<32x2048xf32>
    %get3A_1853 = arith.constant 7 : index
    %get3A_1854 = memref.load %arg2[%get3A_1853] : memref<10xf32, #tpu.memory_space<smem>>
    %add3A_1855 = vector.broadcast %get3A_1854 : f32 to vector<32x2048xf32>
    %add3A_1856 = arith.addf %add3A_1852, %add3A_1855 : vector<32x2048xf32>
    %max3A_1857 = arith.constant 0.000000e+00 : f32
    %max3A_1858 = vector.broadcast %max3A_1857 : f32 to vector<32x2048xf32>
    %max3A_1859 = arith.maximumf %add3A_1856, %max3A_1858 : vector<32x2048xf32>
    %get3A_1860 = arith.constant 7 : index
    %get3A_1861 = arith.constant 0 : index
    %get3A_1862 = arith.constant 0 : index
    %get3A_1863 = vector.load %arg5[%get3A_1860, %get3A_1861, %get3A_1862] : memref<10x10x2048xf32, #tpu.memory_space<vmem>>, vector<1x10x2048xf32>
    %get3A_1864 = vector.shape_cast %get3A_1863 : vector<1x10x2048xf32> to vector<10x2048xf32>
    %dot_general3A_1865 = arith.constant dense<0.000000e+00> : vector<32x10xf32>
    %dot_general3A_1866 = tpu.matmul %max3A_1859, %get3A_1864, %dot_general3A_1865 {dimension_numbers = #tpu.dot_dimension_numbers<[1], [1], [0], [0], [0, 0, 1, 0], [], []>, transpose_lhs_hint = false} : vector<32x2048xf32>, vector<10x2048xf32>, vector<32x10xf32> -> vector<32x10xf32>
    %add3A_1867 = arith.addf %add3A_1633, %dot_general3A_1866 : vector<32x10xf32>
    %get3A_1868 = arith.constant 0 : index
    %get3A_1869 = arith.constant 0 : index
    %get3A_1870 = arith.constant 0 : index
    %get3A_1871 = vector.load %arg4[%get3A_1868, %get3A_1869, %get3A_1870] : memref<20x32x2048xf32, #tpu.memory_space<vmem>>, vector<1x32x2048xf32>
    %get3A_1872 = vector.shape_cast %get3A_1871 : vector<1x32x2048xf32> to vector<32x2048xf32>
    %get3A_1873 = arith.constant 0 : index
    %get3A_1874 = arith.constant 8 : index
    %get3A_1875 = memref.load %arg1[%get3A_1873, %get3A_1874] : memref<20x10xf32, #tpu.memory_space<smem>>
    %mul3A_1876 = vector.broadcast %get3A_1875 : f32 to vector<32x2048xf32>
    %mul3A_1877 = arith.mulf %get3A_1872, %mul3A_1876 : vector<32x2048xf32>
    %get3A_1878 = arith.constant 1 : index
    %get3A_1879 = arith.constant 0 : index
    %get3A_1880 = arith.constant 0 : index
    %get3A_1881 = vector.load %arg4[%get3A_1878, %get3A_1879, %get3A_1880] : memref<20x32x2048xf32, #tpu.memory_space<vmem>>, vector<1x32x2048xf32>
    %get3A_1882 = vector.shape_cast %get3A_1881 : vector<1x32x2048xf32> to vector<32x2048xf32>
    %get3A_1883 = arith.constant 1 : index
    %get3A_1884 = arith.constant 8 : index
    %get3A_1885 = memref.load %arg1[%get3A_1883, %get3A_1884] : memref<20x10xf32, #tpu.memory_space<smem>>
    %mul3A_1886 = vector.broadcast %get3A_1885 : f32 to vector<32x2048xf32>
    %mul3A_1887 = arith.mulf %get3A_1882, %mul3A_1886 : vector<32x2048xf32>
    %add3A_1888 = arith.addf %mul3A_1877, %mul3A_1887 : vector<32x2048xf32>
    %get3A_1889 = arith.constant 2 : index
    %get3A_1890 = arith.constant 0 : index
    %get3A_1891 = arith.constant 0 : index
    %get3A_1892 = vector.load %arg4[%get3A_1889, %get3A_1890, %get3A_1891] : memref<20x32x2048xf32, #tpu.memory_space<vmem>>, vector<1x32x2048xf32>
    %get3A_1893 = vector.shape_cast %get3A_1892 : vector<1x32x2048xf32> to vector<32x2048xf32>
    %get3A_1894 = arith.constant 2 : index
    %get3A_1895 = arith.constant 8 : index
    %get3A_1896 = memref.load %arg1[%get3A_1894, %get3A_1895] : memref<20x10xf32, #tpu.memory_space<smem>>
    %mul3A_1897 = vector.broadcast %get3A_1896 : f32 to vector<32x2048xf32>
    %mul3A_1898 = arith.mulf %get3A_1893, %mul3A_1897 : vector<32x2048xf32>
    %add3A_1899 = arith.addf %add3A_1888, %mul3A_1898 : vector<32x2048xf32>
    %get3A_1900 = arith.constant 3 : index
    %get3A_1901 = arith.constant 0 : index
    %get3A_1902 = arith.constant 0 : index
    %get3A_1903 = vector.load %arg4[%get3A_1900, %get3A_1901, %get3A_1902] : memref<20x32x2048xf32, #tpu.memory_space<vmem>>, vector<1x32x2048xf32>
    %get3A_1904 = vector.shape_cast %get3A_1903 : vector<1x32x2048xf32> to vector<32x2048xf32>
    %get3A_1905 = arith.constant 3 : index
    %get3A_1906 = arith.constant 8 : index
    %get3A_1907 = memref.load %arg1[%get3A_1905, %get3A_1906] : memref<20x10xf32, #tpu.memory_space<smem>>
    %mul3A_1908 = vector.broadcast %get3A_1907 : f32 to vector<32x2048xf32>
    %mul3A_1909 = arith.mulf %get3A_1904, %mul3A_1908 : vector<32x2048xf32>
    %add3A_1910 = arith.addf %add3A_1899, %mul3A_1909 : vector<32x2048xf32>
    %get3A_1911 = arith.constant 4 : index
    %get3A_1912 = arith.constant 0 : index
    %get3A_1913 = arith.constant 0 : index
    %get3A_1914 = vector.load %arg4[%get3A_1911, %get3A_1912, %get3A_1913] : memref<20x32x2048xf32, #tpu.memory_space<vmem>>, vector<1x32x2048xf32>
    %get3A_1915 = vector.shape_cast %get3A_1914 : vector<1x32x2048xf32> to vector<32x2048xf32>
    %get3A_1916 = arith.constant 4 : index
    %get3A_1917 = arith.constant 8 : index
    %get3A_1918 = memref.load %arg1[%get3A_1916, %get3A_1917] : memref<20x10xf32, #tpu.memory_space<smem>>
    %mul3A_1919 = vector.broadcast %get3A_1918 : f32 to vector<32x2048xf32>
    %mul3A_1920 = arith.mulf %get3A_1915, %mul3A_1919 : vector<32x2048xf32>
    %add3A_1921 = arith.addf %add3A_1910, %mul3A_1920 : vector<32x2048xf32>
    %get3A_1922 = arith.constant 5 : index
    %get3A_1923 = arith.constant 0 : index
    %get3A_1924 = arith.constant 0 : index
    %get3A_1925 = vector.load %arg4[%get3A_1922, %get3A_1923, %get3A_1924] : memref<20x32x2048xf32, #tpu.memory_space<vmem>>, vector<1x32x2048xf32>
    %get3A_1926 = vector.shape_cast %get3A_1925 : vector<1x32x2048xf32> to vector<32x2048xf32>
    %get3A_1927 = arith.constant 5 : index
    %get3A_1928 = arith.constant 8 : index
    %get3A_1929 = memref.load %arg1[%get3A_1927, %get3A_1928] : memref<20x10xf32, #tpu.memory_space<smem>>
    %mul3A_1930 = vector.broadcast %get3A_1929 : f32 to vector<32x2048xf32>
    %mul3A_1931 = arith.mulf %get3A_1926, %mul3A_1930 : vector<32x2048xf32>
    %add3A_1932 = arith.addf %add3A_1921, %mul3A_1931 : vector<32x2048xf32>
    %get3A_1933 = arith.constant 6 : index
    %get3A_1934 = arith.constant 0 : index
    %get3A_1935 = arith.constant 0 : index
    %get3A_1936 = vector.load %arg4[%get3A_1933, %get3A_1934, %get3A_1935] : memref<20x32x2048xf32, #tpu.memory_space<vmem>>, vector<1x32x2048xf32>
    %get3A_1937 = vector.shape_cast %get3A_1936 : vector<1x32x2048xf32> to vector<32x2048xf32>
    %get3A_1938 = arith.constant 6 : index
    %get3A_1939 = arith.constant 8 : index
    %get3A_1940 = memref.load %arg1[%get3A_1938, %get3A_1939] : memref<20x10xf32, #tpu.memory_space<smem>>
    %mul3A_1941 = vector.broadcast %get3A_1940 : f32 to vector<32x2048xf32>
    %mul3A_1942 = arith.mulf %get3A_1937, %mul3A_1941 : vector<32x2048xf32>
    %add3A_1943 = arith.addf %add3A_1932, %mul3A_1942 : vector<32x2048xf32>
    %get3A_1944 = arith.constant 7 : index
    %get3A_1945 = arith.constant 0 : index
    %get3A_1946 = arith.constant 0 : index
    %get3A_1947 = vector.load %arg4[%get3A_1944, %get3A_1945, %get3A_1946] : memref<20x32x2048xf32, #tpu.memory_space<vmem>>, vector<1x32x2048xf32>
    %get3A_1948 = vector.shape_cast %get3A_1947 : vector<1x32x2048xf32> to vector<32x2048xf32>
    %get3A_1949 = arith.constant 7 : index
    %get3A_1950 = arith.constant 8 : index
    %get3A_1951 = memref.load %arg1[%get3A_1949, %get3A_1950] : memref<20x10xf32, #tpu.memory_space<smem>>
    %mul3A_1952 = vector.broadcast %get3A_1951 : f32 to vector<32x2048xf32>
    %mul3A_1953 = arith.mulf %get3A_1948, %mul3A_1952 : vector<32x2048xf32>
    %add3A_1954 = arith.addf %add3A_1943, %mul3A_1953 : vector<32x2048xf32>
    %get3A_1955 = arith.constant 8 : index
    %get3A_1956 = arith.constant 0 : index
    %get3A_1957 = arith.constant 0 : index
    %get3A_1958 = vector.load %arg4[%get3A_1955, %get3A_1956, %get3A_1957] : memref<20x32x2048xf32, #tpu.memory_space<vmem>>, vector<1x32x2048xf32>
    %get3A_1959 = vector.shape_cast %get3A_1958 : vector<1x32x2048xf32> to vector<32x2048xf32>
    %get3A_1960 = arith.constant 8 : index
    %get3A_1961 = arith.constant 8 : index
    %get3A_1962 = memref.load %arg1[%get3A_1960, %get3A_1961] : memref<20x10xf32, #tpu.memory_space<smem>>
    %mul3A_1963 = vector.broadcast %get3A_1962 : f32 to vector<32x2048xf32>
    %mul3A_1964 = arith.mulf %get3A_1959, %mul3A_1963 : vector<32x2048xf32>
    %add3A_1965 = arith.addf %add3A_1954, %mul3A_1964 : vector<32x2048xf32>
    %get3A_1966 = arith.constant 9 : index
    %get3A_1967 = arith.constant 0 : index
    %get3A_1968 = arith.constant 0 : index
    %get3A_1969 = vector.load %arg4[%get3A_1966, %get3A_1967, %get3A_1968] : memref<20x32x2048xf32, #tpu.memory_space<vmem>>, vector<1x32x2048xf32>
    %get3A_1970 = vector.shape_cast %get3A_1969 : vector<1x32x2048xf32> to vector<32x2048xf32>
    %get3A_1971 = arith.constant 9 : index
    %get3A_1972 = arith.constant 8 : index
    %get3A_1973 = memref.load %arg1[%get3A_1971, %get3A_1972] : memref<20x10xf32, #tpu.memory_space<smem>>
    %mul3A_1974 = vector.broadcast %get3A_1973 : f32 to vector<32x2048xf32>
    %mul3A_1975 = arith.mulf %get3A_1970, %mul3A_1974 : vector<32x2048xf32>
    %add3A_1976 = arith.addf %add3A_1965, %mul3A_1975 : vector<32x2048xf32>
    %get3A_1977 = arith.constant 10 : index
    %get3A_1978 = arith.constant 0 : index
    %get3A_1979 = arith.constant 0 : index
    %get3A_1980 = vector.load %arg4[%get3A_1977, %get3A_1978, %get3A_1979] : memref<20x32x2048xf32, #tpu.memory_space<vmem>>, vector<1x32x2048xf32>
    %get3A_1981 = vector.shape_cast %get3A_1980 : vector<1x32x2048xf32> to vector<32x2048xf32>
    %get3A_1982 = arith.constant 10 : index
    %get3A_1983 = arith.constant 8 : index
    %get3A_1984 = memref.load %arg1[%get3A_1982, %get3A_1983] : memref<20x10xf32, #tpu.memory_space<smem>>
    %mul3A_1985 = vector.broadcast %get3A_1984 : f32 to vector<32x2048xf32>
    %mul3A_1986 = arith.mulf %get3A_1981, %mul3A_1985 : vector<32x2048xf32>
    %add3A_1987 = arith.addf %add3A_1976, %mul3A_1986 : vector<32x2048xf32>
    %get3A_1988 = arith.constant 11 : index
    %get3A_1989 = arith.constant 0 : index
    %get3A_1990 = arith.constant 0 : index
    %get3A_1991 = vector.load %arg4[%get3A_1988, %get3A_1989, %get3A_1990] : memref<20x32x2048xf32, #tpu.memory_space<vmem>>, vector<1x32x2048xf32>
    %get3A_1992 = vector.shape_cast %get3A_1991 : vector<1x32x2048xf32> to vector<32x2048xf32>
    %get3A_1993 = arith.constant 11 : index
    %get3A_1994 = arith.constant 8 : index
    %get3A_1995 = memref.load %arg1[%get3A_1993, %get3A_1994] : memref<20x10xf32, #tpu.memory_space<smem>>
    %mul3A_1996 = vector.broadcast %get3A_1995 : f32 to vector<32x2048xf32>
    %mul3A_1997 = arith.mulf %get3A_1992, %mul3A_1996 : vector<32x2048xf32>
    %add3A_1998 = arith.addf %add3A_1987, %mul3A_1997 : vector<32x2048xf32>
    %get3A_1999 = arith.constant 12 : index
    %get3A_2000 = arith.constant 0 : index
    %get3A_2001 = arith.constant 0 : index
    %get3A_2002 = vector.load %arg4[%get3A_1999, %get3A_2000, %get3A_2001] : memref<20x32x2048xf32, #tpu.memory_space<vmem>>, vector<1x32x2048xf32>
    %get3A_2003 = vector.shape_cast %get3A_2002 : vector<1x32x2048xf32> to vector<32x2048xf32>
    %get3A_2004 = arith.constant 12 : index
    %get3A_2005 = arith.constant 8 : index
    %get3A_2006 = memref.load %arg1[%get3A_2004, %get3A_2005] : memref<20x10xf32, #tpu.memory_space<smem>>
    %mul3A_2007 = vector.broadcast %get3A_2006 : f32 to vector<32x2048xf32>
    %mul3A_2008 = arith.mulf %get3A_2003, %mul3A_2007 : vector<32x2048xf32>
    %add3A_2009 = arith.addf %add3A_1998, %mul3A_2008 : vector<32x2048xf32>
    %get3A_2010 = arith.constant 13 : index
    %get3A_2011 = arith.constant 0 : index
    %get3A_2012 = arith.constant 0 : index
    %get3A_2013 = vector.load %arg4[%get3A_2010, %get3A_2011, %get3A_2012] : memref<20x32x2048xf32, #tpu.memory_space<vmem>>, vector<1x32x2048xf32>
    %get3A_2014 = vector.shape_cast %get3A_2013 : vector<1x32x2048xf32> to vector<32x2048xf32>
    %get3A_2015 = arith.constant 13 : index
    %get3A_2016 = arith.constant 8 : index
    %get3A_2017 = memref.load %arg1[%get3A_2015, %get3A_2016] : memref<20x10xf32, #tpu.memory_space<smem>>
    %mul3A_2018 = vector.broadcast %get3A_2017 : f32 to vector<32x2048xf32>
    %mul3A_2019 = arith.mulf %get3A_2014, %mul3A_2018 : vector<32x2048xf32>
    %add3A_2020 = arith.addf %add3A_2009, %mul3A_2019 : vector<32x2048xf32>
    %get3A_2021 = arith.constant 14 : index
    %get3A_2022 = arith.constant 0 : index
    %get3A_2023 = arith.constant 0 : index
    %get3A_2024 = vector.load %arg4[%get3A_2021, %get3A_2022, %get3A_2023] : memref<20x32x2048xf32, #tpu.memory_space<vmem>>, vector<1x32x2048xf32>
    %get3A_2025 = vector.shape_cast %get3A_2024 : vector<1x32x2048xf32> to vector<32x2048xf32>
    %get3A_2026 = arith.constant 14 : index
    %get3A_2027 = arith.constant 8 : index
    %get3A_2028 = memref.load %arg1[%get3A_2026, %get3A_2027] : memref<20x10xf32, #tpu.memory_space<smem>>
    %mul3A_2029 = vector.broadcast %get3A_2028 : f32 to vector<32x2048xf32>
    %mul3A_2030 = arith.mulf %get3A_2025, %mul3A_2029 : vector<32x2048xf32>
    %add3A_2031 = arith.addf %add3A_2020, %mul3A_2030 : vector<32x2048xf32>
    %get3A_2032 = arith.constant 15 : index
    %get3A_2033 = arith.constant 0 : index
    %get3A_2034 = arith.constant 0 : index
    %get3A_2035 = vector.load %arg4[%get3A_2032, %get3A_2033, %get3A_2034] : memref<20x32x2048xf32, #tpu.memory_space<vmem>>, vector<1x32x2048xf32>
    %get3A_2036 = vector.shape_cast %get3A_2035 : vector<1x32x2048xf32> to vector<32x2048xf32>
    %get3A_2037 = arith.constant 15 : index
    %get3A_2038 = arith.constant 8 : index
    %get3A_2039 = memref.load %arg1[%get3A_2037, %get3A_2038] : memref<20x10xf32, #tpu.memory_space<smem>>
    %mul3A_2040 = vector.broadcast %get3A_2039 : f32 to vector<32x2048xf32>
    %mul3A_2041 = arith.mulf %get3A_2036, %mul3A_2040 : vector<32x2048xf32>
    %add3A_2042 = arith.addf %add3A_2031, %mul3A_2041 : vector<32x2048xf32>
    %get3A_2043 = arith.constant 16 : index
    %get3A_2044 = arith.constant 0 : index
    %get3A_2045 = arith.constant 0 : index
    %get3A_2046 = vector.load %arg4[%get3A_2043, %get3A_2044, %get3A_2045] : memref<20x32x2048xf32, #tpu.memory_space<vmem>>, vector<1x32x2048xf32>
    %get3A_2047 = vector.shape_cast %get3A_2046 : vector<1x32x2048xf32> to vector<32x2048xf32>
    %get3A_2048 = arith.constant 16 : index
    %get3A_2049 = arith.constant 8 : index
    %get3A_2050 = memref.load %arg1[%get3A_2048, %get3A_2049] : memref<20x10xf32, #tpu.memory_space<smem>>
    %mul3A_2051 = vector.broadcast %get3A_2050 : f32 to vector<32x2048xf32>
    %mul3A_2052 = arith.mulf %get3A_2047, %mul3A_2051 : vector<32x2048xf32>
    %add3A_2053 = arith.addf %add3A_2042, %mul3A_2052 : vector<32x2048xf32>
    %get3A_2054 = arith.constant 17 : index
    %get3A_2055 = arith.constant 0 : index
    %get3A_2056 = arith.constant 0 : index
    %get3A_2057 = vector.load %arg4[%get3A_2054, %get3A_2055, %get3A_2056] : memref<20x32x2048xf32, #tpu.memory_space<vmem>>, vector<1x32x2048xf32>
    %get3A_2058 = vector.shape_cast %get3A_2057 : vector<1x32x2048xf32> to vector<32x2048xf32>
    %get3A_2059 = arith.constant 17 : index
    %get3A_2060 = arith.constant 8 : index
    %get3A_2061 = memref.load %arg1[%get3A_2059, %get3A_2060] : memref<20x10xf32, #tpu.memory_space<smem>>
    %mul3A_2062 = vector.broadcast %get3A_2061 : f32 to vector<32x2048xf32>
    %mul3A_2063 = arith.mulf %get3A_2058, %mul3A_2062 : vector<32x2048xf32>
    %add3A_2064 = arith.addf %add3A_2053, %mul3A_2063 : vector<32x2048xf32>
    %get3A_2065 = arith.constant 18 : index
    %get3A_2066 = arith.constant 0 : index
    %get3A_2067 = arith.constant 0 : index
    %get3A_2068 = vector.load %arg4[%get3A_2065, %get3A_2066, %get3A_2067] : memref<20x32x2048xf32, #tpu.memory_space<vmem>>, vector<1x32x2048xf32>
    %get3A_2069 = vector.shape_cast %get3A_2068 : vector<1x32x2048xf32> to vector<32x2048xf32>
    %get3A_2070 = arith.constant 18 : index
    %get3A_2071 = arith.constant 8 : index
    %get3A_2072 = memref.load %arg1[%get3A_2070, %get3A_2071] : memref<20x10xf32, #tpu.memory_space<smem>>
    %mul3A_2073 = vector.broadcast %get3A_2072 : f32 to vector<32x2048xf32>
    %mul3A_2074 = arith.mulf %get3A_2069, %mul3A_2073 : vector<32x2048xf32>
    %add3A_2075 = arith.addf %add3A_2064, %mul3A_2074 : vector<32x2048xf32>
    %get3A_2076 = arith.constant 19 : index
    %get3A_2077 = arith.constant 0 : index
    %get3A_2078 = arith.constant 0 : index
    %get3A_2079 = vector.load %arg4[%get3A_2076, %get3A_2077, %get3A_2078] : memref<20x32x2048xf32, #tpu.memory_space<vmem>>, vector<1x32x2048xf32>
    %get3A_2080 = vector.shape_cast %get3A_2079 : vector<1x32x2048xf32> to vector<32x2048xf32>
    %get3A_2081 = arith.constant 19 : index
    %get3A_2082 = arith.constant 8 : index
    %get3A_2083 = memref.load %arg1[%get3A_2081, %get3A_2082] : memref<20x10xf32, #tpu.memory_space<smem>>
    %mul3A_2084 = vector.broadcast %get3A_2083 : f32 to vector<32x2048xf32>
    %mul3A_2085 = arith.mulf %get3A_2080, %mul3A_2084 : vector<32x2048xf32>
    %add3A_2086 = arith.addf %add3A_2075, %mul3A_2085 : vector<32x2048xf32>
    %get3A_2087 = arith.constant 8 : index
    %get3A_2088 = memref.load %arg2[%get3A_2087] : memref<10xf32, #tpu.memory_space<smem>>
    %add3A_2089 = vector.broadcast %get3A_2088 : f32 to vector<32x2048xf32>
    %add3A_2090 = arith.addf %add3A_2086, %add3A_2089 : vector<32x2048xf32>
    %max3A_2091 = arith.constant 0.000000e+00 : f32
    %max3A_2092 = vector.broadcast %max3A_2091 : f32 to vector<32x2048xf32>
    %max3A_2093 = arith.maximumf %add3A_2090, %max3A_2092 : vector<32x2048xf32>
    %get3A_2094 = arith.constant 8 : index
    %get3A_2095 = arith.constant 0 : index
    %get3A_2096 = arith.constant 0 : index
    %get3A_2097 = vector.load %arg5[%get3A_2094, %get3A_2095, %get3A_2096] : memref<10x10x2048xf32, #tpu.memory_space<vmem>>, vector<1x10x2048xf32>
    %get3A_2098 = vector.shape_cast %get3A_2097 : vector<1x10x2048xf32> to vector<10x2048xf32>
    %dot_general3A_2099 = arith.constant dense<0.000000e+00> : vector<32x10xf32>
    %dot_general3A_2100 = tpu.matmul %max3A_2093, %get3A_2098, %dot_general3A_2099 {dimension_numbers = #tpu.dot_dimension_numbers<[1], [1], [0], [0], [0, 0, 1, 0], [], []>, transpose_lhs_hint = false} : vector<32x2048xf32>, vector<10x2048xf32>, vector<32x10xf32> -> vector<32x10xf32>
    %add3A_2101 = arith.addf %add3A_1867, %dot_general3A_2100 : vector<32x10xf32>
    %get3A_2102 = arith.constant 0 : index
    %get3A_2103 = arith.constant 0 : index
    %get3A_2104 = arith.constant 0 : index
    %get3A_2105 = vector.load %arg4[%get3A_2102, %get3A_2103, %get3A_2104] : memref<20x32x2048xf32, #tpu.memory_space<vmem>>, vector<1x32x2048xf32>
    %get3A_2106 = vector.shape_cast %get3A_2105 : vector<1x32x2048xf32> to vector<32x2048xf32>
    %get3A_2107 = arith.constant 0 : index
    %get3A_2108 = arith.constant 9 : index
    %get3A_2109 = memref.load %arg1[%get3A_2107, %get3A_2108] : memref<20x10xf32, #tpu.memory_space<smem>>
    %mul3A_2110 = vector.broadcast %get3A_2109 : f32 to vector<32x2048xf32>
    %mul3A_2111 = arith.mulf %get3A_2106, %mul3A_2110 : vector<32x2048xf32>
    %get3A_2112 = arith.constant 1 : index
    %get3A_2113 = arith.constant 0 : index
    %get3A_2114 = arith.constant 0 : index
    %get3A_2115 = vector.load %arg4[%get3A_2112, %get3A_2113, %get3A_2114] : memref<20x32x2048xf32, #tpu.memory_space<vmem>>, vector<1x32x2048xf32>
    %get3A_2116 = vector.shape_cast %get3A_2115 : vector<1x32x2048xf32> to vector<32x2048xf32>
    %get3A_2117 = arith.constant 1 : index
    %get3A_2118 = arith.constant 9 : index
    %get3A_2119 = memref.load %arg1[%get3A_2117, %get3A_2118] : memref<20x10xf32, #tpu.memory_space<smem>>
    %mul3A_2120 = vector.broadcast %get3A_2119 : f32 to vector<32x2048xf32>
    %mul3A_2121 = arith.mulf %get3A_2116, %mul3A_2120 : vector<32x2048xf32>
    %add3A_2122 = arith.addf %mul3A_2111, %mul3A_2121 : vector<32x2048xf32>
    %get3A_2123 = arith.constant 2 : index
    %get3A_2124 = arith.constant 0 : index
    %get3A_2125 = arith.constant 0 : index
    %get3A_2126 = vector.load %arg4[%get3A_2123, %get3A_2124, %get3A_2125] : memref<20x32x2048xf32, #tpu.memory_space<vmem>>, vector<1x32x2048xf32>
    %get3A_2127 = vector.shape_cast %get3A_2126 : vector<1x32x2048xf32> to vector<32x2048xf32>
    %get3A_2128 = arith.constant 2 : index
    %get3A_2129 = arith.constant 9 : index
    %get3A_2130 = memref.load %arg1[%get3A_2128, %get3A_2129] : memref<20x10xf32, #tpu.memory_space<smem>>
    %mul3A_2131 = vector.broadcast %get3A_2130 : f32 to vector<32x2048xf32>
    %mul3A_2132 = arith.mulf %get3A_2127, %mul3A_2131 : vector<32x2048xf32>
    %add3A_2133 = arith.addf %add3A_2122, %mul3A_2132 : vector<32x2048xf32>
    %get3A_2134 = arith.constant 3 : index
    %get3A_2135 = arith.constant 0 : index
    %get3A_2136 = arith.constant 0 : index
    %get3A_2137 = vector.load %arg4[%get3A_2134, %get3A_2135, %get3A_2136] : memref<20x32x2048xf32, #tpu.memory_space<vmem>>, vector<1x32x2048xf32>
    %get3A_2138 = vector.shape_cast %get3A_2137 : vector<1x32x2048xf32> to vector<32x2048xf32>
    %get3A_2139 = arith.constant 3 : index
    %get3A_2140 = arith.constant 9 : index
    %get3A_2141 = memref.load %arg1[%get3A_2139, %get3A_2140] : memref<20x10xf32, #tpu.memory_space<smem>>
    %mul3A_2142 = vector.broadcast %get3A_2141 : f32 to vector<32x2048xf32>
    %mul3A_2143 = arith.mulf %get3A_2138, %mul3A_2142 : vector<32x2048xf32>
    %add3A_2144 = arith.addf %add3A_2133, %mul3A_2143 : vector<32x2048xf32>
    %get3A_2145 = arith.constant 4 : index
    %get3A_2146 = arith.constant 0 : index
    %get3A_2147 = arith.constant 0 : index
    %get3A_2148 = vector.load %arg4[%get3A_2145, %get3A_2146, %get3A_2147] : memref<20x32x2048xf32, #tpu.memory_space<vmem>>, vector<1x32x2048xf32>
    %get3A_2149 = vector.shape_cast %get3A_2148 : vector<1x32x2048xf32> to vector<32x2048xf32>
    %get3A_2150 = arith.constant 4 : index
    %get3A_2151 = arith.constant 9 : index
    %get3A_2152 = memref.load %arg1[%get3A_2150, %get3A_2151] : memref<20x10xf32, #tpu.memory_space<smem>>
    %mul3A_2153 = vector.broadcast %get3A_2152 : f32 to vector<32x2048xf32>
    %mul3A_2154 = arith.mulf %get3A_2149, %mul3A_2153 : vector<32x2048xf32>
    %add3A_2155 = arith.addf %add3A_2144, %mul3A_2154 : vector<32x2048xf32>
    %get3A_2156 = arith.constant 5 : index
    %get3A_2157 = arith.constant 0 : index
    %get3A_2158 = arith.constant 0 : index
    %get3A_2159 = vector.load %arg4[%get3A_2156, %get3A_2157, %get3A_2158] : memref<20x32x2048xf32, #tpu.memory_space<vmem>>, vector<1x32x2048xf32>
    %get3A_2160 = vector.shape_cast %get3A_2159 : vector<1x32x2048xf32> to vector<32x2048xf32>
    %get3A_2161 = arith.constant 5 : index
    %get3A_2162 = arith.constant 9 : index
    %get3A_2163 = memref.load %arg1[%get3A_2161, %get3A_2162] : memref<20x10xf32, #tpu.memory_space<smem>>
    %mul3A_2164 = vector.broadcast %get3A_2163 : f32 to vector<32x2048xf32>
    %mul3A_2165 = arith.mulf %get3A_2160, %mul3A_2164 : vector<32x2048xf32>
    %add3A_2166 = arith.addf %add3A_2155, %mul3A_2165 : vector<32x2048xf32>
    %get3A_2167 = arith.constant 6 : index
    %get3A_2168 = arith.constant 0 : index
    %get3A_2169 = arith.constant 0 : index
    %get3A_2170 = vector.load %arg4[%get3A_2167, %get3A_2168, %get3A_2169] : memref<20x32x2048xf32, #tpu.memory_space<vmem>>, vector<1x32x2048xf32>
    %get3A_2171 = vector.shape_cast %get3A_2170 : vector<1x32x2048xf32> to vector<32x2048xf32>
    %get3A_2172 = arith.constant 6 : index
    %get3A_2173 = arith.constant 9 : index
    %get3A_2174 = memref.load %arg1[%get3A_2172, %get3A_2173] : memref<20x10xf32, #tpu.memory_space<smem>>
    %mul3A_2175 = vector.broadcast %get3A_2174 : f32 to vector<32x2048xf32>
    %mul3A_2176 = arith.mulf %get3A_2171, %mul3A_2175 : vector<32x2048xf32>
    %add3A_2177 = arith.addf %add3A_2166, %mul3A_2176 : vector<32x2048xf32>
    %get3A_2178 = arith.constant 7 : index
    %get3A_2179 = arith.constant 0 : index
    %get3A_2180 = arith.constant 0 : index
    %get3A_2181 = vector.load %arg4[%get3A_2178, %get3A_2179, %get3A_2180] : memref<20x32x2048xf32, #tpu.memory_space<vmem>>, vector<1x32x2048xf32>
    %get3A_2182 = vector.shape_cast %get3A_2181 : vector<1x32x2048xf32> to vector<32x2048xf32>
    %get3A_2183 = arith.constant 7 : index
    %get3A_2184 = arith.constant 9 : index
    %get3A_2185 = memref.load %arg1[%get3A_2183, %get3A_2184] : memref<20x10xf32, #tpu.memory_space<smem>>
    %mul3A_2186 = vector.broadcast %get3A_2185 : f32 to vector<32x2048xf32>
    %mul3A_2187 = arith.mulf %get3A_2182, %mul3A_2186 : vector<32x2048xf32>
    %add3A_2188 = arith.addf %add3A_2177, %mul3A_2187 : vector<32x2048xf32>
    %get3A_2189 = arith.constant 8 : index
    %get3A_2190 = arith.constant 0 : index
    %get3A_2191 = arith.constant 0 : index
    %get3A_2192 = vector.load %arg4[%get3A_2189, %get3A_2190, %get3A_2191] : memref<20x32x2048xf32, #tpu.memory_space<vmem>>, vector<1x32x2048xf32>
    %get3A_2193 = vector.shape_cast %get3A_2192 : vector<1x32x2048xf32> to vector<32x2048xf32>
    %get3A_2194 = arith.constant 8 : index
    %get3A_2195 = arith.constant 9 : index
    %get3A_2196 = memref.load %arg1[%get3A_2194, %get3A_2195] : memref<20x10xf32, #tpu.memory_space<smem>>
    %mul3A_2197 = vector.broadcast %get3A_2196 : f32 to vector<32x2048xf32>
    %mul3A_2198 = arith.mulf %get3A_2193, %mul3A_2197 : vector<32x2048xf32>
    %add3A_2199 = arith.addf %add3A_2188, %mul3A_2198 : vector<32x2048xf32>
    %get3A_2200 = arith.constant 9 : index
    %get3A_2201 = arith.constant 0 : index
    %get3A_2202 = arith.constant 0 : index
    %get3A_2203 = vector.load %arg4[%get3A_2200, %get3A_2201, %get3A_2202] : memref<20x32x2048xf32, #tpu.memory_space<vmem>>, vector<1x32x2048xf32>
    %get3A_2204 = vector.shape_cast %get3A_2203 : vector<1x32x2048xf32> to vector<32x2048xf32>
    %get3A_2205 = arith.constant 9 : index
    %get3A_2206 = arith.constant 9 : index
    %get3A_2207 = memref.load %arg1[%get3A_2205, %get3A_2206] : memref<20x10xf32, #tpu.memory_space<smem>>
    %mul3A_2208 = vector.broadcast %get3A_2207 : f32 to vector<32x2048xf32>
    %mul3A_2209 = arith.mulf %get3A_2204, %mul3A_2208 : vector<32x2048xf32>
    %add3A_2210 = arith.addf %add3A_2199, %mul3A_2209 : vector<32x2048xf32>
    %get3A_2211 = arith.constant 10 : index
    %get3A_2212 = arith.constant 0 : index
    %get3A_2213 = arith.constant 0 : index
    %get3A_2214 = vector.load %arg4[%get3A_2211, %get3A_2212, %get3A_2213] : memref<20x32x2048xf32, #tpu.memory_space<vmem>>, vector<1x32x2048xf32>
    %get3A_2215 = vector.shape_cast %get3A_2214 : vector<1x32x2048xf32> to vector<32x2048xf32>
    %get3A_2216 = arith.constant 10 : index
    %get3A_2217 = arith.constant 9 : index
    %get3A_2218 = memref.load %arg1[%get3A_2216, %get3A_2217] : memref<20x10xf32, #tpu.memory_space<smem>>
    %mul3A_2219 = vector.broadcast %get3A_2218 : f32 to vector<32x2048xf32>
    %mul3A_2220 = arith.mulf %get3A_2215, %mul3A_2219 : vector<32x2048xf32>
    %add3A_2221 = arith.addf %add3A_2210, %mul3A_2220 : vector<32x2048xf32>
    %get3A_2222 = arith.constant 11 : index
    %get3A_2223 = arith.constant 0 : index
    %get3A_2224 = arith.constant 0 : index
    %get3A_2225 = vector.load %arg4[%get3A_2222, %get3A_2223, %get3A_2224] : memref<20x32x2048xf32, #tpu.memory_space<vmem>>, vector<1x32x2048xf32>
    %get3A_2226 = vector.shape_cast %get3A_2225 : vector<1x32x2048xf32> to vector<32x2048xf32>
    %get3A_2227 = arith.constant 11 : index
    %get3A_2228 = arith.constant 9 : index
    %get3A_2229 = memref.load %arg1[%get3A_2227, %get3A_2228] : memref<20x10xf32, #tpu.memory_space<smem>>
    %mul3A_2230 = vector.broadcast %get3A_2229 : f32 to vector<32x2048xf32>
    %mul3A_2231 = arith.mulf %get3A_2226, %mul3A_2230 : vector<32x2048xf32>
    %add3A_2232 = arith.addf %add3A_2221, %mul3A_2231 : vector<32x2048xf32>
    %get3A_2233 = arith.constant 12 : index
    %get3A_2234 = arith.constant 0 : index
    %get3A_2235 = arith.constant 0 : index
    %get3A_2236 = vector.load %arg4[%get3A_2233, %get3A_2234, %get3A_2235] : memref<20x32x2048xf32, #tpu.memory_space<vmem>>, vector<1x32x2048xf32>
    %get3A_2237 = vector.shape_cast %get3A_2236 : vector<1x32x2048xf32> to vector<32x2048xf32>
    %get3A_2238 = arith.constant 12 : index
    %get3A_2239 = arith.constant 9 : index
    %get3A_2240 = memref.load %arg1[%get3A_2238, %get3A_2239] : memref<20x10xf32, #tpu.memory_space<smem>>
    %mul3A_2241 = vector.broadcast %get3A_2240 : f32 to vector<32x2048xf32>
    %mul3A_2242 = arith.mulf %get3A_2237, %mul3A_2241 : vector<32x2048xf32>
    %add3A_2243 = arith.addf %add3A_2232, %mul3A_2242 : vector<32x2048xf32>
    %get3A_2244 = arith.constant 13 : index
    %get3A_2245 = arith.constant 0 : index
    %get3A_2246 = arith.constant 0 : index
    %get3A_2247 = vector.load %arg4[%get3A_2244, %get3A_2245, %get3A_2246] : memref<20x32x2048xf32, #tpu.memory_space<vmem>>, vector<1x32x2048xf32>
    %get3A_2248 = vector.shape_cast %get3A_2247 : vector<1x32x2048xf32> to vector<32x2048xf32>
    %get3A_2249 = arith.constant 13 : index
    %get3A_2250 = arith.constant 9 : index
    %get3A_2251 = memref.load %arg1[%get3A_2249, %get3A_2250] : memref<20x10xf32, #tpu.memory_space<smem>>
    %mul3A_2252 = vector.broadcast %get3A_2251 : f32 to vector<32x2048xf32>
    %mul3A_2253 = arith.mulf %get3A_2248, %mul3A_2252 : vector<32x2048xf32>
    %add3A_2254 = arith.addf %add3A_2243, %mul3A_2253 : vector<32x2048xf32>
    %get3A_2255 = arith.constant 14 : index
    %get3A_2256 = arith.constant 0 : index
    %get3A_2257 = arith.constant 0 : index
    %get3A_2258 = vector.load %arg4[%get3A_2255, %get3A_2256, %get3A_2257] : memref<20x32x2048xf32, #tpu.memory_space<vmem>>, vector<1x32x2048xf32>
    %get3A_2259 = vector.shape_cast %get3A_2258 : vector<1x32x2048xf32> to vector<32x2048xf32>
    %get3A_2260 = arith.constant 14 : index
    %get3A_2261 = arith.constant 9 : index
    %get3A_2262 = memref.load %arg1[%get3A_2260, %get3A_2261] : memref<20x10xf32, #tpu.memory_space<smem>>
    %mul3A_2263 = vector.broadcast %get3A_2262 : f32 to vector<32x2048xf32>
    %mul3A_2264 = arith.mulf %get3A_2259, %mul3A_2263 : vector<32x2048xf32>
    %add3A_2265 = arith.addf %add3A_2254, %mul3A_2264 : vector<32x2048xf32>
    %get3A_2266 = arith.constant 15 : index
    %get3A_2267 = arith.constant 0 : index
    %get3A_2268 = arith.constant 0 : index
    %get3A_2269 = vector.load %arg4[%get3A_2266, %get3A_2267, %get3A_2268] : memref<20x32x2048xf32, #tpu.memory_space<vmem>>, vector<1x32x2048xf32>
    %get3A_2270 = vector.shape_cast %get3A_2269 : vector<1x32x2048xf32> to vector<32x2048xf32>
    %get3A_2271 = arith.constant 15 : index
    %get3A_2272 = arith.constant 9 : index
    %get3A_2273 = memref.load %arg1[%get3A_2271, %get3A_2272] : memref<20x10xf32, #tpu.memory_space<smem>>
    %mul3A_2274 = vector.broadcast %get3A_2273 : f32 to vector<32x2048xf32>
    %mul3A_2275 = arith.mulf %get3A_2270, %mul3A_2274 : vector<32x2048xf32>
    %add3A_2276 = arith.addf %add3A_2265, %mul3A_2275 : vector<32x2048xf32>
    %get3A_2277 = arith.constant 16 : index
    %get3A_2278 = arith.constant 0 : index
    %get3A_2279 = arith.constant 0 : index
    %get3A_2280 = vector.load %arg4[%get3A_2277, %get3A_2278, %get3A_2279] : memref<20x32x2048xf32, #tpu.memory_space<vmem>>, vector<1x32x2048xf32>
    %get3A_2281 = vector.shape_cast %get3A_2280 : vector<1x32x2048xf32> to vector<32x2048xf32>
    %get3A_2282 = arith.constant 16 : index
    %get3A_2283 = arith.constant 9 : index
    %get3A_2284 = memref.load %arg1[%get3A_2282, %get3A_2283] : memref<20x10xf32, #tpu.memory_space<smem>>
    %mul3A_2285 = vector.broadcast %get3A_2284 : f32 to vector<32x2048xf32>
    %mul3A_2286 = arith.mulf %get3A_2281, %mul3A_2285 : vector<32x2048xf32>
    %add3A_2287 = arith.addf %add3A_2276, %mul3A_2286 : vector<32x2048xf32>
    %get3A_2288 = arith.constant 17 : index
    %get3A_2289 = arith.constant 0 : index
    %get3A_2290 = arith.constant 0 : index
    %get3A_2291 = vector.load %arg4[%get3A_2288, %get3A_2289, %get3A_2290] : memref<20x32x2048xf32, #tpu.memory_space<vmem>>, vector<1x32x2048xf32>
    %get3A_2292 = vector.shape_cast %get3A_2291 : vector<1x32x2048xf32> to vector<32x2048xf32>
    %get3A_2293 = arith.constant 17 : index
    %get3A_2294 = arith.constant 9 : index
    %get3A_2295 = memref.load %arg1[%get3A_2293, %get3A_2294] : memref<20x10xf32, #tpu.memory_space<smem>>
    %mul3A_2296 = vector.broadcast %get3A_2295 : f32 to vector<32x2048xf32>
    %mul3A_2297 = arith.mulf %get3A_2292, %mul3A_2296 : vector<32x2048xf32>
    %add3A_2298 = arith.addf %add3A_2287, %mul3A_2297 : vector<32x2048xf32>
    %get3A_2299 = arith.constant 18 : index
    %get3A_2300 = arith.constant 0 : index
    %get3A_2301 = arith.constant 0 : index
    %get3A_2302 = vector.load %arg4[%get3A_2299, %get3A_2300, %get3A_2301] : memref<20x32x2048xf32, #tpu.memory_space<vmem>>, vector<1x32x2048xf32>
    %get3A_2303 = vector.shape_cast %get3A_2302 : vector<1x32x2048xf32> to vector<32x2048xf32>
    %get3A_2304 = arith.constant 18 : index
    %get3A_2305 = arith.constant 9 : index
    %get3A_2306 = memref.load %arg1[%get3A_2304, %get3A_2305] : memref<20x10xf32, #tpu.memory_space<smem>>
    %mul3A_2307 = vector.broadcast %get3A_2306 : f32 to vector<32x2048xf32>
    %mul3A_2308 = arith.mulf %get3A_2303, %mul3A_2307 : vector<32x2048xf32>
    %add3A_2309 = arith.addf %add3A_2298, %mul3A_2308 : vector<32x2048xf32>
    %get3A_2310 = arith.constant 19 : index
    %get3A_2311 = arith.constant 0 : index
    %get3A_2312 = arith.constant 0 : index
    %get3A_2313 = vector.load %arg4[%get3A_2310, %get3A_2311, %get3A_2312] : memref<20x32x2048xf32, #tpu.memory_space<vmem>>, vector<1x32x2048xf32>
    %get3A_2314 = vector.shape_cast %get3A_2313 : vector<1x32x2048xf32> to vector<32x2048xf32>
    %get3A_2315 = arith.constant 19 : index
    %get3A_2316 = arith.constant 9 : index
    %get3A_2317 = memref.load %arg1[%get3A_2315, %get3A_2316] : memref<20x10xf32, #tpu.memory_space<smem>>
    %mul3A_2318 = vector.broadcast %get3A_2317 : f32 to vector<32x2048xf32>
    %mul3A_2319 = arith.mulf %get3A_2314, %mul3A_2318 : vector<32x2048xf32>
    %add3A_2320 = arith.addf %add3A_2309, %mul3A_2319 : vector<32x2048xf32>
    %get3A_2321 = arith.constant 9 : index
    %get3A_2322 = memref.load %arg2[%get3A_2321] : memref<10xf32, #tpu.memory_space<smem>>
    %add3A_2323 = vector.broadcast %get3A_2322 : f32 to vector<32x2048xf32>
    %add3A_2324 = arith.addf %add3A_2320, %add3A_2323 : vector<32x2048xf32>
    %max3A_2325 = arith.constant 0.000000e+00 : f32
    %max3A_2326 = vector.broadcast %max3A_2325 : f32 to vector<32x2048xf32>
    %max3A_2327 = arith.maximumf %add3A_2324, %max3A_2326 : vector<32x2048xf32>
    %get3A_2328 = arith.constant 9 : index
    %get3A_2329 = arith.constant 0 : index
    %get3A_2330 = arith.constant 0 : index
    %get3A_2331 = vector.load %arg5[%get3A_2328, %get3A_2329, %get3A_2330] : memref<10x10x2048xf32, #tpu.memory_space<vmem>>, vector<1x10x2048xf32>
    %get3A_2332 = vector.shape_cast %get3A_2331 : vector<1x10x2048xf32> to vector<10x2048xf32>
    %dot_general3A_2333 = arith.constant dense<0.000000e+00> : vector<32x10xf32>
    %dot_general3A_2334 = tpu.matmul %max3A_2327, %get3A_2332, %dot_general3A_2333 {dimension_numbers = #tpu.dot_dimension_numbers<[1], [1], [0], [0], [0, 0, 1, 0], [], []>, transpose_lhs_hint = false} : vector<32x2048xf32>, vector<10x2048xf32>, vector<32x10xf32> -> vector<32x10xf32>
    %add3A_2335 = arith.addf %add3A_2101, %dot_general3A_2334 : vector<32x10xf32>
    %get3A_2336 = arith.constant 0 : index
    %get3A_2337 = arith.constant 0 : index
    %get3A_2338 = vector.load %arg7[%get3A_2336, %get3A_2337] : memref<32x10xf32, #tpu.memory_space<vmem>>, vector<32x10xf32>
    %add3A_2339 = arith.addf %get3A_2338, %add3A_2335 : vector<32x10xf32>
    %swap3A = arith.constant 0 : index
    %swap3A_2340 = arith.constant 0 : index
    %swap3A_2341 = vector.load %arg7[%swap3A, %swap3A_2340] : memref<32x10xf32, #tpu.memory_space<vmem>>, vector<32x10xf32>
    tpu.vector_store %arg7[%swap3A, %swap3A_2340], %add3A_2339 {strides = array<i32>} : memref<32x10xf32, #tpu.memory_space<vmem>>, vector<32x10xf32>,
    %eq3A_2342 = arith.constant 4 : i32
    %eq3A_2343 = arith.cmpi eq, %arg0, %eq3A_2342 : i32
    %convert_element_type3A_2344 = arith.extui %eq3A_2343 : i1 to i32
    %cond3A_2345 = arith.constant 0 : i32
    %cond3A_2346 = arith.cmpi ne, %convert_element_type3A_2344, %cond3A_2345 : i32
    scf.if %cond3A_2346 {
      %get3A_2347 = arith.constant 0 : index
      %get3A_2348 = arith.constant 0 : index
      %get3A_2349 = vector.load %arg7[%get3A_2347, %get3A_2348] : memref<32x10xf32, #tpu.memory_space<vmem>>, vector<32x10xf32>
      %get3A_2350 = arith.constant 0 : index
      %get3A_2351 = arith.constant 0 : index
      %get3A_2352 = vector.load %arg3[%get3A_2350, %get3A_2351] : memref<1x10xf32, #tpu.memory_space<vmem>>, vector<1x10xf32>
      %add3A_2353 = vector.broadcast %get3A_2352 : vector<1x10xf32> to vector<32x10xf32>
      %add3A_2354 = arith.addf %get3A_2349, %add3A_2353 : vector<32x10xf32>
      %max3A_2355 = arith.constant 0.000000e+00 : f32
      %max3A_2356 = vector.broadcast %max3A_2355 : f32 to vector<32x10xf32>
      %max3A_2357 = arith.maximumf %add3A_2354, %max3A_2356 : vector<32x10xf32>
      %reduce_max3A = arith.constant dense<0xFF800000> : vector<32xf32>
      %reduce_max3A_2358 = vector.multi_reduction <maximumf>, %max3A_2357, %reduce_max3A [1] : vector<32x10xf32> to vector<32xf32>
      %broadcast_in_dim3A = vector.shape_cast %reduce_max3A_2358 : vector<32xf32> to vector<32x1xf32>
      %sub3A = vector.broadcast %broadcast_in_dim3A : vector<32x1xf32> to vector<32x10xf32>
      %sub3A_2359 = arith.subf %max3A_2357, %sub3A : vector<32x10xf32>
      %exp3A = math.exp %sub3A_2359 : vector<32x10xf32>
      %reduce_sum3A = arith.constant dense<0.000000e+00> : vector<32xf32>
      %reduce_sum3A_2360 = vector.multi_reduction <add>, %exp3A, %reduce_sum3A [1] : vector<32x10xf32> to vector<32xf32>
      %broadcast_in_dim3A_2361 = vector.shape_cast %reduce_sum3A_2360 : vector<32xf32> to vector<32x1xf32>
      %div3A = vector.broadcast %broadcast_in_dim3A_2361 : vector<32x1xf32> to vector<32x10xf32>
      %div3A_2362 = arith.divf %exp3A, %div3A : vector<32x10xf32>
      %swap3A_2363 = arith.constant 0 : index
      %swap3A_2364 = arith.constant 0 : index
      %swap3A_2365 = vector.load %arg6[%swap3A_2363, %swap3A_2364] : memref<32x10xf32, #tpu.memory_space<vmem>>, vector<32x10xf32>
      tpu.vector_store %arg6[%swap3A_2363, %swap3A_2364], %div3A_2362 {strides = array<i32>} : memref<32x10xf32, #tpu.memory_space<vmem>>, vector<32x10xf32>,
    } else {
    }
    return
  }
  func.func @transform_0(%arg0: i32) -> (i32, i32) {
    %c0_i32 = arith.constant 0 : i32
    %c0_i32_0 = arith.constant 0 : i32
    %c0_i32_1 = arith.constant 0 : i32
    return %c0_i32, %c0_i32_0 : i32, i32
  }
  func.func @transform_1(%arg0: i32) -> i32 {
    %c0_i32 = arith.constant 0 : i32
    %c0_i32_0 = arith.constant 0 : i32
    return %c0_i32 : i32
  }
  func.func @transform_2(%arg0: i32) -> (i32, i32) {
    %c0_i32 = arith.constant 0 : i32
    %c0_i32_0 = arith.constant 0 : i32
    %c0_i32_1 = arith.constant 0 : i32
    return %c0_i32, %c0_i32_0 : i32, i32
  }
  func.func @transform_3(%arg0: i32) -> (i32, i32, i32) {
    %c0_i32 = arith.constant 0 : i32
    %c0_i32_0 = arith.constant 0 : i32
    %c0_i32_1 = arith.constant 0 : i32
    return %c0_i32, %c0_i32_0, %arg0 : i32, i32, i32
  }
  func.func @transform_4(%arg0: i32) -> (i32, i32, i32) {
    %c0_i32 = arith.constant 0 : i32
    %c0_i32_0 = arith.constant 0 : i32
    %c0_i32_1 = arith.constant 0 : i32
    return %c0_i32, %c0_i32_0, %arg0 : i32, i32, i32
  }
  func.func @transform_5(%arg0: i32) -> (i32, i32) {
    %c0_i32 = arith.constant 0 : i32
    %c0_i32_0 = arith.constant 0 : i32
    %c0_i32_1 = arith.constant 0 : i32
    return %c0_i32, %c0_i32_0 : i32, i32
  }
}

</mosaic_0001>

<sc_bundles>
// kernel: kernel.4.cloned.1.call-start
scs
__scs_entry_jumppad:
0x0: {  	(pc) =	sbr.rel $0x88, $3  }
0x1: {  	(tag) =	ssettag $0x0;
	lr =	simm.s32 $0x1  }
0x2: {  	[smem:$0x3F9A] =	sst lr;
	_ =	strace $0xD0000000  }
0x3: {  	_ = 	snop  }
0x4: {  	_ = 	snop  }
0x5: {  	_ = 	snop  }
0x6: {  	_ = 	snop  }
0x7: {  	_ = 	snop  }
__scs_overlays_trampoline_lowered:
0x8: {  	[smem:$0x3FA9] =	sst s0  }
0x9: {  	[smem:$0x3FAA] =	sst s1  }
0xa: {  	[smem:$0x3FAB] =	sst s2  }
0xb: {  	[smem:$0x3FAC] =	sst s3  }
0xc: {  	[smem:$0x3FAD] =	sst s4  }
0xd: {  	[smem:$0x3FAE] =	sst s5  }
0xe: {  	[smem:$0x3FAF] =	sst s6  }
0xf: {  	[smem:$0x3FB0] =	sst s7  }
0x10: {  	[smem:$0x3FB1] =	sst s8  }
0x11: {  	[smem:$0x3FB2] =	sst s9;
	s0 =	simm.s32 @!p0 $0x0  }
0x12: {  	s1 =	sld [smem:$0x3F98];
	s0 =	simm.s32 @p0 $0x1  }
0x13: {  	[smem:$0x3FB3] =	sst s0;
	s0 =	simm.s32 @!p1 $0x0  }
0x14: {  	s2 =	sld [smem:$0x3F97];
	s0 =	simm.s32 @p1 $0x1  }
0x15: {  	[smem:$0x3FB4] =	sst s0;
	s0 =	simm.s32 @!p2 $0x0  }
0x16: {  	s3 =	sld [smem:$0x3FDB];
	s0 =	simm.s32 @p2 $0x1  }
0x17: {  	s4 =	simm.s32 $0x1BF5;
	[smem:$0x3FB6] =	sst s0  }
0x18: {  	s0 =	sld [smem:$0x3F99];
	_ =	swait.ge [sflag:s4], $0x0  }
0x19: {  	s7 =	sld [smem:$0x3F9A]  }
0x1a: {  	s8 =	sadd.s32 $0xFFFFE003, lr  }
0x1b: {  	s9 =	sadd.s32 $0xFFFFFEF7, lr;
	s5 =	simm.s32 $0xFFFFFFFF;
	p2 =	slt.u32 s8, $0xFFFFF086  }
0x1c: {  	p1 =	slt.u32 s9, $0xF7A;
	s5 =	simm.s32 @!p2 $0x0  }
0x1d: {  	s5 =	simm.s32 @p1 $0x1;
	p0 =	seq.s32 s7, s2  }
0x1e: {  	s7 =	smul.u32 @!p0 $0xF7A, s2;
	p2 =	seq.s32 @!p0 s5, $0x0  }
0x1f: {  	s9 =	smul.u32 $0xF7A, s1;
	s8 =	simm.s32 @!p0 $0x1BF5;
	p2 =	por !p2, p0  }
0x20: {  	[sflag:s8] =	ssyncset.s32 @!p0 $0xFFFFF086;
	s6 =	sadd.s32 @!p0 s3, s7;
	s7 =	simm.s32 @!p0 $0x108  }
0x21: {  	s3 =	sadd.s32 s3, s9;
	s6 =	sadd.s32 @!p0 $0x88, s6;
	s7 =	simm.s32 @p2 $0x1082  }
0x22: {  	[simem:s7], [sflag:s8] =	dma.local @!p0 [hbm:s6], $0xF7A  }
0x23: {  	s9 =	sor.u32 $0xD0000000, s2;
	s6 =	simm.s32 $0x108;
	_ =	swait.ge @!p0 [sflag:s8], $0x0  }
0x24: {  	s3 =	sadd.s32 $0x88, s3;
	s6 =	simm.s32 @!p1 $0x1082;
	[sflag:s4] =	ssyncset.s32 $0xFFFFF086  }
0x25: {  	[simem:s6], [sflag:s4] =	dma.local [hbm:s3], $0xF7A  }
0x26: {  	[smem:$0x3F9A] =	sst s1;
	(tag) =	ssettag s2;
	_ =	strace s9  }
0x27: {  	s1 =	sld [smem:$0x3FAA]  }
0x28: {  	s2 =	sld [smem:$0x3FAB]  }
0x29: {  	s4 =	sld [smem:$0x3FAD]  }
0x2a: {  	p0 =	seq.s32 s5, $0x0;
	s5 =	sld [smem:$0x3FAE]  }
0x2b: {  	s6 =	sld [smem:$0x3FAF]  }
0x2c: {  	s7 =	sld [smem:$0x3FB0]  }
0x2d: {  	s3 =	simm.s32 $0x108;
	s8 =	sld [smem:$0x3FB1]  }
0x2e: {  	s3 =	simm.s32 @!p0 $0x1082;
	s9 =	sld [smem:$0x3FB2]  }
0x2f: {  	lr =	sadd.s32 s0, s3;
	s0 =	sld [smem:$0x3FA9]  }
0x30: {  	s3 =	sld [smem:$0x3FAC]  }
0x31: {  	[smem:$0x3FB5] =	sst s10  }
0x32: {  	s10 =	sld [smem:$0x3FB3];
	_ =	sdelay $0x3  }
0x33: {  	p0 =	seq.s32 s10, $0x1;
	s10 =	sld [smem:$0x3FB5];
	_ =	sdelay $0x3  }
0x34: {  	[smem:$0x3FB5] =	sst s10  }
0x35: {  	s10 =	sld [smem:$0x3FB4];
	_ =	sdelay $0x3  }
0x36: {  	p1 =	seq.s32 s10, $0x1;
	s10 =	sld [smem:$0x3FB5];
	_ =	sdelay $0x3  }
0x37: {  	[smem:$0x3FB5] =	sst s10  }
0x38: {  	s10 =	sld [smem:$0x3FB6]  }
0x39: {  	_ = 	snop;
	(pc) =	sbr.ind lr, $3  }
0x3a: {  	_ = 	snop  }
0x3b: {  	_ = 	snop  }
0x3c: {  	p2 =	seq.s32 s10, $0x1;
	s10 =	sld [smem:$0x3FB5]  }
0x3d: {  	_ =	shalt  }
0x3e: {  	_ =	shalt  }
0x3f: {  	_ =	shalt  }
0x40: {  	_ =	shalt  }
0x41: {  	_ =	shalt  }
0x42: {  	_ =	shalt  }
0x43: {  	_ =	shalt  }
0x44: {  	_ =	shalt  }
0x45: {  	_ =	shalt  }
0x46: {  	_ =	shalt  }
0x47: {  	_ =	shalt  }
0x48: {  	_ =	shalt  }
0x49: {  	_ =	shalt  }
0x4a: {  	_ =	shalt  }
0x4b: {  	_ =	shalt  }
0x4c: {  	_ =	shalt  }
0x4d: {  	_ =	shalt  }
0x4e: {  	_ =	shalt  }
0x4f: {  	_ =	shalt  }
0x50: {  	_ =	shalt  }
0x51: {  	_ =	shalt  }
0x52: {  	_ =	shalt  }
0x53: {  	_ =	shalt  }
0x54: {  	_ =	shalt  }
0x55: {  	_ =	shalt  }
0x56: {  	_ =	shalt  }
0x57: {  	_ =	shalt  }
0x58: {  	_ =	shalt  }
0x59: {  	_ =	shalt  }
0x5a: {  	_ =	shalt  }
0x5b: {  	_ =	shalt  }
0x5c: {  	_ =	shalt  }
0x5d: {  	_ =	shalt  }
0x5e: {  	_ =	shalt  }
0x5f: {  	_ =	shalt  }
0x60: {  	_ =	shalt  }
0x61: {  	_ =	shalt  }
0x62: {  	_ =	shalt  }
0x63: {  	_ =	shalt  }
0x64: {  	_ =	shalt  }
0x65: {  	_ =	shalt  }
0x66: {  	_ =	shalt  }
0x67: {  	_ =	shalt  }
0x68: {  	_ =	shalt  }
0x69: {  	_ =	shalt  }
0x6a: {  	_ =	shalt  }
0x6b: {  	_ =	shalt  }
0x6c: {  	_ =	shalt  }
0x6d: {  	_ =	shalt  }
0x6e: {  	_ =	shalt  }
0x6f: {  	_ =	shalt  }
0x70: {  	_ =	shalt  }
0x71: {  	_ =	shalt  }
0x72: {  	_ =	shalt  }
0x73: {  	_ =	shalt  }
0x74: {  	_ =	shalt  }
0x75: {  	_ =	shalt  }
0x76: {  	_ =	shalt  }
0x77: {  	_ =	shalt  }
0x78: {  	_ =	shalt  }
0x79: {  	_ =	shalt  }
0x7a: {  	_ =	shalt  }
0x7b: {  	_ =	shalt  }
0x7c: {  	_ =	shalt  }
0x7d: {  	_ =	shalt  }
0x7e: {  	_ =	shalt  }
0x7f: {  	_ =	shalt  }
0x80: {  	_ =	shalt  }
0x81: {  	_ =	shalt  }
0x82: {  	_ =	shalt  }
0x83: {  	_ =	shalt  }
0x84: {  	_ =	shalt  }
0x85: {  	_ =	shalt  }
0x86: {  	_ =	shalt  }
0x87: {  	_ =	shalt  }
.Lfunc_end0:
.L_simem_size_0:
called_computation_lowered:
.L_overlay_start_0:
0x88: {  	s2 =	sld [smem:$0x3FD9]  }
0x89: {  	s3 =	sld [smem:$0x3FFE];
	_ =	sdelay $0x1  }
0x8a: {  	s1 =	srdreg.scid  }
0x8b: {  	s0 =	sand.u32 $0x1, s1  }
0x8c: {  	s17 =	sshll.u32 s0, $0xA;
	s2 =	sadd.s32 s3, s2  }
0x8d: {  	s2 =	sadd.s32 s2, s17  }
0x8e: {  	[smem:$0x3FC1] =	sst s2  }
0x8f: {  	_ = 	snop  }
0x90: {  	s2 =	sld [smem:$0x3FC7];
	(tm) =	ssettm $0x1  }
0x91: {  	s18 =	sld [smem:$0x3FFB];
	_ =	sdelay $0x3  }
0x92: {  	_ =	strace s18  }
0x93: {  	s3 =	sld [smem:$0x3FFC];
	_ =	sdelay $0x3  }
0x94: {  	_ =	strace s3  }
0x95: {  	s3 =	sld [smem:$0x3FFD];
	_ =	sdelay $0x3  }
0x96: {  	_ =	strace s3  }
0x97: {  	_ =	strace $0x8FFFFFFF  }
0x98: {  	s19 =	sld [smem:$0x3FDB];
	_ =	sdelay $0x1  }
0x99: {  	s4 =	simm.s32 $_scs_section_size  }
0x9a: {  	s5 =	simm.s32 $_size__tile_overlayer_lowered;
	s6 =	simm.s32 $_tile_overlayer_lowered  }
0x9b: {  	s22 =	simm.s32 $0x1BFF;
	s21 =	sshll.u32 s6, $0x1;
	s3 =	sadd.s32 s4, s19  }
0x9c: {  	s7 =	simm.s32 $0x0;
	s20 =	sshll.u32 s5, $0x1;
	s5 =	sadd.s32 s21, s3  }
0x9d: {  	[timem:s7], [sflag:s22] =	dma.local [hbm:s5], s20  }
0x9e: {  	_ =	swait.ge [sflag:s22], s20  }
0x9f: {  	s4 =	ssub.s32 $0x0, s20;
	[sflag:s22] =	ssyncset.done $0x0  }
0xa0: {  	[sflag:s22] =	ssyncadd.s32 s4;
	_ =	sdelay $0x1  }
0xa1: {  	s23 =	simm.s32 $0x1B8B  }
0xa2: {  	_ =	swait.ge [sflag:s23], $0x1  }
0xa3: {  	[sflag:s23] =	ssyncset.done $0x0  }
0xa4: {  	s25 =	simm.s32 $0x1B8E;
	s24 =	sld [smem:$0x3FFE];
	[sflag:s23] =	ssyncadd.s32 $0xFFFFFFFF  }
0xa5: {  	s26 =	simm.s32 $execute0_lowered;
	[smem:$0x3FD2] =	sst s25  }
0xa6: {  	s5 =	sshll.u32 s26, $0x1;
	_ =	strace $0x80000046;
	[dreg:$0x1] =	wrdreg $0xFFFFFFFF  }
0xa7: {  	s28 =	simm.s32 $_size_execute0_lowered;
	s3 =	sadd.s32 s3, s5;
	[dreg:$0x0] =	wrdreg $0x0  }
0xa8: {  	s5 =	sshll.u32 s28, $0x1;
	[dreg:$0x2] =	wrdreg s3  }
0xa9: {  	[dreg:$0x3] =	wrdreg s5  }
0xaa: {  	[dreg:$0x4] =	wrdreg $0xC0  }
0xab: {  	_ =	task [dreg:s7], $0x5FFFF  }
0xac: {  	[dreg:$0x1] =	wrdreg $0xFFFFFFFF  }
0xad: {  	[dreg:$0x0] =	wrdreg $0x60  }
0xae: {  	[dreg:$0x2] =	wrdreg s24  }
0xaf: {  	[dreg:$0x3] =	wrdreg s2  }
0xb0: {  	[dreg:$0x4] =	wrdreg $0x9  }
0xb1: {  	_ =	task.clear_ibuf [dreg:s7], $0x5FFFF;
	_ =	strace $0x90000046  }
0xb2: {  	s29 =	simm.s32 $0x9;
	_ =	strace $0x80000048  }
0xb3: {  	_ =	swait.ge [sflag:s29], $0x1  }
0xb4: {  	[sflag:s29] =	ssyncadd.s32 $0xFFFFFFFF  }
0xb5: {  	_ =	strace $0x90000048  }
0xb6: {  	_ =	sfence  }
0xb7: {  	s30 =	sld [smem:$0x0];
	_ =	sdelay $0x2  }
0xb8: {  	s31 =	sshll.u32 s1, $0xD;
	s1 =	sshrl.u32 s1, $0x2  }
0xb9: {  	s3 =	sand.u32 $0x4000, s31;
	s1 =	sadd.s32 s1, s30  }
0xba: {  	s0 =	sor.u32 s3, s0;
	s1 =	sshll.u32 s1, $0x11  }
0xbb: {  	s0 =	sor.u32 s1, s0  }
0xbc: {  	s0 =	sadd.s32 $0x8F2B, s0  }
0xbd: {  	[sflag:s0] =	ssyncadd.remote.s32 $0x1  }
0xbe: {  	_ =	sfence.sel $0xFFFF  }
0xbf: {  	[dreg:$0x0] =	wrdreg $0xFFFFFFFF;
	(pc) =	sbr.abs _section_cstart, $3  }
0xc0: {  	[dreg:$0x1] =	wrdreg $0xFFFFFFFF  }
0xc1: {  	_ =	task.clear_ibuf [dreg:s7], $0x2FFFF;
	_ =	strace $0x9FFFFFFF  }
0xc2: {  	(tm) =	ssettm $0x7FFFFFFF  }
0xc3: {  	_ =	shalt  }
tec
execute0_lowered:
.L_overlay_start_1:
0x0: {  	(tag) =	ssettag $0x1  }
0x1: {  	s1 =	rddreg [dreg:$0x0]  }
0x2: {  	s3 =	srdreg.scid;
	s0 =	stileid.u32  }
0x3: {  	s2 =	rddreg [dreg:$0x1];
	s12 =	simm.s32 $0x4;
	s13 =	simm.s32 $0x7800  }
0x4: {  	s14 =	simm.s32 $0xB680;
	s15 =	simm.s32 $0x1;
	s16 =	simm.s32 $0x2  }
0x5: {  	s17 =	simm.s32 $0x9740;
	s18 =	simm.s32 $0xD5C0;
	s19 =	simm.s32 $0x5000  }
0x6: {  	s20 =	simm.s32 $0x2800;
	s5 =	sand.u32 $0x1, s3;
	s4 =	sshll.u32 s0, $0x1  }
0x7: {  	s21 =	simm.s32 $0x3;
	s3 =	simm.s32 $0x0;
	s4 =	sor.u32 s5, s4  }
0x8: {  	s22 =	simm.s32 $0x0;
	[smem:$0x7FF] =	sst s3;
	s6 =	smul.u32 $0x4E2, s4  }
0x9: {  	s7 =	ssub.s32 $0x2, s5;
	s5 =	sadd.s32 $0xF600, s1;
	s10 =	smul.u32 $0x2800, s4  }
0xa: {  	_ =	strace $0x80000047;
	s4 =	sadd.s32 $0xA600, s1;
	s31 =	sshrl.u32 s7, $0x1  }
0xb: {  	s6 =	sadd.s32 s6, s1;
	s8 =	sshrl.u32 s10, $0x3;
	s1 =	ssub.s32 s7, s31  }
0xc: {  	s9 =	sadd.s32 $0xA0000, s10;
	s10 =	sadd.s32 $0xF0000, s10;
	s7 =	sadd.s32 s5, s8  }
0xd: {  	v0 =	vimm.f32 $0.0e+00;
	s6 =	sadd.s32 $0x800, s6;
	s11 =	smax.u32 s1, $0x1;
	s8 =	sadd.s32 $0xA000, s7  }
.LBB2_1:
0xe: {  	[tilespmem:s3], [sflag:$0x4] =	stream.linear.gather [hbm4b:s6+s3], $0x2710, $0x38;
	[tilespmem:$0xF500] =	vst v63  }
0xf: {  	_ =	swait.ge [sflag:s12], $0x2710  }
0x10: {  	[sflag:s12] =	ssyncset.done $0x0  }
0x11: {  	[sflag:s12] =	ssyncadd.s32 $0xFFFFD8F0  }
0x12: {  	[tilespmem:$0x2710] =	vst v0  }
0x13: {  	[tilespmem:$0x2720] =	vst v0  }
0x14: {  	[tilespmem:$0x2730] =	vst v0  }
0x15: {  	[tilespmem:$0x2740] =	vst v0  }
0x16: {  	[tilespmem:$0x2750] =	vst v0  }
0x17: {  	[tilespmem:$0x2760] =	vst v0  }
0x18: {  	[tilespmem:$0x2770] =	vst v0  }
0x19: {  	[tilespmem:$0x2780] =	vst v0  }
0x1a: {  	[tilespmem:$0x2790] =	vst v0  }
0x1b: {  	[tilespmem:$0x27A0] =	vst v0  }
0x1c: {  	[tilespmem:$0x27B0] =	vst v0  }
0x1d: {  	[tilespmem:$0x27C0] =	vst v0  }
0x1e: {  	[tilespmem:$0x27D0] =	vst v0  }
0x1f: {  	[tilespmem:$0x27E0] =	vst v0  }
0x20: {  	[tilespmem:$0x27F0] =	vst v0  }
0x21: {  	[tilespmem:s13], [sflag:$0x1] =	stream.linear.gather [hbm4b:s4+s3], $0x1F40, $0x38;
	[tilespmem:$0xF500] =	vst v63  }
0x22: {  	_ = 	snop  }
0x23: {  	[tilespmem:s14], [sflag:$0x2] =	stream.linear.gather [hbm4b:s2+s3], $0x1F40, $0x38;
	[tilespmem:$0xF500] =	vst v63  }
0x24: {  	s23 =	simm.s32 $0x5040  }
0x25: {  	[hbm4b:s7+s3] =	stream.linear.scatter [tilespmem:s3], [sflag:$0x3], $0x2800, $0x38;
	[tilespmem:$0xF500] =	vst v63  }
0x26: {  	[tilespmem:s23+$0xFFFFFFC0] =	vst v0  }
0x27: {  	[tilespmem:s23+$0x30] =	vst v0  }
0x28: {  	[tilespmem:s23+$0x20] =	vst v0  }
0x29: {  	[tilespmem:s23+$0x10] =	vst v0  }
0x2a: {  	[tilespmem:s23+$0x0] =	vst v0  }
0x2b: {  	[tilespmem:s23+$0xFFFFFFF0] =	vst v0  }
0x2c: {  	s24 =	simm.s32 $0x0;
	[tilespmem:s23+$0xFFFFFFE0] =	vst v0  }
.LBB2_2:
0x2d: {  	s24 =	sadd.s32 $0x8, s24;
	[tilespmem:s23+$0xFFFFFFD0] =	vst v0;
	s23 =	sadd.s32 $0x80, s23;
	s1 =	simm.s32 $0x2840  }
0x2e: {  	[tilespmem:s23+$0xFFFFFFC0] =	vst v0;
	p0 =	slt.u32 s24, $0x278  }
0x2f: {  	[tilespmem:s23+$0x30] =	vst v0  }
.Ltmp0:
0x30: {  	[tilespmem:s23+$0x20] =	vst v0;
	(pc) =	sbr.rel @p0 .LBB2_2-.Ltmp0, $4  }
0x31: {  	[tilespmem:s23+$0x10] =	vst v0  }
0x32: {  	[tilespmem:s23+$0x0] =	vst v0  }
0x33: {  	[tilespmem:s23+$0xFFFFFFF0] =	vst v0  }
0x34: {  	[tilespmem:s23+$0xFFFFFFE0] =	vst v0  }
0x35: {  	[tilespmem:s23+$0xFFFFFFD0] =	vst v0  }
0x36: {  	[tilespmem:s1+$0xFFFFFFC0] =	vst v0  }
0x37: {  	[tilespmem:s1+$0x30] =	vst v0  }
0x38: {  	[tilespmem:s1+$0x20] =	vst v0  }
0x39: {  	[tilespmem:s1+$0x10] =	vst v0  }
0x3a: {  	[tilespmem:s1+$0x0] =	vst v0  }
0x3b: {  	[tilespmem:s1+$0xFFFFFFF0] =	vst v0  }
0x3c: {  	s23 =	simm.s32 $0x0;
	[tilespmem:s1+$0xFFFFFFE0] =	vst v0  }
.LBB2_4:
0x3d: {  	s23 =	sadd.s32 $0x8, s23;
	[tilespmem:s1+$0xFFFFFFD0] =	vst v0;
	s1 =	sadd.s32 $0x80, s1  }
0x3e: {  	[tilespmem:s1+$0xFFFFFFC0] =	vst v0;
	p0 =	slt.u32 s23, $0x278  }
0x3f: {  	[tilespmem:s1+$0x30] =	vst v0  }
.Ltmp1:
0x40: {  	[tilespmem:s1+$0x20] =	vst v0;
	(pc) =	sbr.rel @p0 .LBB2_4-.Ltmp1, $4  }
0x41: {  	[tilespmem:s1+$0x10] =	vst v0  }
0x42: {  	[tilespmem:s1+$0x0] =	vst v0  }
0x43: {  	[tilespmem:s1+$0xFFFFFFF0] =	vst v0  }
0x44: {  	[tilespmem:s1+$0xFFFFFFE0] =	vst v0  }
0x45: {  	[tilespmem:s1+$0xFFFFFFD0] =	vst v0;
	s23 =	simm.s32 $0x0;
	s24 =	simm.s32 $0x0  }
.LBB2_6:
0x46: {  	_ =	swait.ge [sflag:s15], $0x1F40  }
0x47: {  	s25 =	smul.u32 $0x3E80, s24;
	[sflag:s15] =	ssyncset.done $0x0  }
0x48: {  	[sflag:s15] =	ssyncadd.s32 $0xFFFFE0C0  }
0x49: {  	s1 =	sshrl.u32 s25, $0x3;
	_ =	swait.ge [sflag:s16], $0x1F40  }
0x4a: {  	s1 =	sadd.s32 $0x3E8, s1;
	[sflag:s16] =	ssyncset.done $0x0  }
0x4b: {  	s26 =	sadd.s32 s4, s1;
	[sflag:s16] =	ssyncadd.s32 $0xFFFFE0C0  }
0x4c: {  	[tilespmem:s17], [sflag:$0x1] =	stream.linear.gather [hbm4b:s26+s3], $0x1F40, $0x38;
	[tilespmem:$0xF500] =	vst v63  }
0x4d: {  	s31 =	simm.s32 $0x7840;
	s1 =	sadd.s32 s2, s1  }
0x4e: {  	[tilespmem:s18], [sflag:$0x2] =	stream.linear.gather [hbm4b:s1+s3], $0x1F40, $0x38;
	[tilespmem:$0xF500] =	vst v63  }
0x4f: {  	v1 =	vld [tilespmem:s31+$0x30]  }
0x50: {  	v2 =	vld [tilespmem:s31+$0xFFFFFFD0]  }
0x51: {  	v3 =	vld [tilespmem:s31+$0xFFFFFFE0]  }
0x52: {  	v4 =	vld [tilespmem:s31+$0xFFFFFFF0]  }
0x53: {  	v5 =	vld [tilespmem:s31+$0x0]  }
0x54: {  	v7 =	vld [tilespmem:s31+$0x10];
	v6 =	vand.u32 $0x3FFF, v1  }
0x55: {  	v9 =	vld [tilespmem:s31+$0xFFFFFFC0]  }
0x56: {  	s26 =	simm.s32 $0xB6C0;
	v11 =	vld [tilespmem:s31+$0x20]  }
0x57: {  	v15 =	vld [tilespmem:s26+$0x30]  }
0x58: {  	v60 =	vld [tilespmem:s26+$0xFFFFFFD0]  }
0x59: {  	v6 =	vld.idx.msk [tilespmem:v6+s23+$0x0], $0xffff  }
0x5a: {  	v61 =	vld [tilespmem:s26+$0xFFFFFFE0];
	v16 =	vand.u32 $0x3FFF, v9  }
0x5b: {  	v18 =	vld [tilespmem:s26+$0xFFFFFFF0];
	v1 =	vshra.s32 v1, $0xE  }
0x5c: {  	v19 =	vld [tilespmem:s26+$0x0]  }
0x5d: {  	v62 =	vld [tilespmem:s26+$0x10];
	v8 =	vand.u32 $0x3FFF, v2  }
0x5e: {  	v63 =	vld [tilespmem:s26+$0x20];
	v10 =	vand.u32 $0x3FFF, v3;
	v6 =	vmul.f32 v6, v15  }
0x5f: {  	v12 =	vand.u32 $0x3FFF, v4;
	v59 =	vld.idx.msk [tilespmem:v16+s23+$0x0], $0xffff  }
0x60: {  	v13 =	vand.u32 $0x3FFF, v5;
	[tilespmem:v1+s19+$0x0] =	vst.idx.add.f32.msk $0xffff, v6  }
0x61: {  	v14 =	vand.u32 $0x3FFF, v7;
	v1 =	vld [tilespmem:s26+$0xFFFFFFC0]  }
0x62: {  	v17 =	vand.u32 $0x3FFF, v11;
	v8 =	vld.idx.msk [tilespmem:v8+s23+$0x0], $0xffff  }
0x63: {  	v9 =	vshra.s32 v9, $0xE;
	v10 =	vld.idx.msk [tilespmem:v10+s23+$0x0], $0xffff  }
0x64: {  	v2 =	vshra.s32 v2, $0xE;
	v12 =	vld.idx.msk [tilespmem:v12+s23+$0x0], $0xffff  }
0x65: {  	v3 =	vshra.s32 v3, $0xE;
	v13 =	vld.idx.msk [tilespmem:v13+s23+$0x0], $0xffff  }
0x66: {  	v4 =	vshra.s32 v4, $0xE;
	v14 =	vld.idx.msk [tilespmem:v14+s23+$0x0], $0xffff;
	v1 =	vmul.f32 v59, v1  }
0x67: {  	v5 =	vshra.s32 v5, $0xE;
	v8 =	vmul.f32 v8, v60;
	v6 =	vld.idx.msk [tilespmem:v17+s23+$0x0], $0xffff  }
0x68: {  	[tilespmem:v9+s19+$0x0] =	vst.idx.add.f32.msk $0xffff, v1;
	v1 =	vmul.f32 v10, v61  }
0x69: {  	[tilespmem:v2+s19+$0x0] =	vst.idx.add.f32.msk $0xffff, v8;
	v2 =	vmul.f32 v12, v18  }
0x6a: {  	[tilespmem:v3+s19+$0x0] =	vst.idx.add.f32.msk $0xffff, v1;
	v3 =	vmul.f32 v13, v19  }
0x6b: {  	[tilespmem:v4+s19+$0x0] =	vst.idx.add.f32.msk $0xffff, v2;
	v2 =	vshra.s32 v11, $0xE  }
0x6c: {  	s28 =	simm.s32 $0x0;
	s29 =	simm.s32 $0x78C0;
	v4 =	vmul.f32 v14, v62;
	v1 =	vshra.s32 v7, $0xE;
	[tilespmem:v5+s19+$0x0] =	vst.idx.add.f32.msk $0xffff, v3;
	v3 =	vmul.f32 v6, v63  }
.LBB2_7:
0x6d: {  	v5 =	vld [tilespmem:s29+$0x30];
	s28 =	sadd.s32 $0x8, s28  }
0x6e: {  	v6 =	vld [tilespmem:s29+$0xFFFFFFD0];
	p0 =	slt.u32 s28, $0x1E8  }
0x6f: {  	v7 =	vld [tilespmem:s29+$0xFFFFFFE0]  }
0x70: {  	v8 =	vld [tilespmem:s29+$0xFFFFFFF0]  }
0x71: {  	v9 =	vld [tilespmem:s29+$0x0]  }
0x72: {  	v10 =	vld [tilespmem:s29+$0x10];
	v11 =	vand.u32 $0x3FFF, v5  }
0x73: {  	v12 =	vshra.s32 v6, $0xE;
	v6 =	vand.u32 $0x3FFF, v6;
	v13 =	vld [tilespmem:s29+$0x20]  }
0x74: {  	v14 =	vld [tilespmem:s29+$0xFFFFFFC0];
	v15 =	vshra.s32 v7, $0xE;
	v7 =	vand.u32 $0x3FFF, v7  }
0x75: {  	v16 =	vshra.s32 v8, $0xE;
	v8 =	vand.u32 $0x3FFF, v8;
	[tilespmem:v1+s19+$0x0] =	vst.idx.add.f32.msk $0xffff, v4  }
0x76: {  	s30 =	simm.s32 $0x0;
	v17 =	vshra.s32 v9, $0xE;
	v4 =	vand.u32 $0x3FFF, v9;
	[tilespmem:v2+s19+$0x0] =	vst.idx.add.f32.msk $0xffff, v3  }
0x77: {  	s26 =	sadd.s32 $0x80, s26;
	v1 =	vshra.s32 v10, $0xE;
	v3 =	vand.u32 $0x3FFF, v10;
	v9 =	vld.idx.msk [tilespmem:v11+s30+$0x0], $0xffff  }
0x78: {  	v2 =	vshra.s32 v13, $0xE;
	v10 =	vand.u32 $0x3FFF, v13;
	v11 =	vld [tilespmem:s26+$0x30]  }
0x79: {  	v13 =	vshra.s32 v14, $0xE;
	v14 =	vand.u32 $0x3FFF, v14;
	v6 =	vld.idx.msk [tilespmem:v6+s30+$0x0], $0xffff  }
0x7a: {  	v5 =	vshra.s32 v5, $0xE;
	v7 =	vld.idx.msk [tilespmem:v7+s30+$0x0], $0xffff  }
0x7b: {  	v8 =	vld.idx.msk [tilespmem:v8+s30+$0x0], $0xffff  }
0x7c: {  	v4 =	vld.idx.msk [tilespmem:v4+s30+$0x0], $0xffff  }
0x7d: {  	v3 =	vld.idx.msk [tilespmem:v3+s30+$0x0], $0xffff;
	v9 =	vmul.f32 v9, v11  }
0x7e: {  	v11 =	vld.idx.msk [tilespmem:v14+s30+$0x0], $0xffff  }
0x7f: {  	[tilespmem:v5+s19+$0x0] =	vst.idx.add.f32.msk $0xffff, v9  }
0x80: {  	v5 =	vld.idx.msk [tilespmem:v10+s30+$0x0], $0xffff  }
0x81: {  	v9 =	vld [tilespmem:s26+$0xFFFFFFC0]  }
0x82: {  	v10 =	vld [tilespmem:s26+$0xFFFFFFD0]  }
0x83: {  	v14 =	vld [tilespmem:s26+$0xFFFFFFE0]  }
0x84: {  	v18 =	vld [tilespmem:s26+$0xFFFFFFF0]  }
0x85: {  	v19 =	vld [tilespmem:s26+$0x0]  }
0x86: {  	v9 =	vmul.f32 v11, v9;
	v11 =	vld [tilespmem:s26+$0x10]  }
0x87: {  	v6 =	vmul.f32 v6, v10;
	v10 =	vld [tilespmem:s26+$0x20]  }
.Ltmp2:
0x88: {  	[tilespmem:v13+s19+$0x0] =	vst.idx.add.f32.msk $0xffff, v9;
	v7 =	vmul.f32 v7, v14;
	(pc) =	sbr.rel @p0 .LBB2_7-.Ltmp2, $4  }
0x89: {  	[tilespmem:v12+s19+$0x0] =	vst.idx.add.f32.msk $0xffff, v6;
	v6 =	vmul.f32 v8, v18  }
0x8a: {  	[tilespmem:v15+s19+$0x0] =	vst.idx.add.f32.msk $0xffff, v7;
	v7 =	vmul.f32 v4, v19  }
0x8b: {  	[tilespmem:v16+s19+$0x0] =	vst.idx.add.f32.msk $0xffff, v6;
	v4 =	vmul.f32 v3, v11  }
0x8c: {  	s29 =	sadd.s32 $0x80, s29;
	[tilespmem:v17+s19+$0x0] =	vst.idx.add.f32.msk $0xffff, v7;
	v3 =	vmul.f32 v5, v10  }
0x8d: {  	_ =	sdelay $0x3  }
0x8e: {  	[tilespmem:v1+s19+$0x0] =	vst.idx.add.f32.msk $0xffff, v4  }
0x8f: {  	[tilespmem:v2+s19+$0x0] =	vst.idx.add.f32.msk $0xffff, v3  }
.LBB2_9:
0x90: {  	s1 =	sshra.s32 s30, $0x2  }
0x91: {  	v1 =	vld [tilespmem:s1+$0x9700];
	_ =	sdelay $0x4  }
0x92: {  	v2 =	vand.u32 $0x3FFF, v1;
	_ =	sdelay $0x3  }
0x93: {  	v3 =	vld [tilespmem:s1+$0xD580]  }
0x94: {  	v2 =	vld.idx.msk [tilespmem:v2+s3+$0x0], $0xffff;
	_ =	sdelay $0x1  }
0x95: {  	p0 =	sne.s32 s30, $0xC0;
	v1 =	vshra.s32 v1, $0xE  }
.Ltmp3:
0x96: {  	_ = 	snop;
	(pc) =	sbr.rel @p0 .LBB2_9-.Ltmp3, $3  }
0x97: {  	_ = 	snop  }
0x98: {  	v2 =	vmul.f32 v2, v3;
	_ =	sdelay $0x1  }
0x99: {  	s30 =	sadd.s32 $0x40, s30;
	[tilespmem:v1+s19+$0x0] =	vst.idx.add.f32.msk $0xffff, v2  }
0x9a: {  	_ =	swait.ge [sflag:s15], $0x1F40  }
0x9b: {  	[sflag:s15] =	ssyncset.done $0x0  }
0x9c: {  	p0 =	seq.s32 s24, $0x9;
	[sflag:s15] =	ssyncadd.s32 $0xFFFFE0C0  }
0x9d: {  	s1 =	sshrl.u32 @!p0 s25, $0x3;
	_ =	swait.ge [sflag:s16], $0x1F40  }
0x9e: {  	s26 =	simm.s32 @!p0 $0x0;
	s1 =	sadd.s32 @!p0 $0x7D0, s1;
	[sflag:s16] =	ssyncset.done $0x0  }
0x9f: {  	s28 =	simm.s32 @!p0 $0x7800;
	s25 =	sadd.s32 @!p0 s4, s1;
	[sflag:s16] =	ssyncadd.s32 $0xFFFFE0C0  }
0xa0: {  	[tilespmem:s28], [sflag:$0x1] =	stream.linear.gather @!p0 [hbm4b:s25+s26], $0x1F40, $0x38;
	[tilespmem:$0xF500] =	vst v63  }
0xa1: {  	s31 =	simm.s32 $0x9780;
	s1 =	sadd.s32 @!p0 s2, s1;
	s25 =	simm.s32 @!p0 $0xB680  }
0xa2: {  	[tilespmem:s25], [sflag:$0x2] =	stream.linear.gather @!p0 [hbm4b:s1+s26], $0x1F40, $0x38;
	[tilespmem:$0xF500] =	vst v63  }
0xa3: {  	v1 =	vld [tilespmem:s31+$0x30]  }
0xa4: {  	v2 =	vld [tilespmem:s31+$0xFFFFFFD0]  }
0xa5: {  	v3 =	vld [tilespmem:s31+$0xFFFFFFE0]  }
0xa6: {  	v4 =	vld [tilespmem:s31+$0xFFFFFFF0]  }
0xa7: {  	v5 =	vld [tilespmem:s31+$0x0]  }
0xa8: {  	v7 =	vld [tilespmem:s31+$0x10]  }
0xa9: {  	v9 =	vld [tilespmem:s31+$0xFFFFFFC0]  }
0xaa: {  	s26 =	simm.s32 $0xD600;
	v11 =	vld [tilespmem:s31+$0x20];
	v6 =	vand.u32 $0x3FFF, v1  }
0xab: {  	v15 =	vld [tilespmem:s26+$0x30]  }
0xac: {  	v59 =	vld [tilespmem:s26+$0xFFFFFFD0]  }
0xad: {  	v60 =	vld [tilespmem:s26+$0xFFFFFFE0]  }
0xae: {  	s25 =	simm.s32 $0x0;
	v18 =	vld [tilespmem:s26+$0xFFFFFFF0];
	v8 =	vand.u32 $0x3FFF, v2  }
0xaf: {  	v13 =	vand.u32 $0x3FFF, v5;
	v6 =	vld.idx.msk [tilespmem:v6+s25+$0x0], $0xffff  }
0xb0: {  	v19 =	vld [tilespmem:s26+$0x0];
	v16 =	vand.u32 $0x3FFF, v9  }
0xb1: {  	v61 =	vld [tilespmem:s26+$0x10];
	v1 =	vshra.s32 v1, $0xE  }
0xb2: {  	v62 =	vld [tilespmem:s26+$0x20]  }
0xb3: {  	v12 =	vand.u32 $0x3FFF, v4;
	v8 =	vld.idx.msk [tilespmem:v8+s25+$0x0], $0xffff  }
0xb4: {  	v10 =	vand.u32 $0x3FFF, v3;
	v13 =	vld.idx.msk [tilespmem:v13+s25+$0x0], $0xffff;
	v6 =	vmul.f32 v6, v15  }
0xb5: {  	v14 =	vand.u32 $0x3FFF, v7;
	v58 =	vld.idx.msk [tilespmem:v16+s25+$0x0], $0xffff  }
0xb6: {  	v17 =	vand.u32 $0x3FFF, v11;
	[tilespmem:v1+s19+$0x0] =	vst.idx.add.f32.msk $0xffff, v6  }
0xb7: {  	v2 =	vshra.s32 v2, $0xE;
	v1 =	vld [tilespmem:s26+$0xFFFFFFC0]  }
0xb8: {  	v5 =	vshra.s32 v5, $0xE;
	v12 =	vld.idx.msk [tilespmem:v12+s25+$0x0], $0xffff  }
0xb9: {  	v9 =	vshra.s32 v9, $0xE;
	v10 =	vld.idx.msk [tilespmem:v10+s25+$0x0], $0xffff  }
0xba: {  	v4 =	vshra.s32 v4, $0xE;
	v14 =	vld.idx.msk [tilespmem:v14+s25+$0x0], $0xffff;
	v8 =	vmul.f32 v8, v59  }
0xbb: {  	v3 =	vshra.s32 v3, $0xE;
	v63 =	vmul.f32 v13, v19;
	v6 =	vld.idx.msk [tilespmem:v17+s25+$0x0], $0xffff  }
0xbc: {  	[tilespmem:v2+s19+$0x0] =	vst.idx.add.f32.msk $0xffff, v8;
	v1 =	vmul.f32 v58, v1  }
0xbd: {  	v2 =	vmul.f32 v12, v18;
	[tilespmem:v5+s19+$0x0] =	vst.idx.add.f32.msk $0xffff, v63  }
0xbe: {  	[tilespmem:v9+s19+$0x0] =	vst.idx.add.f32.msk $0xffff, v1;
	v1 =	vmul.f32 v10, v60  }
0xbf: {  	[tilespmem:v4+s19+$0x0] =	vst.idx.add.f32.msk $0xffff, v2;
	v2 =	vshra.s32 v11, $0xE  }
0xc0: {  	s29 =	simm.s32 $0x9800;
	s28 =	simm.s32 $0x0;
	v4 =	vmul.f32 v6, v62;
	[tilespmem:v3+s19+$0x0] =	vst.idx.add.f32.msk $0xffff, v1;
	v1 =	vshra.s32 v7, $0xE;
	v3 =	vmul.f32 v14, v61  }
.LBB2_11:
0xc1: {  	v5 =	vld [tilespmem:s29+$0x30];
	s28 =	sadd.s32 $0x8, s28  }
0xc2: {  	v6 =	vld [tilespmem:s29+$0xFFFFFFD0];
	p0 =	slt.u32 s28, $0x1E8  }
0xc3: {  	v7 =	vld [tilespmem:s29+$0xFFFFFFE0]  }
0xc4: {  	v8 =	vld [tilespmem:s29+$0xFFFFFFF0]  }
0xc5: {  	v9 =	vld [tilespmem:s29+$0x0]  }
0xc6: {  	v10 =	vld [tilespmem:s29+$0x10];
	v11 =	vand.u32 $0x3FFF, v5  }
0xc7: {  	v12 =	vshra.s32 v6, $0xE;
	v6 =	vand.u32 $0x3FFF, v6;
	v13 =	vld [tilespmem:s29+$0x20]  }
0xc8: {  	v14 =	vld [tilespmem:s29+$0xFFFFFFC0];
	v15 =	vshra.s32 v7, $0xE;
	v7 =	vand.u32 $0x3FFF, v7  }
0xc9: {  	v16 =	vshra.s32 v8, $0xE;
	v8 =	vand.u32 $0x3FFF, v8;
	[tilespmem:v1+s19+$0x0] =	vst.idx.add.f32.msk $0xffff, v3  }
0xca: {  	v17 =	vshra.s32 v9, $0xE;
	v3 =	vand.u32 $0x3FFF, v9;
	[tilespmem:v2+s19+$0x0] =	vst.idx.add.f32.msk $0xffff, v4  }
0xcb: {  	s26 =	sadd.s32 $0x80, s26;
	v1 =	vshra.s32 v10, $0xE;
	v4 =	vand.u32 $0x3FFF, v10;
	v9 =	vld.idx.msk [tilespmem:v11+s25+$0x0], $0xffff  }
0xcc: {  	v2 =	vshra.s32 v13, $0xE;
	v10 =	vand.u32 $0x3FFF, v13;
	v11 =	vld [tilespmem:s26+$0x30]  }
0xcd: {  	v13 =	vshra.s32 v14, $0xE;
	v14 =	vand.u32 $0x3FFF, v14;
	v6 =	vld.idx.msk [tilespmem:v6+s25+$0x0], $0xffff  }
0xce: {  	v5 =	vshra.s32 v5, $0xE;
	v7 =	vld.idx.msk [tilespmem:v7+s25+$0x0], $0xffff  }
0xcf: {  	v8 =	vld.idx.msk [tilespmem:v8+s25+$0x0], $0xffff  }
0xd0: {  	v3 =	vld.idx.msk [tilespmem:v3+s25+$0x0], $0xffff  }
0xd1: {  	v4 =	vld.idx.msk [tilespmem:v4+s25+$0x0], $0xffff;
	v9 =	vmul.f32 v9, v11  }
0xd2: {  	v11 =	vld.idx.msk [tilespmem:v14+s25+$0x0], $0xffff  }
0xd3: {  	[tilespmem:v5+s19+$0x0] =	vst.idx.add.f32.msk $0xffff, v9  }
0xd4: {  	v5 =	vld.idx.msk [tilespmem:v10+s25+$0x0], $0xffff  }
0xd5: {  	v9 =	vld [tilespmem:s26+$0xFFFFFFC0]  }
0xd6: {  	v10 =	vld [tilespmem:s26+$0xFFFFFFD0]  }
0xd7: {  	v14 =	vld [tilespmem:s26+$0xFFFFFFE0]  }
0xd8: {  	v18 =	vld [tilespmem:s26+$0xFFFFFFF0]  }
0xd9: {  	v19 =	vld [tilespmem:s26+$0x0]  }
0xda: {  	v9 =	vmul.f32 v11, v9;
	v11 =	vld [tilespmem:s26+$0x10]  }
0xdb: {  	v6 =	vmul.f32 v6, v10;
	v10 =	vld [tilespmem:s26+$0x20]  }
.Ltmp4:
0xdc: {  	[tilespmem:v13+s19+$0x0] =	vst.idx.add.f32.msk $0xffff, v9;
	v7 =	vmul.f32 v7, v14;
	(pc) =	sbr.rel @p0 .LBB2_11-.Ltmp4, $4  }
0xdd: {  	[tilespmem:v12+s19+$0x0] =	vst.idx.add.f32.msk $0xffff, v6;
	v6 =	vmul.f32 v8, v18  }
0xde: {  	[tilespmem:v15+s19+$0x0] =	vst.idx.add.f32.msk $0xffff, v7;
	v7 =	vmul.f32 v3, v19  }
0xdf: {  	[tilespmem:v16+s19+$0x0] =	vst.idx.add.f32.msk $0xffff, v6;
	v3 =	vmul.f32 v4, v11  }
0xe0: {  	s29 =	sadd.s32 $0x80, s29;
	[tilespmem:v17+s19+$0x0] =	vst.idx.add.f32.msk $0xffff, v7;
	v4 =	vmul.f32 v5, v10  }
0xe1: {  	_ =	sdelay $0x3  }
0xe2: {  	[tilespmem:v1+s19+$0x0] =	vst.idx.add.f32.msk $0xffff, v3  }
0xe3: {  	[tilespmem:v2+s19+$0x0] =	vst.idx.add.f32.msk $0xffff, v4  }
.LBB2_13:
0xe4: {  	s1 =	sshra.s32 s25, $0x2  }
0xe5: {  	v1 =	vld [tilespmem:s1+$0xB640];
	_ =	sdelay $0x4  }
0xe6: {  	v2 =	vand.u32 $0x3FFF, v1;
	_ =	sdelay $0x3  }
0xe7: {  	v3 =	vld [tilespmem:s1+$0xF4C0]  }
0xe8: {  	v2 =	vld.idx.msk [tilespmem:v2+s3+$0x0], $0xffff;
	_ =	sdelay $0x1  }
0xe9: {  	p0 =	sne.s32 s25, $0xC0;
	v1 =	vshra.s32 v1, $0xE  }
.Ltmp5:
0xea: {  	_ = 	snop;
	(pc) =	sbr.rel @p0 .LBB2_13-.Ltmp5, $3  }
0xeb: {  	_ = 	snop  }
0xec: {  	v2 =	vmul.f32 v2, v3;
	_ =	sdelay $0x1  }
0xed: {  	s25 =	sadd.s32 $0x40, s25;
	[tilespmem:v1+s19+$0x0] =	vst.idx.add.f32.msk $0xffff, v2  }
0xee: {  	s24 =	sadd.s32 $0x1, s24  }
0xef: {  	p0 =	sne.s32 s24, $0xA  }
.Ltmp6:
0xf0: {  	_ = 	snop;
	(pc) =	sbr.rel @p0 .LBB2_6-.Ltmp6, $1  }
0xf1: {  	_ =	sdelay $0x3  }
0xf2: {  	s23 =	simm.s32 $0x0  }
0xf3: {  	[tilespmem:s13], [sflag:$0x1] =	stream.linear.gather [hbm4b:s4+s23], $0x1F40, $0x38;
	[tilespmem:$0xF500] =	vst v63  }
0xf4: {  	_ = 	snop  }
0xf5: {  	[tilespmem:s14], [sflag:$0x2] =	stream.linear.gather [hbm4b:s2+s23], $0x1F40, $0x38;
	[tilespmem:$0xF500] =	vst v63  }
0xf6: {  	_ = 	snop  }
0xf7: {  	[hbm4b:s8+s23] =	stream.linear.scatter [tilespmem:s19], [sflag:$0x3], $0x2800, $0x38;
	[tilespmem:$0xF500] =	vst v63  }
.LBB2_16:
0xf8: {  	s24 =	simm.s32 $0x0  }
.LBB2_17:
0xf9: {  	_ =	swait.ge [sflag:s15], $0x1F40  }
0xfa: {  	s25 =	smul.u32 $0x3E80, s24;
	[sflag:s15] =	ssyncset.done $0x0  }
0xfb: {  	[sflag:s15] =	ssyncadd.s32 $0xFFFFE0C0  }
0xfc: {  	s1 =	sshrl.u32 s25, $0x3;
	_ =	swait.ge [sflag:s16], $0x1F40  }
0xfd: {  	s1 =	sadd.s32 $0x3E8, s1;
	[sflag:s16] =	ssyncset.done $0x0  }
0xfe: {  	s26 =	sadd.s32 s4, s1;
	[sflag:s16] =	ssyncadd.s32 $0xFFFFE0C0  }
0xff: {  	[tilespmem:s17], [sflag:$0x1] =	stream.linear.gather [hbm4b:s26+s3], $0x1F40, $0x38;
	[tilespmem:$0xF500] =	vst v63  }
0x100: {  	s31 =	simm.s32 $0x7840;
	s1 =	sadd.s32 s2, s1  }
0x101: {  	[tilespmem:s18], [sflag:$0x2] =	stream.linear.gather [hbm4b:s1+s3], $0x1F40, $0x38;
	[tilespmem:$0xF500] =	vst v63  }
0x102: {  	v1 =	vld [tilespmem:s31+$0x30]  }
0x103: {  	v2 =	vld [tilespmem:s31+$0xFFFFFFD0]  }
0x104: {  	v3 =	vld [tilespmem:s31+$0xFFFFFFE0]  }
0x105: {  	v4 =	vld [tilespmem:s31+$0xFFFFFFF0]  }
0x106: {  	v5 =	vld [tilespmem:s31+$0x0]  }
0x107: {  	v7 =	vld [tilespmem:s31+$0x10]  }
0x108: {  	v9 =	vld [tilespmem:s31+$0xFFFFFFC0]  }
0x109: {  	s26 =	simm.s32 $0xB6C0;
	v11 =	vld [tilespmem:s31+$0x20];
	v6 =	vand.u32 $0x3FFF, v1  }
0x10a: {  	v15 =	vld [tilespmem:s26+$0x30]  }
0x10b: {  	v59 =	vld [tilespmem:s26+$0xFFFFFFD0]  }
0x10c: {  	v60 =	vld [tilespmem:s26+$0xFFFFFFE0]  }
0x10d: {  	v18 =	vld [tilespmem:s26+$0xFFFFFFF0];
	v8 =	vand.u32 $0x3FFF, v2  }
0x10e: {  	v13 =	vand.u32 $0x3FFF, v5;
	v6 =	vld.idx.msk [tilespmem:v6+s19+$0x0], $0xffff  }
0x10f: {  	v19 =	vld [tilespmem:s26+$0x0];
	v16 =	vand.u32 $0x3FFF, v9  }
0x110: {  	v61 =	vld [tilespmem:s26+$0x10];
	v1 =	vshra.s32 v1, $0xE  }
0x111: {  	v62 =	vld [tilespmem:s26+$0x20]  }
0x112: {  	v12 =	vand.u32 $0x3FFF, v4;
	v8 =	vld.idx.msk [tilespmem:v8+s19+$0x0], $0xffff  }
0x113: {  	v10 =	vand.u32 $0x3FFF, v3;
	v13 =	vld.idx.msk [tilespmem:v13+s19+$0x0], $0xffff;
	v6 =	vmul.f32 v6, v15  }
0x114: {  	v14 =	vand.u32 $0x3FFF, v7;
	v58 =	vld.idx.msk [tilespmem:v16+s19+$0x0], $0xffff  }
0x115: {  	v17 =	vand.u32 $0x3FFF, v11;
	[tilespmem:v1+s20+$0x0] =	vst.idx.add.f32.msk $0xffff, v6  }
0x116: {  	v2 =	vshra.s32 v2, $0xE;
	v1 =	vld [tilespmem:s26+$0xFFFFFFC0]  }
0x117: {  	v5 =	vshra.s32 v5, $0xE;
	v12 =	vld.idx.msk [tilespmem:v12+s19+$0x0], $0xffff  }
0x118: {  	v9 =	vshra.s32 v9, $0xE;
	v10 =	vld.idx.msk [tilespmem:v10+s19+$0x0], $0xffff  }
0x119: {  	v4 =	vshra.s32 v4, $0xE;
	v14 =	vld.idx.msk [tilespmem:v14+s19+$0x0], $0xffff;
	v8 =	vmul.f32 v8, v59  }
0x11a: {  	v3 =	vshra.s32 v3, $0xE;
	v63 =	vmul.f32 v13, v19;
	v6 =	vld.idx.msk [tilespmem:v17+s19+$0x0], $0xffff  }
0x11b: {  	[tilespmem:v2+s20+$0x0] =	vst.idx.add.f32.msk $0xffff, v8;
	v1 =	vmul.f32 v58, v1  }
0x11c: {  	v2 =	vmul.f32 v12, v18;
	[tilespmem:v5+s20+$0x0] =	vst.idx.add.f32.msk $0xffff, v63  }
0x11d: {  	[tilespmem:v9+s20+$0x0] =	vst.idx.add.f32.msk $0xffff, v1;
	v1 =	vmul.f32 v10, v60  }
0x11e: {  	[tilespmem:v4+s20+$0x0] =	vst.idx.add.f32.msk $0xffff, v2;
	v2 =	vshra.s32 v11, $0xE  }
0x11f: {  	s28 =	simm.s32 $0x0;
	s29 =	simm.s32 $0x78C0;
	v4 =	vmul.f32 v6, v62;
	[tilespmem:v3+s20+$0x0] =	vst.idx.add.f32.msk $0xffff, v1;
	v1 =	vshra.s32 v7, $0xE;
	v3 =	vmul.f32 v14, v61  }
.LBB2_18:
0x120: {  	v5 =	vld [tilespmem:s29+$0x30];
	s28 =	sadd.s32 $0x8, s28  }
0x121: {  	v6 =	vld [tilespmem:s29+$0xFFFFFFD0];
	p0 =	slt.u32 s28, $0x1E8  }
0x122: {  	v7 =	vld [tilespmem:s29+$0xFFFFFFE0]  }
0x123: {  	v8 =	vld [tilespmem:s29+$0xFFFFFFF0]  }
0x124: {  	v9 =	vld [tilespmem:s29+$0x0]  }
0x125: {  	v10 =	vld [tilespmem:s29+$0x10];
	v11 =	vand.u32 $0x3FFF, v5  }
0x126: {  	v12 =	vshra.s32 v6, $0xE;
	v6 =	vand.u32 $0x3FFF, v6;
	v13 =	vld [tilespmem:s29+$0x20]  }
0x127: {  	v14 =	vld [tilespmem:s29+$0xFFFFFFC0];
	v15 =	vshra.s32 v7, $0xE;
	v7 =	vand.u32 $0x3FFF, v7  }
0x128: {  	v16 =	vshra.s32 v8, $0xE;
	v8 =	vand.u32 $0x3FFF, v8;
	[tilespmem:v1+s20+$0x0] =	vst.idx.add.f32.msk $0xffff, v3  }
0x129: {  	v17 =	vshra.s32 v9, $0xE;
	v3 =	vand.u32 $0x3FFF, v9;
	[tilespmem:v2+s20+$0x0] =	vst.idx.add.f32.msk $0xffff, v4  }
0x12a: {  	s26 =	sadd.s32 $0x80, s26;
	v1 =	vshra.s32 v10, $0xE;
	v4 =	vand.u32 $0x3FFF, v10;
	v9 =	vld.idx.msk [tilespmem:v11+s19+$0x0], $0xffff  }
0x12b: {  	v2 =	vshra.s32 v13, $0xE;
	v10 =	vand.u32 $0x3FFF, v13;
	v11 =	vld [tilespmem:s26+$0x30]  }
0x12c: {  	v13 =	vshra.s32 v14, $0xE;
	v14 =	vand.u32 $0x3FFF, v14;
	v6 =	vld.idx.msk [tilespmem:v6+s19+$0x0], $0xffff  }
0x12d: {  	v5 =	vshra.s32 v5, $0xE;
	v7 =	vld.idx.msk [tilespmem:v7+s19+$0x0], $0xffff  }
0x12e: {  	v8 =	vld.idx.msk [tilespmem:v8+s19+$0x0], $0xffff  }
0x12f: {  	v3 =	vld.idx.msk [tilespmem:v3+s19+$0x0], $0xffff  }
0x130: {  	v4 =	vld.idx.msk [tilespmem:v4+s19+$0x0], $0xffff;
	v9 =	vmul.f32 v9, v11  }
0x131: {  	v11 =	vld.idx.msk [tilespmem:v14+s19+$0x0], $0xffff  }
0x132: {  	s1 =	simm.s32 $0x0;
	[tilespmem:v5+s20+$0x0] =	vst.idx.add.f32.msk $0xffff, v9  }
0x133: {  	v5 =	vld.idx.msk [tilespmem:v10+s19+$0x0], $0xffff  }
0x134: {  	v9 =	vld [tilespmem:s26+$0xFFFFFFC0]  }
0x135: {  	v10 =	vld [tilespmem:s26+$0xFFFFFFD0]  }
0x136: {  	v14 =	vld [tilespmem:s26+$0xFFFFFFE0]  }
0x137: {  	v18 =	vld [tilespmem:s26+$0xFFFFFFF0]  }
0x138: {  	v19 =	vld [tilespmem:s26+$0x0]  }
0x139: {  	v9 =	vmul.f32 v11, v9;
	v11 =	vld [tilespmem:s26+$0x10]  }
0x13a: {  	v6 =	vmul.f32 v6, v10;
	v10 =	vld [tilespmem:s26+$0x20]  }
.Ltmp7:
0x13b: {  	[tilespmem:v13+s20+$0x0] =	vst.idx.add.f32.msk $0xffff, v9;
	v7 =	vmul.f32 v7, v14;
	(pc) =	sbr.rel @p0 .LBB2_18-.Ltmp7, $4  }
0x13c: {  	[tilespmem:v12+s20+$0x0] =	vst.idx.add.f32.msk $0xffff, v6;
	v6 =	vmul.f32 v8, v18  }
0x13d: {  	[tilespmem:v15+s20+$0x0] =	vst.idx.add.f32.msk $0xffff, v7;
	v7 =	vmul.f32 v3, v19  }
0x13e: {  	[tilespmem:v16+s20+$0x0] =	vst.idx.add.f32.msk $0xffff, v6;
	v3 =	vmul.f32 v4, v11  }
0x13f: {  	s29 =	sadd.s32 $0x80, s29;
	[tilespmem:v17+s20+$0x0] =	vst.idx.add.f32.msk $0xffff, v7;
	v4 =	vmul.f32 v5, v10  }
0x140: {  	_ =	sdelay $0x3  }
0x141: {  	[tilespmem:v1+s20+$0x0] =	vst.idx.add.f32.msk $0xffff, v3  }
0x142: {  	[tilespmem:v2+s20+$0x0] =	vst.idx.add.f32.msk $0xffff, v4  }
.LBB2_20:
0x143: {  	s26 =	sshra.s32 s1, $0x2  }
0x144: {  	v1 =	vld [tilespmem:s26+$0x9700];
	_ =	sdelay $0x4  }
0x145: {  	v2 =	vand.u32 $0x3FFF, v1;
	_ =	sdelay $0x3  }
0x146: {  	v3 =	vld [tilespmem:s26+$0xD580]  }
0x147: {  	v2 =	vld.idx.msk [tilespmem:v2+s19+$0x0], $0xffff;
	_ =	sdelay $0x1  }
0x148: {  	p0 =	sne.s32 s1, $0xC0;
	v1 =	vshra.s32 v1, $0xE  }
.Ltmp8:
0x149: {  	_ = 	snop;
	(pc) =	sbr.rel @p0 .LBB2_20-.Ltmp8, $3  }
0x14a: {  	_ = 	snop  }
0x14b: {  	v2 =	vmul.f32 v2, v3;
	_ =	sdelay $0x1  }
0x14c: {  	s1 =	sadd.s32 $0x40, s1;
	[tilespmem:v1+s20+$0x0] =	vst.idx.add.f32.msk $0xffff, v2  }
0x14d: {  	_ =	swait.ge [sflag:s15], $0x1F40  }
0x14e: {  	[sflag:s15] =	ssyncset.done $0x0  }
0x14f: {  	p0 =	seq.s32 s24, $0x9;
	[sflag:s15] =	ssyncadd.s32 $0xFFFFE0C0  }
0x150: {  	s1 =	sshrl.u32 @!p0 s25, $0x3;
	_ =	swait.ge [sflag:s16], $0x1F40  }
0x151: {  	s26 =	simm.s32 @!p0 $0x0;
	s1 =	sadd.s32 @!p0 $0x7D0, s1;
	[sflag:s16] =	ssyncset.done $0x0  }
0x152: {  	s28 =	simm.s32 @!p0 $0x7800;
	s25 =	sadd.s32 @!p0 s4, s1;
	[sflag:s16] =	ssyncadd.s32 $0xFFFFE0C0  }
0x153: {  	[tilespmem:s28], [sflag:$0x1] =	stream.linear.gather @!p0 [hbm4b:s25+s26], $0x1F40, $0x38;
	[tilespmem:$0xF500] =	vst v63  }
0x154: {  	s31 =	simm.s32 $0x9780;
	s1 =	sadd.s32 @!p0 s2, s1;
	s25 =	simm.s32 @!p0 $0xB680  }
0x155: {  	[tilespmem:s25], [sflag:$0x2] =	stream.linear.gather @!p0 [hbm4b:s1+s26], $0x1F40, $0x38;
	[tilespmem:$0xF500] =	vst v63  }
0x156: {  	v1 =	vld [tilespmem:s31+$0x30]  }
0x157: {  	v2 =	vld [tilespmem:s31+$0xFFFFFFD0]  }
0x158: {  	v3 =	vld [tilespmem:s31+$0xFFFFFFE0]  }
0x159: {  	v4 =	vld [tilespmem:s31+$0xFFFFFFF0]  }
0x15a: {  	v5 =	vld [tilespmem:s31+$0x0]  }
0x15b: {  	v7 =	vld [tilespmem:s31+$0x10]  }
0x15c: {  	v9 =	vld [tilespmem:s31+$0xFFFFFFC0]  }
0x15d: {  	s25 =	simm.s32 $0xD600;
	v11 =	vld [tilespmem:s31+$0x20];
	v6 =	vand.u32 $0x3FFF, v1  }
0x15e: {  	v15 =	vld [tilespmem:s25+$0x30]  }
0x15f: {  	v59 =	vld [tilespmem:s25+$0xFFFFFFD0]  }
0x160: {  	v60 =	vld [tilespmem:s25+$0xFFFFFFE0]  }
0x161: {  	v18 =	vld [tilespmem:s25+$0xFFFFFFF0];
	v8 =	vand.u32 $0x3FFF, v2  }
0x162: {  	v13 =	vand.u32 $0x3FFF, v5;
	v6 =	vld.idx.msk [tilespmem:v6+s19+$0x0], $0xffff  }
0x163: {  	v19 =	vld [tilespmem:s25+$0x0];
	v16 =	vand.u32 $0x3FFF, v9  }
0x164: {  	v61 =	vld [tilespmem:s25+$0x10];
	v1 =	vshra.s32 v1, $0xE  }
0x165: {  	v62 =	vld [tilespmem:s25+$0x20]  }
0x166: {  	v12 =	vand.u32 $0x3FFF, v4;
	v8 =	vld.idx.msk [tilespmem:v8+s19+$0x0], $0xffff  }
0x167: {  	v10 =	vand.u32 $0x3FFF, v3;
	v13 =	vld.idx.msk [tilespmem:v13+s19+$0x0], $0xffff;
	v6 =	vmul.f32 v6, v15  }
0x168: {  	v14 =	vand.u32 $0x3FFF, v7;
	v58 =	vld.idx.msk [tilespmem:v16+s19+$0x0], $0xffff  }
0x169: {  	v17 =	vand.u32 $0x3FFF, v11;
	[tilespmem:v1+s20+$0x0] =	vst.idx.add.f32.msk $0xffff, v6  }
0x16a: {  	v2 =	vshra.s32 v2, $0xE;
	v1 =	vld [tilespmem:s25+$0xFFFFFFC0]  }
0x16b: {  	v5 =	vshra.s32 v5, $0xE;
	v12 =	vld.idx.msk [tilespmem:v12+s19+$0x0], $0xffff  }
0x16c: {  	v9 =	vshra.s32 v9, $0xE;
	v10 =	vld.idx.msk [tilespmem:v10+s19+$0x0], $0xffff  }
0x16d: {  	v4 =	vshra.s32 v4, $0xE;
	v14 =	vld.idx.msk [tilespmem:v14+s19+$0x0], $0xffff;
	v8 =	vmul.f32 v8, v59  }
0x16e: {  	v3 =	vshra.s32 v3, $0xE;
	v63 =	vmul.f32 v13, v19;
	v6 =	vld.idx.msk [tilespmem:v17+s19+$0x0], $0xffff  }
0x16f: {  	[tilespmem:v2+s20+$0x0] =	vst.idx.add.f32.msk $0xffff, v8;
	v1 =	vmul.f32 v58, v1  }
0x170: {  	v2 =	vmul.f32 v12, v18;
	[tilespmem:v5+s20+$0x0] =	vst.idx.add.f32.msk $0xffff, v63  }
0x171: {  	[tilespmem:v9+s20+$0x0] =	vst.idx.add.f32.msk $0xffff, v1;
	v1 =	vmul.f32 v10, v60  }
0x172: {  	[tilespmem:v4+s20+$0x0] =	vst.idx.add.f32.msk $0xffff, v2;
	v2 =	vshra.s32 v11, $0xE  }
0x173: {  	s28 =	simm.s32 $0x9800;
	s26 =	simm.s32 $0x0;
	v4 =	vmul.f32 v6, v62;
	[tilespmem:v3+s20+$0x0] =	vst.idx.add.f32.msk $0xffff, v1;
	v1 =	vshra.s32 v7, $0xE;
	v3 =	vmul.f32 v14, v61  }
.LBB2_22:
0x174: {  	v5 =	vld [tilespmem:s28+$0x30];
	s26 =	sadd.s32 $0x8, s26  }
0x175: {  	v6 =	vld [tilespmem:s28+$0xFFFFFFD0];
	p0 =	slt.u32 s26, $0x1E8  }
0x176: {  	v7 =	vld [tilespmem:s28+$0xFFFFFFE0]  }
0x177: {  	v8 =	vld [tilespmem:s28+$0xFFFFFFF0]  }
0x178: {  	v9 =	vld [tilespmem:s28+$0x0]  }
0x179: {  	v10 =	vld [tilespmem:s28+$0x10];
	v11 =	vand.u32 $0x3FFF, v5  }
0x17a: {  	v12 =	vshra.s32 v6, $0xE;
	v6 =	vand.u32 $0x3FFF, v6;
	v13 =	vld [tilespmem:s28+$0x20]  }
0x17b: {  	v14 =	vld [tilespmem:s28+$0xFFFFFFC0];
	v15 =	vshra.s32 v7, $0xE;
	v7 =	vand.u32 $0x3FFF, v7  }
0x17c: {  	v16 =	vshra.s32 v8, $0xE;
	v8 =	vand.u32 $0x3FFF, v8;
	[tilespmem:v1+s20+$0x0] =	vst.idx.add.f32.msk $0xffff, v3  }
0x17d: {  	v17 =	vshra.s32 v9, $0xE;
	v3 =	vand.u32 $0x3FFF, v9;
	[tilespmem:v2+s20+$0x0] =	vst.idx.add.f32.msk $0xffff, v4  }
0x17e: {  	s25 =	sadd.s32 $0x80, s25;
	v1 =	vshra.s32 v10, $0xE;
	v4 =	vand.u32 $0x3FFF, v10;
	v9 =	vld.idx.msk [tilespmem:v11+s19+$0x0], $0xffff  }
0x17f: {  	v2 =	vshra.s32 v13, $0xE;
	v10 =	vand.u32 $0x3FFF, v13;
	v11 =	vld [tilespmem:s25+$0x30]  }
0x180: {  	v13 =	vshra.s32 v14, $0xE;
	v14 =	vand.u32 $0x3FFF, v14;
	v6 =	vld.idx.msk [tilespmem:v6+s19+$0x0], $0xffff  }
0x181: {  	v5 =	vshra.s32 v5, $0xE;
	v7 =	vld.idx.msk [tilespmem:v7+s19+$0x0], $0xffff  }
0x182: {  	v8 =	vld.idx.msk [tilespmem:v8+s19+$0x0], $0xffff  }
0x183: {  	v3 =	vld.idx.msk [tilespmem:v3+s19+$0x0], $0xffff  }
0x184: {  	v4 =	vld.idx.msk [tilespmem:v4+s19+$0x0], $0xffff;
	v9 =	vmul.f32 v9, v11  }
0x185: {  	v11 =	vld.idx.msk [tilespmem:v14+s19+$0x0], $0xffff  }
0x186: {  	s1 =	simm.s32 $0x0;
	[tilespmem:v5+s20+$0x0] =	vst.idx.add.f32.msk $0xffff, v9  }
0x187: {  	v5 =	vld.idx.msk [tilespmem:v10+s19+$0x0], $0xffff  }
0x188: {  	v9 =	vld [tilespmem:s25+$0xFFFFFFC0]  }
0x189: {  	v10 =	vld [tilespmem:s25+$0xFFFFFFD0]  }
0x18a: {  	v14 =	vld [tilespmem:s25+$0xFFFFFFE0]  }
0x18b: {  	v18 =	vld [tilespmem:s25+$0xFFFFFFF0]  }
0x18c: {  	v19 =	vld [tilespmem:s25+$0x0]  }
0x18d: {  	v9 =	vmul.f32 v11, v9;
	v11 =	vld [tilespmem:s25+$0x10]  }
0x18e: {  	v6 =	vmul.f32 v6, v10;
	v10 =	vld [tilespmem:s25+$0x20]  }
.Ltmp9:
0x18f: {  	[tilespmem:v13+s20+$0x0] =	vst.idx.add.f32.msk $0xffff, v9;
	v7 =	vmul.f32 v7, v14;
	(pc) =	sbr.rel @p0 .LBB2_22-.Ltmp9, $4  }
0x190: {  	[tilespmem:v12+s20+$0x0] =	vst.idx.add.f32.msk $0xffff, v6;
	v6 =	vmul.f32 v8, v18  }
0x191: {  	[tilespmem:v15+s20+$0x0] =	vst.idx.add.f32.msk $0xffff, v7;
	v7 =	vmul.f32 v3, v19  }
0x192: {  	[tilespmem:v16+s20+$0x0] =	vst.idx.add.f32.msk $0xffff, v6;
	v3 =	vmul.f32 v4, v11  }
0x193: {  	s28 =	sadd.s32 $0x80, s28;
	[tilespmem:v17+s20+$0x0] =	vst.idx.add.f32.msk $0xffff, v7;
	v4 =	vmul.f32 v5, v10  }
0x194: {  	_ =	sdelay $0x3  }
0x195: {  	[tilespmem:v1+s20+$0x0] =	vst.idx.add.f32.msk $0xffff, v3  }
0x196: {  	[tilespmem:v2+s20+$0x0] =	vst.idx.add.f32.msk $0xffff, v4  }
.LBB2_24:
0x197: {  	s25 =	sshra.s32 s1, $0x2  }
0x198: {  	v1 =	vld [tilespmem:s25+$0xB640];
	_ =	sdelay $0x4  }
0x199: {  	v2 =	vand.u32 $0x3FFF, v1;
	_ =	sdelay $0x3  }
0x19a: {  	v3 =	vld [tilespmem:s25+$0xF4C0]  }
0x19b: {  	v2 =	vld.idx.msk [tilespmem:v2+s19+$0x0], $0xffff;
	_ =	sdelay $0x1  }
0x19c: {  	p0 =	sne.s32 s1, $0xC0;
	v1 =	vshra.s32 v1, $0xE  }
.Ltmp10:
0x19d: {  	_ = 	snop;
	(pc) =	sbr.rel @p0 .LBB2_24-.Ltmp10, $3  }
0x19e: {  	_ = 	snop  }
0x19f: {  	v2 =	vmul.f32 v2, v3;
	_ =	sdelay $0x1  }
0x1a0: {  	s1 =	sadd.s32 $0x40, s1;
	[tilespmem:v1+s20+$0x0] =	vst.idx.add.f32.msk $0xffff, v2  }
0x1a1: {  	s24 =	sadd.s32 $0x1, s24  }
0x1a2: {  	p0 =	sne.s32 s24, $0xA  }
.Ltmp11:
0x1a3: {  	_ = 	snop;
	(pc) =	sbr.rel @p0 .LBB2_17-.Ltmp11, $1  }
0x1a4: {  	_ =	sdelay $0x3  }
0x1a5: {  	[tilespmem:s13], [sflag:$0x1] =	stream.linear.gather [hbm4b:s4+s3], $0x1F40, $0x38;
	[tilespmem:$0xF500] =	vst v63  }
0x1a6: {  	_ = 	snop  }
0x1a7: {  	[tilespmem:s14], [sflag:$0x2] =	stream.linear.gather [hbm4b:s2+s3], $0x1F40, $0x38;
	[tilespmem:$0xF500] =	vst v63  }
0x1a8: {  	_ =	swait.ge [sflag:s21], $0x2800  }
0x1a9: {  	[sflag:s21] =	ssyncset.done $0x0  }
0x1aa: {  	s24 =	simm.s32 $0x2840;
	[sflag:s21] =	ssyncadd.s32 $0xFFFFD800  }
0x1ab: {  	v1 =	vld [tilespmem:s24+$0x30]  }
0x1ac: {  	s28 =	simm.s32 $0x40;
	v2 =	vld [tilespmem:s24+$0xFFFFFFD0]  }
0x1ad: {  	v3 =	vld [tilespmem:s28+$0x30]  }
0x1ae: {  	v4 =	vld [tilespmem:s24+$0xFFFFFFE0]  }
0x1af: {  	v5 =	vld [tilespmem:s24+$0xFFFFFFF0]  }
0x1b0: {  	v6 =	vld [tilespmem:s24+$0x0]  }
0x1b1: {  	v7 =	vld [tilespmem:s24+$0x10]  }
0x1b2: {  	v8 =	vld [tilespmem:s24+$0x20]  }
0x1b3: {  	v9 =	vld [tilespmem:s24+$0xFFFFFFC0]  }
0x1b4: {  	v11 =	vld [tilespmem:s28+$0xFFFFFFD0]  }
0x1b5: {  	v12 =	vld [tilespmem:s28+$0xFFFFFFE0]  }
0x1b6: {  	v13 =	vld [tilespmem:s28+$0xFFFFFFF0];
	v1 =	vadd.f32 v1, v1  }
0x1b7: {  	v10 =	vld [tilespmem:s28+$0xFFFFFFC0];
	v2 =	vadd.f32 v2, v2  }
0x1b8: {  	s25 =	simm.s32 $0x28C0;
	v14 =	vld [tilespmem:s28+$0x10];
	v4 =	vadd.f32 v4, v4;
	v1 =	vsub.f32 v1, v3  }
0x1b9: {  	s26 =	simm.s32 $0xC0;
	v15 =	vld [tilespmem:s25+$0x10];
	v5 =	vadd.f32 v5, v5;
	v2 =	vsub.f32 v2, v11  }
0x1ba: {  	v16 =	vld [tilespmem:s26+$0xFFFFFFC0];
	v4 =	vsub.f32 v4, v12;
	[tilespmem:s28+$0x30] =	vst v1  }
0x1bb: {  	v3 =	vadd.f32 v9, v9;
	v9 =	vld [tilespmem:s28+$0x0];
	v5 =	vsub.f32 v5, v13;
	[tilespmem:s28+$0xFFFFFFD0] =	vst v2  }
0x1bc: {  	v11 =	vld [tilespmem:s25+$0xFFFFFFD0];
	[tilespmem:s28+$0xFFFFFFE0] =	vst v4  }
0x1bd: {  	v12 =	vld [tilespmem:s25+$0xFFFFFFE0];
	[tilespmem:s28+$0xFFFFFFF0] =	vst v5  }
0x1be: {  	v1 =	vsub.f32 v3, v10;
	v10 =	vld [tilespmem:s25+$0x30];
	[tilespmem:s24+$0x30] =	vst v0  }
0x1bf: {  	v13 =	vld [tilespmem:s25+$0x0];
	[tilespmem:s24+$0xFFFFFFD0] =	vst v0  }
0x1c0: {  	v5 =	vadd.f32 v7, v7;
	[tilespmem:s28+$0xFFFFFFC0] =	vst v1;
	v1 =	vld [tilespmem:s26+$0x30]  }
0x1c1: {  	v3 =	vld [tilespmem:s28+$0x20];
	v4 =	vadd.f32 v6, v6;
	[tilespmem:s24+$0xFFFFFFE0] =	vst v0  }
0x1c2: {  	v7 =	vld [tilespmem:s25+$0xFFFFFFC0];
	v6 =	vadd.f32 v8, v8;
	[tilespmem:s24+$0xFFFFFFF0] =	vst v0;
	v8 =	vsub.f32 v5, v14  }
0x1c3: {  	v2 =	vld [tilespmem:s25+$0xFFFFFFF0];
	[tilespmem:s24+$0xFFFFFFC0] =	vst v0;
	v4 =	vsub.f32 v4, v9;
	v10 =	vadd.f32 v10, v10  }
0x1c4: {  	v14 =	vld [tilespmem:s26+$0xFFFFFFD0];
	[tilespmem:s28+$0x10] =	vst v8  }
0x1c5: {  	[tilespmem:s28+$0x0] =	vst v4;
	v1 =	vsub.f32 v10, v1;
	v10 =	vld [tilespmem:s25+$0x20]  }
0x1c6: {  	v11 =	vadd.f32 v11, v11;
	v9 =	vld [tilespmem:s26+$0xFFFFFFE0];
	v17 =	vsub.f32 v6, v3;
	[tilespmem:s24+$0x10] =	vst v0  }
0x1c7: {  	v5 =	vadd.f32 v12, v12;
	v6 =	vld [tilespmem:s26+$0xFFFFFFF0];
	v12 =	vadd.f32 v7, v7;
	[tilespmem:s24+$0x0] =	vst v0  }
0x1c8: {  	v4 =	vadd.f32 v2, v2;
	v7 =	vld [tilespmem:s26+$0x0];
	v3 =	vadd.f32 v15, v15;
	[tilespmem:s28+$0x20] =	vst v17  }
0x1c9: {  	v8 =	vld [tilespmem:s26+$0x10];
	v12 =	vsub.f32 v12, v16;
	v11 =	vsub.f32 v11, v14;
	[tilespmem:s26+$0x30] =	vst v1  }
0x1ca: {  	s1 =	simm.s32 $0x8;
	s29 =	simm.s32 $0x2940;
	s28 =	simm.s32 $0xC0;
	v1 =	vadd.f32 v13, v13;
	[tilespmem:s25+$0x30] =	vst v0;
	v2 =	vadd.f32 v10, v10;
	v10 =	vld [tilespmem:s26+$0x20]  }
.LBB2_27:
0x1cb: {  	v13 =	vld [tilespmem:s29+$0x30];
	v5 =	vsub.f32 v5, v9;
	[tilespmem:s24+$0x20] =	vst v0;
	s24 =	smov.u32 s25;
	s25 =	smov.u32 s29  }
0x1cc: {  	s1 =	sadd.s32 $0x8, s1;
	s28 =	sadd.s32 $0x80, s28;
	v9 =	vld [tilespmem:s29+$0xFFFFFFD0];
	[tilespmem:s26+$0xFFFFFFC0] =	vst v12;
	v4 =	vsub.f32 v4, v6  }
0x1cd: {  	p0 =	slt.u32 s1, $0x278;
	v6 =	vld [tilespmem:s28+$0x30];
	[tilespmem:s24+$0xFFFFFFC0] =	vst v0;
	v7 =	vsub.f32 v1, v7  }
0x1ce: {  	v1 =	vld [tilespmem:s29+$0xFFFFFFE0];
	[tilespmem:s26+$0xFFFFFFD0] =	vst v11;
	v8 =	vsub.f32 v3, v8  }
0x1cf: {  	v3 =	vld [tilespmem:s29+$0xFFFFFFF0];
	[tilespmem:s24+$0xFFFFFFD0] =	vst v0;
	v14 =	vsub.f32 v2, v10  }
0x1d0: {  	v2 =	vld [tilespmem:s29+$0x0];
	v10 =	vadd.f32 v13, v13;
	[tilespmem:s26+$0xFFFFFFE0] =	vst v5  }
0x1d1: {  	v11 =	vadd.f32 v9, v9;
	v12 =	vld [tilespmem:s29+$0x10];
	[tilespmem:s24+$0xFFFFFFE0] =	vst v0  }
0x1d2: {  	v13 =	vld [tilespmem:s29+$0x20];
	v6 =	vsub.f32 v10, v6;
	[tilespmem:s26+$0xFFFFFFF0] =	vst v4  }
0x1d3: {  	v10 =	vld [tilespmem:s29+$0xFFFFFFC0];
	v5 =	vadd.f32 v1, v1;
	[tilespmem:s24+$0xFFFFFFF0] =	vst v0  }
0x1d4: {  	v15 =	vld [tilespmem:s28+$0xFFFFFFC0];
	v4 =	vadd.f32 v3, v3;
	[tilespmem:s28+$0x30] =	vst v6  }
0x1d5: {  	v16 =	vld [tilespmem:s28+$0xFFFFFFD0];
	v1 =	vadd.f32 v2, v2;
	[tilespmem:s29+$0x30] =	vst v0  }
.Ltmp12:
0x1d6: {  	v9 =	vld [tilespmem:s28+$0xFFFFFFE0];
	v3 =	vadd.f32 v12, v12;
	[tilespmem:s26+$0x0] =	vst v7;
	(pc) =	sbr.rel @p0 .LBB2_27-.Ltmp12, $4  }
0x1d7: {  	v6 =	vld [tilespmem:s28+$0xFFFFFFF0];
	v2 =	vadd.f32 v13, v13;
	[tilespmem:s24+$0x0] =	vst v0  }
0x1d8: {  	v10 =	vadd.f32 v10, v10;
	v7 =	vld [tilespmem:s28+$0x0];
	[tilespmem:s26+$0x10] =	vst v8  }
0x1d9: {  	v8 =	vld [tilespmem:s28+$0x10];
	[tilespmem:s24+$0x10] =	vst v0  }
0x1da: {  	s29 =	sadd.s32 $0x80, s29;
	v12 =	vsub.f32 v10, v15;
	v11 =	vsub.f32 v11, v16;
	v10 =	vld [tilespmem:s28+$0x20];
	[tilespmem:s26+$0x20] =	vst v14;
	s26 =	smov.u32 s28  }
0x1db: {  	[tilespmem:s24+$0x20] =	vst v0  }
0x1dc: {  	[tilespmem:s26+$0xFFFFFFC0] =	vst v12  }
0x1dd: {  	[tilespmem:s26+$0xFFFFFFD0] =	vst v11  }
0x1de: {  	v5 =	vsub.f32 v5, v9;
	[tilespmem:s25+$0xFFFFFFC0] =	vst v0  }
0x1df: {  	[tilespmem:s25+$0xFFFFFFD0] =	vst v0  }
0x1e0: {  	v4 =	vsub.f32 v4, v6;
	[tilespmem:s26+$0xFFFFFFE0] =	vst v5  }
0x1e1: {  	[tilespmem:s25+$0xFFFFFFE0] =	vst v0  }
0x1e2: {  	v1 =	vsub.f32 v1, v7;
	[tilespmem:s26+$0xFFFFFFF0] =	vst v4  }
0x1e3: {  	[tilespmem:s25+$0xFFFFFFF0] =	vst v0  }
0x1e4: {  	v3 =	vsub.f32 v3, v8;
	[tilespmem:s26+$0x0] =	vst v1  }
0x1e5: {  	s24 =	smul.u32 $0xA0000, s23;
	v1 =	vsub.f32 v2, v10;
	[tilespmem:s25+$0x0] =	vst v0  }
0x1e6: {  	[tilespmem:s26+$0x10] =	vst v3  }
0x1e7: {  	s1 =	sadd.s32 s24, s9;
	[tilespmem:s26+$0x20] =	vst v1  }
0x1e8: {  	s1 =	sshrl.u32 s1, $0x3;
	[tilespmem:s25+$0x10] =	vst v0  }
0x1e9: {  	s1 =	sadd.s32 s5, s1;
	s26 =	simm.s32 $0x0;
	[tilespmem:s25+$0x20] =	vst v0;
	s25 =	simm.s32 $0x0  }
0x1ea: {  	[hbm4b:s1+s25] =	stream.linear.scatter [tilespmem:s25], [sflag:$0x3], $0x2800, $0x38;
	[tilespmem:$0xF500] =	vst v63  }
.LBB2_29:
0x1eb: {  	_ =	swait.ge [sflag:s15], $0x1F40  }
0x1ec: {  	s28 =	smul.u32 $0x3E80, s26;
	[sflag:s15] =	ssyncset.done $0x0  }
0x1ed: {  	[sflag:s15] =	ssyncadd.s32 $0xFFFFE0C0  }
0x1ee: {  	s1 =	sshrl.u32 s28, $0x3;
	_ =	swait.ge [sflag:s16], $0x1F40  }
0x1ef: {  	s1 =	sadd.s32 $0x3E8, s1;
	[sflag:s16] =	ssyncset.done $0x0  }
0x1f0: {  	s29 =	sadd.s32 s4, s1;
	[sflag:s16] =	ssyncadd.s32 $0xFFFFE0C0  }
0x1f1: {  	[tilespmem:s17], [sflag:$0x1] =	stream.linear.gather [hbm4b:s29+s3], $0x1F40, $0x38;
	[tilespmem:$0xF500] =	vst v63  }
0x1f2: {  	s1 =	sadd.s32 s2, s1  }
0x1f3: {  	[tilespmem:s18], [sflag:$0x2] =	stream.linear.gather [hbm4b:s1+s3], $0x1F40, $0x38;
	[tilespmem:$0xF500] =	vst v63  }
0x1f4: {  	s1 =	simm.s32 $0x7840  }
0x1f5: {  	v1 =	vld [tilespmem:s1+$0x30]  }
0x1f6: {  	v2 =	vld [tilespmem:s1+$0xFFFFFFD0]  }
0x1f7: {  	v3 =	vld [tilespmem:s1+$0xFFFFFFE0]  }
0x1f8: {  	v4 =	vld [tilespmem:s1+$0xFFFFFFF0]  }
0x1f9: {  	v5 =	vld [tilespmem:s1+$0x0]  }
0x1fa: {  	v7 =	vld [tilespmem:s1+$0x10];
	v6 =	vand.u32 $0x3FFF, v1  }
0x1fb: {  	v9 =	vld [tilespmem:s1+$0xFFFFFFC0]  }
0x1fc: {  	s29 =	simm.s32 $0xB6C0;
	v11 =	vld [tilespmem:s1+$0x20]  }
0x1fd: {  	v15 =	vld [tilespmem:s29+$0x30]  }
0x1fe: {  	v60 =	vld [tilespmem:s29+$0xFFFFFFD0]  }
0x1ff: {  	v6 =	vld.idx.msk [tilespmem:v6+s25+$0x0], $0xffff  }
0x200: {  	v61 =	vld [tilespmem:s29+$0xFFFFFFE0];
	v16 =	vand.u32 $0x3FFF, v9  }
0x201: {  	v18 =	vld [tilespmem:s29+$0xFFFFFFF0];
	v1 =	vshra.s32 v1, $0xE  }
0x202: {  	v19 =	vld [tilespmem:s29+$0x0]  }
0x203: {  	v62 =	vld [tilespmem:s29+$0x10];
	v8 =	vand.u32 $0x3FFF, v2  }
0x204: {  	v63 =	vld [tilespmem:s29+$0x20];
	v10 =	vand.u32 $0x3FFF, v3;
	v6 =	vmul.f32 v6, v15  }
0x205: {  	v12 =	vand.u32 $0x3FFF, v4;
	v59 =	vld.idx.msk [tilespmem:v16+s25+$0x0], $0xffff  }
0x206: {  	v13 =	vand.u32 $0x3FFF, v5;
	[tilespmem:v1+s20+$0x0] =	vst.idx.add.f32.msk $0xffff, v6  }
0x207: {  	v14 =	vand.u32 $0x3FFF, v7;
	v1 =	vld [tilespmem:s29+$0xFFFFFFC0]  }
0x208: {  	v17 =	vand.u32 $0x3FFF, v11;
	v8 =	vld.idx.msk [tilespmem:v8+s25+$0x0], $0xffff  }
0x209: {  	v9 =	vshra.s32 v9, $0xE;
	v10 =	vld.idx.msk [tilespmem:v10+s25+$0x0], $0xffff  }
0x20a: {  	v2 =	vshra.s32 v2, $0xE;
	v12 =	vld.idx.msk [tilespmem:v12+s25+$0x0], $0xffff  }
0x20b: {  	v3 =	vshra.s32 v3, $0xE;
	v13 =	vld.idx.msk [tilespmem:v13+s25+$0x0], $0xffff  }
0x20c: {  	v4 =	vshra.s32 v4, $0xE;
	v14 =	vld.idx.msk [tilespmem:v14+s25+$0x0], $0xffff;
	v1 =	vmul.f32 v59, v1  }
0x20d: {  	v5 =	vshra.s32 v5, $0xE;
	v8 =	vmul.f32 v8, v60;
	v6 =	vld.idx.msk [tilespmem:v17+s25+$0x0], $0xffff  }
0x20e: {  	[tilespmem:v9+s20+$0x0] =	vst.idx.add.f32.msk $0xffff, v1;
	v1 =	vmul.f32 v10, v61  }
0x20f: {  	[tilespmem:v2+s20+$0x0] =	vst.idx.add.f32.msk $0xffff, v8;
	v2 =	vmul.f32 v12, v18  }
0x210: {  	[tilespmem:v3+s20+$0x0] =	vst.idx.add.f32.msk $0xffff, v1;
	v3 =	vmul.f32 v13, v19  }
0x211: {  	[tilespmem:v4+s20+$0x0] =	vst.idx.add.f32.msk $0xffff, v2;
	v2 =	vshra.s32 v11, $0xE  }
0x212: {  	s30 =	simm.s32 $0x0;
	s31 =	simm.s32 $0x78C0;
	v4 =	vmul.f32 v14, v62;
	v1 =	vshra.s32 v7, $0xE;
	[tilespmem:v5+s20+$0x0] =	vst.idx.add.f32.msk $0xffff, v3;
	v3 =	vmul.f32 v6, v63  }
.LBB2_30:
0x213: {  	v5 =	vld [tilespmem:s31+$0x30];
	s30 =	sadd.s32 $0x8, s30  }
0x214: {  	v6 =	vld [tilespmem:s31+$0xFFFFFFD0];
	p0 =	slt.u32 s30, $0x1E8  }
0x215: {  	v7 =	vld [tilespmem:s31+$0xFFFFFFE0]  }
0x216: {  	v8 =	vld [tilespmem:s31+$0xFFFFFFF0]  }
0x217: {  	v9 =	vld [tilespmem:s31+$0x0]  }
0x218: {  	v10 =	vld [tilespmem:s31+$0x10];
	v11 =	vand.u32 $0x3FFF, v5  }
0x219: {  	v12 =	vshra.s32 v6, $0xE;
	v6 =	vand.u32 $0x3FFF, v6;
	v13 =	vld [tilespmem:s31+$0x20]  }
0x21a: {  	v14 =	vld [tilespmem:s31+$0xFFFFFFC0];
	v15 =	vshra.s32 v7, $0xE;
	v7 =	vand.u32 $0x3FFF, v7  }
0x21b: {  	v16 =	vshra.s32 v8, $0xE;
	v8 =	vand.u32 $0x3FFF, v8;
	[tilespmem:v1+s20+$0x0] =	vst.idx.add.f32.msk $0xffff, v4  }
0x21c: {  	s1 =	simm.s32 $0x0;
	v17 =	vshra.s32 v9, $0xE;
	v4 =	vand.u32 $0x3FFF, v9;
	[tilespmem:v2+s20+$0x0] =	vst.idx.add.f32.msk $0xffff, v3  }
0x21d: {  	s29 =	sadd.s32 $0x80, s29;
	v1 =	vshra.s32 v10, $0xE;
	v3 =	vand.u32 $0x3FFF, v10;
	v9 =	vld.idx.msk [tilespmem:v11+s1+$0x0], $0xffff  }
0x21e: {  	v2 =	vshra.s32 v13, $0xE;
	v10 =	vand.u32 $0x3FFF, v13;
	v11 =	vld [tilespmem:s29+$0x30]  }
0x21f: {  	v13 =	vshra.s32 v14, $0xE;
	v14 =	vand.u32 $0x3FFF, v14;
	v6 =	vld.idx.msk [tilespmem:v6+s1+$0x0], $0xffff  }
0x220: {  	v5 =	vshra.s32 v5, $0xE;
	v7 =	vld.idx.msk [tilespmem:v7+s1+$0x0], $0xffff  }
0x221: {  	v8 =	vld.idx.msk [tilespmem:v8+s1+$0x0], $0xffff  }
0x222: {  	v4 =	vld.idx.msk [tilespmem:v4+s1+$0x0], $0xffff  }
0x223: {  	v3 =	vld.idx.msk [tilespmem:v3+s1+$0x0], $0xffff;
	v9 =	vmul.f32 v9, v11  }
0x224: {  	v11 =	vld.idx.msk [tilespmem:v14+s1+$0x0], $0xffff  }
0x225: {  	[tilespmem:v5+s20+$0x0] =	vst.idx.add.f32.msk $0xffff, v9  }
0x226: {  	v5 =	vld.idx.msk [tilespmem:v10+s1+$0x0], $0xffff  }
0x227: {  	v9 =	vld [tilespmem:s29+$0xFFFFFFC0]  }
0x228: {  	v10 =	vld [tilespmem:s29+$0xFFFFFFD0]  }
0x229: {  	v14 =	vld [tilespmem:s29+$0xFFFFFFE0]  }
0x22a: {  	v18 =	vld [tilespmem:s29+$0xFFFFFFF0]  }
0x22b: {  	v19 =	vld [tilespmem:s29+$0x0]  }
0x22c: {  	v9 =	vmul.f32 v11, v9;
	v11 =	vld [tilespmem:s29+$0x10]  }
0x22d: {  	v6 =	vmul.f32 v6, v10;
	v10 =	vld [tilespmem:s29+$0x20]  }
.Ltmp13:
0x22e: {  	[tilespmem:v13+s20+$0x0] =	vst.idx.add.f32.msk $0xffff, v9;
	v7 =	vmul.f32 v7, v14;
	(pc) =	sbr.rel @p0 .LBB2_30-.Ltmp13, $4  }
0x22f: {  	[tilespmem:v12+s20+$0x0] =	vst.idx.add.f32.msk $0xffff, v6;
	v6 =	vmul.f32 v8, v18  }
0x230: {  	[tilespmem:v15+s20+$0x0] =	vst.idx.add.f32.msk $0xffff, v7;
	v7 =	vmul.f32 v4, v19  }
0x231: {  	[tilespmem:v16+s20+$0x0] =	vst.idx.add.f32.msk $0xffff, v6;
	v4 =	vmul.f32 v3, v11  }
0x232: {  	s31 =	sadd.s32 $0x80, s31;
	[tilespmem:v17+s20+$0x0] =	vst.idx.add.f32.msk $0xffff, v7;
	v3 =	vmul.f32 v5, v10  }
0x233: {  	_ =	sdelay $0x3  }
0x234: {  	[tilespmem:v1+s20+$0x0] =	vst.idx.add.f32.msk $0xffff, v4  }
0x235: {  	[tilespmem:v2+s20+$0x0] =	vst.idx.add.f32.msk $0xffff, v3  }
.LBB2_32:
0x236: {  	s29 =	sshra.s32 s1, $0x2  }
0x237: {  	v1 =	vld [tilespmem:s29+$0x9700];
	_ =	sdelay $0x4  }
0x238: {  	v2 =	vand.u32 $0x3FFF, v1;
	_ =	sdelay $0x3  }
0x239: {  	v3 =	vld [tilespmem:s29+$0xD580]  }
0x23a: {  	v2 =	vld.idx.msk [tilespmem:v2+s3+$0x0], $0xffff;
	_ =	sdelay $0x1  }
0x23b: {  	p0 =	sne.s32 s1, $0xC0;
	v1 =	vshra.s32 v1, $0xE  }
.Ltmp14:
0x23c: {  	_ = 	snop;
	(pc) =	sbr.rel @p0 .LBB2_32-.Ltmp14, $3  }
0x23d: {  	_ = 	snop  }
0x23e: {  	v2 =	vmul.f32 v2, v3;
	_ =	sdelay $0x1  }
0x23f: {  	s1 =	sadd.s32 $0x40, s1;
	[tilespmem:v1+s20+$0x0] =	vst.idx.add.f32.msk $0xffff, v2  }
0x240: {  	_ =	swait.ge [sflag:s15], $0x1F40  }
0x241: {  	[sflag:s15] =	ssyncset.done $0x0  }
0x242: {  	p0 =	seq.s32 s26, $0x9;
	[sflag:s15] =	ssyncadd.s32 $0xFFFFE0C0  }
0x243: {  	s1 =	sshrl.u32 @!p0 s28, $0x3;
	_ =	swait.ge [sflag:s16], $0x1F40  }
0x244: {  	s29 =	simm.s32 @!p0 $0x0;
	s1 =	sadd.s32 @!p0 $0x7D0, s1;
	[sflag:s16] =	ssyncset.done $0x0  }
0x245: {  	s30 =	simm.s32 @!p0 $0x7800;
	s28 =	sadd.s32 @!p0 s4, s1;
	[sflag:s16] =	ssyncadd.s32 $0xFFFFE0C0  }
0x246: {  	[tilespmem:s30], [sflag:$0x1] =	stream.linear.gather @!p0 [hbm4b:s28+s29], $0x1F40, $0x38;
	[tilespmem:$0xF500] =	vst v63  }
0x247: {  	s1 =	sadd.s32 @!p0 s2, s1;
	s28 =	simm.s32 @!p0 $0xB680  }
0x248: {  	[tilespmem:s28], [sflag:$0x2] =	stream.linear.gather @!p0 [hbm4b:s1+s29], $0x1F40, $0x38;
	[tilespmem:$0xF500] =	vst v63  }
0x249: {  	s1 =	simm.s32 $0x9780  }
0x24a: {  	v1 =	vld [tilespmem:s1+$0x30]  }
0x24b: {  	v2 =	vld [tilespmem:s1+$0xFFFFFFD0]  }
0x24c: {  	v3 =	vld [tilespmem:s1+$0xFFFFFFE0]  }
0x24d: {  	v4 =	vld [tilespmem:s1+$0xFFFFFFF0]  }
0x24e: {  	v5 =	vld [tilespmem:s1+$0x0]  }
0x24f: {  	v7 =	vld [tilespmem:s1+$0x10]  }
0x250: {  	v9 =	vld [tilespmem:s1+$0xFFFFFFC0]  }
0x251: {  	s29 =	simm.s32 $0xD600;
	v11 =	vld [tilespmem:s1+$0x20];
	v6 =	vand.u32 $0x3FFF, v1  }
0x252: {  	v15 =	vld [tilespmem:s29+$0x30]  }
0x253: {  	v59 =	vld [tilespmem:s29+$0xFFFFFFD0]  }
0x254: {  	v60 =	vld [tilespmem:s29+$0xFFFFFFE0]  }
0x255: {  	s28 =	simm.s32 $0x0;
	v18 =	vld [tilespmem:s29+$0xFFFFFFF0];
	v8 =	vand.u32 $0x3FFF, v2  }
0x256: {  	v13 =	vand.u32 $0x3FFF, v5;
	v6 =	vld.idx.msk [tilespmem:v6+s28+$0x0], $0xffff  }
0x257: {  	v19 =	vld [tilespmem:s29+$0x0];
	v16 =	vand.u32 $0x3FFF, v9  }
0x258: {  	v61 =	vld [tilespmem:s29+$0x10];
	v1 =	vshra.s32 v1, $0xE  }
0x259: {  	v62 =	vld [tilespmem:s29+$0x20]  }
0x25a: {  	v12 =	vand.u32 $0x3FFF, v4;
	v8 =	vld.idx.msk [tilespmem:v8+s28+$0x0], $0xffff  }
0x25b: {  	v10 =	vand.u32 $0x3FFF, v3;
	v13 =	vld.idx.msk [tilespmem:v13+s28+$0x0], $0xffff;
	v6 =	vmul.f32 v6, v15  }
0x25c: {  	v14 =	vand.u32 $0x3FFF, v7;
	v58 =	vld.idx.msk [tilespmem:v16+s28+$0x0], $0xffff  }
0x25d: {  	v17 =	vand.u32 $0x3FFF, v11;
	[tilespmem:v1+s20+$0x0] =	vst.idx.add.f32.msk $0xffff, v6  }
0x25e: {  	v2 =	vshra.s32 v2, $0xE;
	v1 =	vld [tilespmem:s29+$0xFFFFFFC0]  }
0x25f: {  	v5 =	vshra.s32 v5, $0xE;
	v12 =	vld.idx.msk [tilespmem:v12+s28+$0x0], $0xffff  }
0x260: {  	v9 =	vshra.s32 v9, $0xE;
	v10 =	vld.idx.msk [tilespmem:v10+s28+$0x0], $0xffff  }
0x261: {  	v4 =	vshra.s32 v4, $0xE;
	v14 =	vld.idx.msk [tilespmem:v14+s28+$0x0], $0xffff;
	v8 =	vmul.f32 v8, v59  }
0x262: {  	v3 =	vshra.s32 v3, $0xE;
	v63 =	vmul.f32 v13, v19;
	v6 =	vld.idx.msk [tilespmem:v17+s28+$0x0], $0xffff  }
0x263: {  	[tilespmem:v2+s20+$0x0] =	vst.idx.add.f32.msk $0xffff, v8;
	v1 =	vmul.f32 v58, v1  }
0x264: {  	v2 =	vmul.f32 v12, v18;
	[tilespmem:v5+s20+$0x0] =	vst.idx.add.f32.msk $0xffff, v63  }
0x265: {  	[tilespmem:v9+s20+$0x0] =	vst.idx.add.f32.msk $0xffff, v1;
	v1 =	vmul.f32 v10, v60  }
0x266: {  	[tilespmem:v4+s20+$0x0] =	vst.idx.add.f32.msk $0xffff, v2;
	v2 =	vshra.s32 v11, $0xE  }
0x267: {  	s31 =	simm.s32 $0x9800;
	s30 =	simm.s32 $0x0;
	v4 =	vmul.f32 v6, v62;
	[tilespmem:v3+s20+$0x0] =	vst.idx.add.f32.msk $0xffff, v1;
	v1 =	vshra.s32 v7, $0xE;
	v3 =	vmul.f32 v14, v61  }
.LBB2_34:
0x268: {  	v5 =	vld [tilespmem:s31+$0x30];
	s30 =	sadd.s32 $0x8, s30  }
0x269: {  	v6 =	vld [tilespmem:s31+$0xFFFFFFD0];
	p0 =	slt.u32 s30, $0x1E8  }
0x26a: {  	v7 =	vld [tilespmem:s31+$0xFFFFFFE0]  }
0x26b: {  	v8 =	vld [tilespmem:s31+$0xFFFFFFF0]  }
0x26c: {  	v9 =	vld [tilespmem:s31+$0x0]  }
0x26d: {  	v10 =	vld [tilespmem:s31+$0x10];
	v11 =	vand.u32 $0x3FFF, v5  }
0x26e: {  	v12 =	vshra.s32 v6, $0xE;
	v6 =	vand.u32 $0x3FFF, v6;
	v13 =	vld [tilespmem:s31+$0x20]  }
0x26f: {  	v14 =	vld [tilespmem:s31+$0xFFFFFFC0];
	v15 =	vshra.s32 v7, $0xE;
	v7 =	vand.u32 $0x3FFF, v7  }
0x270: {  	v16 =	vshra.s32 v8, $0xE;
	v8 =	vand.u32 $0x3FFF, v8;
	[tilespmem:v1+s20+$0x0] =	vst.idx.add.f32.msk $0xffff, v3  }
0x271: {  	v17 =	vshra.s32 v9, $0xE;
	v3 =	vand.u32 $0x3FFF, v9;
	[tilespmem:v2+s20+$0x0] =	vst.idx.add.f32.msk $0xffff, v4  }
0x272: {  	s29 =	sadd.s32 $0x80, s29;
	v1 =	vshra.s32 v10, $0xE;
	v4 =	vand.u32 $0x3FFF, v10;
	v9 =	vld.idx.msk [tilespmem:v11+s28+$0x0], $0xffff  }
0x273: {  	v2 =	vshra.s32 v13, $0xE;
	v10 =	vand.u32 $0x3FFF, v13;
	v11 =	vld [tilespmem:s29+$0x30]  }
0x274: {  	v13 =	vshra.s32 v14, $0xE;
	v14 =	vand.u32 $0x3FFF, v14;
	v6 =	vld.idx.msk [tilespmem:v6+s28+$0x0], $0xffff  }
0x275: {  	v5 =	vshra.s32 v5, $0xE;
	v7 =	vld.idx.msk [tilespmem:v7+s28+$0x0], $0xffff  }
0x276: {  	v8 =	vld.idx.msk [tilespmem:v8+s28+$0x0], $0xffff  }
0x277: {  	v3 =	vld.idx.msk [tilespmem:v3+s28+$0x0], $0xffff  }
0x278: {  	v4 =	vld.idx.msk [tilespmem:v4+s28+$0x0], $0xffff;
	v9 =	vmul.f32 v9, v11  }
0x279: {  	v11 =	vld.idx.msk [tilespmem:v14+s28+$0x0], $0xffff  }
0x27a: {  	[tilespmem:v5+s20+$0x0] =	vst.idx.add.f32.msk $0xffff, v9  }
0x27b: {  	v5 =	vld.idx.msk [tilespmem:v10+s28+$0x0], $0xffff  }
0x27c: {  	v9 =	vld [tilespmem:s29+$0xFFFFFFC0]  }
0x27d: {  	v10 =	vld [tilespmem:s29+$0xFFFFFFD0]  }
0x27e: {  	v14 =	vld [tilespmem:s29+$0xFFFFFFE0]  }
0x27f: {  	v18 =	vld [tilespmem:s29+$0xFFFFFFF0]  }
0x280: {  	v19 =	vld [tilespmem:s29+$0x0]  }
0x281: {  	v9 =	vmul.f32 v11, v9;
	v11 =	vld [tilespmem:s29+$0x10]  }
0x282: {  	v6 =	vmul.f32 v6, v10;
	v10 =	vld [tilespmem:s29+$0x20]  }
.Ltmp15:
0x283: {  	[tilespmem:v13+s20+$0x0] =	vst.idx.add.f32.msk $0xffff, v9;
	v7 =	vmul.f32 v7, v14;
	(pc) =	sbr.rel @p0 .LBB2_34-.Ltmp15, $4  }
0x284: {  	[tilespmem:v12+s20+$0x0] =	vst.idx.add.f32.msk $0xffff, v6;
	v6 =	vmul.f32 v8, v18  }
0x285: {  	[tilespmem:v15+s20+$0x0] =	vst.idx.add.f32.msk $0xffff, v7;
	v7 =	vmul.f32 v3, v19  }
0x286: {  	[tilespmem:v16+s20+$0x0] =	vst.idx.add.f32.msk $0xffff, v6;
	v3 =	vmul.f32 v4, v11  }
0x287: {  	s31 =	sadd.s32 $0x80, s31;
	[tilespmem:v17+s20+$0x0] =	vst.idx.add.f32.msk $0xffff, v7;
	v4 =	vmul.f32 v5, v10  }
0x288: {  	_ =	sdelay $0x3  }
0x289: {  	[tilespmem:v1+s20+$0x0] =	vst.idx.add.f32.msk $0xffff, v3  }
0x28a: {  	[tilespmem:v2+s20+$0x0] =	vst.idx.add.f32.msk $0xffff, v4  }
.LBB2_36:
0x28b: {  	s1 =	sshra.s32 s28, $0x2  }
0x28c: {  	v1 =	vld [tilespmem:s1+$0xB640];
	_ =	sdelay $0x4  }
0x28d: {  	v2 =	vand.u32 $0x3FFF, v1;
	_ =	sdelay $0x3  }
0x28e: {  	v3 =	vld [tilespmem:s1+$0xF4C0]  }
0x28f: {  	v2 =	vld.idx.msk [tilespmem:v2+s3+$0x0], $0xffff;
	_ =	sdelay $0x1  }
0x290: {  	p0 =	sne.s32 s28, $0xC0;
	v1 =	vshra.s32 v1, $0xE  }
.Ltmp16:
0x291: {  	_ = 	snop;
	(pc) =	sbr.rel @p0 .LBB2_36-.Ltmp16, $3  }
0x292: {  	_ = 	snop  }
0x293: {  	v2 =	vmul.f32 v2, v3;
	_ =	sdelay $0x1  }
0x294: {  	s28 =	sadd.s32 $0x40, s28;
	[tilespmem:v1+s20+$0x0] =	vst.idx.add.f32.msk $0xffff, v2  }
0x295: {  	s26 =	sadd.s32 $0x1, s26  }
0x296: {  	p0 =	sne.s32 s26, $0xA  }
.Ltmp17:
0x297: {  	_ = 	snop;
	(pc) =	sbr.rel @p0 .LBB2_29-.Ltmp17, $1  }
0x298: {  	_ =	sdelay $0x3  }
0x299: {  	p0 =	seq.s32 s23, $0x8  }
0x29a: {  	s1 =	simm.s32 @!p0 $0x0;
	s25 =	simm.s32 @!p0 $0x7800  }
0x29b: {  	[tilespmem:s25], [sflag:$0x1] =	stream.linear.gather @!p0 [hbm4b:s4+s1], $0x1F40, $0x38;
	[tilespmem:$0xF500] =	vst v63  }
0x29c: {  	s25 =	simm.s32 @!p0 $0xB680  }
0x29d: {  	[tilespmem:s25], [sflag:$0x2] =	stream.linear.gather @!p0 [hbm4b:s2+s1], $0x1F40, $0x38;
	[tilespmem:$0xF500] =	vst v63  }
0x29e: {  	_ =	swait.ge [sflag:s21], $0x2800  }
0x29f: {  	[sflag:s21] =	ssyncset.done $0x0  }
0x2a0: {  	s25 =	simm.s32 $0x2840;
	[sflag:s21] =	ssyncadd.s32 $0xFFFFD800  }
0x2a1: {  	v1 =	vld [tilespmem:s25+$0x30]  }
0x2a2: {  	s29 =	simm.s32 $0x5040;
	v2 =	vld [tilespmem:s25+$0xFFFFFFD0]  }
0x2a3: {  	v3 =	vld [tilespmem:s29+$0x30]  }
0x2a4: {  	v4 =	vld [tilespmem:s25+$0xFFFFFFE0]  }
0x2a5: {  	v5 =	vld [tilespmem:s25+$0xFFFFFFF0]  }
0x2a6: {  	v6 =	vld [tilespmem:s25+$0x0]  }
0x2a7: {  	v7 =	vld [tilespmem:s25+$0x10]  }
0x2a8: {  	v8 =	vld [tilespmem:s25+$0x20]  }
0x2a9: {  	v9 =	vld [tilespmem:s25+$0xFFFFFFC0]  }
0x2aa: {  	v11 =	vld [tilespmem:s29+$0xFFFFFFD0]  }
0x2ab: {  	v12 =	vld [tilespmem:s29+$0xFFFFFFE0]  }
0x2ac: {  	v13 =	vld [tilespmem:s29+$0xFFFFFFF0];
	v1 =	vadd.f32 v1, v1  }
0x2ad: {  	v10 =	vld [tilespmem:s29+$0xFFFFFFC0];
	v2 =	vadd.f32 v2, v2  }
0x2ae: {  	s26 =	simm.s32 $0x28C0;
	v14 =	vld [tilespmem:s29+$0x10];
	v4 =	vadd.f32 v4, v4;
	v1 =	vsub.f32 v1, v3  }
0x2af: {  	s28 =	simm.s32 $0x50C0;
	v15 =	vld [tilespmem:s26+$0x10];
	v5 =	vadd.f32 v5, v5;
	v2 =	vsub.f32 v2, v11  }
0x2b0: {  	v16 =	vld [tilespmem:s28+$0xFFFFFFC0];
	v3 =	vadd.f32 v9, v9;
	v4 =	vsub.f32 v4, v12;
	[tilespmem:s29+$0x30] =	vst v1  }
0x2b1: {  	v9 =	vld [tilespmem:s29+$0x0];
	v5 =	vsub.f32 v5, v13;
	[tilespmem:s29+$0xFFFFFFD0] =	vst v2  }
0x2b2: {  	v1 =	vsub.f32 v3, v10;
	v10 =	vld [tilespmem:s26+$0x30];
	[tilespmem:s29+$0xFFFFFFE0] =	vst v4  }
0x2b3: {  	v11 =	vld [tilespmem:s26+$0xFFFFFFD0];
	[tilespmem:s29+$0xFFFFFFF0] =	vst v5  }
0x2b4: {  	[tilespmem:s29+$0xFFFFFFC0] =	vst v1;
	v1 =	vld [tilespmem:s28+$0x30]  }
0x2b5: {  	v12 =	vld [tilespmem:s26+$0xFFFFFFE0];
	[tilespmem:s25+$0x30] =	vst v0  }
0x2b6: {  	v3 =	vld [tilespmem:s29+$0x20];
	v4 =	vadd.f32 v6, v6;
	[tilespmem:s25+$0xFFFFFFD0] =	vst v0  }
0x2b7: {  	v13 =	vld [tilespmem:s26+$0x0];
	[tilespmem:s25+$0xFFFFFFE0] =	vst v0;
	v10 =	vadd.f32 v10, v10  }
0x2b8: {  	v5 =	vadd.f32 v7, v7;
	v7 =	vld [tilespmem:s26+$0xFFFFFFC0];
	[tilespmem:s25+$0xFFFFFFF0] =	vst v0;
	v4 =	vsub.f32 v4, v9  }
0x2b9: {  	v2 =	vld [tilespmem:s26+$0xFFFFFFF0];
	v6 =	vadd.f32 v8, v8;
	[tilespmem:s25+$0xFFFFFFC0] =	vst v0;
	v1 =	vsub.f32 v10, v1  }
0x2ba: {  	[tilespmem:s29+$0x0] =	vst v4;
	v10 =	vld [tilespmem:s26+$0x20]  }
0x2bb: {  	v17 =	vsub.f32 v6, v3;
	[tilespmem:s28+$0x30] =	vst v1;
	v1 =	vsub.f32 v5, v14;
	v14 =	vld [tilespmem:s28+$0xFFFFFFD0]  }
0x2bc: {  	v11 =	vadd.f32 v11, v11;
	v9 =	vld [tilespmem:s28+$0xFFFFFFE0];
	[tilespmem:s25+$0x0] =	vst v0  }
0x2bd: {  	v6 =	vld [tilespmem:s28+$0xFFFFFFF0];
	[tilespmem:s29+$0x20] =	vst v17;
	v5 =	vadd.f32 v12, v12;
	v12 =	vadd.f32 v7, v7  }
0x2be: {  	v4 =	vadd.f32 v2, v2;
	v2 =	vadd.f32 v13, v13;
	v7 =	vld [tilespmem:s28+$0x0];
	[tilespmem:s26+$0x30] =	vst v0  }
0x2bf: {  	v8 =	vld [tilespmem:s28+$0x10];
	v3 =	vadd.f32 v15, v15;
	[tilespmem:s29+$0x10] =	vst v1;
	v12 =	vsub.f32 v12, v16  }
0x2c0: {  	s30 =	simm.s32 $0x2940;
	s1 =	simm.s32 $0x8;
	s29 =	simm.s32 $0x50C0;
	v1 =	vadd.f32 v10, v10;
	[tilespmem:s25+$0x10] =	vst v0;
	v10 =	vld [tilespmem:s28+$0x20];
	v11 =	vsub.f32 v11, v14  }
.LBB2_39:
0x2c1: {  	v13 =	vld [tilespmem:s30+$0x30];
	v5 =	vsub.f32 v5, v9;
	[tilespmem:s25+$0x20] =	vst v0;
	s25 =	smov.u32 s26;
	s26 =	smov.u32 s30  }
0x2c2: {  	s1 =	sadd.s32 $0x8, s1;
	s29 =	sadd.s32 $0x80, s29;
	v9 =	vld [tilespmem:s30+$0xFFFFFFD0];
	[tilespmem:s28+$0xFFFFFFC0] =	vst v12;
	v4 =	vsub.f32 v4, v6  }
0x2c3: {  	p0 =	slt.u32 s1, $0x278;
	v6 =	vld [tilespmem:s29+$0x30];
	[tilespmem:s25+$0xFFFFFFC0] =	vst v0;
	v7 =	vsub.f32 v2, v7  }
0x2c4: {  	v2 =	vld [tilespmem:s30+$0xFFFFFFE0];
	[tilespmem:s28+$0xFFFFFFD0] =	vst v11;
	v8 =	vsub.f32 v3, v8  }
0x2c5: {  	v3 =	vld [tilespmem:s30+$0xFFFFFFF0];
	[tilespmem:s25+$0xFFFFFFD0] =	vst v0;
	v14 =	vsub.f32 v1, v10  }
0x2c6: {  	v1 =	vld [tilespmem:s30+$0x0];
	v10 =	vadd.f32 v13, v13;
	[tilespmem:s28+$0xFFFFFFE0] =	vst v5  }
0x2c7: {  	v11 =	vadd.f32 v9, v9;
	v12 =	vld [tilespmem:s30+$0x10];
	[tilespmem:s25+$0xFFFFFFE0] =	vst v0  }
0x2c8: {  	v13 =	vld [tilespmem:s30+$0x20];
	v6 =	vsub.f32 v10, v6;
	[tilespmem:s28+$0xFFFFFFF0] =	vst v4  }
0x2c9: {  	v10 =	vld [tilespmem:s30+$0xFFFFFFC0];
	v5 =	vadd.f32 v2, v2;
	[tilespmem:s25+$0xFFFFFFF0] =	vst v0  }
0x2ca: {  	v15 =	vld [tilespmem:s29+$0xFFFFFFC0];
	v4 =	vadd.f32 v3, v3;
	[tilespmem:s29+$0x30] =	vst v6  }
0x2cb: {  	v16 =	vld [tilespmem:s29+$0xFFFFFFD0];
	v2 =	vadd.f32 v1, v1;
	[tilespmem:s30+$0x30] =	vst v0  }
.Ltmp18:
0x2cc: {  	v9 =	vld [tilespmem:s29+$0xFFFFFFE0];
	v3 =	vadd.f32 v12, v12;
	[tilespmem:s28+$0x0] =	vst v7;
	(pc) =	sbr.rel @p0 .LBB2_39-.Ltmp18, $4  }
0x2cd: {  	v6 =	vld [tilespmem:s29+$0xFFFFFFF0];
	v1 =	vadd.f32 v13, v13;
	[tilespmem:s25+$0x0] =	vst v0  }
0x2ce: {  	v10 =	vadd.f32 v10, v10;
	v7 =	vld [tilespmem:s29+$0x0];
	[tilespmem:s28+$0x10] =	vst v8  }
0x2cf: {  	v8 =	vld [tilespmem:s29+$0x10];
	[tilespmem:s25+$0x10] =	vst v0  }
0x2d0: {  	s30 =	sadd.s32 $0x80, s30;
	v12 =	vsub.f32 v10, v15;
	v11 =	vsub.f32 v11, v16;
	v10 =	vld [tilespmem:s29+$0x20];
	[tilespmem:s28+$0x20] =	vst v14;
	s28 =	smov.u32 s29  }
0x2d1: {  	[tilespmem:s25+$0x20] =	vst v0  }
0x2d2: {  	[tilespmem:s28+$0xFFFFFFC0] =	vst v12  }
0x2d3: {  	[tilespmem:s28+$0xFFFFFFD0] =	vst v11  }
0x2d4: {  	v5 =	vsub.f32 v5, v9;
	[tilespmem:s26+$0xFFFFFFC0] =	vst v0  }
0x2d5: {  	[tilespmem:s26+$0xFFFFFFD0] =	vst v0  }
0x2d6: {  	v4 =	vsub.f32 v4, v6;
	[tilespmem:s28+$0xFFFFFFE0] =	vst v5  }
0x2d7: {  	[tilespmem:s26+$0xFFFFFFE0] =	vst v0  }
0x2d8: {  	v2 =	vsub.f32 v2, v7;
	[tilespmem:s28+$0xFFFFFFF0] =	vst v4  }
0x2d9: {  	[tilespmem:s26+$0xFFFFFFF0] =	vst v0  }
0x2da: {  	s23 =	sadd.s32 $0x1, s23;
	v3 =	vsub.f32 v3, v8;
	[tilespmem:s28+$0x0] =	vst v2  }
0x2db: {  	p0 =	sne.s32 s23, $0x9;
	[tilespmem:s26+$0x0] =	vst v0  }
.Ltmp19:
0x2dc: {  	v1 =	vsub.f32 v1, v10;
	[tilespmem:s28+$0x10] =	vst v3;
	(pc) =	sbr.rel @p0 .LBB2_16-.Ltmp19, $4  }
0x2dd: {  	s1 =	sadd.s32 s24, s10;
	[tilespmem:s26+$0x10] =	vst v0  }
0x2de: {  	s1 =	sshrl.u32 s1, $0x3;
	[tilespmem:s28+$0x20] =	vst v1  }
0x2df: {  	s1 =	sadd.s32 s5, s1;
	[tilespmem:s26+$0x20] =	vst v0  }
0x2e0: {  	[hbm4b:s1+s3] =	stream.linear.scatter [tilespmem:s19], [sflag:$0x3], $0x2800, $0x38;
	[tilespmem:$0xF500] =	vst v63  }
0x2e1: {  	s22 =	sadd.s32 $0x1, s22  }
0x2e2: {  	_ =	swait.ge [sflag:s21], $0x2800;
	p0 =	sne.s32 s22, s11  }
.Ltmp20:
0x2e3: {  	[sflag:s21] =	ssyncset.done $0x0;
	(pc) =	sbr.rel @p0 .LBB2_1-.Ltmp20, $4  }
0x2e4: {  	[sflag:s21] =	ssyncadd.s32 $0xFFFFD800  }
0x2e5: {  	_ =	swait.ge [sflag:s21], $0x2800  }
0x2e6: {  	[sflag:s21] =	ssyncset.done $0x0  }
0x2e7: {  	[sflag:s21] =	ssyncadd.s32 $0xFFFFD800  }
0x2e8: {  	_ =	sfence.sel $0x180000  }
0x2e9: {  	[bflag:$0x0] =	sbarrier.arrive $0xFFFF  }
0x2ea: {  	_ =	strace $0x90000047  }
0x2eb: {  	[bflag:$0x2] =	sbarrier.arrive $0xFFFF  }
0x2ec: {  	p0 =	sne.s32 s0, $0x0;
	s0 =	rddreg [dreg:$0x2]  }
0x2ed: {  	s0 =	sadd.s32 @!p0 $0x100000, s0  }
0x2ee: {  	[sflag:s0] =	ssyncadd.tile.s32 @!p0 $0x1;
	_ =	shalt  }
.Lfunc_end2:
_tile_overlayer_lowered:
.L_overlay_start_2:
0x2ef: {  	(tag) =	ssettag $0x2  }
0x2f0: {  	s0 =	rddreg [dreg:$0x0];
	s2 =	stileid.u32  }
0x2f1: {  	s1 =	rddreg [dreg:$0x1];
	p0 =	sne.s32 s2, $0x0  }
0x2f2: {  	s3 =	rddreg [dreg:$0x2];
	[bflag:$0x3] =	sbarrier.arrive $0xFFFF;
	s2 =	simm.s32 @!p0 $0x1C04  }
0x2f3: {  	[timem:s3], [sflag:s2] =	dma.local @!p0 [hbm:s0], s1  }
0x2f4: {  	s0 =	simm.s32 @!p0 $0x4  }
0x2f5: {  	_ =	swait.ge @!p0 [sflag:s0], s1  }
0x2f6: {  	s1 =	ssub.s32 @!p0 $0x0, s1;
	[sflag:s0] =	ssyncset.done @!p0 $0x0  }
0x2f7: {  	[sflag:s0] =	ssyncadd.s32 @!p0 s1  }
0x2f8: {  	[bflag:$0x3] =	sbarrier.arrive $0xFFFF  }
0x2f9: {  	_ =	shalt  }

</sc_bundles>
